<compile_context>
chip_gen: v7x
topology: tpu7x:2x2x1
jax: 0.10.2.dev20260603
libtpu: 0.0.44.dev20260713+nightly
codegen_flags: <defaults>
</compile_context>

<pallas_src>
import functools

import jax
import jax.numpy as jnp
from jax import lax
from jax.experimental import pallas as pl
from jax.experimental.pallas import tpu as pltpu
from jax.experimental.pallas import tpu_sc as plsc

N, E, B, NPG = 10000, 160000, 50, 200
EMB, IN_DIM, OUT_DIM = 64, 9, 20
R_MAX, NUM_BESSEL, POLY_P = 10.0, 8, 5

T = 8000
G = E // T
NW = 32
EPW = E // NW
BLK = 16
NBLK = EPW // (16 * BLK)
SENT = 63


def _sc_edge_prep(x0, x1, x2, ntp, cap, srcv, dstv):
    mesh = plsc.VectorSubcoreMesh(core_axis_name="c", subcore_axis_name="s")

    @functools.partial(
        pl.kernel,
        mesh=mesh,
        compiler_params=pltpu.CompilerParams(needs_layout_passes=False),
        out_type=[
            jax.ShapeDtypeStruct((E,), jnp.float32),
            jax.ShapeDtypeStruct((E,), jnp.int32),
            jax.ShapeDtypeStruct((E,), jnp.int32),
            jax.ShapeDtypeStruct((64,), jnp.int32),
        ],
        scratch_types=[
            pltpu.VMEM((N,), jnp.float32),
            pltpu.VMEM((N,), jnp.float32),
            pltpu.VMEM((N,), jnp.float32),
            pltpu.VMEM((N,), jnp.int32),
            pltpu.VMEM((64,), jnp.int32),
            pltpu.VMEM((EPW,), jnp.int32),
            pltpu.VMEM((EPW,), jnp.int32),
            pltpu.VMEM((EPW,), jnp.float32),
            pltpu.VMEM((EPW,), jnp.int32),
            pltpu.VMEM((EPW,), jnp.int32),
            pltpu.VMEM((64,), jnp.int32),
        ],
    )
    def k(x0_hbm, x1_hbm, x2_hbm, nt_hbm, ca_hbm, src_hbm, dst_hbm,
          d2_hbm, tpe_hbm, bsel_hbm, tsel_hbm,
          xv0, xv1, xv2, ntv, cav, svb, dvb, d2b, tpb, bsb, ts_c):
        wid = lax.axis_index("s") * 2 + lax.axis_index("c")
        base = wid * EPW
        pltpu.sync_copy(src_hbm.at[pl.ds(base, EPW)], svb)
        pltpu.sync_copy(dst_hbm.at[pl.ds(base, EPW)], dvb)
        pltpu.sync_copy(x0_hbm, xv0)
        pltpu.sync_copy(x1_hbm, xv1)
        pltpu.sync_copy(x2_hbm, xv2)
        pltpu.sync_copy(nt_hbm, ntv)
        pltpu.sync_copy(ca_hbm, cav)

        def body(o):
            sv = svb[pl.ds(o, 16)]
            dv = dvb[pl.ds(o, 16)]
            b = dv // NPG
            m = dv - b * NPG
            cab = plsc.load_gather(cav, [b])
            bs = jnp.where(cab == m, b, SENT)
            tp = plsc.load_gather(ntv, [sv])
            dx = plsc.load_gather(xv0, [sv]) - plsc.load_gather(xv0, [dv])
            dy = plsc.load_gather(xv1, [sv]) - plsc.load_gather(xv1, [dv])
            dz = plsc.load_gather(xv2, [sv]) - plsc.load_gather(xv2, [dv])
            d2b[pl.ds(o, 16)] = dx * dx + dy * dy + dz * dz
            tpb[pl.ds(o, 16)] = tp
            bsb[pl.ds(o, 16)] = bs

        def block_body(bi, carry):
            for j in range(BLK):
                body(bi * (16 * BLK) + j * 16)
            return carry

        lax.fori_loop(0, NBLK, block_body, 0)
        for j in range(8):
            body(NBLK * 16 * BLK + j * 16)
        body(EPW - 16)

        pltpu.sync_copy(d2b, d2_hbm.at[pl.ds(base, EPW)])
        pltpu.sync_copy(tpb, tpe_hbm.at[pl.ds(base, EPW)])
        pltpu.sync_copy(bsb, bsel_hbm.at[pl.ds(base, EPW)])

        @pl.when(wid == 0)
        def _():
            for k2 in range(4):
                bb = k2 * 16 + lax.iota(jnp.int32, 16)
                bbc = jnp.minimum(bb, B - 1)
                cab = plsc.load_gather(cav, [bbc])
                selv = jnp.where(bb < B, cab + bb * NPG, 0)
                ts_c[pl.ds(k2 * 16, 16)] = plsc.load_gather(ntv, [selv])
            pltpu.sync_copy(ts_c, tsel_hbm)

    return k(x0, x1, x2, ntp, cap, srcv, dstv)


def _tc_main(d2r, tpr, bsr, tselr, w1t, b1c, w2t, b2c, embt, wp,
             lin0, p1w, p1b_r, p2p, p2b_r):
    def kern(d2_ref, tp_ref, bs_ref, tsel_ref, w1t_ref, b1_ref, w2t_ref,
             b2_ref, embt_ref, wp_ref, lin0_ref, p1w_ref, p1b_ref,
             p2_ref, p2b_ref, out_ref, acc):
        step = pl.program_id(0)

        @pl.when(step == 0)
        def _():
            acc[...] = jnp.zeros((64, 64), jnp.float32)

        d2 = d2_ref[0]
        r = jnp.sqrt(d2 + 1e-12)
        theta = (jnp.pi / R_MAX) * r
        s1 = jnp.sin(theta)
        c2 = 2.0 * jnp.cos(theta)
        rows = [s1, c2 * s1]
        for _ in range(NUM_BESSEL - 2):
            rows.append(c2 * rows[-1] - rows[-2])
        u = r / R_MAX
        u2 = u * u
        u5 = u2 * u2 * u
        env = 1.0 - 21.0 * u5 + 35.0 * u5 * u - 15.0 * u5 * u2
        env = env * (u < 1.0).astype(jnp.float32)
        fac = jnp.sqrt(2.0 / R_MAX) * env / (r + 1e-12)
        ef = jnp.concatenate(rows, axis=0) * fac
        t = jnp.maximum(
            jnp.dot(w1t_ref[...], ef, preferred_element_type=jnp.float32)
            + b1_ref[...], 0.0)
        w0 = jnp.dot(w2t_ref[...], t, preferred_element_type=jnp.float32) \
            + b2_ref[...]
        tp = tp_ref[0]
        oh9 = (lax.broadcasted_iota(jnp.int32, (16, T), 0) == tp).astype(jnp.float32)
        hs = jnp.dot(embt_ref[...], oh9, preferred_element_type=jnp.float32)
        contrib = w0 * hs
        bs = bs_ref[0]
        mb = (lax.broadcasted_iota(jnp.int32, (64, T), 0) == bs).astype(jnp.float32)
        acc[...] += lax.dot_general(
            contrib, mb, (((1,), (1,)), ((), ())),
            preferred_element_type=jnp.float32)

        @pl.when(step == G - 1)
        def _():
            s = acc[...]
            gate = wp_ref[:, 0:1] + wp_ref[:, 1:2] * s + wp_ref[:, 2:3] * s * s
            sg = s * gate
            scal = lax.dot_general(
                sg, lin0_ref[...], (((0,), (0,)), ((), ())),
                preferred_element_type=jnp.float32)
            tsel = tsel_ref[...]
            ohs = (lax.broadcasted_iota(jnp.int32, (16, 64), 0) == tsel).astype(jnp.float32)
            hsel_cb = jnp.dot(embt_ref[...], ohs, preferred_element_type=jnp.float32)
            scal = scal + hsel_cb.T
            zp = jnp.maximum(
                jnp.dot(scal, p1w_ref[...], preferred_element_type=jnp.float32)
                + p1b_ref[...], 0.0)
            z = jnp.dot(zp, p2_ref[...], preferred_element_type=jnp.float32) \
                + p2b_ref[...]
            out_ref[...] = z

    full = lambda shape: pl.BlockSpec(shape, lambda i: tuple(0 for _ in shape))
    return pl.pallas_call(
        kern,
        grid=(G,),
        in_specs=[
            pl.BlockSpec((1, 1, T), lambda i: (i, 0, 0)),
            pl.BlockSpec((1, 1, T), lambda i: (i, 0, 0)),
            pl.BlockSpec((1, 1, T), lambda i: (i, 0, 0)),
            full((1, 64)),
            full((64, 8)),
            full((64, 1)),
            full((64, 64)),
            full((64, 1)),
            full((64, 16)),
            full((64, 3)),
            full((64, 64)),
            full((64, 64)),
            full((1, 64)),
            full((64, 128)),
            full((1, 128)),
        ],
        out_specs=pl.BlockSpec((64, 128), lambda i: (0, 0)),
        out_shape=jax.ShapeDtypeStruct((64, 128), jnp.float32),
        scratch_shapes=[pltpu.VMEM((64, 64), jnp.float32)],
        compiler_params=pltpu.CompilerParams(
            dimension_semantics=("arbitrary",)),
    )(d2r, tpr, bsr, tselr, w1t, b1c, w2t, b2c, embt, wp,
      lin0, p1w, p1b_r, p2p, p2b_r)


def kernel(node_type, x, edge_index, ca_idx, ptr, emb_table, fc1_w, fc1_b,
           fc2_w, fc2_b, w_poly, lin_mix, p1_w, p1_b, p2_w, p2_b):
    x0 = x[:, 0]
    x1 = x[:, 1]
    x2 = x[:, 2]
    ntp = node_type.astype(jnp.int32)
    cap = jnp.pad(ca_idx.astype(jnp.int32), (0, 64 - B))
    srcv = edge_index[0].astype(jnp.int32)
    dstv = edge_index[1].astype(jnp.int32)

    d2, tpe, bsel, tsel = _sc_edge_prep(x0, x1, x2, ntp, cap, srcv, dstv)

    w1t = fc1_w.T
    b1c = fc1_b.reshape(64, 1)
    w2t = fc2_w[:, 0::3].T
    b2c = fc2_b[0::3].reshape(64, 1)
    embt = jnp.pad(emb_table, ((0, 16 - IN_DIM), (0, 0))).T
    p2p = jnp.pad(p2_w, ((0, 0), (0, 128 - OUT_DIM)))
    p2b_r = jnp.pad(p2_b, (0, 128 - OUT_DIM)).reshape(1, 128)

    z = _tc_main(
        d2.reshape(G, 1, T), tpe.reshape(G, 1, T), bsel.reshape(G, 1, T),
        tsel.reshape(1, 64), w1t, b1c, w2t, b2c, embt, w_poly,
        lin_mix[0], p1_w, p1_b.reshape(1, 64), p2p, p2b_r)
    return z[:B, :OUT_DIM]

# --- scband reference (transcript-rebuilt; emitter-appended) ---
"""Pipeline reference for scband-res-macemodel-31250182045933 (READ-ONLY COPY).

The authoritative reference and input builder live on the scoring server;
editing this copy changes nothing except your own understanding.
"""

import jax, jax.numpy as jnp
import numpy as np

N, E, B, NPG = 10000, 160000, 50, 200
EMB, IN_DIM, OUT_DIM = 64, 9, 20
R_MAX, NUM_BESSEL, POLY_P = 10.0, 8, 5
L_IDX = jnp.array([0, 1, 1, 1, 2, 2, 2, 2, 2])


def _sph_harm_l2(vec):
    d2 = jnp.sum(vec * vec, axis=-1, keepdims=True)
    r = jnp.sqrt(d2 + 1e-12)
    n = vec / r
    x, y, z = n[..., 0], n[..., 1], n[..., 2]
    c1 = jnp.sqrt(3.0)
    sh = jnp.stack([
        jnp.ones_like(x),
        c1 * x, c1 * y, c1 * z,
        jnp.sqrt(15.0) * x * y,
        jnp.sqrt(15.0) * y * z,
        jnp.sqrt(5.0) / 2.0 * (3.0 * z * z - 1.0),
        jnp.sqrt(15.0) * x * z,
        jnp.sqrt(15.0) / 2.0 * (x * x - y * y),
    ], axis=-1)
    return sh, r


def _radial_embedding(r):
    n = jnp.arange(1, NUM_BESSEL + 1, dtype=jnp.float32)
    bess = jnp.sqrt(2.0 / R_MAX) * jnp.sin(n * jnp.pi * r / R_MAX) / (r + 1e-12)
    u = r / R_MAX
    p = float(POLY_P)
    env = 1.0 - (p + 1.0) * (p + 2.0) / 2.0 * u ** POLY_P + p * (p + 2.0) * u ** (POLY_P + 1) - p * (p + 1.0) / 2.0 * u ** (POLY_P + 2)
    env = env * (u < 1.0).astype(bess.dtype)
    return bess * env


def setup_inputs(seed: int = 0):
    key = jax.random.key(seed)
    ks = jax.random.split(key, 12)
    node_type = jax.random.randint(ks[0], (N,), 0, IN_DIM)
    x = jax.random.normal(ks[1], (N, 3), dtype=jnp.float32) * 3.0
    edge_index = jax.random.randint(ks[2], (2, E), 0, N)
    ca_idx = jax.random.randint(ks[3], (B,), 0, NPG)
    ptr = jnp.arange(B + 1, dtype=jnp.int32) * NPG
    emb_table = jax.random.normal(ks[4], (IN_DIM, EMB), dtype=jnp.float32)
    fc1_w = jax.random.normal(ks[5], (NUM_BESSEL, EMB), dtype=jnp.float32) * 0.1
    fc1_b = jnp.zeros((EMB,), jnp.float32)
    fc2_w = jax.random.normal(ks[6], (EMB, EMB * 3), dtype=jnp.float32) * 0.1
    fc2_b = jnp.zeros((EMB * 3,), jnp.float32)
    w_poly = jax.random.normal(ks[7], (EMB, 3), dtype=jnp.float32) * 0.1
    lin_mix = jax.random.normal(ks[8], (3, EMB, EMB), dtype=jnp.float32) * 0.1
    p1_w = jax.random.normal(ks[9], (EMB, EMB), dtype=jnp.float32) * 0.1
    p1_b = jnp.zeros((EMB,), jnp.float32)
    p2_w = jax.random.normal(ks[10], (EMB, OUT_DIM), dtype=jnp.float32) * 0.1
    p2_b = jnp.zeros((OUT_DIM,), jnp.float32)
    return {"node_type": node_type, "x": x, "edge_index": edge_index, "ca_idx": ca_idx, "ptr": ptr, "emb_table": emb_table, "fc1_w": fc1_w, "fc1_b": fc1_b, "fc2_w": fc2_w, "fc2_b": fc2_b, "w_poly": w_poly, "lin_mix": lin_mix, "p1_w": p1_w, "p1_b": p1_b, "p2_w": p2_w, "p2_b": p2_b}


def reference(node_type, x, edge_index, ca_idx, ptr, emb_table, fc1_w, fc1_b, fc2_w, fc2_b, w_poly, lin_mix, p1_w, p1_b, p2_w, p2_b):
    src, dst = edge_index[0], edge_index[1]
    h = jnp.take(emb_table, node_type, axis=0)
    vec = x[src] - x[dst]
    sh, r = _sph_harm_l2(vec)
    ef = _radial_embedding(r)
    w = jax.nn.relu(ef @ fc1_w + fc1_b) @ fc2_w + fc2_b
    w = w.reshape(-1, EMB, 3)
    wl = jnp.take(w, L_IDX, axis=2)
    hsrc = h[src]
    msg = wl * hsrc[:, :, None] * sh[:, None, :]
    A = jnp.zeros((N, EMB, 9), msg.dtype).at[dst].add(msg)
    sc = jnp.zeros_like(A).at[:, :, 0].set(h)
    s = A[:, :, 0]
    gate = w_poly[:, 0] + w_poly[:, 1] * s + w_poly[:, 2] * s * s
    Ag = A * gate[:, :, None]
    out = jnp.concatenate([
        jnp.einsum('nci,cd->ndi', Ag[:, :, 0:1], lin_mix[0]),
        jnp.einsum('nci,cd->ndi', Ag[:, :, 1:4], lin_mix[1]),
        jnp.einsum('nci,cd->ndi', Ag[:, :, 4:9], lin_mix[2]),
    ], axis=2)
    hN = out + sc
    scalars = hN[:, :, 0]
    z = jax.nn.relu(scalars @ p1_w + p1_b) @ p2_w + p2_b
    return z[ca_idx + ptr[:-1]]

if __name__ == "__main__":
    import jax
    _d = setup_inputs()
    print(jax.jit(kernel)(*tuple(_d.values())))

</pallas_src>

<mosaic_0001>
#map = affine_map<(d0, d1) -> (0)>
module attributes {stable_mosaic.version = 14 : i64} {
  func.func @k(%arg0: i32, %arg1: i32, %arg2: memref<10000xf32, #tpu.memory_space<hbm>>, %arg3: memref<10000xf32, #tpu.memory_space<hbm>>, %arg4: memref<10000xf32, #tpu.memory_space<hbm>>, %arg5: memref<10000xi32, #tpu.memory_space<hbm>>, %arg6: memref<64xi32, #tpu.memory_space<hbm>>, %arg7: memref<160000xi32, #tpu.memory_space<hbm>>, %arg8: memref<160000xi32, #tpu.memory_space<hbm>>, %arg9: memref<160000xf32, #tpu.memory_space<hbm>>, %arg10: memref<160000xi32, #tpu.memory_space<hbm>>, %arg11: memref<160000xi32, #tpu.memory_space<hbm>>, %arg12: memref<64xi32, #tpu.memory_space<hbm>>, %arg13: memref<10000xf32, #tpu.memory_space<vmem>>, %arg14: memref<10000xf32, #tpu.memory_space<vmem>>, %arg15: memref<10000xf32, #tpu.memory_space<vmem>>, %arg16: memref<10000xi32, #tpu.memory_space<vmem>>, %arg17: memref<64xi32, #tpu.memory_space<vmem>>, %arg18: memref<5000xi32, #tpu.memory_space<vmem>>, %arg19: memref<5000xi32, #tpu.memory_space<vmem>>, %arg20: memref<5000xf32, #tpu.memory_space<vmem>>, %arg21: memref<5000xi32, #tpu.memory_space<vmem>>, %arg22: memref<5000xi32, #tpu.memory_space<vmem>>, %arg23: memref<64xi32, #tpu.memory_space<vmem>>) attributes {dimension_semantics = [#tpu.dimension_semantics<core_parallel>, #tpu.dimension_semantics<subcore_parallel>], iteration_bounds = array<i64: 2, 16>, scalar_prefetch = 0 : i64, scratch_operands = 11 : i64, tpu.core_type = #tpu.core_type<sc_vector_subcore>, window_params = [{transform_indices = #map}, {transform_indices = #map}, {transform_indices = #map}, {transform_indices = #map}, {transform_indices = #map}, {transform_indices = #map}, {transform_indices = #map}, {transform_indices = #map}, {transform_indices = #map}, {transform_indices = #map}, {transform_indices = #map}]} {
    %mul3A = arith.constant 2 : i32
    %mul3A_0 = arith.muli %arg1, %mul3A : i32
    %add3A = arith.addi %mul3A_0, %arg0 : i32
    %mul3A_1 = arith.constant 5000 : i32
    %mul3A_2 = arith.muli %add3A, %mul3A_1 : i32
    "tpu.region"() ({
      %run_scoped3A = tpu.sem_alloc : memref<!tpu.dma_semaphore, #tpu.memory_space<semaphore_mem>>
      %dma_start3A = tpu.memref_slice %arg7[%mul3A_2] : memref<160000xi32, #tpu.memory_space<hbm>> -> memref<5000xi32, #tpu.memory_space<hbm>>
      %dma_start3A_583 = tpu.memref_slice %arg7[%mul3A_2] : memref<160000xi32, #tpu.memory_space<hbm>> -> memref<5000xi32, #tpu.memory_space<hbm>>
      tpu.enqueue_dma source(%dma_start3A_583 : memref<5000xi32, #tpu.memory_space<hbm>>) target(%arg18 : memref<5000xi32, #tpu.memory_space<vmem>>) target_semaphore(%run_scoped3A : memref<!tpu.dma_semaphore, #tpu.memory_space<semaphore_mem>>)
      %dma_wait3A = tpu.memref_slice %arg7[%mul3A_2] : memref<160000xi32, #tpu.memory_space<hbm>> -> memref<5000xi32, #tpu.memory_space<hbm>>
      %dma_wait3A_584 = tpu.memref_slice %arg7[%mul3A_2] : memref<160000xi32, #tpu.memory_space<hbm>> -> memref<5000xi32, #tpu.memory_space<hbm>>
      tpu.wait_dma2 semaphore(%run_scoped3A : memref<!tpu.dma_semaphore, #tpu.memory_space<semaphore_mem>>) src(%dma_wait3A_584 : memref<5000xi32, #tpu.memory_space<hbm>>) dst(%arg18 : memref<5000xi32, #tpu.memory_space<vmem>>)
      tpu.yield
    }) : () -> ()
    "tpu.region"() ({
      %run_scoped3A = tpu.sem_alloc : memref<!tpu.dma_semaphore, #tpu.memory_space<semaphore_mem>>
      %dma_start3A = tpu.memref_slice %arg8[%mul3A_2] : memref<160000xi32, #tpu.memory_space<hbm>> -> memref<5000xi32, #tpu.memory_space<hbm>>
      %dma_start3A_583 = tpu.memref_slice %arg8[%mul3A_2] : memref<160000xi32, #tpu.memory_space<hbm>> -> memref<5000xi32, #tpu.memory_space<hbm>>
      tpu.enqueue_dma source(%dma_start3A_583 : memref<5000xi32, #tpu.memory_space<hbm>>) target(%arg19 : memref<5000xi32, #tpu.memory_space<vmem>>) target_semaphore(%run_scoped3A : memref<!tpu.dma_semaphore, #tpu.memory_space<semaphore_mem>>)
      %dma_wait3A = tpu.memref_slice %arg8[%mul3A_2] : memref<160000xi32, #tpu.memory_space<hbm>> -> memref<5000xi32, #tpu.memory_space<hbm>>
      %dma_wait3A_584 = tpu.memref_slice %arg8[%mul3A_2] : memref<160000xi32, #tpu.memory_space<hbm>> -> memref<5000xi32, #tpu.memory_space<hbm>>
      tpu.wait_dma2 semaphore(%run_scoped3A : memref<!tpu.dma_semaphore, #tpu.memory_space<semaphore_mem>>) src(%dma_wait3A_584 : memref<5000xi32, #tpu.memory_space<hbm>>) dst(%arg19 : memref<5000xi32, #tpu.memory_space<vmem>>)
      tpu.yield
    }) : () -> ()
    "tpu.region"() ({
      %run_scoped3A = tpu.sem_alloc : memref<!tpu.dma_semaphore, #tpu.memory_space<semaphore_mem>>
      tpu.enqueue_dma source(%arg2 : memref<10000xf32, #tpu.memory_space<hbm>>) target(%arg13 : memref<10000xf32, #tpu.memory_space<vmem>>) target_semaphore(%run_scoped3A : memref<!tpu.dma_semaphore, #tpu.memory_space<semaphore_mem>>)
      tpu.wait_dma2 semaphore(%run_scoped3A : memref<!tpu.dma_semaphore, #tpu.memory_space<semaphore_mem>>) src(%arg2 : memref<10000xf32, #tpu.memory_space<hbm>>) dst(%arg13 : memref<10000xf32, #tpu.memory_space<vmem>>)
      tpu.yield
    }) : () -> ()
    "tpu.region"() ({
      %run_scoped3A = tpu.sem_alloc : memref<!tpu.dma_semaphore, #tpu.memory_space<semaphore_mem>>
      tpu.enqueue_dma source(%arg3 : memref<10000xf32, #tpu.memory_space<hbm>>) target(%arg14 : memref<10000xf32, #tpu.memory_space<vmem>>) target_semaphore(%run_scoped3A : memref<!tpu.dma_semaphore, #tpu.memory_space<semaphore_mem>>)
      tpu.wait_dma2 semaphore(%run_scoped3A : memref<!tpu.dma_semaphore, #tpu.memory_space<semaphore_mem>>) src(%arg3 : memref<10000xf32, #tpu.memory_space<hbm>>) dst(%arg14 : memref<10000xf32, #tpu.memory_space<vmem>>)
      tpu.yield
    }) : () -> ()
    "tpu.region"() ({
      %run_scoped3A = tpu.sem_alloc : memref<!tpu.dma_semaphore, #tpu.memory_space<semaphore_mem>>
      tpu.enqueue_dma source(%arg4 : memref<10000xf32, #tpu.memory_space<hbm>>) target(%arg15 : memref<10000xf32, #tpu.memory_space<vmem>>) target_semaphore(%run_scoped3A : memref<!tpu.dma_semaphore, #tpu.memory_space<semaphore_mem>>)
      tpu.wait_dma2 semaphore(%run_scoped3A : memref<!tpu.dma_semaphore, #tpu.memory_space<semaphore_mem>>) src(%arg4 : memref<10000xf32, #tpu.memory_space<hbm>>) dst(%arg15 : memref<10000xf32, #tpu.memory_space<vmem>>)
      tpu.yield
    }) : () -> ()
    "tpu.region"() ({
      %run_scoped3A = tpu.sem_alloc : memref<!tpu.dma_semaphore, #tpu.memory_space<semaphore_mem>>
      tpu.enqueue_dma source(%arg5 : memref<10000xi32, #tpu.memory_space<hbm>>) target(%arg16 : memref<10000xi32, #tpu.memory_space<vmem>>) target_semaphore(%run_scoped3A : memref<!tpu.dma_semaphore, #tpu.memory_space<semaphore_mem>>)
      tpu.wait_dma2 semaphore(%run_scoped3A : memref<!tpu.dma_semaphore, #tpu.memory_space<semaphore_mem>>) src(%arg5 : memref<10000xi32, #tpu.memory_space<hbm>>) dst(%arg16 : memref<10000xi32, #tpu.memory_space<vmem>>)
      tpu.yield
    }) : () -> ()
    "tpu.region"() ({
      %run_scoped3A = tpu.sem_alloc : memref<!tpu.dma_semaphore, #tpu.memory_space<semaphore_mem>>
      tpu.enqueue_dma source(%arg6 : memref<64xi32, #tpu.memory_space<hbm>>) target(%arg17 : memref<64xi32, #tpu.memory_space<vmem>>) target_semaphore(%run_scoped3A : memref<!tpu.dma_semaphore, #tpu.memory_space<semaphore_mem>>)
      tpu.wait_dma2 semaphore(%run_scoped3A : memref<!tpu.dma_semaphore, #tpu.memory_space<semaphore_mem>>) src(%arg6 : memref<64xi32, #tpu.memory_space<hbm>>) dst(%arg17 : memref<64xi32, #tpu.memory_space<vmem>>)
      tpu.yield
    }) : () -> ()
    %scan3A = arith.constant 0 : i32
    %scan3A_3 = arith.constant 0 : i32
    %scan3A_4 = arith.constant 19 : i32
    %scan3A_5 = arith.addi %scan3A_3, %scan3A_4 : i32
    %scan3A_6 = arith.constant 1 : i32
    scf.for %scan3A_583 = %scan3A_3 to %scan3A_5 step %scan3A_6  : i32 {
      %mul3A_584 = arith.constant 256 : i32
      %mul3A_585 = arith.muli %scan3A_583, %mul3A_584 : i32
      %add3A_586 = arith.constant 0 : i32
      %add3A_587 = arith.addi %mul3A_585, %add3A_586 : i32
      %get3A_588 = arith.index_cast %add3A_587 : i32 to index
      %get3A_589 = tpu.vector_load %arg18[%get3A_588] {strides = array<i32>} : memref<5000xi32, #tpu.memory_space<vmem>>, vector<16xi32>,
      %get3A_590 = arith.index_cast %add3A_587 : i32 to index
      %get3A_591 = tpu.vector_load %arg19[%get3A_590] {strides = array<i32>} : memref<5000xi32, #tpu.memory_space<vmem>>, vector<16xi32>,
      %jit3A_592 = arith.constant 200 : i32
      %div3A_593 = vector.broadcast %jit3A_592 : i32 to vector<16xi32>
      %div3A_594 = arith.divsi %get3A_591, %div3A_593 : vector<16xi32>
      %sign3A_595 = arith.constant 0 : i32
      %sign3A_596 = vector.broadcast %sign3A_595 : i32 to vector<16xi32>
      %sign3A_597 = arith.cmpi sgt, %get3A_591, %sign3A_596 : vector<16xi32>
      %sign3A_598 = arith.extui %sign3A_597 : vector<16xi1> to vector<16xi32>
      %sign3A_599 = arith.constant 0 : i32
      %sign3A_600 = vector.broadcast %sign3A_599 : i32 to vector<16xi32>
      %sign3A_601 = arith.cmpi slt, %get3A_591, %sign3A_600 : vector<16xi32>
      %sign3A_602 = arith.extui %sign3A_601 : vector<16xi1> to vector<16xi32>
      %sign3A_603 = arith.subi %sign3A_598, %sign3A_602 : vector<16xi32>
      %sign3A_604 = arith.constant 0 : i32
      %sign3A_605 = arith.cmpi sgt, %jit3A_592, %sign3A_604 : i32
      %sign3A_606 = arith.extui %sign3A_605 : i1 to i32
      %sign3A_607 = arith.constant 0 : i32
      %sign3A_608 = arith.cmpi slt, %jit3A_592, %sign3A_607 : i32
      %sign3A_609 = arith.extui %sign3A_608 : i1 to i32
      %sign3A_610 = arith.subi %sign3A_606, %sign3A_609 : i32
      %ne3A_611 = vector.broadcast %sign3A_610 : i32 to vector<16xi32>
      %ne3A_612 = arith.cmpi ne, %sign3A_603, %ne3A_611 : vector<16xi32>
      %rem3A_613 = vector.broadcast %jit3A_592 : i32 to vector<16xi32>
      %rem3A_614 = arith.remsi %get3A_591, %rem3A_613 : vector<16xi32>
      %ne3A_615 = arith.constant 0 : i32
      %ne3A_616 = vector.broadcast %ne3A_615 : i32 to vector<16xi32>
      %ne3A_617 = arith.cmpi ne, %rem3A_614, %ne3A_616 : vector<16xi32>
      %and3A_618 = arith.andi %ne3A_612, %ne3A_617 : vector<16xi1>
      %sub3A_619 = arith.constant 1 : i32
      %sub3A_620 = vector.broadcast %sub3A_619 : i32 to vector<16xi32>
      %sub3A_621 = arith.subi %div3A_594, %sub3A_620 : vector<16xi32>
      %select_n3A_622 = arith.select %and3A_618, %sub3A_621, %div3A_594 : vector<16xi1>, vector<16xi32>
      %mul3A_623 = arith.constant 200 : i32
      %mul3A_624 = vector.broadcast %mul3A_623 : i32 to vector<16xi32>
      %mul3A_625 = arith.muli %select_n3A_622, %mul3A_624 : vector<16xi32>
      %sub3A_626 = arith.subi %get3A_591, %mul3A_625 : vector<16xi32>
      %gather3A_627 = tpu.vector_load_idx %arg17[%select_n3A_622] : memref<64xi32, #tpu.memory_space<vmem>>[vector<16xi32>], vector<16xi32>,
      %eq3A_628 = arith.cmpi eq, %gather3A_627, %sub3A_626 : vector<16xi32>
      %jit3A_629 = arith.constant 63 : i32
      %broadcast_in_dim3A_630 = vector.broadcast %jit3A_629 : i32 to vector<16xi32>
      %select_n3A_631 = arith.select %eq3A_628, %select_n3A_622, %broadcast_in_dim3A_630 : vector<16xi1>, vector<16xi32>
      %gather3A_632 = tpu.vector_load_idx %arg16[%get3A_589] : memref<10000xi32, #tpu.memory_space<vmem>>[vector<16xi32>], vector<16xi32>,
      %gather3A_633 = tpu.vector_load_idx %arg13[%get3A_589] : memref<10000xf32, #tpu.memory_space<vmem>>[vector<16xi32>], vector<16xf32>,
      %gather3A_634 = tpu.vector_load_idx %arg13[%get3A_591] : memref<10000xf32, #tpu.memory_space<vmem>>[vector<16xi32>], vector<16xf32>,
      %sub3A_635 = arith.subf %gather3A_633, %gather3A_634 : vector<16xf32>
      %gather3A_636 = tpu.vector_load_idx %arg14[%get3A_589] : memref<10000xf32, #tpu.memory_space<vmem>>[vector<16xi32>], vector<16xf32>,
      %gather3A_637 = tpu.vector_load_idx %arg14[%get3A_591] : memref<10000xf32, #tpu.memory_space<vmem>>[vector<16xi32>], vector<16xf32>,
      %sub3A_638 = arith.subf %gather3A_636, %gather3A_637 : vector<16xf32>
      %gather3A_639 = tpu.vector_load_idx %arg15[%get3A_589] : memref<10000xf32, #tpu.memory_space<vmem>>[vector<16xi32>], vector<16xf32>,
      %gather3A_640 = tpu.vector_load_idx %arg15[%get3A_591] : memref<10000xf32, #tpu.memory_space<vmem>>[vector<16xi32>], vector<16xf32>,
      %sub3A_641 = arith.subf %gather3A_639, %gather3A_640 : vector<16xf32>
      %mul3A_642 = arith.mulf %sub3A_635, %sub3A_635 : vector<16xf32>
      %mul3A_643 = arith.mulf %sub3A_638, %sub3A_638 : vector<16xf32>
      %add3A_644 = arith.addf %mul3A_642, %mul3A_643 : vector<16xf32>
      %mul3A_645 = arith.mulf %sub3A_641, %sub3A_641 : vector<16xf32>
      %add3A_646 = arith.addf %add3A_644, %mul3A_645 : vector<16xf32>
      %swap3A_647 = arith.index_cast %add3A_587 : i32 to index
      %swap3A_648 = tpu.vector_load %arg20[%swap3A_647] {strides = array<i32>} : memref<5000xf32, #tpu.memory_space<vmem>>, vector<16xf32>,
      tpu.vector_store %arg20[%swap3A_647], %add3A_646 {strides = array<i32>} : memref<5000xf32, #tpu.memory_space<vmem>>, vector<16xf32>,
      %swap3A_649 = arith.index_cast %add3A_587 : i32 to index
      %swap3A_650 = tpu.vector_load %arg21[%swap3A_649] {strides = array<i32>} : memref<5000xi32, #tpu.memory_space<vmem>>, vector<16xi32>,
      tpu.vector_store %arg21[%swap3A_649], %gather3A_632 {strides = array<i32>} : memref<5000xi32, #tpu.memory_space<vmem>>, vector<16xi32>,
      %swap3A_651 = arith.index_cast %add3A_587 : i32 to index
      %swap3A_652 = tpu.vector_load %arg22[%swap3A_651] {strides = array<i32>} : memref<5000xi32, #tpu.memory_space<vmem>>, vector<16xi32>,
      tpu.vector_store %arg22[%swap3A_651], %select_n3A_631 {strides = array<i32>} : memref<5000xi32, #tpu.memory_space<vmem>>, vector<16xi32>,
      %mul3A_653 = arith.constant 256 : i32
      %mul3A_654 = arith.muli %scan3A_583, %mul3A_653 : i32
      %add3A_655 = arith.constant 16 : i32
      %add3A_656 = arith.addi %mul3A_654, %add3A_655 : i32
      %get3A_657 = arith.index_cast %add3A_656 : i32 to index
      %get3A_658 = tpu.vector_load %arg18[%get3A_657] {strides = array<i32>} : memref<5000xi32, #tpu.memory_space<vmem>>, vector<16xi32>,
      %get3A_659 = arith.index_cast %add3A_656 : i32 to index
      %get3A_660 = tpu.vector_load %arg19[%get3A_659] {strides = array<i32>} : memref<5000xi32, #tpu.memory_space<vmem>>, vector<16xi32>,
      %jit3A_661 = arith.constant 200 : i32
      %div3A_662 = vector.broadcast %jit3A_661 : i32 to vector<16xi32>
      %div3A_663 = arith.divsi %get3A_660, %div3A_662 : vector<16xi32>
      %sign3A_664 = arith.constant 0 : i32
      %sign3A_665 = vector.broadcast %sign3A_664 : i32 to vector<16xi32>
      %sign3A_666 = arith.cmpi sgt, %get3A_660, %sign3A_665 : vector<16xi32>
      %sign3A_667 = arith.extui %sign3A_666 : vector<16xi1> to vector<16xi32>
      %sign3A_668 = arith.constant 0 : i32
      %sign3A_669 = vector.broadcast %sign3A_668 : i32 to vector<16xi32>
      %sign3A_670 = arith.cmpi slt, %get3A_660, %sign3A_669 : vector<16xi32>
      %sign3A_671 = arith.extui %sign3A_670 : vector<16xi1> to vector<16xi32>
      %sign3A_672 = arith.subi %sign3A_667, %sign3A_671 : vector<16xi32>
      %sign3A_673 = arith.constant 0 : i32
      %sign3A_674 = arith.cmpi sgt, %jit3A_661, %sign3A_673 : i32
      %sign3A_675 = arith.extui %sign3A_674 : i1 to i32
      %sign3A_676 = arith.constant 0 : i32
      %sign3A_677 = arith.cmpi slt, %jit3A_661, %sign3A_676 : i32
      %sign3A_678 = arith.extui %sign3A_677 : i1 to i32
      %sign3A_679 = arith.subi %sign3A_675, %sign3A_678 : i32
      %ne3A_680 = vector.broadcast %sign3A_679 : i32 to vector<16xi32>
      %ne3A_681 = arith.cmpi ne, %sign3A_672, %ne3A_680 : vector<16xi32>
      %rem3A_682 = vector.broadcast %jit3A_661 : i32 to vector<16xi32>
      %rem3A_683 = arith.remsi %get3A_660, %rem3A_682 : vector<16xi32>
      %ne3A_684 = arith.constant 0 : i32
      %ne3A_685 = vector.broadcast %ne3A_684 : i32 to vector<16xi32>
      %ne3A_686 = arith.cmpi ne, %rem3A_683, %ne3A_685 : vector<16xi32>
      %and3A_687 = arith.andi %ne3A_681, %ne3A_686 : vector<16xi1>
      %sub3A_688 = arith.constant 1 : i32
      %sub3A_689 = vector.broadcast %sub3A_688 : i32 to vector<16xi32>
      %sub3A_690 = arith.subi %div3A_663, %sub3A_689 : vector<16xi32>
      %select_n3A_691 = arith.select %and3A_687, %sub3A_690, %div3A_663 : vector<16xi1>, vector<16xi32>
      %mul3A_692 = arith.constant 200 : i32
      %mul3A_693 = vector.broadcast %mul3A_692 : i32 to vector<16xi32>
      %mul3A_694 = arith.muli %select_n3A_691, %mul3A_693 : vector<16xi32>
      %sub3A_695 = arith.subi %get3A_660, %mul3A_694 : vector<16xi32>
      %gather3A_696 = tpu.vector_load_idx %arg17[%select_n3A_691] : memref<64xi32, #tpu.memory_space<vmem>>[vector<16xi32>], vector<16xi32>,
      %eq3A_697 = arith.cmpi eq, %gather3A_696, %sub3A_695 : vector<16xi32>
      %jit3A_698 = arith.constant 63 : i32
      %broadcast_in_dim3A_699 = vector.broadcast %jit3A_698 : i32 to vector<16xi32>
      %select_n3A_700 = arith.select %eq3A_697, %select_n3A_691, %broadcast_in_dim3A_699 : vector<16xi1>, vector<16xi32>
      %gather3A_701 = tpu.vector_load_idx %arg16[%get3A_658] : memref<10000xi32, #tpu.memory_space<vmem>>[vector<16xi32>], vector<16xi32>,
      %gather3A_702 = tpu.vector_load_idx %arg13[%get3A_658] : memref<10000xf32, #tpu.memory_space<vmem>>[vector<16xi32>], vector<16xf32>,
      %gather3A_703 = tpu.vector_load_idx %arg13[%get3A_660] : memref<10000xf32, #tpu.memory_space<vmem>>[vector<16xi32>], vector<16xf32>,
      %sub3A_704 = arith.subf %gather3A_702, %gather3A_703 : vector<16xf32>
      %gather3A_705 = tpu.vector_load_idx %arg14[%get3A_658] : memref<10000xf32, #tpu.memory_space<vmem>>[vector<16xi32>], vector<16xf32>,
      %gather3A_706 = tpu.vector_load_idx %arg14[%get3A_660] : memref<10000xf32, #tpu.memory_space<vmem>>[vector<16xi32>], vector<16xf32>,
      %sub3A_707 = arith.subf %gather3A_705, %gather3A_706 : vector<16xf32>
      %gather3A_708 = tpu.vector_load_idx %arg15[%get3A_658] : memref<10000xf32, #tpu.memory_space<vmem>>[vector<16xi32>], vector<16xf32>,
      %gather3A_709 = tpu.vector_load_idx %arg15[%get3A_660] : memref<10000xf32, #tpu.memory_space<vmem>>[vector<16xi32>], vector<16xf32>,
      %sub3A_710 = arith.subf %gather3A_708, %gather3A_709 : vector<16xf32>
      %mul3A_711 = arith.mulf %sub3A_704, %sub3A_704 : vector<16xf32>
      %mul3A_712 = arith.mulf %sub3A_707, %sub3A_707 : vector<16xf32>
      %add3A_713 = arith.addf %mul3A_711, %mul3A_712 : vector<16xf32>
      %mul3A_714 = arith.mulf %sub3A_710, %sub3A_710 : vector<16xf32>
      %add3A_715 = arith.addf %add3A_713, %mul3A_714 : vector<16xf32>
      %swap3A_716 = arith.index_cast %add3A_656 : i32 to index
      %swap3A_717 = tpu.vector_load %arg20[%swap3A_716] {strides = array<i32>} : memref<5000xf32, #tpu.memory_space<vmem>>, vector<16xf32>,
      tpu.vector_store %arg20[%swap3A_716], %add3A_715 {strides = array<i32>} : memref<5000xf32, #tpu.memory_space<vmem>>, vector<16xf32>,
      %swap3A_718 = arith.index_cast %add3A_656 : i32 to index
      %swap3A_719 = tpu.vector_load %arg21[%swap3A_718] {strides = array<i32>} : memref<5000xi32, #tpu.memory_space<vmem>>, vector<16xi32>,
      tpu.vector_store %arg21[%swap3A_718], %gather3A_701 {strides = array<i32>} : memref<5000xi32, #tpu.memory_space<vmem>>, vector<16xi32>,
      %swap3A_720 = arith.index_cast %add3A_656 : i32 to index
      %swap3A_721 = tpu.vector_load %arg22[%swap3A_720] {strides = array<i32>} : memref<5000xi32, #tpu.memory_space<vmem>>, vector<16xi32>,
      tpu.vector_store %arg22[%swap3A_720], %select_n3A_700 {strides = array<i32>} : memref<5000xi32, #tpu.memory_space<vmem>>, vector<16xi32>,
      %mul3A_722 = arith.constant 256 : i32
      %mul3A_723 = arith.muli %scan3A_583, %mul3A_722 : i32
      %add3A_724 = arith.constant 32 : i32
      %add3A_725 = arith.addi %mul3A_723, %add3A_724 : i32
      %get3A_726 = arith.index_cast %add3A_725 : i32 to index
      %get3A_727 = tpu.vector_load %arg18[%get3A_726] {strides = array<i32>} : memref<5000xi32, #tpu.memory_space<vmem>>, vector<16xi32>,
      %get3A_728 = arith.index_cast %add3A_725 : i32 to index
      %get3A_729 = tpu.vector_load %arg19[%get3A_728] {strides = array<i32>} : memref<5000xi32, #tpu.memory_space<vmem>>, vector<16xi32>,
      %jit3A_730 = arith.constant 200 : i32
      %div3A_731 = vector.broadcast %jit3A_730 : i32 to vector<16xi32>
      %div3A_732 = arith.divsi %get3A_729, %div3A_731 : vector<16xi32>
      %sign3A_733 = arith.constant 0 : i32
      %sign3A_734 = vector.broadcast %sign3A_733 : i32 to vector<16xi32>
      %sign3A_735 = arith.cmpi sgt, %get3A_729, %sign3A_734 : vector<16xi32>
      %sign3A_736 = arith.extui %sign3A_735 : vector<16xi1> to vector<16xi32>
      %sign3A_737 = arith.constant 0 : i32
      %sign3A_738 = vector.broadcast %sign3A_737 : i32 to vector<16xi32>
      %sign3A_739 = arith.cmpi slt, %get3A_729, %sign3A_738 : vector<16xi32>
      %sign3A_740 = arith.extui %sign3A_739 : vector<16xi1> to vector<16xi32>
      %sign3A_741 = arith.subi %sign3A_736, %sign3A_740 : vector<16xi32>
      %sign3A_742 = arith.constant 0 : i32
      %sign3A_743 = arith.cmpi sgt, %jit3A_730, %sign3A_742 : i32
      %sign3A_744 = arith.extui %sign3A_743 : i1 to i32
      %sign3A_745 = arith.constant 0 : i32
      %sign3A_746 = arith.cmpi slt, %jit3A_730, %sign3A_745 : i32
      %sign3A_747 = arith.extui %sign3A_746 : i1 to i32
      %sign3A_748 = arith.subi %sign3A_744, %sign3A_747 : i32
      %ne3A_749 = vector.broadcast %sign3A_748 : i32 to vector<16xi32>
      %ne3A_750 = arith.cmpi ne, %sign3A_741, %ne3A_749 : vector<16xi32>
      %rem3A_751 = vector.broadcast %jit3A_730 : i32 to vector<16xi32>
      %rem3A_752 = arith.remsi %get3A_729, %rem3A_751 : vector<16xi32>
      %ne3A_753 = arith.constant 0 : i32
      %ne3A_754 = vector.broadcast %ne3A_753 : i32 to vector<16xi32>
      %ne3A_755 = arith.cmpi ne, %rem3A_752, %ne3A_754 : vector<16xi32>
      %and3A_756 = arith.andi %ne3A_750, %ne3A_755 : vector<16xi1>
      %sub3A_757 = arith.constant 1 : i32
      %sub3A_758 = vector.broadcast %sub3A_757 : i32 to vector<16xi32>
      %sub3A_759 = arith.subi %div3A_732, %sub3A_758 : vector<16xi32>
      %select_n3A_760 = arith.select %and3A_756, %sub3A_759, %div3A_732 : vector<16xi1>, vector<16xi32>
      %mul3A_761 = arith.constant 200 : i32
      %mul3A_762 = vector.broadcast %mul3A_761 : i32 to vector<16xi32>
      %mul3A_763 = arith.muli %select_n3A_760, %mul3A_762 : vector<16xi32>
      %sub3A_764 = arith.subi %get3A_729, %mul3A_763 : vector<16xi32>
      %gather3A_765 = tpu.vector_load_idx %arg17[%select_n3A_760] : memref<64xi32, #tpu.memory_space<vmem>>[vector<16xi32>], vector<16xi32>,
      %eq3A_766 = arith.cmpi eq, %gather3A_765, %sub3A_764 : vector<16xi32>
      %jit3A_767 = arith.constant 63 : i32
      %broadcast_in_dim3A_768 = vector.broadcast %jit3A_767 : i32 to vector<16xi32>
      %select_n3A_769 = arith.select %eq3A_766, %select_n3A_760, %broadcast_in_dim3A_768 : vector<16xi1>, vector<16xi32>
      %gather3A_770 = tpu.vector_load_idx %arg16[%get3A_727] : memref<10000xi32, #tpu.memory_space<vmem>>[vector<16xi32>], vector<16xi32>,
      %gather3A_771 = tpu.vector_load_idx %arg13[%get3A_727] : memref<10000xf32, #tpu.memory_space<vmem>>[vector<16xi32>], vector<16xf32>,
      %gather3A_772 = tpu.vector_load_idx %arg13[%get3A_729] : memref<10000xf32, #tpu.memory_space<vmem>>[vector<16xi32>], vector<16xf32>,
      %sub3A_773 = arith.subf %gather3A_771, %gather3A_772 : vector<16xf32>
      %gather3A_774 = tpu.vector_load_idx %arg14[%get3A_727] : memref<10000xf32, #tpu.memory_space<vmem>>[vector<16xi32>], vector<16xf32>,
      %gather3A_775 = tpu.vector_load_idx %arg14[%get3A_729] : memref<10000xf32, #tpu.memory_space<vmem>>[vector<16xi32>], vector<16xf32>,
      %sub3A_776 = arith.subf %gather3A_774, %gather3A_775 : vector<16xf32>
      %gather3A_777 = tpu.vector_load_idx %arg15[%get3A_727] : memref<10000xf32, #tpu.memory_space<vmem>>[vector<16xi32>], vector<16xf32>,
      %gather3A_778 = tpu.vector_load_idx %arg15[%get3A_729] : memref<10000xf32, #tpu.memory_space<vmem>>[vector<16xi32>], vector<16xf32>,
      %sub3A_779 = arith.subf %gather3A_777, %gather3A_778 : vector<16xf32>
      %mul3A_780 = arith.mulf %sub3A_773, %sub3A_773 : vector<16xf32>
      %mul3A_781 = arith.mulf %sub3A_776, %sub3A_776 : vector<16xf32>
      %add3A_782 = arith.addf %mul3A_780, %mul3A_781 : vector<16xf32>
      %mul3A_783 = arith.mulf %sub3A_779, %sub3A_779 : vector<16xf32>
      %add3A_784 = arith.addf %add3A_782, %mul3A_783 : vector<16xf32>
      %swap3A_785 = arith.index_cast %add3A_725 : i32 to index
      %swap3A_786 = tpu.vector_load %arg20[%swap3A_785] {strides = array<i32>} : memref<5000xf32, #tpu.memory_space<vmem>>, vector<16xf32>,
      tpu.vector_store %arg20[%swap3A_785], %add3A_784 {strides = array<i32>} : memref<5000xf32, #tpu.memory_space<vmem>>, vector<16xf32>,
      %swap3A_787 = arith.index_cast %add3A_725 : i32 to index
      %swap3A_788 = tpu.vector_load %arg21[%swap3A_787] {strides = array<i32>} : memref<5000xi32, #tpu.memory_space<vmem>>, vector<16xi32>,
      tpu.vector_store %arg21[%swap3A_787], %gather3A_770 {strides = array<i32>} : memref<5000xi32, #tpu.memory_space<vmem>>, vector<16xi32>,
      %swap3A_789 = arith.index_cast %add3A_725 : i32 to index
      %swap3A_790 = tpu.vector_load %arg22[%swap3A_789] {strides = array<i32>} : memref<5000xi32, #tpu.memory_space<vmem>>, vector<16xi32>,
      tpu.vector_store %arg22[%swap3A_789], %select_n3A_769 {strides = array<i32>} : memref<5000xi32, #tpu.memory_space<vmem>>, vector<16xi32>,
      %mul3A_791 = arith.constant 256 : i32
      %mul3A_792 = arith.muli %scan3A_583, %mul3A_791 : i32
      %add3A_793 = arith.constant 48 : i32
      %add3A_794 = arith.addi %mul3A_792, %add3A_793 : i32
      %get3A_795 = arith.index_cast %add3A_794 : i32 to index
      %get3A_796 = tpu.vector_load %arg18[%get3A_795] {strides = array<i32>} : memref<5000xi32, #tpu.memory_space<vmem>>, vector<16xi32>,
      %get3A_797 = arith.index_cast %add3A_794 : i32 to index
      %get3A_798 = tpu.vector_load %arg19[%get3A_797] {strides = array<i32>} : memref<5000xi32, #tpu.memory_space<vmem>>, vector<16xi32>,
      %jit3A_799 = arith.constant 200 : i32
      %div3A_800 = vector.broadcast %jit3A_799 : i32 to vector<16xi32>
      %div3A_801 = arith.divsi %get3A_798, %div3A_800 : vector<16xi32>
      %sign3A_802 = arith.constant 0 : i32
      %sign3A_803 = vector.broadcast %sign3A_802 : i32 to vector<16xi32>
      %sign3A_804 = arith.cmpi sgt, %get3A_798, %sign3A_803 : vector<16xi32>
      %sign3A_805 = arith.extui %sign3A_804 : vector<16xi1> to vector<16xi32>
      %sign3A_806 = arith.constant 0 : i32
      %sign3A_807 = vector.broadcast %sign3A_806 : i32 to vector<16xi32>
      %sign3A_808 = arith.cmpi slt, %get3A_798, %sign3A_807 : vector<16xi32>
      %sign3A_809 = arith.extui %sign3A_808 : vector<16xi1> to vector<16xi32>
      %sign3A_810 = arith.subi %sign3A_805, %sign3A_809 : vector<16xi32>
      %sign3A_811 = arith.constant 0 : i32
      %sign3A_812 = arith.cmpi sgt, %jit3A_799, %sign3A_811 : i32
      %sign3A_813 = arith.extui %sign3A_812 : i1 to i32
      %sign3A_814 = arith.constant 0 : i32
      %sign3A_815 = arith.cmpi slt, %jit3A_799, %sign3A_814 : i32
      %sign3A_816 = arith.extui %sign3A_815 : i1 to i32
      %sign3A_817 = arith.subi %sign3A_813, %sign3A_816 : i32
      %ne3A_818 = vector.broadcast %sign3A_817 : i32 to vector<16xi32>
      %ne3A_819 = arith.cmpi ne, %sign3A_810, %ne3A_818 : vector<16xi32>
      %rem3A_820 = vector.broadcast %jit3A_799 : i32 to vector<16xi32>
      %rem3A_821 = arith.remsi %get3A_798, %rem3A_820 : vector<16xi32>
      %ne3A_822 = arith.constant 0 : i32
      %ne3A_823 = vector.broadcast %ne3A_822 : i32 to vector<16xi32>
      %ne3A_824 = arith.cmpi ne, %rem3A_821, %ne3A_823 : vector<16xi32>
      %and3A_825 = arith.andi %ne3A_819, %ne3A_824 : vector<16xi1>
      %sub3A_826 = arith.constant 1 : i32
      %sub3A_827 = vector.broadcast %sub3A_826 : i32 to vector<16xi32>
      %sub3A_828 = arith.subi %div3A_801, %sub3A_827 : vector<16xi32>
      %select_n3A_829 = arith.select %and3A_825, %sub3A_828, %div3A_801 : vector<16xi1>, vector<16xi32>
      %mul3A_830 = arith.constant 200 : i32
      %mul3A_831 = vector.broadcast %mul3A_830 : i32 to vector<16xi32>
      %mul3A_832 = arith.muli %select_n3A_829, %mul3A_831 : vector<16xi32>
      %sub3A_833 = arith.subi %get3A_798, %mul3A_832 : vector<16xi32>
      %gather3A_834 = tpu.vector_load_idx %arg17[%select_n3A_829] : memref<64xi32, #tpu.memory_space<vmem>>[vector<16xi32>], vector<16xi32>,
      %eq3A_835 = arith.cmpi eq, %gather3A_834, %sub3A_833 : vector<16xi32>
      %jit3A_836 = arith.constant 63 : i32
      %broadcast_in_dim3A_837 = vector.broadcast %jit3A_836 : i32 to vector<16xi32>
      %select_n3A_838 = arith.select %eq3A_835, %select_n3A_829, %broadcast_in_dim3A_837 : vector<16xi1>, vector<16xi32>
      %gather3A_839 = tpu.vector_load_idx %arg16[%get3A_796] : memref<10000xi32, #tpu.memory_space<vmem>>[vector<16xi32>], vector<16xi32>,
      %gather3A_840 = tpu.vector_load_idx %arg13[%get3A_796] : memref<10000xf32, #tpu.memory_space<vmem>>[vector<16xi32>], vector<16xf32>,
      %gather3A_841 = tpu.vector_load_idx %arg13[%get3A_798] : memref<10000xf32, #tpu.memory_space<vmem>>[vector<16xi32>], vector<16xf32>,
      %sub3A_842 = arith.subf %gather3A_840, %gather3A_841 : vector<16xf32>
      %gather3A_843 = tpu.vector_load_idx %arg14[%get3A_796] : memref<10000xf32, #tpu.memory_space<vmem>>[vector<16xi32>], vector<16xf32>,
      %gather3A_844 = tpu.vector_load_idx %arg14[%get3A_798] : memref<10000xf32, #tpu.memory_space<vmem>>[vector<16xi32>], vector<16xf32>,
      %sub3A_845 = arith.subf %gather3A_843, %gather3A_844 : vector<16xf32>
      %gather3A_846 = tpu.vector_load_idx %arg15[%get3A_796] : memref<10000xf32, #tpu.memory_space<vmem>>[vector<16xi32>], vector<16xf32>,
      %gather3A_847 = tpu.vector_load_idx %arg15[%get3A_798] : memref<10000xf32, #tpu.memory_space<vmem>>[vector<16xi32>], vector<16xf32>,
      %sub3A_848 = arith.subf %gather3A_846, %gather3A_847 : vector<16xf32>
      %mul3A_849 = arith.mulf %sub3A_842, %sub3A_842 : vector<16xf32>
      %mul3A_850 = arith.mulf %sub3A_845, %sub3A_845 : vector<16xf32>
      %add3A_851 = arith.addf %mul3A_849, %mul3A_850 : vector<16xf32>
      %mul3A_852 = arith.mulf %sub3A_848, %sub3A_848 : vector<16xf32>
      %add3A_853 = arith.addf %add3A_851, %mul3A_852 : vector<16xf32>
      %swap3A_854 = arith.index_cast %add3A_794 : i32 to index
      %swap3A_855 = tpu.vector_load %arg20[%swap3A_854] {strides = array<i32>} : memref<5000xf32, #tpu.memory_space<vmem>>, vector<16xf32>,
      tpu.vector_store %arg20[%swap3A_854], %add3A_853 {strides = array<i32>} : memref<5000xf32, #tpu.memory_space<vmem>>, vector<16xf32>,
      %swap3A_856 = arith.index_cast %add3A_794 : i32 to index
      %swap3A_857 = tpu.vector_load %arg21[%swap3A_856] {strides = array<i32>} : memref<5000xi32, #tpu.memory_space<vmem>>, vector<16xi32>,
      tpu.vector_store %arg21[%swap3A_856], %gather3A_839 {strides = array<i32>} : memref<5000xi32, #tpu.memory_space<vmem>>, vector<16xi32>,
      %swap3A_858 = arith.index_cast %add3A_794 : i32 to index
      %swap3A_859 = tpu.vector_load %arg22[%swap3A_858] {strides = array<i32>} : memref<5000xi32, #tpu.memory_space<vmem>>, vector<16xi32>,
      tpu.vector_store %arg22[%swap3A_858], %select_n3A_838 {strides = array<i32>} : memref<5000xi32, #tpu.memory_space<vmem>>, vector<16xi32>,
      %mul3A_860 = arith.constant 256 : i32
      %mul3A_861 = arith.muli %scan3A_583, %mul3A_860 : i32
      %add3A_862 = arith.constant 64 : i32
      %add3A_863 = arith.addi %mul3A_861, %add3A_862 : i32
      %get3A_864 = arith.index_cast %add3A_863 : i32 to index
      %get3A_865 = tpu.vector_load %arg18[%get3A_864] {strides = array<i32>} : memref<5000xi32, #tpu.memory_space<vmem>>, vector<16xi32>,
      %get3A_866 = arith.index_cast %add3A_863 : i32 to index
      %get3A_867 = tpu.vector_load %arg19[%get3A_866] {strides = array<i32>} : memref<5000xi32, #tpu.memory_space<vmem>>, vector<16xi32>,
      %jit3A_868 = arith.constant 200 : i32
      %div3A_869 = vector.broadcast %jit3A_868 : i32 to vector<16xi32>
      %div3A_870 = arith.divsi %get3A_867, %div3A_869 : vector<16xi32>
      %sign3A_871 = arith.constant 0 : i32
      %sign3A_872 = vector.broadcast %sign3A_871 : i32 to vector<16xi32>
      %sign3A_873 = arith.cmpi sgt, %get3A_867, %sign3A_872 : vector<16xi32>
      %sign3A_874 = arith.extui %sign3A_873 : vector<16xi1> to vector<16xi32>
      %sign3A_875 = arith.constant 0 : i32
      %sign3A_876 = vector.broadcast %sign3A_875 : i32 to vector<16xi32>
      %sign3A_877 = arith.cmpi slt, %get3A_867, %sign3A_876 : vector<16xi32>
      %sign3A_878 = arith.extui %sign3A_877 : vector<16xi1> to vector<16xi32>
      %sign3A_879 = arith.subi %sign3A_874, %sign3A_878 : vector<16xi32>
      %sign3A_880 = arith.constant 0 : i32
      %sign3A_881 = arith.cmpi sgt, %jit3A_868, %sign3A_880 : i32
      %sign3A_882 = arith.extui %sign3A_881 : i1 to i32
      %sign3A_883 = arith.constant 0 : i32
      %sign3A_884 = arith.cmpi slt, %jit3A_868, %sign3A_883 : i32
      %sign3A_885 = arith.extui %sign3A_884 : i1 to i32
      %sign3A_886 = arith.subi %sign3A_882, %sign3A_885 : i32
      %ne3A_887 = vector.broadcast %sign3A_886 : i32 to vector<16xi32>
      %ne3A_888 = arith.cmpi ne, %sign3A_879, %ne3A_887 : vector<16xi32>
      %rem3A_889 = vector.broadcast %jit3A_868 : i32 to vector<16xi32>
      %rem3A_890 = arith.remsi %get3A_867, %rem3A_889 : vector<16xi32>
      %ne3A_891 = arith.constant 0 : i32
      %ne3A_892 = vector.broadcast %ne3A_891 : i32 to vector<16xi32>
      %ne3A_893 = arith.cmpi ne, %rem3A_890, %ne3A_892 : vector<16xi32>
      %and3A_894 = arith.andi %ne3A_888, %ne3A_893 : vector<16xi1>
      %sub3A_895 = arith.constant 1 : i32
      %sub3A_896 = vector.broadcast %sub3A_895 : i32 to vector<16xi32>
      %sub3A_897 = arith.subi %div3A_870, %sub3A_896 : vector<16xi32>
      %select_n3A_898 = arith.select %and3A_894, %sub3A_897, %div3A_870 : vector<16xi1>, vector<16xi32>
      %mul3A_899 = arith.constant 200 : i32
      %mul3A_900 = vector.broadcast %mul3A_899 : i32 to vector<16xi32>
      %mul3A_901 = arith.muli %select_n3A_898, %mul3A_900 : vector<16xi32>
      %sub3A_902 = arith.subi %get3A_867, %mul3A_901 : vector<16xi32>
      %gather3A_903 = tpu.vector_load_idx %arg17[%select_n3A_898] : memref<64xi32, #tpu.memory_space<vmem>>[vector<16xi32>], vector<16xi32>,
      %eq3A_904 = arith.cmpi eq, %gather3A_903, %sub3A_902 : vector<16xi32>
      %jit3A_905 = arith.constant 63 : i32
      %broadcast_in_dim3A_906 = vector.broadcast %jit3A_905 : i32 to vector<16xi32>
      %select_n3A_907 = arith.select %eq3A_904, %select_n3A_898, %broadcast_in_dim3A_906 : vector<16xi1>, vector<16xi32>
      %gather3A_908 = tpu.vector_load_idx %arg16[%get3A_865] : memref<10000xi32, #tpu.memory_space<vmem>>[vector<16xi32>], vector<16xi32>,
      %gather3A_909 = tpu.vector_load_idx %arg13[%get3A_865] : memref<10000xf32, #tpu.memory_space<vmem>>[vector<16xi32>], vector<16xf32>,
      %gather3A_910 = tpu.vector_load_idx %arg13[%get3A_867] : memref<10000xf32, #tpu.memory_space<vmem>>[vector<16xi32>], vector<16xf32>,
      %sub3A_911 = arith.subf %gather3A_909, %gather3A_910 : vector<16xf32>
      %gather3A_912 = tpu.vector_load_idx %arg14[%get3A_865] : memref<10000xf32, #tpu.memory_space<vmem>>[vector<16xi32>], vector<16xf32>,
      %gather3A_913 = tpu.vector_load_idx %arg14[%get3A_867] : memref<10000xf32, #tpu.memory_space<vmem>>[vector<16xi32>], vector<16xf32>,
      %sub3A_914 = arith.subf %gather3A_912, %gather3A_913 : vector<16xf32>
      %gather3A_915 = tpu.vector_load_idx %arg15[%get3A_865] : memref<10000xf32, #tpu.memory_space<vmem>>[vector<16xi32>], vector<16xf32>,
      %gather3A_916 = tpu.vector_load_idx %arg15[%get3A_867] : memref<10000xf32, #tpu.memory_space<vmem>>[vector<16xi32>], vector<16xf32>,
      %sub3A_917 = arith.subf %gather3A_915, %gather3A_916 : vector<16xf32>
      %mul3A_918 = arith.mulf %sub3A_911, %sub3A_911 : vector<16xf32>
      %mul3A_919 = arith.mulf %sub3A_914, %sub3A_914 : vector<16xf32>
      %add3A_920 = arith.addf %mul3A_918, %mul3A_919 : vector<16xf32>
      %mul3A_921 = arith.mulf %sub3A_917, %sub3A_917 : vector<16xf32>
      %add3A_922 = arith.addf %add3A_920, %mul3A_921 : vector<16xf32>
      %swap3A_923 = arith.index_cast %add3A_863 : i32 to index
      %swap3A_924 = tpu.vector_load %arg20[%swap3A_923] {strides = array<i32>} : memref<5000xf32, #tpu.memory_space<vmem>>, vector<16xf32>,
      tpu.vector_store %arg20[%swap3A_923], %add3A_922 {strides = array<i32>} : memref<5000xf32, #tpu.memory_space<vmem>>, vector<16xf32>,
      %swap3A_925 = arith.index_cast %add3A_863 : i32 to index
      %swap3A_926 = tpu.vector_load %arg21[%swap3A_925] {strides = array<i32>} : memref<5000xi32, #tpu.memory_space<vmem>>, vector<16xi32>,
      tpu.vector_store %arg21[%swap3A_925], %gather3A_908 {strides = array<i32>} : memref<5000xi32, #tpu.memory_space<vmem>>, vector<16xi32>,
      %swap3A_927 = arith.index_cast %add3A_863 : i32 to index
      %swap3A_928 = tpu.vector_load %arg22[%swap3A_927] {strides = array<i32>} : memref<5000xi32, #tpu.memory_space<vmem>>, vector<16xi32>,
      tpu.vector_store %arg22[%swap3A_927], %select_n3A_907 {strides = array<i32>} : memref<5000xi32, #tpu.memory_space<vmem>>, vector<16xi32>,
      %mul3A_929 = arith.constant 256 : i32
      %mul3A_930 = arith.muli %scan3A_583, %mul3A_929 : i32
      %add3A_931 = arith.constant 80 : i32
      %add3A_932 = arith.addi %mul3A_930, %add3A_931 : i32
      %get3A_933 = arith.index_cast %add3A_932 : i32 to index
      %get3A_934 = tpu.vector_load %arg18[%get3A_933] {strides = array<i32>} : memref<5000xi32, #tpu.memory_space<vmem>>, vector<16xi32>,
      %get3A_935 = arith.index_cast %add3A_932 : i32 to index
      %get3A_936 = tpu.vector_load %arg19[%get3A_935] {strides = array<i32>} : memref<5000xi32, #tpu.memory_space<vmem>>, vector<16xi32>,
      %jit3A_937 = arith.constant 200 : i32
      %div3A_938 = vector.broadcast %jit3A_937 : i32 to vector<16xi32>
      %div3A_939 = arith.divsi %get3A_936, %div3A_938 : vector<16xi32>
      %sign3A_940 = arith.constant 0 : i32
      %sign3A_941 = vector.broadcast %sign3A_940 : i32 to vector<16xi32>
      %sign3A_942 = arith.cmpi sgt, %get3A_936, %sign3A_941 : vector<16xi32>
      %sign3A_943 = arith.extui %sign3A_942 : vector<16xi1> to vector<16xi32>
      %sign3A_944 = arith.constant 0 : i32
      %sign3A_945 = vector.broadcast %sign3A_944 : i32 to vector<16xi32>
      %sign3A_946 = arith.cmpi slt, %get3A_936, %sign3A_945 : vector<16xi32>
      %sign3A_947 = arith.extui %sign3A_946 : vector<16xi1> to vector<16xi32>
      %sign3A_948 = arith.subi %sign3A_943, %sign3A_947 : vector<16xi32>
      %sign3A_949 = arith.constant 0 : i32
      %sign3A_950 = arith.cmpi sgt, %jit3A_937, %sign3A_949 : i32
      %sign3A_951 = arith.extui %sign3A_950 : i1 to i32
      %sign3A_952 = arith.constant 0 : i32
      %sign3A_953 = arith.cmpi slt, %jit3A_937, %sign3A_952 : i32
      %sign3A_954 = arith.extui %sign3A_953 : i1 to i32
      %sign3A_955 = arith.subi %sign3A_951, %sign3A_954 : i32
      %ne3A_956 = vector.broadcast %sign3A_955 : i32 to vector<16xi32>
      %ne3A_957 = arith.cmpi ne, %sign3A_948, %ne3A_956 : vector<16xi32>
      %rem3A_958 = vector.broadcast %jit3A_937 : i32 to vector<16xi32>
      %rem3A_959 = arith.remsi %get3A_936, %rem3A_958 : vector<16xi32>
      %ne3A_960 = arith.constant 0 : i32
      %ne3A_961 = vector.broadcast %ne3A_960 : i32 to vector<16xi32>
      %ne3A_962 = arith.cmpi ne, %rem3A_959, %ne3A_961 : vector<16xi32>
      %and3A_963 = arith.andi %ne3A_957, %ne3A_962 : vector<16xi1>
      %sub3A_964 = arith.constant 1 : i32
      %sub3A_965 = vector.broadcast %sub3A_964 : i32 to vector<16xi32>
      %sub3A_966 = arith.subi %div3A_939, %sub3A_965 : vector<16xi32>
      %select_n3A_967 = arith.select %and3A_963, %sub3A_966, %div3A_939 : vector<16xi1>, vector<16xi32>
      %mul3A_968 = arith.constant 200 : i32
      %mul3A_969 = vector.broadcast %mul3A_968 : i32 to vector<16xi32>
      %mul3A_970 = arith.muli %select_n3A_967, %mul3A_969 : vector<16xi32>
      %sub3A_971 = arith.subi %get3A_936, %mul3A_970 : vector<16xi32>
      %gather3A_972 = tpu.vector_load_idx %arg17[%select_n3A_967] : memref<64xi32, #tpu.memory_space<vmem>>[vector<16xi32>], vector<16xi32>,
      %eq3A_973 = arith.cmpi eq, %gather3A_972, %sub3A_971 : vector<16xi32>
      %jit3A_974 = arith.constant 63 : i32
      %broadcast_in_dim3A_975 = vector.broadcast %jit3A_974 : i32 to vector<16xi32>
      %select_n3A_976 = arith.select %eq3A_973, %select_n3A_967, %broadcast_in_dim3A_975 : vector<16xi1>, vector<16xi32>
      %gather3A_977 = tpu.vector_load_idx %arg16[%get3A_934] : memref<10000xi32, #tpu.memory_space<vmem>>[vector<16xi32>], vector<16xi32>,
      %gather3A_978 = tpu.vector_load_idx %arg13[%get3A_934] : memref<10000xf32, #tpu.memory_space<vmem>>[vector<16xi32>], vector<16xf32>,
      %gather3A_979 = tpu.vector_load_idx %arg13[%get3A_936] : memref<10000xf32, #tpu.memory_space<vmem>>[vector<16xi32>], vector<16xf32>,
      %sub3A_980 = arith.subf %gather3A_978, %gather3A_979 : vector<16xf32>
      %gather3A_981 = tpu.vector_load_idx %arg14[%get3A_934] : memref<10000xf32, #tpu.memory_space<vmem>>[vector<16xi32>], vector<16xf32>,
      %gather3A_982 = tpu.vector_load_idx %arg14[%get3A_936] : memref<10000xf32, #tpu.memory_space<vmem>>[vector<16xi32>], vector<16xf32>,
      %sub3A_983 = arith.subf %gather3A_981, %gather3A_982 : vector<16xf32>
      %gather3A_984 = tpu.vector_load_idx %arg15[%get3A_934] : memref<10000xf32, #tpu.memory_space<vmem>>[vector<16xi32>], vector<16xf32>,
      %gather3A_985 = tpu.vector_load_idx %arg15[%get3A_936] : memref<10000xf32, #tpu.memory_space<vmem>>[vector<16xi32>], vector<16xf32>,
      %sub3A_986 = arith.subf %gather3A_984, %gather3A_985 : vector<16xf32>
      %mul3A_987 = arith.mulf %sub3A_980, %sub3A_980 : vector<16xf32>
      %mul3A_988 = arith.mulf %sub3A_983, %sub3A_983 : vector<16xf32>
      %add3A_989 = arith.addf %mul3A_987, %mul3A_988 : vector<16xf32>
      %mul3A_990 = arith.mulf %sub3A_986, %sub3A_986 : vector<16xf32>
      %add3A_991 = arith.addf %add3A_989, %mul3A_990 : vector<16xf32>
      %swap3A_992 = arith.index_cast %add3A_932 : i32 to index
      %swap3A_993 = tpu.vector_load %arg20[%swap3A_992] {strides = array<i32>} : memref<5000xf32, #tpu.memory_space<vmem>>, vector<16xf32>,
      tpu.vector_store %arg20[%swap3A_992], %add3A_991 {strides = array<i32>} : memref<5000xf32, #tpu.memory_space<vmem>>, vector<16xf32>,
      %swap3A_994 = arith.index_cast %add3A_932 : i32 to index
      %swap3A_995 = tpu.vector_load %arg21[%swap3A_994] {strides = array<i32>} : memref<5000xi32, #tpu.memory_space<vmem>>, vector<16xi32>,
      tpu.vector_store %arg21[%swap3A_994], %gather3A_977 {strides = array<i32>} : memref<5000xi32, #tpu.memory_space<vmem>>, vector<16xi32>,
      %swap3A_996 = arith.index_cast %add3A_932 : i32 to index
      %swap3A_997 = tpu.vector_load %arg22[%swap3A_996] {strides = array<i32>} : memref<5000xi32, #tpu.memory_space<vmem>>, vector<16xi32>,
      tpu.vector_store %arg22[%swap3A_996], %select_n3A_976 {strides = array<i32>} : memref<5000xi32, #tpu.memory_space<vmem>>, vector<16xi32>,
      %mul3A_998 = arith.constant 256 : i32
      %mul3A_999 = arith.muli %scan3A_583, %mul3A_998 : i32
      %add3A_1000 = arith.constant 96 : i32
      %add3A_1001 = arith.addi %mul3A_999, %add3A_1000 : i32
      %get3A_1002 = arith.index_cast %add3A_1001 : i32 to index
      %get3A_1003 = tpu.vector_load %arg18[%get3A_1002] {strides = array<i32>} : memref<5000xi32, #tpu.memory_space<vmem>>, vector<16xi32>,
      %get3A_1004 = arith.index_cast %add3A_1001 : i32 to index
      %get3A_1005 = tpu.vector_load %arg19[%get3A_1004] {strides = array<i32>} : memref<5000xi32, #tpu.memory_space<vmem>>, vector<16xi32>,
      %jit3A_1006 = arith.constant 200 : i32
      %div3A_1007 = vector.broadcast %jit3A_1006 : i32 to vector<16xi32>
      %div3A_1008 = arith.divsi %get3A_1005, %div3A_1007 : vector<16xi32>
      %sign3A_1009 = arith.constant 0 : i32
      %sign3A_1010 = vector.broadcast %sign3A_1009 : i32 to vector<16xi32>
      %sign3A_1011 = arith.cmpi sgt, %get3A_1005, %sign3A_1010 : vector<16xi32>
      %sign3A_1012 = arith.extui %sign3A_1011 : vector<16xi1> to vector<16xi32>
      %sign3A_1013 = arith.constant 0 : i32
      %sign3A_1014 = vector.broadcast %sign3A_1013 : i32 to vector<16xi32>
      %sign3A_1015 = arith.cmpi slt, %get3A_1005, %sign3A_1014 : vector<16xi32>
      %sign3A_1016 = arith.extui %sign3A_1015 : vector<16xi1> to vector<16xi32>
      %sign3A_1017 = arith.subi %sign3A_1012, %sign3A_1016 : vector<16xi32>
      %sign3A_1018 = arith.constant 0 : i32
      %sign3A_1019 = arith.cmpi sgt, %jit3A_1006, %sign3A_1018 : i32
      %sign3A_1020 = arith.extui %sign3A_1019 : i1 to i32
      %sign3A_1021 = arith.constant 0 : i32
      %sign3A_1022 = arith.cmpi slt, %jit3A_1006, %sign3A_1021 : i32
      %sign3A_1023 = arith.extui %sign3A_1022 : i1 to i32
      %sign3A_1024 = arith.subi %sign3A_1020, %sign3A_1023 : i32
      %ne3A_1025 = vector.broadcast %sign3A_1024 : i32 to vector<16xi32>
      %ne3A_1026 = arith.cmpi ne, %sign3A_1017, %ne3A_1025 : vector<16xi32>
      %rem3A_1027 = vector.broadcast %jit3A_1006 : i32 to vector<16xi32>
      %rem3A_1028 = arith.remsi %get3A_1005, %rem3A_1027 : vector<16xi32>
      %ne3A_1029 = arith.constant 0 : i32
      %ne3A_1030 = vector.broadcast %ne3A_1029 : i32 to vector<16xi32>
      %ne3A_1031 = arith.cmpi ne, %rem3A_1028, %ne3A_1030 : vector<16xi32>
      %and3A_1032 = arith.andi %ne3A_1026, %ne3A_1031 : vector<16xi1>
      %sub3A_1033 = arith.constant 1 : i32
      %sub3A_1034 = vector.broadcast %sub3A_1033 : i32 to vector<16xi32>
      %sub3A_1035 = arith.subi %div3A_1008, %sub3A_1034 : vector<16xi32>
      %select_n3A_1036 = arith.select %and3A_1032, %sub3A_1035, %div3A_1008 : vector<16xi1>, vector<16xi32>
      %mul3A_1037 = arith.constant 200 : i32
      %mul3A_1038 = vector.broadcast %mul3A_1037 : i32 to vector<16xi32>
      %mul3A_1039 = arith.muli %select_n3A_1036, %mul3A_1038 : vector<16xi32>
      %sub3A_1040 = arith.subi %get3A_1005, %mul3A_1039 : vector<16xi32>
      %gather3A_1041 = tpu.vector_load_idx %arg17[%select_n3A_1036] : memref<64xi32, #tpu.memory_space<vmem>>[vector<16xi32>], vector<16xi32>,
      %eq3A_1042 = arith.cmpi eq, %gather3A_1041, %sub3A_1040 : vector<16xi32>
      %jit3A_1043 = arith.constant 63 : i32
      %broadcast_in_dim3A_1044 = vector.broadcast %jit3A_1043 : i32 to vector<16xi32>
      %select_n3A_1045 = arith.select %eq3A_1042, %select_n3A_1036, %broadcast_in_dim3A_1044 : vector<16xi1>, vector<16xi32>
      %gather3A_1046 = tpu.vector_load_idx %arg16[%get3A_1003] : memref<10000xi32, #tpu.memory_space<vmem>>[vector<16xi32>], vector<16xi32>,
      %gather3A_1047 = tpu.vector_load_idx %arg13[%get3A_1003] : memref<10000xf32, #tpu.memory_space<vmem>>[vector<16xi32>], vector<16xf32>,
      %gather3A_1048 = tpu.vector_load_idx %arg13[%get3A_1005] : memref<10000xf32, #tpu.memory_space<vmem>>[vector<16xi32>], vector<16xf32>,
      %sub3A_1049 = arith.subf %gather3A_1047, %gather3A_1048 : vector<16xf32>
      %gather3A_1050 = tpu.vector_load_idx %arg14[%get3A_1003] : memref<10000xf32, #tpu.memory_space<vmem>>[vector<16xi32>], vector<16xf32>,
      %gather3A_1051 = tpu.vector_load_idx %arg14[%get3A_1005] : memref<10000xf32, #tpu.memory_space<vmem>>[vector<16xi32>], vector<16xf32>,
      %sub3A_1052 = arith.subf %gather3A_1050, %gather3A_1051 : vector<16xf32>
      %gather3A_1053 = tpu.vector_load_idx %arg15[%get3A_1003] : memref<10000xf32, #tpu.memory_space<vmem>>[vector<16xi32>], vector<16xf32>,
      %gather3A_1054 = tpu.vector_load_idx %arg15[%get3A_1005] : memref<10000xf32, #tpu.memory_space<vmem>>[vector<16xi32>], vector<16xf32>,
      %sub3A_1055 = arith.subf %gather3A_1053, %gather3A_1054 : vector<16xf32>
      %mul3A_1056 = arith.mulf %sub3A_1049, %sub3A_1049 : vector<16xf32>
      %mul3A_1057 = arith.mulf %sub3A_1052, %sub3A_1052 : vector<16xf32>
      %add3A_1058 = arith.addf %mul3A_1056, %mul3A_1057 : vector<16xf32>
      %mul3A_1059 = arith.mulf %sub3A_1055, %sub3A_1055 : vector<16xf32>
      %add3A_1060 = arith.addf %add3A_1058, %mul3A_1059 : vector<16xf32>
      %swap3A_1061 = arith.index_cast %add3A_1001 : i32 to index
      %swap3A_1062 = tpu.vector_load %arg20[%swap3A_1061] {strides = array<i32>} : memref<5000xf32, #tpu.memory_space<vmem>>, vector<16xf32>,
      tpu.vector_store %arg20[%swap3A_1061], %add3A_1060 {strides = array<i32>} : memref<5000xf32, #tpu.memory_space<vmem>>, vector<16xf32>,
      %swap3A_1063 = arith.index_cast %add3A_1001 : i32 to index
      %swap3A_1064 = tpu.vector_load %arg21[%swap3A_1063] {strides = array<i32>} : memref<5000xi32, #tpu.memory_space<vmem>>, vector<16xi32>,
      tpu.vector_store %arg21[%swap3A_1063], %gather3A_1046 {strides = array<i32>} : memref<5000xi32, #tpu.memory_space<vmem>>, vector<16xi32>,
      %swap3A_1065 = arith.index_cast %add3A_1001 : i32 to index
      %swap3A_1066 = tpu.vector_load %arg22[%swap3A_1065] {strides = array<i32>} : memref<5000xi32, #tpu.memory_space<vmem>>, vector<16xi32>,
      tpu.vector_store %arg22[%swap3A_1065], %select_n3A_1045 {strides = array<i32>} : memref<5000xi32, #tpu.memory_space<vmem>>, vector<16xi32>,
      %mul3A_1067 = arith.constant 256 : i32
      %mul3A_1068 = arith.muli %scan3A_583, %mul3A_1067 : i32
      %add3A_1069 = arith.constant 112 : i32
      %add3A_1070 = arith.addi %mul3A_1068, %add3A_1069 : i32
      %get3A_1071 = arith.index_cast %add3A_1070 : i32 to index
      %get3A_1072 = tpu.vector_load %arg18[%get3A_1071] {strides = array<i32>} : memref<5000xi32, #tpu.memory_space<vmem>>, vector<16xi32>,
      %get3A_1073 = arith.index_cast %add3A_1070 : i32 to index
      %get3A_1074 = tpu.vector_load %arg19[%get3A_1073] {strides = array<i32>} : memref<5000xi32, #tpu.memory_space<vmem>>, vector<16xi32>,
      %jit3A_1075 = arith.constant 200 : i32
      %div3A_1076 = vector.broadcast %jit3A_1075 : i32 to vector<16xi32>
      %div3A_1077 = arith.divsi %get3A_1074, %div3A_1076 : vector<16xi32>
      %sign3A_1078 = arith.constant 0 : i32
      %sign3A_1079 = vector.broadcast %sign3A_1078 : i32 to vector<16xi32>
      %sign3A_1080 = arith.cmpi sgt, %get3A_1074, %sign3A_1079 : vector<16xi32>
      %sign3A_1081 = arith.extui %sign3A_1080 : vector<16xi1> to vector<16xi32>
      %sign3A_1082 = arith.constant 0 : i32
      %sign3A_1083 = vector.broadcast %sign3A_1082 : i32 to vector<16xi32>
      %sign3A_1084 = arith.cmpi slt, %get3A_1074, %sign3A_1083 : vector<16xi32>
      %sign3A_1085 = arith.extui %sign3A_1084 : vector<16xi1> to vector<16xi32>
      %sign3A_1086 = arith.subi %sign3A_1081, %sign3A_1085 : vector<16xi32>
      %sign3A_1087 = arith.constant 0 : i32
      %sign3A_1088 = arith.cmpi sgt, %jit3A_1075, %sign3A_1087 : i32
      %sign3A_1089 = arith.extui %sign3A_1088 : i1 to i32
      %sign3A_1090 = arith.constant 0 : i32
      %sign3A_1091 = arith.cmpi slt, %jit3A_1075, %sign3A_1090 : i32
      %sign3A_1092 = arith.extui %sign3A_1091 : i1 to i32
      %sign3A_1093 = arith.subi %sign3A_1089, %sign3A_1092 : i32
      %ne3A_1094 = vector.broadcast %sign3A_1093 : i32 to vector<16xi32>
      %ne3A_1095 = arith.cmpi ne, %sign3A_1086, %ne3A_1094 : vector<16xi32>
      %rem3A_1096 = vector.broadcast %jit3A_1075 : i32 to vector<16xi32>
      %rem3A_1097 = arith.remsi %get3A_1074, %rem3A_1096 : vector<16xi32>
      %ne3A_1098 = arith.constant 0 : i32
      %ne3A_1099 = vector.broadcast %ne3A_1098 : i32 to vector<16xi32>
      %ne3A_1100 = arith.cmpi ne, %rem3A_1097, %ne3A_1099 : vector<16xi32>
      %and3A_1101 = arith.andi %ne3A_1095, %ne3A_1100 : vector<16xi1>
      %sub3A_1102 = arith.constant 1 : i32
      %sub3A_1103 = vector.broadcast %sub3A_1102 : i32 to vector<16xi32>
      %sub3A_1104 = arith.subi %div3A_1077, %sub3A_1103 : vector<16xi32>
      %select_n3A_1105 = arith.select %and3A_1101, %sub3A_1104, %div3A_1077 : vector<16xi1>, vector<16xi32>
      %mul3A_1106 = arith.constant 200 : i32
      %mul3A_1107 = vector.broadcast %mul3A_1106 : i32 to vector<16xi32>
      %mul3A_1108 = arith.muli %select_n3A_1105, %mul3A_1107 : vector<16xi32>
      %sub3A_1109 = arith.subi %get3A_1074, %mul3A_1108 : vector<16xi32>
      %gather3A_1110 = tpu.vector_load_idx %arg17[%select_n3A_1105] : memref<64xi32, #tpu.memory_space<vmem>>[vector<16xi32>], vector<16xi32>,
      %eq3A_1111 = arith.cmpi eq, %gather3A_1110, %sub3A_1109 : vector<16xi32>
      %jit3A_1112 = arith.constant 63 : i32
      %broadcast_in_dim3A_1113 = vector.broadcast %jit3A_1112 : i32 to vector<16xi32>
      %select_n3A_1114 = arith.select %eq3A_1111, %select_n3A_1105, %broadcast_in_dim3A_1113 : vector<16xi1>, vector<16xi32>
      %gather3A_1115 = tpu.vector_load_idx %arg16[%get3A_1072] : memref<10000xi32, #tpu.memory_space<vmem>>[vector<16xi32>], vector<16xi32>,
      %gather3A_1116 = tpu.vector_load_idx %arg13[%get3A_1072] : memref<10000xf32, #tpu.memory_space<vmem>>[vector<16xi32>], vector<16xf32>,
      %gather3A_1117 = tpu.vector_load_idx %arg13[%get3A_1074] : memref<10000xf32, #tpu.memory_space<vmem>>[vector<16xi32>], vector<16xf32>,
      %sub3A_1118 = arith.subf %gather3A_1116, %gather3A_1117 : vector<16xf32>
      %gather3A_1119 = tpu.vector_load_idx %arg14[%get3A_1072] : memref<10000xf32, #tpu.memory_space<vmem>>[vector<16xi32>], vector<16xf32>,
      %gather3A_1120 = tpu.vector_load_idx %arg14[%get3A_1074] : memref<10000xf32, #tpu.memory_space<vmem>>[vector<16xi32>], vector<16xf32>,
      %sub3A_1121 = arith.subf %gather3A_1119, %gather3A_1120 : vector<16xf32>
      %gather3A_1122 = tpu.vector_load_idx %arg15[%get3A_1072] : memref<10000xf32, #tpu.memory_space<vmem>>[vector<16xi32>], vector<16xf32>,
      %gather3A_1123 = tpu.vector_load_idx %arg15[%get3A_1074] : memref<10000xf32, #tpu.memory_space<vmem>>[vector<16xi32>], vector<16xf32>,
      %sub3A_1124 = arith.subf %gather3A_1122, %gather3A_1123 : vector<16xf32>
      %mul3A_1125 = arith.mulf %sub3A_1118, %sub3A_1118 : vector<16xf32>
      %mul3A_1126 = arith.mulf %sub3A_1121, %sub3A_1121 : vector<16xf32>
      %add3A_1127 = arith.addf %mul3A_1125, %mul3A_1126 : vector<16xf32>
      %mul3A_1128 = arith.mulf %sub3A_1124, %sub3A_1124 : vector<16xf32>
      %add3A_1129 = arith.addf %add3A_1127, %mul3A_1128 : vector<16xf32>
      %swap3A_1130 = arith.index_cast %add3A_1070 : i32 to index
      %swap3A_1131 = tpu.vector_load %arg20[%swap3A_1130] {strides = array<i32>} : memref<5000xf32, #tpu.memory_space<vmem>>, vector<16xf32>,
      tpu.vector_store %arg20[%swap3A_1130], %add3A_1129 {strides = array<i32>} : memref<5000xf32, #tpu.memory_space<vmem>>, vector<16xf32>,
      %swap3A_1132 = arith.index_cast %add3A_1070 : i32 to index
      %swap3A_1133 = tpu.vector_load %arg21[%swap3A_1132] {strides = array<i32>} : memref<5000xi32, #tpu.memory_space<vmem>>, vector<16xi32>,
      tpu.vector_store %arg21[%swap3A_1132], %gather3A_1115 {strides = array<i32>} : memref<5000xi32, #tpu.memory_space<vmem>>, vector<16xi32>,
      %swap3A_1134 = arith.index_cast %add3A_1070 : i32 to index
      %swap3A_1135 = tpu.vector_load %arg22[%swap3A_1134] {strides = array<i32>} : memref<5000xi32, #tpu.memory_space<vmem>>, vector<16xi32>,
      tpu.vector_store %arg22[%swap3A_1134], %select_n3A_1114 {strides = array<i32>} : memref<5000xi32, #tpu.memory_space<vmem>>, vector<16xi32>,
      %mul3A_1136 = arith.constant 256 : i32
      %mul3A_1137 = arith.muli %scan3A_583, %mul3A_1136 : i32
      %add3A_1138 = arith.constant 128 : i32
      %add3A_1139 = arith.addi %mul3A_1137, %add3A_1138 : i32
      %get3A_1140 = arith.index_cast %add3A_1139 : i32 to index
      %get3A_1141 = tpu.vector_load %arg18[%get3A_1140] {strides = array<i32>} : memref<5000xi32, #tpu.memory_space<vmem>>, vector<16xi32>,
      %get3A_1142 = arith.index_cast %add3A_1139 : i32 to index
      %get3A_1143 = tpu.vector_load %arg19[%get3A_1142] {strides = array<i32>} : memref<5000xi32, #tpu.memory_space<vmem>>, vector<16xi32>,
      %jit3A_1144 = arith.constant 200 : i32
      %div3A_1145 = vector.broadcast %jit3A_1144 : i32 to vector<16xi32>
      %div3A_1146 = arith.divsi %get3A_1143, %div3A_1145 : vector<16xi32>
      %sign3A_1147 = arith.constant 0 : i32
      %sign3A_1148 = vector.broadcast %sign3A_1147 : i32 to vector<16xi32>
      %sign3A_1149 = arith.cmpi sgt, %get3A_1143, %sign3A_1148 : vector<16xi32>
      %sign3A_1150 = arith.extui %sign3A_1149 : vector<16xi1> to vector<16xi32>
      %sign3A_1151 = arith.constant 0 : i32
      %sign3A_1152 = vector.broadcast %sign3A_1151 : i32 to vector<16xi32>
      %sign3A_1153 = arith.cmpi slt, %get3A_1143, %sign3A_1152 : vector<16xi32>
      %sign3A_1154 = arith.extui %sign3A_1153 : vector<16xi1> to vector<16xi32>
      %sign3A_1155 = arith.subi %sign3A_1150, %sign3A_1154 : vector<16xi32>
      %sign3A_1156 = arith.constant 0 : i32
      %sign3A_1157 = arith.cmpi sgt, %jit3A_1144, %sign3A_1156 : i32
      %sign3A_1158 = arith.extui %sign3A_1157 : i1 to i32
      %sign3A_1159 = arith.constant 0 : i32
      %sign3A_1160 = arith.cmpi slt, %jit3A_1144, %sign3A_1159 : i32
      %sign3A_1161 = arith.extui %sign3A_1160 : i1 to i32
      %sign3A_1162 = arith.subi %sign3A_1158, %sign3A_1161 : i32
      %ne3A_1163 = vector.broadcast %sign3A_1162 : i32 to vector<16xi32>
      %ne3A_1164 = arith.cmpi ne, %sign3A_1155, %ne3A_1163 : vector<16xi32>
      %rem3A_1165 = vector.broadcast %jit3A_1144 : i32 to vector<16xi32>
      %rem3A_1166 = arith.remsi %get3A_1143, %rem3A_1165 : vector<16xi32>
      %ne3A_1167 = arith.constant 0 : i32
      %ne3A_1168 = vector.broadcast %ne3A_1167 : i32 to vector<16xi32>
      %ne3A_1169 = arith.cmpi ne, %rem3A_1166, %ne3A_1168 : vector<16xi32>
      %and3A_1170 = arith.andi %ne3A_1164, %ne3A_1169 : vector<16xi1>
      %sub3A_1171 = arith.constant 1 : i32
      %sub3A_1172 = vector.broadcast %sub3A_1171 : i32 to vector<16xi32>
      %sub3A_1173 = arith.subi %div3A_1146, %sub3A_1172 : vector<16xi32>
      %select_n3A_1174 = arith.select %and3A_1170, %sub3A_1173, %div3A_1146 : vector<16xi1>, vector<16xi32>
      %mul3A_1175 = arith.constant 200 : i32
      %mul3A_1176 = vector.broadcast %mul3A_1175 : i32 to vector<16xi32>
      %mul3A_1177 = arith.muli %select_n3A_1174, %mul3A_1176 : vector<16xi32>
      %sub3A_1178 = arith.subi %get3A_1143, %mul3A_1177 : vector<16xi32>
      %gather3A_1179 = tpu.vector_load_idx %arg17[%select_n3A_1174] : memref<64xi32, #tpu.memory_space<vmem>>[vector<16xi32>], vector<16xi32>,
      %eq3A_1180 = arith.cmpi eq, %gather3A_1179, %sub3A_1178 : vector<16xi32>
      %jit3A_1181 = arith.constant 63 : i32
      %broadcast_in_dim3A_1182 = vector.broadcast %jit3A_1181 : i32 to vector<16xi32>
      %select_n3A_1183 = arith.select %eq3A_1180, %select_n3A_1174, %broadcast_in_dim3A_1182 : vector<16xi1>, vector<16xi32>
      %gather3A_1184 = tpu.vector_load_idx %arg16[%get3A_1141] : memref<10000xi32, #tpu.memory_space<vmem>>[vector<16xi32>], vector<16xi32>,
      %gather3A_1185 = tpu.vector_load_idx %arg13[%get3A_1141] : memref<10000xf32, #tpu.memory_space<vmem>>[vector<16xi32>], vector<16xf32>,
      %gather3A_1186 = tpu.vector_load_idx %arg13[%get3A_1143] : memref<10000xf32, #tpu.memory_space<vmem>>[vector<16xi32>], vector<16xf32>,
      %sub3A_1187 = arith.subf %gather3A_1185, %gather3A_1186 : vector<16xf32>
      %gather3A_1188 = tpu.vector_load_idx %arg14[%get3A_1141] : memref<10000xf32, #tpu.memory_space<vmem>>[vector<16xi32>], vector<16xf32>,
      %gather3A_1189 = tpu.vector_load_idx %arg14[%get3A_1143] : memref<10000xf32, #tpu.memory_space<vmem>>[vector<16xi32>], vector<16xf32>,
      %sub3A_1190 = arith.subf %gather3A_1188, %gather3A_1189 : vector<16xf32>
      %gather3A_1191 = tpu.vector_load_idx %arg15[%get3A_1141] : memref<10000xf32, #tpu.memory_space<vmem>>[vector<16xi32>], vector<16xf32>,
      %gather3A_1192 = tpu.vector_load_idx %arg15[%get3A_1143] : memref<10000xf32, #tpu.memory_space<vmem>>[vector<16xi32>], vector<16xf32>,
      %sub3A_1193 = arith.subf %gather3A_1191, %gather3A_1192 : vector<16xf32>
      %mul3A_1194 = arith.mulf %sub3A_1187, %sub3A_1187 : vector<16xf32>
      %mul3A_1195 = arith.mulf %sub3A_1190, %sub3A_1190 : vector<16xf32>
      %add3A_1196 = arith.addf %mul3A_1194, %mul3A_1195 : vector<16xf32>
      %mul3A_1197 = arith.mulf %sub3A_1193, %sub3A_1193 : vector<16xf32>
      %add3A_1198 = arith.addf %add3A_1196, %mul3A_1197 : vector<16xf32>
      %swap3A_1199 = arith.index_cast %add3A_1139 : i32 to index
      %swap3A_1200 = tpu.vector_load %arg20[%swap3A_1199] {strides = array<i32>} : memref<5000xf32, #tpu.memory_space<vmem>>, vector<16xf32>,
      tpu.vector_store %arg20[%swap3A_1199], %add3A_1198 {strides = array<i32>} : memref<5000xf32, #tpu.memory_space<vmem>>, vector<16xf32>,
      %swap3A_1201 = arith.index_cast %add3A_1139 : i32 to index
      %swap3A_1202 = tpu.vector_load %arg21[%swap3A_1201] {strides = array<i32>} : memref<5000xi32, #tpu.memory_space<vmem>>, vector<16xi32>,
      tpu.vector_store %arg21[%swap3A_1201], %gather3A_1184 {strides = array<i32>} : memref<5000xi32, #tpu.memory_space<vmem>>, vector<16xi32>,
      %swap3A_1203 = arith.index_cast %add3A_1139 : i32 to index
      %swap3A_1204 = tpu.vector_load %arg22[%swap3A_1203] {strides = array<i32>} : memref<5000xi32, #tpu.memory_space<vmem>>, vector<16xi32>,
      tpu.vector_store %arg22[%swap3A_1203], %select_n3A_1183 {strides = array<i32>} : memref<5000xi32, #tpu.memory_space<vmem>>, vector<16xi32>,
      %mul3A_1205 = arith.constant 256 : i32
      %mul3A_1206 = arith.muli %scan3A_583, %mul3A_1205 : i32
      %add3A_1207 = arith.constant 144 : i32
      %add3A_1208 = arith.addi %mul3A_1206, %add3A_1207 : i32
      %get3A_1209 = arith.index_cast %add3A_1208 : i32 to index
      %get3A_1210 = tpu.vector_load %arg18[%get3A_1209] {strides = array<i32>} : memref<5000xi32, #tpu.memory_space<vmem>>, vector<16xi32>,
      %get3A_1211 = arith.index_cast %add3A_1208 : i32 to index
      %get3A_1212 = tpu.vector_load %arg19[%get3A_1211] {strides = array<i32>} : memref<5000xi32, #tpu.memory_space<vmem>>, vector<16xi32>,
      %jit3A_1213 = arith.constant 200 : i32
      %div3A_1214 = vector.broadcast %jit3A_1213 : i32 to vector<16xi32>
      %div3A_1215 = arith.divsi %get3A_1212, %div3A_1214 : vector<16xi32>
      %sign3A_1216 = arith.constant 0 : i32
      %sign3A_1217 = vector.broadcast %sign3A_1216 : i32 to vector<16xi32>
      %sign3A_1218 = arith.cmpi sgt, %get3A_1212, %sign3A_1217 : vector<16xi32>
      %sign3A_1219 = arith.extui %sign3A_1218 : vector<16xi1> to vector<16xi32>
      %sign3A_1220 = arith.constant 0 : i32
      %sign3A_1221 = vector.broadcast %sign3A_1220 : i32 to vector<16xi32>
      %sign3A_1222 = arith.cmpi slt, %get3A_1212, %sign3A_1221 : vector<16xi32>
      %sign3A_1223 = arith.extui %sign3A_1222 : vector<16xi1> to vector<16xi32>
      %sign3A_1224 = arith.subi %sign3A_1219, %sign3A_1223 : vector<16xi32>
      %sign3A_1225 = arith.constant 0 : i32
      %sign3A_1226 = arith.cmpi sgt, %jit3A_1213, %sign3A_1225 : i32
      %sign3A_1227 = arith.extui %sign3A_1226 : i1 to i32
      %sign3A_1228 = arith.constant 0 : i32
      %sign3A_1229 = arith.cmpi slt, %jit3A_1213, %sign3A_1228 : i32
      %sign3A_1230 = arith.extui %sign3A_1229 : i1 to i32
      %sign3A_1231 = arith.subi %sign3A_1227, %sign3A_1230 : i32
      %ne3A_1232 = vector.broadcast %sign3A_1231 : i32 to vector<16xi32>
      %ne3A_1233 = arith.cmpi ne, %sign3A_1224, %ne3A_1232 : vector<16xi32>
      %rem3A_1234 = vector.broadcast %jit3A_1213 : i32 to vector<16xi32>
      %rem3A_1235 = arith.remsi %get3A_1212, %rem3A_1234 : vector<16xi32>
      %ne3A_1236 = arith.constant 0 : i32
      %ne3A_1237 = vector.broadcast %ne3A_1236 : i32 to vector<16xi32>
      %ne3A_1238 = arith.cmpi ne, %rem3A_1235, %ne3A_1237 : vector<16xi32>
      %and3A_1239 = arith.andi %ne3A_1233, %ne3A_1238 : vector<16xi1>
      %sub3A_1240 = arith.constant 1 : i32
      %sub3A_1241 = vector.broadcast %sub3A_1240 : i32 to vector<16xi32>
      %sub3A_1242 = arith.subi %div3A_1215, %sub3A_1241 : vector<16xi32>
      %select_n3A_1243 = arith.select %and3A_1239, %sub3A_1242, %div3A_1215 : vector<16xi1>, vector<16xi32>
      %mul3A_1244 = arith.constant 200 : i32
      %mul3A_1245 = vector.broadcast %mul3A_1244 : i32 to vector<16xi32>
      %mul3A_1246 = arith.muli %select_n3A_1243, %mul3A_1245 : vector<16xi32>
      %sub3A_1247 = arith.subi %get3A_1212, %mul3A_1246 : vector<16xi32>
      %gather3A_1248 = tpu.vector_load_idx %arg17[%select_n3A_1243] : memref<64xi32, #tpu.memory_space<vmem>>[vector<16xi32>], vector<16xi32>,
      %eq3A_1249 = arith.cmpi eq, %gather3A_1248, %sub3A_1247 : vector<16xi32>
      %jit3A_1250 = arith.constant 63 : i32
      %broadcast_in_dim3A_1251 = vector.broadcast %jit3A_1250 : i32 to vector<16xi32>
      %select_n3A_1252 = arith.select %eq3A_1249, %select_n3A_1243, %broadcast_in_dim3A_1251 : vector<16xi1>, vector<16xi32>
      %gather3A_1253 = tpu.vector_load_idx %arg16[%get3A_1210] : memref<10000xi32, #tpu.memory_space<vmem>>[vector<16xi32>], vector<16xi32>,
      %gather3A_1254 = tpu.vector_load_idx %arg13[%get3A_1210] : memref<10000xf32, #tpu.memory_space<vmem>>[vector<16xi32>], vector<16xf32>,
      %gather3A_1255 = tpu.vector_load_idx %arg13[%get3A_1212] : memref<10000xf32, #tpu.memory_space<vmem>>[vector<16xi32>], vector<16xf32>,
      %sub3A_1256 = arith.subf %gather3A_1254, %gather3A_1255 : vector<16xf32>
      %gather3A_1257 = tpu.vector_load_idx %arg14[%get3A_1210] : memref<10000xf32, #tpu.memory_space<vmem>>[vector<16xi32>], vector<16xf32>,
      %gather3A_1258 = tpu.vector_load_idx %arg14[%get3A_1212] : memref<10000xf32, #tpu.memory_space<vmem>>[vector<16xi32>], vector<16xf32>,
      %sub3A_1259 = arith.subf %gather3A_1257, %gather3A_1258 : vector<16xf32>
      %gather3A_1260 = tpu.vector_load_idx %arg15[%get3A_1210] : memref<10000xf32, #tpu.memory_space<vmem>>[vector<16xi32>], vector<16xf32>,
      %gather3A_1261 = tpu.vector_load_idx %arg15[%get3A_1212] : memref<10000xf32, #tpu.memory_space<vmem>>[vector<16xi32>], vector<16xf32>,
      %sub3A_1262 = arith.subf %gather3A_1260, %gather3A_1261 : vector<16xf32>
      %mul3A_1263 = arith.mulf %sub3A_1256, %sub3A_1256 : vector<16xf32>
      %mul3A_1264 = arith.mulf %sub3A_1259, %sub3A_1259 : vector<16xf32>
      %add3A_1265 = arith.addf %mul3A_1263, %mul3A_1264 : vector<16xf32>
      %mul3A_1266 = arith.mulf %sub3A_1262, %sub3A_1262 : vector<16xf32>
      %add3A_1267 = arith.addf %add3A_1265, %mul3A_1266 : vector<16xf32>
      %swap3A_1268 = arith.index_cast %add3A_1208 : i32 to index
      %swap3A_1269 = tpu.vector_load %arg20[%swap3A_1268] {strides = array<i32>} : memref<5000xf32, #tpu.memory_space<vmem>>, vector<16xf32>,
      tpu.vector_store %arg20[%swap3A_1268], %add3A_1267 {strides = array<i32>} : memref<5000xf32, #tpu.memory_space<vmem>>, vector<16xf32>,
      %swap3A_1270 = arith.index_cast %add3A_1208 : i32 to index
      %swap3A_1271 = tpu.vector_load %arg21[%swap3A_1270] {strides = array<i32>} : memref<5000xi32, #tpu.memory_space<vmem>>, vector<16xi32>,
      tpu.vector_store %arg21[%swap3A_1270], %gather3A_1253 {strides = array<i32>} : memref<5000xi32, #tpu.memory_space<vmem>>, vector<16xi32>,
      %swap3A_1272 = arith.index_cast %add3A_1208 : i32 to index
      %swap3A_1273 = tpu.vector_load %arg22[%swap3A_1272] {strides = array<i32>} : memref<5000xi32, #tpu.memory_space<vmem>>, vector<16xi32>,
      tpu.vector_store %arg22[%swap3A_1272], %select_n3A_1252 {strides = array<i32>} : memref<5000xi32, #tpu.memory_space<vmem>>, vector<16xi32>,
      %mul3A_1274 = arith.constant 256 : i32
      %mul3A_1275 = arith.muli %scan3A_583, %mul3A_1274 : i32
      %add3A_1276 = arith.constant 160 : i32
      %add3A_1277 = arith.addi %mul3A_1275, %add3A_1276 : i32
      %get3A_1278 = arith.index_cast %add3A_1277 : i32 to index
      %get3A_1279 = tpu.vector_load %arg18[%get3A_1278] {strides = array<i32>} : memref<5000xi32, #tpu.memory_space<vmem>>, vector<16xi32>,
      %get3A_1280 = arith.index_cast %add3A_1277 : i32 to index
      %get3A_1281 = tpu.vector_load %arg19[%get3A_1280] {strides = array<i32>} : memref<5000xi32, #tpu.memory_space<vmem>>, vector<16xi32>,
      %jit3A_1282 = arith.constant 200 : i32
      %div3A_1283 = vector.broadcast %jit3A_1282 : i32 to vector<16xi32>
      %div3A_1284 = arith.divsi %get3A_1281, %div3A_1283 : vector<16xi32>
      %sign3A_1285 = arith.constant 0 : i32
      %sign3A_1286 = vector.broadcast %sign3A_1285 : i32 to vector<16xi32>
      %sign3A_1287 = arith.cmpi sgt, %get3A_1281, %sign3A_1286 : vector<16xi32>
      %sign3A_1288 = arith.extui %sign3A_1287 : vector<16xi1> to vector<16xi32>
      %sign3A_1289 = arith.constant 0 : i32
      %sign3A_1290 = vector.broadcast %sign3A_1289 : i32 to vector<16xi32>
      %sign3A_1291 = arith.cmpi slt, %get3A_1281, %sign3A_1290 : vector<16xi32>
      %sign3A_1292 = arith.extui %sign3A_1291 : vector<16xi1> to vector<16xi32>
      %sign3A_1293 = arith.subi %sign3A_1288, %sign3A_1292 : vector<16xi32>
      %sign3A_1294 = arith.constant 0 : i32
      %sign3A_1295 = arith.cmpi sgt, %jit3A_1282, %sign3A_1294 : i32
      %sign3A_1296 = arith.extui %sign3A_1295 : i1 to i32
      %sign3A_1297 = arith.constant 0 : i32
      %sign3A_1298 = arith.cmpi slt, %jit3A_1282, %sign3A_1297 : i32
      %sign3A_1299 = arith.extui %sign3A_1298 : i1 to i32
      %sign3A_1300 = arith.subi %sign3A_1296, %sign3A_1299 : i32
      %ne3A_1301 = vector.broadcast %sign3A_1300 : i32 to vector<16xi32>
      %ne3A_1302 = arith.cmpi ne, %sign3A_1293, %ne3A_1301 : vector<16xi32>
      %rem3A_1303 = vector.broadcast %jit3A_1282 : i32 to vector<16xi32>
      %rem3A_1304 = arith.remsi %get3A_1281, %rem3A_1303 : vector<16xi32>
      %ne3A_1305 = arith.constant 0 : i32
      %ne3A_1306 = vector.broadcast %ne3A_1305 : i32 to vector<16xi32>
      %ne3A_1307 = arith.cmpi ne, %rem3A_1304, %ne3A_1306 : vector<16xi32>
      %and3A_1308 = arith.andi %ne3A_1302, %ne3A_1307 : vector<16xi1>
      %sub3A_1309 = arith.constant 1 : i32
      %sub3A_1310 = vector.broadcast %sub3A_1309 : i32 to vector<16xi32>
      %sub3A_1311 = arith.subi %div3A_1284, %sub3A_1310 : vector<16xi32>
      %select_n3A_1312 = arith.select %and3A_1308, %sub3A_1311, %div3A_1284 : vector<16xi1>, vector<16xi32>
      %mul3A_1313 = arith.constant 200 : i32
      %mul3A_1314 = vector.broadcast %mul3A_1313 : i32 to vector<16xi32>
      %mul3A_1315 = arith.muli %select_n3A_1312, %mul3A_1314 : vector<16xi32>
      %sub3A_1316 = arith.subi %get3A_1281, %mul3A_1315 : vector<16xi32>
      %gather3A_1317 = tpu.vector_load_idx %arg17[%select_n3A_1312] : memref<64xi32, #tpu.memory_space<vmem>>[vector<16xi32>], vector<16xi32>,
      %eq3A_1318 = arith.cmpi eq, %gather3A_1317, %sub3A_1316 : vector<16xi32>
      %jit3A_1319 = arith.constant 63 : i32
      %broadcast_in_dim3A_1320 = vector.broadcast %jit3A_1319 : i32 to vector<16xi32>
      %select_n3A_1321 = arith.select %eq3A_1318, %select_n3A_1312, %broadcast_in_dim3A_1320 : vector<16xi1>, vector<16xi32>
      %gather3A_1322 = tpu.vector_load_idx %arg16[%get3A_1279] : memref<10000xi32, #tpu.memory_space<vmem>>[vector<16xi32>], vector<16xi32>,
      %gather3A_1323 = tpu.vector_load_idx %arg13[%get3A_1279] : memref<10000xf32, #tpu.memory_space<vmem>>[vector<16xi32>], vector<16xf32>,
      %gather3A_1324 = tpu.vector_load_idx %arg13[%get3A_1281] : memref<10000xf32, #tpu.memory_space<vmem>>[vector<16xi32>], vector<16xf32>,
      %sub3A_1325 = arith.subf %gather3A_1323, %gather3A_1324 : vector<16xf32>
      %gather3A_1326 = tpu.vector_load_idx %arg14[%get3A_1279] : memref<10000xf32, #tpu.memory_space<vmem>>[vector<16xi32>], vector<16xf32>,
      %gather3A_1327 = tpu.vector_load_idx %arg14[%get3A_1281] : memref<10000xf32, #tpu.memory_space<vmem>>[vector<16xi32>], vector<16xf32>,
      %sub3A_1328 = arith.subf %gather3A_1326, %gather3A_1327 : vector<16xf32>
      %gather3A_1329 = tpu.vector_load_idx %arg15[%get3A_1279] : memref<10000xf32, #tpu.memory_space<vmem>>[vector<16xi32>], vector<16xf32>,
      %gather3A_1330 = tpu.vector_load_idx %arg15[%get3A_1281] : memref<10000xf32, #tpu.memory_space<vmem>>[vector<16xi32>], vector<16xf32>,
      %sub3A_1331 = arith.subf %gather3A_1329, %gather3A_1330 : vector<16xf32>
      %mul3A_1332 = arith.mulf %sub3A_1325, %sub3A_1325 : vector<16xf32>
      %mul3A_1333 = arith.mulf %sub3A_1328, %sub3A_1328 : vector<16xf32>
      %add3A_1334 = arith.addf %mul3A_1332, %mul3A_1333 : vector<16xf32>
      %mul3A_1335 = arith.mulf %sub3A_1331, %sub3A_1331 : vector<16xf32>
      %add3A_1336 = arith.addf %add3A_1334, %mul3A_1335 : vector<16xf32>
      %swap3A_1337 = arith.index_cast %add3A_1277 : i32 to index
      %swap3A_1338 = tpu.vector_load %arg20[%swap3A_1337] {strides = array<i32>} : memref<5000xf32, #tpu.memory_space<vmem>>, vector<16xf32>,
      tpu.vector_store %arg20[%swap3A_1337], %add3A_1336 {strides = array<i32>} : memref<5000xf32, #tpu.memory_space<vmem>>, vector<16xf32>,
      %swap3A_1339 = arith.index_cast %add3A_1277 : i32 to index
      %swap3A_1340 = tpu.vector_load %arg21[%swap3A_1339] {strides = array<i32>} : memref<5000xi32, #tpu.memory_space<vmem>>, vector<16xi32>,
      tpu.vector_store %arg21[%swap3A_1339], %gather3A_1322 {strides = array<i32>} : memref<5000xi32, #tpu.memory_space<vmem>>, vector<16xi32>,
      %swap3A_1341 = arith.index_cast %add3A_1277 : i32 to index
      %swap3A_1342 = tpu.vector_load %arg22[%swap3A_1341] {strides = array<i32>} : memref<5000xi32, #tpu.memory_space<vmem>>, vector<16xi32>,
      tpu.vector_store %arg22[%swap3A_1341], %select_n3A_1321 {strides = array<i32>} : memref<5000xi32, #tpu.memory_space<vmem>>, vector<16xi32>,
      %mul3A_1343 = arith.constant 256 : i32
      %mul3A_1344 = arith.muli %scan3A_583, %mul3A_1343 : i32
      %add3A_1345 = arith.constant 176 : i32
      %add3A_1346 = arith.addi %mul3A_1344, %add3A_1345 : i32
      %get3A_1347 = arith.index_cast %add3A_1346 : i32 to index
      %get3A_1348 = tpu.vector_load %arg18[%get3A_1347] {strides = array<i32>} : memref<5000xi32, #tpu.memory_space<vmem>>, vector<16xi32>,
      %get3A_1349 = arith.index_cast %add3A_1346 : i32 to index
      %get3A_1350 = tpu.vector_load %arg19[%get3A_1349] {strides = array<i32>} : memref<5000xi32, #tpu.memory_space<vmem>>, vector<16xi32>,
      %jit3A_1351 = arith.constant 200 : i32
      %div3A_1352 = vector.broadcast %jit3A_1351 : i32 to vector<16xi32>
      %div3A_1353 = arith.divsi %get3A_1350, %div3A_1352 : vector<16xi32>
      %sign3A_1354 = arith.constant 0 : i32
      %sign3A_1355 = vector.broadcast %sign3A_1354 : i32 to vector<16xi32>
      %sign3A_1356 = arith.cmpi sgt, %get3A_1350, %sign3A_1355 : vector<16xi32>
      %sign3A_1357 = arith.extui %sign3A_1356 : vector<16xi1> to vector<16xi32>
      %sign3A_1358 = arith.constant 0 : i32
      %sign3A_1359 = vector.broadcast %sign3A_1358 : i32 to vector<16xi32>
      %sign3A_1360 = arith.cmpi slt, %get3A_1350, %sign3A_1359 : vector<16xi32>
      %sign3A_1361 = arith.extui %sign3A_1360 : vector<16xi1> to vector<16xi32>
      %sign3A_1362 = arith.subi %sign3A_1357, %sign3A_1361 : vector<16xi32>
      %sign3A_1363 = arith.constant 0 : i32
      %sign3A_1364 = arith.cmpi sgt, %jit3A_1351, %sign3A_1363 : i32
      %sign3A_1365 = arith.extui %sign3A_1364 : i1 to i32
      %sign3A_1366 = arith.constant 0 : i32
      %sign3A_1367 = arith.cmpi slt, %jit3A_1351, %sign3A_1366 : i32
      %sign3A_1368 = arith.extui %sign3A_1367 : i1 to i32
      %sign3A_1369 = arith.subi %sign3A_1365, %sign3A_1368 : i32
      %ne3A_1370 = vector.broadcast %sign3A_1369 : i32 to vector<16xi32>
      %ne3A_1371 = arith.cmpi ne, %sign3A_1362, %ne3A_1370 : vector<16xi32>
      %rem3A_1372 = vector.broadcast %jit3A_1351 : i32 to vector<16xi32>
      %rem3A_1373 = arith.remsi %get3A_1350, %rem3A_1372 : vector<16xi32>
      %ne3A_1374 = arith.constant 0 : i32
      %ne3A_1375 = vector.broadcast %ne3A_1374 : i32 to vector<16xi32>
      %ne3A_1376 = arith.cmpi ne, %rem3A_1373, %ne3A_1375 : vector<16xi32>
      %and3A_1377 = arith.andi %ne3A_1371, %ne3A_1376 : vector<16xi1>
      %sub3A_1378 = arith.constant 1 : i32
      %sub3A_1379 = vector.broadcast %sub3A_1378 : i32 to vector<16xi32>
      %sub3A_1380 = arith.subi %div3A_1353, %sub3A_1379 : vector<16xi32>
      %select_n3A_1381 = arith.select %and3A_1377, %sub3A_1380, %div3A_1353 : vector<16xi1>, vector<16xi32>
      %mul3A_1382 = arith.constant 200 : i32
      %mul3A_1383 = vector.broadcast %mul3A_1382 : i32 to vector<16xi32>
      %mul3A_1384 = arith.muli %select_n3A_1381, %mul3A_1383 : vector<16xi32>
      %sub3A_1385 = arith.subi %get3A_1350, %mul3A_1384 : vector<16xi32>
      %gather3A_1386 = tpu.vector_load_idx %arg17[%select_n3A_1381] : memref<64xi32, #tpu.memory_space<vmem>>[vector<16xi32>], vector<16xi32>,
      %eq3A_1387 = arith.cmpi eq, %gather3A_1386, %sub3A_1385 : vector<16xi32>
      %jit3A_1388 = arith.constant 63 : i32
      %broadcast_in_dim3A_1389 = vector.broadcast %jit3A_1388 : i32 to vector<16xi32>
      %select_n3A_1390 = arith.select %eq3A_1387, %select_n3A_1381, %broadcast_in_dim3A_1389 : vector<16xi1>, vector<16xi32>
      %gather3A_1391 = tpu.vector_load_idx %arg16[%get3A_1348] : memref<10000xi32, #tpu.memory_space<vmem>>[vector<16xi32>], vector<16xi32>,
      %gather3A_1392 = tpu.vector_load_idx %arg13[%get3A_1348] : memref<10000xf32, #tpu.memory_space<vmem>>[vector<16xi32>], vector<16xf32>,
      %gather3A_1393 = tpu.vector_load_idx %arg13[%get3A_1350] : memref<10000xf32, #tpu.memory_space<vmem>>[vector<16xi32>], vector<16xf32>,
      %sub3A_1394 = arith.subf %gather3A_1392, %gather3A_1393 : vector<16xf32>
      %gather3A_1395 = tpu.vector_load_idx %arg14[%get3A_1348] : memref<10000xf32, #tpu.memory_space<vmem>>[vector<16xi32>], vector<16xf32>,
      %gather3A_1396 = tpu.vector_load_idx %arg14[%get3A_1350] : memref<10000xf32, #tpu.memory_space<vmem>>[vector<16xi32>], vector<16xf32>,
      %sub3A_1397 = arith.subf %gather3A_1395, %gather3A_1396 : vector<16xf32>
      %gather3A_1398 = tpu.vector_load_idx %arg15[%get3A_1348] : memref<10000xf32, #tpu.memory_space<vmem>>[vector<16xi32>], vector<16xf32>,
      %gather3A_1399 = tpu.vector_load_idx %arg15[%get3A_1350] : memref<10000xf32, #tpu.memory_space<vmem>>[vector<16xi32>], vector<16xf32>,
      %sub3A_1400 = arith.subf %gather3A_1398, %gather3A_1399 : vector<16xf32>
      %mul3A_1401 = arith.mulf %sub3A_1394, %sub3A_1394 : vector<16xf32>
      %mul3A_1402 = arith.mulf %sub3A_1397, %sub3A_1397 : vector<16xf32>
      %add3A_1403 = arith.addf %mul3A_1401, %mul3A_1402 : vector<16xf32>
      %mul3A_1404 = arith.mulf %sub3A_1400, %sub3A_1400 : vector<16xf32>
      %add3A_1405 = arith.addf %add3A_1403, %mul3A_1404 : vector<16xf32>
      %swap3A_1406 = arith.index_cast %add3A_1346 : i32 to index
      %swap3A_1407 = tpu.vector_load %arg20[%swap3A_1406] {strides = array<i32>} : memref<5000xf32, #tpu.memory_space<vmem>>, vector<16xf32>,
      tpu.vector_store %arg20[%swap3A_1406], %add3A_1405 {strides = array<i32>} : memref<5000xf32, #tpu.memory_space<vmem>>, vector<16xf32>,
      %swap3A_1408 = arith.index_cast %add3A_1346 : i32 to index
      %swap3A_1409 = tpu.vector_load %arg21[%swap3A_1408] {strides = array<i32>} : memref<5000xi32, #tpu.memory_space<vmem>>, vector<16xi32>,
      tpu.vector_store %arg21[%swap3A_1408], %gather3A_1391 {strides = array<i32>} : memref<5000xi32, #tpu.memory_space<vmem>>, vector<16xi32>,
      %swap3A_1410 = arith.index_cast %add3A_1346 : i32 to index
      %swap3A_1411 = tpu.vector_load %arg22[%swap3A_1410] {strides = array<i32>} : memref<5000xi32, #tpu.memory_space<vmem>>, vector<16xi32>,
      tpu.vector_store %arg22[%swap3A_1410], %select_n3A_1390 {strides = array<i32>} : memref<5000xi32, #tpu.memory_space<vmem>>, vector<16xi32>,
      %mul3A_1412 = arith.constant 256 : i32
      %mul3A_1413 = arith.muli %scan3A_583, %mul3A_1412 : i32
      %add3A_1414 = arith.constant 192 : i32
      %add3A_1415 = arith.addi %mul3A_1413, %add3A_1414 : i32
      %get3A_1416 = arith.index_cast %add3A_1415 : i32 to index
      %get3A_1417 = tpu.vector_load %arg18[%get3A_1416] {strides = array<i32>} : memref<5000xi32, #tpu.memory_space<vmem>>, vector<16xi32>,
      %get3A_1418 = arith.index_cast %add3A_1415 : i32 to index
      %get3A_1419 = tpu.vector_load %arg19[%get3A_1418] {strides = array<i32>} : memref<5000xi32, #tpu.memory_space<vmem>>, vector<16xi32>,
      %jit3A_1420 = arith.constant 200 : i32
      %div3A_1421 = vector.broadcast %jit3A_1420 : i32 to vector<16xi32>
      %div3A_1422 = arith.divsi %get3A_1419, %div3A_1421 : vector<16xi32>
      %sign3A_1423 = arith.constant 0 : i32
      %sign3A_1424 = vector.broadcast %sign3A_1423 : i32 to vector<16xi32>
      %sign3A_1425 = arith.cmpi sgt, %get3A_1419, %sign3A_1424 : vector<16xi32>
      %sign3A_1426 = arith.extui %sign3A_1425 : vector<16xi1> to vector<16xi32>
      %sign3A_1427 = arith.constant 0 : i32
      %sign3A_1428 = vector.broadcast %sign3A_1427 : i32 to vector<16xi32>
      %sign3A_1429 = arith.cmpi slt, %get3A_1419, %sign3A_1428 : vector<16xi32>
      %sign3A_1430 = arith.extui %sign3A_1429 : vector<16xi1> to vector<16xi32>
      %sign3A_1431 = arith.subi %sign3A_1426, %sign3A_1430 : vector<16xi32>
      %sign3A_1432 = arith.constant 0 : i32
      %sign3A_1433 = arith.cmpi sgt, %jit3A_1420, %sign3A_1432 : i32
      %sign3A_1434 = arith.extui %sign3A_1433 : i1 to i32
      %sign3A_1435 = arith.constant 0 : i32
      %sign3A_1436 = arith.cmpi slt, %jit3A_1420, %sign3A_1435 : i32
      %sign3A_1437 = arith.extui %sign3A_1436 : i1 to i32
      %sign3A_1438 = arith.subi %sign3A_1434, %sign3A_1437 : i32
      %ne3A_1439 = vector.broadcast %sign3A_1438 : i32 to vector<16xi32>
      %ne3A_1440 = arith.cmpi ne, %sign3A_1431, %ne3A_1439 : vector<16xi32>
      %rem3A_1441 = vector.broadcast %jit3A_1420 : i32 to vector<16xi32>
      %rem3A_1442 = arith.remsi %get3A_1419, %rem3A_1441 : vector<16xi32>
      %ne3A_1443 = arith.constant 0 : i32
      %ne3A_1444 = vector.broadcast %ne3A_1443 : i32 to vector<16xi32>
      %ne3A_1445 = arith.cmpi ne, %rem3A_1442, %ne3A_1444 : vector<16xi32>
      %and3A_1446 = arith.andi %ne3A_1440, %ne3A_1445 : vector<16xi1>
      %sub3A_1447 = arith.constant 1 : i32
      %sub3A_1448 = vector.broadcast %sub3A_1447 : i32 to vector<16xi32>
      %sub3A_1449 = arith.subi %div3A_1422, %sub3A_1448 : vector<16xi32>
      %select_n3A_1450 = arith.select %and3A_1446, %sub3A_1449, %div3A_1422 : vector<16xi1>, vector<16xi32>
      %mul3A_1451 = arith.constant 200 : i32
      %mul3A_1452 = vector.broadcast %mul3A_1451 : i32 to vector<16xi32>
      %mul3A_1453 = arith.muli %select_n3A_1450, %mul3A_1452 : vector<16xi32>
      %sub3A_1454 = arith.subi %get3A_1419, %mul3A_1453 : vector<16xi32>
      %gather3A_1455 = tpu.vector_load_idx %arg17[%select_n3A_1450] : memref<64xi32, #tpu.memory_space<vmem>>[vector<16xi32>], vector<16xi32>,
      %eq3A_1456 = arith.cmpi eq, %gather3A_1455, %sub3A_1454 : vector<16xi32>
      %jit3A_1457 = arith.constant 63 : i32
      %broadcast_in_dim3A_1458 = vector.broadcast %jit3A_1457 : i32 to vector<16xi32>
      %select_n3A_1459 = arith.select %eq3A_1456, %select_n3A_1450, %broadcast_in_dim3A_1458 : vector<16xi1>, vector<16xi32>
      %gather3A_1460 = tpu.vector_load_idx %arg16[%get3A_1417] : memref<10000xi32, #tpu.memory_space<vmem>>[vector<16xi32>], vector<16xi32>,
      %gather3A_1461 = tpu.vector_load_idx %arg13[%get3A_1417] : memref<10000xf32, #tpu.memory_space<vmem>>[vector<16xi32>], vector<16xf32>,
      %gather3A_1462 = tpu.vector_load_idx %arg13[%get3A_1419] : memref<10000xf32, #tpu.memory_space<vmem>>[vector<16xi32>], vector<16xf32>,
      %sub3A_1463 = arith.subf %gather3A_1461, %gather3A_1462 : vector<16xf32>
      %gather3A_1464 = tpu.vector_load_idx %arg14[%get3A_1417] : memref<10000xf32, #tpu.memory_space<vmem>>[vector<16xi32>], vector<16xf32>,
      %gather3A_1465 = tpu.vector_load_idx %arg14[%get3A_1419] : memref<10000xf32, #tpu.memory_space<vmem>>[vector<16xi32>], vector<16xf32>,
      %sub3A_1466 = arith.subf %gather3A_1464, %gather3A_1465 : vector<16xf32>
      %gather3A_1467 = tpu.vector_load_idx %arg15[%get3A_1417] : memref<10000xf32, #tpu.memory_space<vmem>>[vector<16xi32>], vector<16xf32>,
      %gather3A_1468 = tpu.vector_load_idx %arg15[%get3A_1419] : memref<10000xf32, #tpu.memory_space<vmem>>[vector<16xi32>], vector<16xf32>,
      %sub3A_1469 = arith.subf %gather3A_1467, %gather3A_1468 : vector<16xf32>
      %mul3A_1470 = arith.mulf %sub3A_1463, %sub3A_1463 : vector<16xf32>
      %mul3A_1471 = arith.mulf %sub3A_1466, %sub3A_1466 : vector<16xf32>
      %add3A_1472 = arith.addf %mul3A_1470, %mul3A_1471 : vector<16xf32>
      %mul3A_1473 = arith.mulf %sub3A_1469, %sub3A_1469 : vector<16xf32>
      %add3A_1474 = arith.addf %add3A_1472, %mul3A_1473 : vector<16xf32>
      %swap3A_1475 = arith.index_cast %add3A_1415 : i32 to index
      %swap3A_1476 = tpu.vector_load %arg20[%swap3A_1475] {strides = array<i32>} : memref<5000xf32, #tpu.memory_space<vmem>>, vector<16xf32>,
      tpu.vector_store %arg20[%swap3A_1475], %add3A_1474 {strides = array<i32>} : memref<5000xf32, #tpu.memory_space<vmem>>, vector<16xf32>,
      %swap3A_1477 = arith.index_cast %add3A_1415 : i32 to index
      %swap3A_1478 = tpu.vector_load %arg21[%swap3A_1477] {strides = array<i32>} : memref<5000xi32, #tpu.memory_space<vmem>>, vector<16xi32>,
      tpu.vector_store %arg21[%swap3A_1477], %gather3A_1460 {strides = array<i32>} : memref<5000xi32, #tpu.memory_space<vmem>>, vector<16xi32>,
      %swap3A_1479 = arith.index_cast %add3A_1415 : i32 to index
      %swap3A_1480 = tpu.vector_load %arg22[%swap3A_1479] {strides = array<i32>} : memref<5000xi32, #tpu.memory_space<vmem>>, vector<16xi32>,
      tpu.vector_store %arg22[%swap3A_1479], %select_n3A_1459 {strides = array<i32>} : memref<5000xi32, #tpu.memory_space<vmem>>, vector<16xi32>,
      %mul3A_1481 = arith.constant 256 : i32
      %mul3A_1482 = arith.muli %scan3A_583, %mul3A_1481 : i32
      %add3A_1483 = arith.constant 208 : i32
      %add3A_1484 = arith.addi %mul3A_1482, %add3A_1483 : i32
      %get3A_1485 = arith.index_cast %add3A_1484 : i32 to index
      %get3A_1486 = tpu.vector_load %arg18[%get3A_1485] {strides = array<i32>} : memref<5000xi32, #tpu.memory_space<vmem>>, vector<16xi32>,
      %get3A_1487 = arith.index_cast %add3A_1484 : i32 to index
      %get3A_1488 = tpu.vector_load %arg19[%get3A_1487] {strides = array<i32>} : memref<5000xi32, #tpu.memory_space<vmem>>, vector<16xi32>,
      %jit3A_1489 = arith.constant 200 : i32
      %div3A_1490 = vector.broadcast %jit3A_1489 : i32 to vector<16xi32>
      %div3A_1491 = arith.divsi %get3A_1488, %div3A_1490 : vector<16xi32>
      %sign3A_1492 = arith.constant 0 : i32
      %sign3A_1493 = vector.broadcast %sign3A_1492 : i32 to vector<16xi32>
      %sign3A_1494 = arith.cmpi sgt, %get3A_1488, %sign3A_1493 : vector<16xi32>
      %sign3A_1495 = arith.extui %sign3A_1494 : vector<16xi1> to vector<16xi32>
      %sign3A_1496 = arith.constant 0 : i32
      %sign3A_1497 = vector.broadcast %sign3A_1496 : i32 to vector<16xi32>
      %sign3A_1498 = arith.cmpi slt, %get3A_1488, %sign3A_1497 : vector<16xi32>
      %sign3A_1499 = arith.extui %sign3A_1498 : vector<16xi1> to vector<16xi32>
      %sign3A_1500 = arith.subi %sign3A_1495, %sign3A_1499 : vector<16xi32>
      %sign3A_1501 = arith.constant 0 : i32
      %sign3A_1502 = arith.cmpi sgt, %jit3A_1489, %sign3A_1501 : i32
      %sign3A_1503 = arith.extui %sign3A_1502 : i1 to i32
      %sign3A_1504 = arith.constant 0 : i32
      %sign3A_1505 = arith.cmpi slt, %jit3A_1489, %sign3A_1504 : i32
      %sign3A_1506 = arith.extui %sign3A_1505 : i1 to i32
      %sign3A_1507 = arith.subi %sign3A_1503, %sign3A_1506 : i32
      %ne3A_1508 = vector.broadcast %sign3A_1507 : i32 to vector<16xi32>
      %ne3A_1509 = arith.cmpi ne, %sign3A_1500, %ne3A_1508 : vector<16xi32>
      %rem3A_1510 = vector.broadcast %jit3A_1489 : i32 to vector<16xi32>
      %rem3A_1511 = arith.remsi %get3A_1488, %rem3A_1510 : vector<16xi32>
      %ne3A_1512 = arith.constant 0 : i32
      %ne3A_1513 = vector.broadcast %ne3A_1512 : i32 to vector<16xi32>
      %ne3A_1514 = arith.cmpi ne, %rem3A_1511, %ne3A_1513 : vector<16xi32>
      %and3A_1515 = arith.andi %ne3A_1509, %ne3A_1514 : vector<16xi1>
      %sub3A_1516 = arith.constant 1 : i32
      %sub3A_1517 = vector.broadcast %sub3A_1516 : i32 to vector<16xi32>
      %sub3A_1518 = arith.subi %div3A_1491, %sub3A_1517 : vector<16xi32>
      %select_n3A_1519 = arith.select %and3A_1515, %sub3A_1518, %div3A_1491 : vector<16xi1>, vector<16xi32>
      %mul3A_1520 = arith.constant 200 : i32
      %mul3A_1521 = vector.broadcast %mul3A_1520 : i32 to vector<16xi32>
      %mul3A_1522 = arith.muli %select_n3A_1519, %mul3A_1521 : vector<16xi32>
      %sub3A_1523 = arith.subi %get3A_1488, %mul3A_1522 : vector<16xi32>
      %gather3A_1524 = tpu.vector_load_idx %arg17[%select_n3A_1519] : memref<64xi32, #tpu.memory_space<vmem>>[vector<16xi32>], vector<16xi32>,
      %eq3A_1525 = arith.cmpi eq, %gather3A_1524, %sub3A_1523 : vector<16xi32>
      %jit3A_1526 = arith.constant 63 : i32
      %broadcast_in_dim3A_1527 = vector.broadcast %jit3A_1526 : i32 to vector<16xi32>
      %select_n3A_1528 = arith.select %eq3A_1525, %select_n3A_1519, %broadcast_in_dim3A_1527 : vector<16xi1>, vector<16xi32>
      %gather3A_1529 = tpu.vector_load_idx %arg16[%get3A_1486] : memref<10000xi32, #tpu.memory_space<vmem>>[vector<16xi32>], vector<16xi32>,
      %gather3A_1530 = tpu.vector_load_idx %arg13[%get3A_1486] : memref<10000xf32, #tpu.memory_space<vmem>>[vector<16xi32>], vector<16xf32>,
      %gather3A_1531 = tpu.vector_load_idx %arg13[%get3A_1488] : memref<10000xf32, #tpu.memory_space<vmem>>[vector<16xi32>], vector<16xf32>,
      %sub3A_1532 = arith.subf %gather3A_1530, %gather3A_1531 : vector<16xf32>
      %gather3A_1533 = tpu.vector_load_idx %arg14[%get3A_1486] : memref<10000xf32, #tpu.memory_space<vmem>>[vector<16xi32>], vector<16xf32>,
      %gather3A_1534 = tpu.vector_load_idx %arg14[%get3A_1488] : memref<10000xf32, #tpu.memory_space<vmem>>[vector<16xi32>], vector<16xf32>,
      %sub3A_1535 = arith.subf %gather3A_1533, %gather3A_1534 : vector<16xf32>
      %gather3A_1536 = tpu.vector_load_idx %arg15[%get3A_1486] : memref<10000xf32, #tpu.memory_space<vmem>>[vector<16xi32>], vector<16xf32>,
      %gather3A_1537 = tpu.vector_load_idx %arg15[%get3A_1488] : memref<10000xf32, #tpu.memory_space<vmem>>[vector<16xi32>], vector<16xf32>,
      %sub3A_1538 = arith.subf %gather3A_1536, %gather3A_1537 : vector<16xf32>
      %mul3A_1539 = arith.mulf %sub3A_1532, %sub3A_1532 : vector<16xf32>
      %mul3A_1540 = arith.mulf %sub3A_1535, %sub3A_1535 : vector<16xf32>
      %add3A_1541 = arith.addf %mul3A_1539, %mul3A_1540 : vector<16xf32>
      %mul3A_1542 = arith.mulf %sub3A_1538, %sub3A_1538 : vector<16xf32>
      %add3A_1543 = arith.addf %add3A_1541, %mul3A_1542 : vector<16xf32>
      %swap3A_1544 = arith.index_cast %add3A_1484 : i32 to index
      %swap3A_1545 = tpu.vector_load %arg20[%swap3A_1544] {strides = array<i32>} : memref<5000xf32, #tpu.memory_space<vmem>>, vector<16xf32>,
      tpu.vector_store %arg20[%swap3A_1544], %add3A_1543 {strides = array<i32>} : memref<5000xf32, #tpu.memory_space<vmem>>, vector<16xf32>,
      %swap3A_1546 = arith.index_cast %add3A_1484 : i32 to index
      %swap3A_1547 = tpu.vector_load %arg21[%swap3A_1546] {strides = array<i32>} : memref<5000xi32, #tpu.memory_space<vmem>>, vector<16xi32>,
      tpu.vector_store %arg21[%swap3A_1546], %gather3A_1529 {strides = array<i32>} : memref<5000xi32, #tpu.memory_space<vmem>>, vector<16xi32>,
      %swap3A_1548 = arith.index_cast %add3A_1484 : i32 to index
      %swap3A_1549 = tpu.vector_load %arg22[%swap3A_1548] {strides = array<i32>} : memref<5000xi32, #tpu.memory_space<vmem>>, vector<16xi32>,
      tpu.vector_store %arg22[%swap3A_1548], %select_n3A_1528 {strides = array<i32>} : memref<5000xi32, #tpu.memory_space<vmem>>, vector<16xi32>,
      %mul3A_1550 = arith.constant 256 : i32
      %mul3A_1551 = arith.muli %scan3A_583, %mul3A_1550 : i32
      %add3A_1552 = arith.constant 224 : i32
      %add3A_1553 = arith.addi %mul3A_1551, %add3A_1552 : i32
      %get3A_1554 = arith.index_cast %add3A_1553 : i32 to index
      %get3A_1555 = tpu.vector_load %arg18[%get3A_1554] {strides = array<i32>} : memref<5000xi32, #tpu.memory_space<vmem>>, vector<16xi32>,
      %get3A_1556 = arith.index_cast %add3A_1553 : i32 to index
      %get3A_1557 = tpu.vector_load %arg19[%get3A_1556] {strides = array<i32>} : memref<5000xi32, #tpu.memory_space<vmem>>, vector<16xi32>,
      %jit3A_1558 = arith.constant 200 : i32
      %div3A_1559 = vector.broadcast %jit3A_1558 : i32 to vector<16xi32>
      %div3A_1560 = arith.divsi %get3A_1557, %div3A_1559 : vector<16xi32>
      %sign3A_1561 = arith.constant 0 : i32
      %sign3A_1562 = vector.broadcast %sign3A_1561 : i32 to vector<16xi32>
      %sign3A_1563 = arith.cmpi sgt, %get3A_1557, %sign3A_1562 : vector<16xi32>
      %sign3A_1564 = arith.extui %sign3A_1563 : vector<16xi1> to vector<16xi32>
      %sign3A_1565 = arith.constant 0 : i32
      %sign3A_1566 = vector.broadcast %sign3A_1565 : i32 to vector<16xi32>
      %sign3A_1567 = arith.cmpi slt, %get3A_1557, %sign3A_1566 : vector<16xi32>
      %sign3A_1568 = arith.extui %sign3A_1567 : vector<16xi1> to vector<16xi32>
      %sign3A_1569 = arith.subi %sign3A_1564, %sign3A_1568 : vector<16xi32>
      %sign3A_1570 = arith.constant 0 : i32
      %sign3A_1571 = arith.cmpi sgt, %jit3A_1558, %sign3A_1570 : i32
      %sign3A_1572 = arith.extui %sign3A_1571 : i1 to i32
      %sign3A_1573 = arith.constant 0 : i32
      %sign3A_1574 = arith.cmpi slt, %jit3A_1558, %sign3A_1573 : i32
      %sign3A_1575 = arith.extui %sign3A_1574 : i1 to i32
      %sign3A_1576 = arith.subi %sign3A_1572, %sign3A_1575 : i32
      %ne3A_1577 = vector.broadcast %sign3A_1576 : i32 to vector<16xi32>
      %ne3A_1578 = arith.cmpi ne, %sign3A_1569, %ne3A_1577 : vector<16xi32>
      %rem3A_1579 = vector.broadcast %jit3A_1558 : i32 to vector<16xi32>
      %rem3A_1580 = arith.remsi %get3A_1557, %rem3A_1579 : vector<16xi32>
      %ne3A_1581 = arith.constant 0 : i32
      %ne3A_1582 = vector.broadcast %ne3A_1581 : i32 to vector<16xi32>
      %ne3A_1583 = arith.cmpi ne, %rem3A_1580, %ne3A_1582 : vector<16xi32>
      %and3A_1584 = arith.andi %ne3A_1578, %ne3A_1583 : vector<16xi1>
      %sub3A_1585 = arith.constant 1 : i32
      %sub3A_1586 = vector.broadcast %sub3A_1585 : i32 to vector<16xi32>
      %sub3A_1587 = arith.subi %div3A_1560, %sub3A_1586 : vector<16xi32>
      %select_n3A_1588 = arith.select %and3A_1584, %sub3A_1587, %div3A_1560 : vector<16xi1>, vector<16xi32>
      %mul3A_1589 = arith.constant 200 : i32
      %mul3A_1590 = vector.broadcast %mul3A_1589 : i32 to vector<16xi32>
      %mul3A_1591 = arith.muli %select_n3A_1588, %mul3A_1590 : vector<16xi32>
      %sub3A_1592 = arith.subi %get3A_1557, %mul3A_1591 : vector<16xi32>
      %gather3A_1593 = tpu.vector_load_idx %arg17[%select_n3A_1588] : memref<64xi32, #tpu.memory_space<vmem>>[vector<16xi32>], vector<16xi32>,
      %eq3A_1594 = arith.cmpi eq, %gather3A_1593, %sub3A_1592 : vector<16xi32>
      %jit3A_1595 = arith.constant 63 : i32
      %broadcast_in_dim3A_1596 = vector.broadcast %jit3A_1595 : i32 to vector<16xi32>
      %select_n3A_1597 = arith.select %eq3A_1594, %select_n3A_1588, %broadcast_in_dim3A_1596 : vector<16xi1>, vector<16xi32>
      %gather3A_1598 = tpu.vector_load_idx %arg16[%get3A_1555] : memref<10000xi32, #tpu.memory_space<vmem>>[vector<16xi32>], vector<16xi32>,
      %gather3A_1599 = tpu.vector_load_idx %arg13[%get3A_1555] : memref<10000xf32, #tpu.memory_space<vmem>>[vector<16xi32>], vector<16xf32>,
      %gather3A_1600 = tpu.vector_load_idx %arg13[%get3A_1557] : memref<10000xf32, #tpu.memory_space<vmem>>[vector<16xi32>], vector<16xf32>,
      %sub3A_1601 = arith.subf %gather3A_1599, %gather3A_1600 : vector<16xf32>
      %gather3A_1602 = tpu.vector_load_idx %arg14[%get3A_1555] : memref<10000xf32, #tpu.memory_space<vmem>>[vector<16xi32>], vector<16xf32>,
      %gather3A_1603 = tpu.vector_load_idx %arg14[%get3A_1557] : memref<10000xf32, #tpu.memory_space<vmem>>[vector<16xi32>], vector<16xf32>,
      %sub3A_1604 = arith.subf %gather3A_1602, %gather3A_1603 : vector<16xf32>
      %gather3A_1605 = tpu.vector_load_idx %arg15[%get3A_1555] : memref<10000xf32, #tpu.memory_space<vmem>>[vector<16xi32>], vector<16xf32>,
      %gather3A_1606 = tpu.vector_load_idx %arg15[%get3A_1557] : memref<10000xf32, #tpu.memory_space<vmem>>[vector<16xi32>], vector<16xf32>,
      %sub3A_1607 = arith.subf %gather3A_1605, %gather3A_1606 : vector<16xf32>
      %mul3A_1608 = arith.mulf %sub3A_1601, %sub3A_1601 : vector<16xf32>
      %mul3A_1609 = arith.mulf %sub3A_1604, %sub3A_1604 : vector<16xf32>
      %add3A_1610 = arith.addf %mul3A_1608, %mul3A_1609 : vector<16xf32>
      %mul3A_1611 = arith.mulf %sub3A_1607, %sub3A_1607 : vector<16xf32>
      %add3A_1612 = arith.addf %add3A_1610, %mul3A_1611 : vector<16xf32>
      %swap3A_1613 = arith.index_cast %add3A_1553 : i32 to index
      %swap3A_1614 = tpu.vector_load %arg20[%swap3A_1613] {strides = array<i32>} : memref<5000xf32, #tpu.memory_space<vmem>>, vector<16xf32>,
      tpu.vector_store %arg20[%swap3A_1613], %add3A_1612 {strides = array<i32>} : memref<5000xf32, #tpu.memory_space<vmem>>, vector<16xf32>,
      %swap3A_1615 = arith.index_cast %add3A_1553 : i32 to index
      %swap3A_1616 = tpu.vector_load %arg21[%swap3A_1615] {strides = array<i32>} : memref<5000xi32, #tpu.memory_space<vmem>>, vector<16xi32>,
      tpu.vector_store %arg21[%swap3A_1615], %gather3A_1598 {strides = array<i32>} : memref<5000xi32, #tpu.memory_space<vmem>>, vector<16xi32>,
      %swap3A_1617 = arith.index_cast %add3A_1553 : i32 to index
      %swap3A_1618 = tpu.vector_load %arg22[%swap3A_1617] {strides = array<i32>} : memref<5000xi32, #tpu.memory_space<vmem>>, vector<16xi32>,
      tpu.vector_store %arg22[%swap3A_1617], %select_n3A_1597 {strides = array<i32>} : memref<5000xi32, #tpu.memory_space<vmem>>, vector<16xi32>,
      %mul3A_1619 = arith.constant 256 : i32
      %mul3A_1620 = arith.muli %scan3A_583, %mul3A_1619 : i32
      %add3A_1621 = arith.constant 240 : i32
      %add3A_1622 = arith.addi %mul3A_1620, %add3A_1621 : i32
      %get3A_1623 = arith.index_cast %add3A_1622 : i32 to index
      %get3A_1624 = tpu.vector_load %arg18[%get3A_1623] {strides = array<i32>} : memref<5000xi32, #tpu.memory_space<vmem>>, vector<16xi32>,
      %get3A_1625 = arith.index_cast %add3A_1622 : i32 to index
      %get3A_1626 = tpu.vector_load %arg19[%get3A_1625] {strides = array<i32>} : memref<5000xi32, #tpu.memory_space<vmem>>, vector<16xi32>,
      %jit3A_1627 = arith.constant 200 : i32
      %div3A_1628 = vector.broadcast %jit3A_1627 : i32 to vector<16xi32>
      %div3A_1629 = arith.divsi %get3A_1626, %div3A_1628 : vector<16xi32>
      %sign3A_1630 = arith.constant 0 : i32
      %sign3A_1631 = vector.broadcast %sign3A_1630 : i32 to vector<16xi32>
      %sign3A_1632 = arith.cmpi sgt, %get3A_1626, %sign3A_1631 : vector<16xi32>
      %sign3A_1633 = arith.extui %sign3A_1632 : vector<16xi1> to vector<16xi32>
      %sign3A_1634 = arith.constant 0 : i32
      %sign3A_1635 = vector.broadcast %sign3A_1634 : i32 to vector<16xi32>
      %sign3A_1636 = arith.cmpi slt, %get3A_1626, %sign3A_1635 : vector<16xi32>
      %sign3A_1637 = arith.extui %sign3A_1636 : vector<16xi1> to vector<16xi32>
      %sign3A_1638 = arith.subi %sign3A_1633, %sign3A_1637 : vector<16xi32>
      %sign3A_1639 = arith.constant 0 : i32
      %sign3A_1640 = arith.cmpi sgt, %jit3A_1627, %sign3A_1639 : i32
      %sign3A_1641 = arith.extui %sign3A_1640 : i1 to i32
      %sign3A_1642 = arith.constant 0 : i32
      %sign3A_1643 = arith.cmpi slt, %jit3A_1627, %sign3A_1642 : i32
      %sign3A_1644 = arith.extui %sign3A_1643 : i1 to i32
      %sign3A_1645 = arith.subi %sign3A_1641, %sign3A_1644 : i32
      %ne3A_1646 = vector.broadcast %sign3A_1645 : i32 to vector<16xi32>
      %ne3A_1647 = arith.cmpi ne, %sign3A_1638, %ne3A_1646 : vector<16xi32>
      %rem3A_1648 = vector.broadcast %jit3A_1627 : i32 to vector<16xi32>
      %rem3A_1649 = arith.remsi %get3A_1626, %rem3A_1648 : vector<16xi32>
      %ne3A_1650 = arith.constant 0 : i32
      %ne3A_1651 = vector.broadcast %ne3A_1650 : i32 to vector<16xi32>
      %ne3A_1652 = arith.cmpi ne, %rem3A_1649, %ne3A_1651 : vector<16xi32>
      %and3A_1653 = arith.andi %ne3A_1647, %ne3A_1652 : vector<16xi1>
      %sub3A_1654 = arith.constant 1 : i32
      %sub3A_1655 = vector.broadcast %sub3A_1654 : i32 to vector<16xi32>
      %sub3A_1656 = arith.subi %div3A_1629, %sub3A_1655 : vector<16xi32>
      %select_n3A_1657 = arith.select %and3A_1653, %sub3A_1656, %div3A_1629 : vector<16xi1>, vector<16xi32>
      %mul3A_1658 = arith.constant 200 : i32
      %mul3A_1659 = vector.broadcast %mul3A_1658 : i32 to vector<16xi32>
      %mul3A_1660 = arith.muli %select_n3A_1657, %mul3A_1659 : vector<16xi32>
      %sub3A_1661 = arith.subi %get3A_1626, %mul3A_1660 : vector<16xi32>
      %gather3A_1662 = tpu.vector_load_idx %arg17[%select_n3A_1657] : memref<64xi32, #tpu.memory_space<vmem>>[vector<16xi32>], vector<16xi32>,
      %eq3A_1663 = arith.cmpi eq, %gather3A_1662, %sub3A_1661 : vector<16xi32>
      %jit3A_1664 = arith.constant 63 : i32
      %broadcast_in_dim3A_1665 = vector.broadcast %jit3A_1664 : i32 to vector<16xi32>
      %select_n3A_1666 = arith.select %eq3A_1663, %select_n3A_1657, %broadcast_in_dim3A_1665 : vector<16xi1>, vector<16xi32>
      %gather3A_1667 = tpu.vector_load_idx %arg16[%get3A_1624] : memref<10000xi32, #tpu.memory_space<vmem>>[vector<16xi32>], vector<16xi32>,
      %gather3A_1668 = tpu.vector_load_idx %arg13[%get3A_1624] : memref<10000xf32, #tpu.memory_space<vmem>>[vector<16xi32>], vector<16xf32>,
      %gather3A_1669 = tpu.vector_load_idx %arg13[%get3A_1626] : memref<10000xf32, #tpu.memory_space<vmem>>[vector<16xi32>], vector<16xf32>,
      %sub3A_1670 = arith.subf %gather3A_1668, %gather3A_1669 : vector<16xf32>
      %gather3A_1671 = tpu.vector_load_idx %arg14[%get3A_1624] : memref<10000xf32, #tpu.memory_space<vmem>>[vector<16xi32>], vector<16xf32>,
      %gather3A_1672 = tpu.vector_load_idx %arg14[%get3A_1626] : memref<10000xf32, #tpu.memory_space<vmem>>[vector<16xi32>], vector<16xf32>,
      %sub3A_1673 = arith.subf %gather3A_1671, %gather3A_1672 : vector<16xf32>
      %gather3A_1674 = tpu.vector_load_idx %arg15[%get3A_1624] : memref<10000xf32, #tpu.memory_space<vmem>>[vector<16xi32>], vector<16xf32>,
      %gather3A_1675 = tpu.vector_load_idx %arg15[%get3A_1626] : memref<10000xf32, #tpu.memory_space<vmem>>[vector<16xi32>], vector<16xf32>,
      %sub3A_1676 = arith.subf %gather3A_1674, %gather3A_1675 : vector<16xf32>
      %mul3A_1677 = arith.mulf %sub3A_1670, %sub3A_1670 : vector<16xf32>
      %mul3A_1678 = arith.mulf %sub3A_1673, %sub3A_1673 : vector<16xf32>
      %add3A_1679 = arith.addf %mul3A_1677, %mul3A_1678 : vector<16xf32>
      %mul3A_1680 = arith.mulf %sub3A_1676, %sub3A_1676 : vector<16xf32>
      %add3A_1681 = arith.addf %add3A_1679, %mul3A_1680 : vector<16xf32>
      %swap3A_1682 = arith.index_cast %add3A_1622 : i32 to index
      %swap3A_1683 = tpu.vector_load %arg20[%swap3A_1682] {strides = array<i32>} : memref<5000xf32, #tpu.memory_space<vmem>>, vector<16xf32>,
      tpu.vector_store %arg20[%swap3A_1682], %add3A_1681 {strides = array<i32>} : memref<5000xf32, #tpu.memory_space<vmem>>, vector<16xf32>,
      %swap3A_1684 = arith.index_cast %add3A_1622 : i32 to index
      %swap3A_1685 = tpu.vector_load %arg21[%swap3A_1684] {strides = array<i32>} : memref<5000xi32, #tpu.memory_space<vmem>>, vector<16xi32>,
      tpu.vector_store %arg21[%swap3A_1684], %gather3A_1667 {strides = array<i32>} : memref<5000xi32, #tpu.memory_space<vmem>>, vector<16xi32>,
      %swap3A_1686 = arith.index_cast %add3A_1622 : i32 to index
      %swap3A_1687 = tpu.vector_load %arg22[%swap3A_1686] {strides = array<i32>} : memref<5000xi32, #tpu.memory_space<vmem>>, vector<16xi32>,
      tpu.vector_store %arg22[%swap3A_1686], %select_n3A_1666 {strides = array<i32>} : memref<5000xi32, #tpu.memory_space<vmem>>, vector<16xi32>,
    }
    %scan3A_7 = arith.constant 19 : i32
    %get3A = arith.constant 4864 : index
    %get3A_8 = tpu.vector_load %arg18[%get3A] {strides = array<i32>} : memref<5000xi32, #tpu.memory_space<vmem>>, vector<16xi32>,
    %get3A_9 = arith.constant 4864 : index
    %get3A_10 = tpu.vector_load %arg19[%get3A_9] {strides = array<i32>} : memref<5000xi32, #tpu.memory_space<vmem>>, vector<16xi32>,
    %jit3A = arith.constant 200 : i32
    %div3A = vector.broadcast %jit3A : i32 to vector<16xi32>
    %div3A_11 = arith.divsi %get3A_10, %div3A : vector<16xi32>
    %sign3A = arith.constant 0 : i32
    %sign3A_12 = vector.broadcast %sign3A : i32 to vector<16xi32>
    %sign3A_13 = arith.cmpi sgt, %get3A_10, %sign3A_12 : vector<16xi32>
    %sign3A_14 = arith.extui %sign3A_13 : vector<16xi1> to vector<16xi32>
    %sign3A_15 = arith.constant 0 : i32
    %sign3A_16 = vector.broadcast %sign3A_15 : i32 to vector<16xi32>
    %sign3A_17 = arith.cmpi slt, %get3A_10, %sign3A_16 : vector<16xi32>
    %sign3A_18 = arith.extui %sign3A_17 : vector<16xi1> to vector<16xi32>
    %sign3A_19 = arith.subi %sign3A_14, %sign3A_18 : vector<16xi32>
    %sign3A_20 = arith.constant 0 : i32
    %sign3A_21 = arith.cmpi sgt, %jit3A, %sign3A_20 : i32
    %sign3A_22 = arith.extui %sign3A_21 : i1 to i32
    %sign3A_23 = arith.constant 0 : i32
    %sign3A_24 = arith.cmpi slt, %jit3A, %sign3A_23 : i32
    %sign3A_25 = arith.extui %sign3A_24 : i1 to i32
    %sign3A_26 = arith.subi %sign3A_22, %sign3A_25 : i32
    %ne3A = vector.broadcast %sign3A_26 : i32 to vector<16xi32>
    %ne3A_27 = arith.cmpi ne, %sign3A_19, %ne3A : vector<16xi32>
    %rem3A = vector.broadcast %jit3A : i32 to vector<16xi32>
    %rem3A_28 = arith.remsi %get3A_10, %rem3A : vector<16xi32>
    %ne3A_29 = arith.constant 0 : i32
    %ne3A_30 = vector.broadcast %ne3A_29 : i32 to vector<16xi32>
    %ne3A_31 = arith.cmpi ne, %rem3A_28, %ne3A_30 : vector<16xi32>
    %and3A = arith.andi %ne3A_27, %ne3A_31 : vector<16xi1>
    %sub3A = arith.constant 1 : i32
    %sub3A_32 = vector.broadcast %sub3A : i32 to vector<16xi32>
    %sub3A_33 = arith.subi %div3A_11, %sub3A_32 : vector<16xi32>
    %select_n3A = arith.select %and3A, %sub3A_33, %div3A_11 : vector<16xi1>, vector<16xi32>
    %mul3A_34 = arith.constant 200 : i32
    %mul3A_35 = vector.broadcast %mul3A_34 : i32 to vector<16xi32>
    %mul3A_36 = arith.muli %select_n3A, %mul3A_35 : vector<16xi32>
    %sub3A_37 = arith.subi %get3A_10, %mul3A_36 : vector<16xi32>
    %gather3A = tpu.vector_load_idx %arg17[%select_n3A] : memref<64xi32, #tpu.memory_space<vmem>>[vector<16xi32>], vector<16xi32>,
    %eq3A = arith.cmpi eq, %gather3A, %sub3A_37 : vector<16xi32>
    %jit3A_38 = arith.constant 63 : i32
    %broadcast_in_dim3A = vector.broadcast %jit3A_38 : i32 to vector<16xi32>
    %select_n3A_39 = arith.select %eq3A, %select_n3A, %broadcast_in_dim3A : vector<16xi1>, vector<16xi32>
    %gather3A_40 = tpu.vector_load_idx %arg16[%get3A_8] : memref<10000xi32, #tpu.memory_space<vmem>>[vector<16xi32>], vector<16xi32>,
    %gather3A_41 = tpu.vector_load_idx %arg13[%get3A_8] : memref<10000xf32, #tpu.memory_space<vmem>>[vector<16xi32>], vector<16xf32>,
    %gather3A_42 = tpu.vector_load_idx %arg13[%get3A_10] : memref<10000xf32, #tpu.memory_space<vmem>>[vector<16xi32>], vector<16xf32>,
    %sub3A_43 = arith.subf %gather3A_41, %gather3A_42 : vector<16xf32>
    %gather3A_44 = tpu.vector_load_idx %arg14[%get3A_8] : memref<10000xf32, #tpu.memory_space<vmem>>[vector<16xi32>], vector<16xf32>,
    %gather3A_45 = tpu.vector_load_idx %arg14[%get3A_10] : memref<10000xf32, #tpu.memory_space<vmem>>[vector<16xi32>], vector<16xf32>,
    %sub3A_46 = arith.subf %gather3A_44, %gather3A_45 : vector<16xf32>
    %gather3A_47 = tpu.vector_load_idx %arg15[%get3A_8] : memref<10000xf32, #tpu.memory_space<vmem>>[vector<16xi32>], vector<16xf32>,
    %gather3A_48 = tpu.vector_load_idx %arg15[%get3A_10] : memref<10000xf32, #tpu.memory_space<vmem>>[vector<16xi32>], vector<16xf32>,
    %sub3A_49 = arith.subf %gather3A_47, %gather3A_48 : vector<16xf32>
    %mul3A_50 = arith.mulf %sub3A_43, %sub3A_43 : vector<16xf32>
    %mul3A_51 = arith.mulf %sub3A_46, %sub3A_46 : vector<16xf32>
    %add3A_52 = arith.addf %mul3A_50, %mul3A_51 : vector<16xf32>
    %mul3A_53 = arith.mulf %sub3A_49, %sub3A_49 : vector<16xf32>
    %add3A_54 = arith.addf %add3A_52, %mul3A_53 : vector<16xf32>
    %swap3A = arith.constant 4864 : index
    %swap3A_55 = tpu.vector_load %arg20[%swap3A] {strides = array<i32>} : memref<5000xf32, #tpu.memory_space<vmem>>, vector<16xf32>,
    tpu.vector_store %arg20[%swap3A], %add3A_54 {strides = array<i32>} : memref<5000xf32, #tpu.memory_space<vmem>>, vector<16xf32>,
    %swap3A_56 = arith.constant 4864 : index
    %swap3A_57 = tpu.vector_load %arg21[%swap3A_56] {strides = array<i32>} : memref<5000xi32, #tpu.memory_space<vmem>>, vector<16xi32>,
    tpu.vector_store %arg21[%swap3A_56], %gather3A_40 {strides = array<i32>} : memref<5000xi32, #tpu.memory_space<vmem>>, vector<16xi32>,
    %swap3A_58 = arith.constant 4864 : index
    %swap3A_59 = tpu.vector_load %arg22[%swap3A_58] {strides = array<i32>} : memref<5000xi32, #tpu.memory_space<vmem>>, vector<16xi32>,
    tpu.vector_store %arg22[%swap3A_58], %select_n3A_39 {strides = array<i32>} : memref<5000xi32, #tpu.memory_space<vmem>>, vector<16xi32>,
    %get3A_60 = arith.constant 4880 : index
    %get3A_61 = tpu.vector_load %arg18[%get3A_60] {strides = array<i32>} : memref<5000xi32, #tpu.memory_space<vmem>>, vector<16xi32>,
    %get3A_62 = arith.constant 4880 : index
    %get3A_63 = tpu.vector_load %arg19[%get3A_62] {strides = array<i32>} : memref<5000xi32, #tpu.memory_space<vmem>>, vector<16xi32>,
    %jit3A_64 = arith.constant 200 : i32
    %div3A_65 = vector.broadcast %jit3A_64 : i32 to vector<16xi32>
    %div3A_66 = arith.divsi %get3A_63, %div3A_65 : vector<16xi32>
    %sign3A_67 = arith.constant 0 : i32
    %sign3A_68 = vector.broadcast %sign3A_67 : i32 to vector<16xi32>
    %sign3A_69 = arith.cmpi sgt, %get3A_63, %sign3A_68 : vector<16xi32>
    %sign3A_70 = arith.extui %sign3A_69 : vector<16xi1> to vector<16xi32>
    %sign3A_71 = arith.constant 0 : i32
    %sign3A_72 = vector.broadcast %sign3A_71 : i32 to vector<16xi32>
    %sign3A_73 = arith.cmpi slt, %get3A_63, %sign3A_72 : vector<16xi32>
    %sign3A_74 = arith.extui %sign3A_73 : vector<16xi1> to vector<16xi32>
    %sign3A_75 = arith.subi %sign3A_70, %sign3A_74 : vector<16xi32>
    %sign3A_76 = arith.constant 0 : i32
    %sign3A_77 = arith.cmpi sgt, %jit3A_64, %sign3A_76 : i32
    %sign3A_78 = arith.extui %sign3A_77 : i1 to i32
    %sign3A_79 = arith.constant 0 : i32
    %sign3A_80 = arith.cmpi slt, %jit3A_64, %sign3A_79 : i32
    %sign3A_81 = arith.extui %sign3A_80 : i1 to i32
    %sign3A_82 = arith.subi %sign3A_78, %sign3A_81 : i32
    %ne3A_83 = vector.broadcast %sign3A_82 : i32 to vector<16xi32>
    %ne3A_84 = arith.cmpi ne, %sign3A_75, %ne3A_83 : vector<16xi32>
    %rem3A_85 = vector.broadcast %jit3A_64 : i32 to vector<16xi32>
    %rem3A_86 = arith.remsi %get3A_63, %rem3A_85 : vector<16xi32>
    %ne3A_87 = arith.constant 0 : i32
    %ne3A_88 = vector.broadcast %ne3A_87 : i32 to vector<16xi32>
    %ne3A_89 = arith.cmpi ne, %rem3A_86, %ne3A_88 : vector<16xi32>
    %and3A_90 = arith.andi %ne3A_84, %ne3A_89 : vector<16xi1>
    %sub3A_91 = arith.constant 1 : i32
    %sub3A_92 = vector.broadcast %sub3A_91 : i32 to vector<16xi32>
    %sub3A_93 = arith.subi %div3A_66, %sub3A_92 : vector<16xi32>
    %select_n3A_94 = arith.select %and3A_90, %sub3A_93, %div3A_66 : vector<16xi1>, vector<16xi32>
    %mul3A_95 = arith.constant 200 : i32
    %mul3A_96 = vector.broadcast %mul3A_95 : i32 to vector<16xi32>
    %mul3A_97 = arith.muli %select_n3A_94, %mul3A_96 : vector<16xi32>
    %sub3A_98 = arith.subi %get3A_63, %mul3A_97 : vector<16xi32>
    %gather3A_99 = tpu.vector_load_idx %arg17[%select_n3A_94] : memref<64xi32, #tpu.memory_space<vmem>>[vector<16xi32>], vector<16xi32>,
    %eq3A_100 = arith.cmpi eq, %gather3A_99, %sub3A_98 : vector<16xi32>
    %jit3A_101 = arith.constant 63 : i32
    %broadcast_in_dim3A_102 = vector.broadcast %jit3A_101 : i32 to vector<16xi32>
    %select_n3A_103 = arith.select %eq3A_100, %select_n3A_94, %broadcast_in_dim3A_102 : vector<16xi1>, vector<16xi32>
    %gather3A_104 = tpu.vector_load_idx %arg16[%get3A_61] : memref<10000xi32, #tpu.memory_space<vmem>>[vector<16xi32>], vector<16xi32>,
    %gather3A_105 = tpu.vector_load_idx %arg13[%get3A_61] : memref<10000xf32, #tpu.memory_space<vmem>>[vector<16xi32>], vector<16xf32>,
    %gather3A_106 = tpu.vector_load_idx %arg13[%get3A_63] : memref<10000xf32, #tpu.memory_space<vmem>>[vector<16xi32>], vector<16xf32>,
    %sub3A_107 = arith.subf %gather3A_105, %gather3A_106 : vector<16xf32>
    %gather3A_108 = tpu.vector_load_idx %arg14[%get3A_61] : memref<10000xf32, #tpu.memory_space<vmem>>[vector<16xi32>], vector<16xf32>,
    %gather3A_109 = tpu.vector_load_idx %arg14[%get3A_63] : memref<10000xf32, #tpu.memory_space<vmem>>[vector<16xi32>], vector<16xf32>,
    %sub3A_110 = arith.subf %gather3A_108, %gather3A_109 : vector<16xf32>
    %gather3A_111 = tpu.vector_load_idx %arg15[%get3A_61] : memref<10000xf32, #tpu.memory_space<vmem>>[vector<16xi32>], vector<16xf32>,
    %gather3A_112 = tpu.vector_load_idx %arg15[%get3A_63] : memref<10000xf32, #tpu.memory_space<vmem>>[vector<16xi32>], vector<16xf32>,
    %sub3A_113 = arith.subf %gather3A_111, %gather3A_112 : vector<16xf32>
    %mul3A_114 = arith.mulf %sub3A_107, %sub3A_107 : vector<16xf32>
    %mul3A_115 = arith.mulf %sub3A_110, %sub3A_110 : vector<16xf32>
    %add3A_116 = arith.addf %mul3A_114, %mul3A_115 : vector<16xf32>
    %mul3A_117 = arith.mulf %sub3A_113, %sub3A_113 : vector<16xf32>
    %add3A_118 = arith.addf %add3A_116, %mul3A_117 : vector<16xf32>
    %swap3A_119 = arith.constant 4880 : index
    %swap3A_120 = tpu.vector_load %arg20[%swap3A_119] {strides = array<i32>} : memref<5000xf32, #tpu.memory_space<vmem>>, vector<16xf32>,
    tpu.vector_store %arg20[%swap3A_119], %add3A_118 {strides = array<i32>} : memref<5000xf32, #tpu.memory_space<vmem>>, vector<16xf32>,
    %swap3A_121 = arith.constant 4880 : index
    %swap3A_122 = tpu.vector_load %arg21[%swap3A_121] {strides = array<i32>} : memref<5000xi32, #tpu.memory_space<vmem>>, vector<16xi32>,
    tpu.vector_store %arg21[%swap3A_121], %gather3A_104 {strides = array<i32>} : memref<5000xi32, #tpu.memory_space<vmem>>, vector<16xi32>,
    %swap3A_123 = arith.constant 4880 : index
    %swap3A_124 = tpu.vector_load %arg22[%swap3A_123] {strides = array<i32>} : memref<5000xi32, #tpu.memory_space<vmem>>, vector<16xi32>,
    tpu.vector_store %arg22[%swap3A_123], %select_n3A_103 {strides = array<i32>} : memref<5000xi32, #tpu.memory_space<vmem>>, vector<16xi32>,
    %get3A_125 = arith.constant 4896 : index
    %get3A_126 = tpu.vector_load %arg18[%get3A_125] {strides = array<i32>} : memref<5000xi32, #tpu.memory_space<vmem>>, vector<16xi32>,
    %get3A_127 = arith.constant 4896 : index
    %get3A_128 = tpu.vector_load %arg19[%get3A_127] {strides = array<i32>} : memref<5000xi32, #tpu.memory_space<vmem>>, vector<16xi32>,
    %jit3A_129 = arith.constant 200 : i32
    %div3A_130 = vector.broadcast %jit3A_129 : i32 to vector<16xi32>
    %div3A_131 = arith.divsi %get3A_128, %div3A_130 : vector<16xi32>
    %sign3A_132 = arith.constant 0 : i32
    %sign3A_133 = vector.broadcast %sign3A_132 : i32 to vector<16xi32>
    %sign3A_134 = arith.cmpi sgt, %get3A_128, %sign3A_133 : vector<16xi32>
    %sign3A_135 = arith.extui %sign3A_134 : vector<16xi1> to vector<16xi32>
    %sign3A_136 = arith.constant 0 : i32
    %sign3A_137 = vector.broadcast %sign3A_136 : i32 to vector<16xi32>
    %sign3A_138 = arith.cmpi slt, %get3A_128, %sign3A_137 : vector<16xi32>
    %sign3A_139 = arith.extui %sign3A_138 : vector<16xi1> to vector<16xi32>
    %sign3A_140 = arith.subi %sign3A_135, %sign3A_139 : vector<16xi32>
    %sign3A_141 = arith.constant 0 : i32
    %sign3A_142 = arith.cmpi sgt, %jit3A_129, %sign3A_141 : i32
    %sign3A_143 = arith.extui %sign3A_142 : i1 to i32
    %sign3A_144 = arith.constant 0 : i32
    %sign3A_145 = arith.cmpi slt, %jit3A_129, %sign3A_144 : i32
    %sign3A_146 = arith.extui %sign3A_145 : i1 to i32
    %sign3A_147 = arith.subi %sign3A_143, %sign3A_146 : i32
    %ne3A_148 = vector.broadcast %sign3A_147 : i32 to vector<16xi32>
    %ne3A_149 = arith.cmpi ne, %sign3A_140, %ne3A_148 : vector<16xi32>
    %rem3A_150 = vector.broadcast %jit3A_129 : i32 to vector<16xi32>
    %rem3A_151 = arith.remsi %get3A_128, %rem3A_150 : vector<16xi32>
    %ne3A_152 = arith.constant 0 : i32
    %ne3A_153 = vector.broadcast %ne3A_152 : i32 to vector<16xi32>
    %ne3A_154 = arith.cmpi ne, %rem3A_151, %ne3A_153 : vector<16xi32>
    %and3A_155 = arith.andi %ne3A_149, %ne3A_154 : vector<16xi1>
    %sub3A_156 = arith.constant 1 : i32
    %sub3A_157 = vector.broadcast %sub3A_156 : i32 to vector<16xi32>
    %sub3A_158 = arith.subi %div3A_131, %sub3A_157 : vector<16xi32>
    %select_n3A_159 = arith.select %and3A_155, %sub3A_158, %div3A_131 : vector<16xi1>, vector<16xi32>
    %mul3A_160 = arith.constant 200 : i32
    %mul3A_161 = vector.broadcast %mul3A_160 : i32 to vector<16xi32>
    %mul3A_162 = arith.muli %select_n3A_159, %mul3A_161 : vector<16xi32>
    %sub3A_163 = arith.subi %get3A_128, %mul3A_162 : vector<16xi32>
    %gather3A_164 = tpu.vector_load_idx %arg17[%select_n3A_159] : memref<64xi32, #tpu.memory_space<vmem>>[vector<16xi32>], vector<16xi32>,
    %eq3A_165 = arith.cmpi eq, %gather3A_164, %sub3A_163 : vector<16xi32>
    %jit3A_166 = arith.constant 63 : i32
    %broadcast_in_dim3A_167 = vector.broadcast %jit3A_166 : i32 to vector<16xi32>
    %select_n3A_168 = arith.select %eq3A_165, %select_n3A_159, %broadcast_in_dim3A_167 : vector<16xi1>, vector<16xi32>
    %gather3A_169 = tpu.vector_load_idx %arg16[%get3A_126] : memref<10000xi32, #tpu.memory_space<vmem>>[vector<16xi32>], vector<16xi32>,
    %gather3A_170 = tpu.vector_load_idx %arg13[%get3A_126] : memref<10000xf32, #tpu.memory_space<vmem>>[vector<16xi32>], vector<16xf32>,
    %gather3A_171 = tpu.vector_load_idx %arg13[%get3A_128] : memref<10000xf32, #tpu.memory_space<vmem>>[vector<16xi32>], vector<16xf32>,
    %sub3A_172 = arith.subf %gather3A_170, %gather3A_171 : vector<16xf32>
    %gather3A_173 = tpu.vector_load_idx %arg14[%get3A_126] : memref<10000xf32, #tpu.memory_space<vmem>>[vector<16xi32>], vector<16xf32>,
    %gather3A_174 = tpu.vector_load_idx %arg14[%get3A_128] : memref<10000xf32, #tpu.memory_space<vmem>>[vector<16xi32>], vector<16xf32>,
    %sub3A_175 = arith.subf %gather3A_173, %gather3A_174 : vector<16xf32>
    %gather3A_176 = tpu.vector_load_idx %arg15[%get3A_126] : memref<10000xf32, #tpu.memory_space<vmem>>[vector<16xi32>], vector<16xf32>,
    %gather3A_177 = tpu.vector_load_idx %arg15[%get3A_128] : memref<10000xf32, #tpu.memory_space<vmem>>[vector<16xi32>], vector<16xf32>,
    %sub3A_178 = arith.subf %gather3A_176, %gather3A_177 : vector<16xf32>
    %mul3A_179 = arith.mulf %sub3A_172, %sub3A_172 : vector<16xf32>
    %mul3A_180 = arith.mulf %sub3A_175, %sub3A_175 : vector<16xf32>
    %add3A_181 = arith.addf %mul3A_179, %mul3A_180 : vector<16xf32>
    %mul3A_182 = arith.mulf %sub3A_178, %sub3A_178 : vector<16xf32>
    %add3A_183 = arith.addf %add3A_181, %mul3A_182 : vector<16xf32>
    %swap3A_184 = arith.constant 4896 : index
    %swap3A_185 = tpu.vector_load %arg20[%swap3A_184] {strides = array<i32>} : memref<5000xf32, #tpu.memory_space<vmem>>, vector<16xf32>,
    tpu.vector_store %arg20[%swap3A_184], %add3A_183 {strides = array<i32>} : memref<5000xf32, #tpu.memory_space<vmem>>, vector<16xf32>,
    %swap3A_186 = arith.constant 4896 : index
    %swap3A_187 = tpu.vector_load %arg21[%swap3A_186] {strides = array<i32>} : memref<5000xi32, #tpu.memory_space<vmem>>, vector<16xi32>,
    tpu.vector_store %arg21[%swap3A_186], %gather3A_169 {strides = array<i32>} : memref<5000xi32, #tpu.memory_space<vmem>>, vector<16xi32>,
    %swap3A_188 = arith.constant 4896 : index
    %swap3A_189 = tpu.vector_load %arg22[%swap3A_188] {strides = array<i32>} : memref<5000xi32, #tpu.memory_space<vmem>>, vector<16xi32>,
    tpu.vector_store %arg22[%swap3A_188], %select_n3A_168 {strides = array<i32>} : memref<5000xi32, #tpu.memory_space<vmem>>, vector<16xi32>,
    %get3A_190 = arith.constant 4912 : index
    %get3A_191 = tpu.vector_load %arg18[%get3A_190] {strides = array<i32>} : memref<5000xi32, #tpu.memory_space<vmem>>, vector<16xi32>,
    %get3A_192 = arith.constant 4912 : index
    %get3A_193 = tpu.vector_load %arg19[%get3A_192] {strides = array<i32>} : memref<5000xi32, #tpu.memory_space<vmem>>, vector<16xi32>,
    %jit3A_194 = arith.constant 200 : i32
    %div3A_195 = vector.broadcast %jit3A_194 : i32 to vector<16xi32>
    %div3A_196 = arith.divsi %get3A_193, %div3A_195 : vector<16xi32>
    %sign3A_197 = arith.constant 0 : i32
    %sign3A_198 = vector.broadcast %sign3A_197 : i32 to vector<16xi32>
    %sign3A_199 = arith.cmpi sgt, %get3A_193, %sign3A_198 : vector<16xi32>
    %sign3A_200 = arith.extui %sign3A_199 : vector<16xi1> to vector<16xi32>
    %sign3A_201 = arith.constant 0 : i32
    %sign3A_202 = vector.broadcast %sign3A_201 : i32 to vector<16xi32>
    %sign3A_203 = arith.cmpi slt, %get3A_193, %sign3A_202 : vector<16xi32>
    %sign3A_204 = arith.extui %sign3A_203 : vector<16xi1> to vector<16xi32>
    %sign3A_205 = arith.subi %sign3A_200, %sign3A_204 : vector<16xi32>
    %sign3A_206 = arith.constant 0 : i32
    %sign3A_207 = arith.cmpi sgt, %jit3A_194, %sign3A_206 : i32
    %sign3A_208 = arith.extui %sign3A_207 : i1 to i32
    %sign3A_209 = arith.constant 0 : i32
    %sign3A_210 = arith.cmpi slt, %jit3A_194, %sign3A_209 : i32
    %sign3A_211 = arith.extui %sign3A_210 : i1 to i32
    %sign3A_212 = arith.subi %sign3A_208, %sign3A_211 : i32
    %ne3A_213 = vector.broadcast %sign3A_212 : i32 to vector<16xi32>
    %ne3A_214 = arith.cmpi ne, %sign3A_205, %ne3A_213 : vector<16xi32>
    %rem3A_215 = vector.broadcast %jit3A_194 : i32 to vector<16xi32>
    %rem3A_216 = arith.remsi %get3A_193, %rem3A_215 : vector<16xi32>
    %ne3A_217 = arith.constant 0 : i32
    %ne3A_218 = vector.broadcast %ne3A_217 : i32 to vector<16xi32>
    %ne3A_219 = arith.cmpi ne, %rem3A_216, %ne3A_218 : vector<16xi32>
    %and3A_220 = arith.andi %ne3A_214, %ne3A_219 : vector<16xi1>
    %sub3A_221 = arith.constant 1 : i32
    %sub3A_222 = vector.broadcast %sub3A_221 : i32 to vector<16xi32>
    %sub3A_223 = arith.subi %div3A_196, %sub3A_222 : vector<16xi32>
    %select_n3A_224 = arith.select %and3A_220, %sub3A_223, %div3A_196 : vector<16xi1>, vector<16xi32>
    %mul3A_225 = arith.constant 200 : i32
    %mul3A_226 = vector.broadcast %mul3A_225 : i32 to vector<16xi32>
    %mul3A_227 = arith.muli %select_n3A_224, %mul3A_226 : vector<16xi32>
    %sub3A_228 = arith.subi %get3A_193, %mul3A_227 : vector<16xi32>
    %gather3A_229 = tpu.vector_load_idx %arg17[%select_n3A_224] : memref<64xi32, #tpu.memory_space<vmem>>[vector<16xi32>], vector<16xi32>,
    %eq3A_230 = arith.cmpi eq, %gather3A_229, %sub3A_228 : vector<16xi32>
    %jit3A_231 = arith.constant 63 : i32
    %broadcast_in_dim3A_232 = vector.broadcast %jit3A_231 : i32 to vector<16xi32>
    %select_n3A_233 = arith.select %eq3A_230, %select_n3A_224, %broadcast_in_dim3A_232 : vector<16xi1>, vector<16xi32>
    %gather3A_234 = tpu.vector_load_idx %arg16[%get3A_191] : memref<10000xi32, #tpu.memory_space<vmem>>[vector<16xi32>], vector<16xi32>,
    %gather3A_235 = tpu.vector_load_idx %arg13[%get3A_191] : memref<10000xf32, #tpu.memory_space<vmem>>[vector<16xi32>], vector<16xf32>,
    %gather3A_236 = tpu.vector_load_idx %arg13[%get3A_193] : memref<10000xf32, #tpu.memory_space<vmem>>[vector<16xi32>], vector<16xf32>,
    %sub3A_237 = arith.subf %gather3A_235, %gather3A_236 : vector<16xf32>
    %gather3A_238 = tpu.vector_load_idx %arg14[%get3A_191] : memref<10000xf32, #tpu.memory_space<vmem>>[vector<16xi32>], vector<16xf32>,
    %gather3A_239 = tpu.vector_load_idx %arg14[%get3A_193] : memref<10000xf32, #tpu.memory_space<vmem>>[vector<16xi32>], vector<16xf32>,
    %sub3A_240 = arith.subf %gather3A_238, %gather3A_239 : vector<16xf32>
    %gather3A_241 = tpu.vector_load_idx %arg15[%get3A_191] : memref<10000xf32, #tpu.memory_space<vmem>>[vector<16xi32>], vector<16xf32>,
    %gather3A_242 = tpu.vector_load_idx %arg15[%get3A_193] : memref<10000xf32, #tpu.memory_space<vmem>>[vector<16xi32>], vector<16xf32>,
    %sub3A_243 = arith.subf %gather3A_241, %gather3A_242 : vector<16xf32>
    %mul3A_244 = arith.mulf %sub3A_237, %sub3A_237 : vector<16xf32>
    %mul3A_245 = arith.mulf %sub3A_240, %sub3A_240 : vector<16xf32>
    %add3A_246 = arith.addf %mul3A_244, %mul3A_245 : vector<16xf32>
    %mul3A_247 = arith.mulf %sub3A_243, %sub3A_243 : vector<16xf32>
    %add3A_248 = arith.addf %add3A_246, %mul3A_247 : vector<16xf32>
    %swap3A_249 = arith.constant 4912 : index
    %swap3A_250 = tpu.vector_load %arg20[%swap3A_249] {strides = array<i32>} : memref<5000xf32, #tpu.memory_space<vmem>>, vector<16xf32>,
    tpu.vector_store %arg20[%swap3A_249], %add3A_248 {strides = array<i32>} : memref<5000xf32, #tpu.memory_space<vmem>>, vector<16xf32>,
    %swap3A_251 = arith.constant 4912 : index
    %swap3A_252 = tpu.vector_load %arg21[%swap3A_251] {strides = array<i32>} : memref<5000xi32, #tpu.memory_space<vmem>>, vector<16xi32>,
    tpu.vector_store %arg21[%swap3A_251], %gather3A_234 {strides = array<i32>} : memref<5000xi32, #tpu.memory_space<vmem>>, vector<16xi32>,
    %swap3A_253 = arith.constant 4912 : index
    %swap3A_254 = tpu.vector_load %arg22[%swap3A_253] {strides = array<i32>} : memref<5000xi32, #tpu.memory_space<vmem>>, vector<16xi32>,
    tpu.vector_store %arg22[%swap3A_253], %select_n3A_233 {strides = array<i32>} : memref<5000xi32, #tpu.memory_space<vmem>>, vector<16xi32>,
    %get3A_255 = arith.constant 4928 : index
    %get3A_256 = tpu.vector_load %arg18[%get3A_255] {strides = array<i32>} : memref<5000xi32, #tpu.memory_space<vmem>>, vector<16xi32>,
    %get3A_257 = arith.constant 4928 : index
    %get3A_258 = tpu.vector_load %arg19[%get3A_257] {strides = array<i32>} : memref<5000xi32, #tpu.memory_space<vmem>>, vector<16xi32>,
    %jit3A_259 = arith.constant 200 : i32
    %div3A_260 = vector.broadcast %jit3A_259 : i32 to vector<16xi32>
    %div3A_261 = arith.divsi %get3A_258, %div3A_260 : vector<16xi32>
    %sign3A_262 = arith.constant 0 : i32
    %sign3A_263 = vector.broadcast %sign3A_262 : i32 to vector<16xi32>
    %sign3A_264 = arith.cmpi sgt, %get3A_258, %sign3A_263 : vector<16xi32>
    %sign3A_265 = arith.extui %sign3A_264 : vector<16xi1> to vector<16xi32>
    %sign3A_266 = arith.constant 0 : i32
    %sign3A_267 = vector.broadcast %sign3A_266 : i32 to vector<16xi32>
    %sign3A_268 = arith.cmpi slt, %get3A_258, %sign3A_267 : vector<16xi32>
    %sign3A_269 = arith.extui %sign3A_268 : vector<16xi1> to vector<16xi32>
    %sign3A_270 = arith.subi %sign3A_265, %sign3A_269 : vector<16xi32>
    %sign3A_271 = arith.constant 0 : i32
    %sign3A_272 = arith.cmpi sgt, %jit3A_259, %sign3A_271 : i32
    %sign3A_273 = arith.extui %sign3A_272 : i1 to i32
    %sign3A_274 = arith.constant 0 : i32
    %sign3A_275 = arith.cmpi slt, %jit3A_259, %sign3A_274 : i32
    %sign3A_276 = arith.extui %sign3A_275 : i1 to i32
    %sign3A_277 = arith.subi %sign3A_273, %sign3A_276 : i32
    %ne3A_278 = vector.broadcast %sign3A_277 : i32 to vector<16xi32>
    %ne3A_279 = arith.cmpi ne, %sign3A_270, %ne3A_278 : vector<16xi32>
    %rem3A_280 = vector.broadcast %jit3A_259 : i32 to vector<16xi32>
    %rem3A_281 = arith.remsi %get3A_258, %rem3A_280 : vector<16xi32>
    %ne3A_282 = arith.constant 0 : i32
    %ne3A_283 = vector.broadcast %ne3A_282 : i32 to vector<16xi32>
    %ne3A_284 = arith.cmpi ne, %rem3A_281, %ne3A_283 : vector<16xi32>
    %and3A_285 = arith.andi %ne3A_279, %ne3A_284 : vector<16xi1>
    %sub3A_286 = arith.constant 1 : i32
    %sub3A_287 = vector.broadcast %sub3A_286 : i32 to vector<16xi32>
    %sub3A_288 = arith.subi %div3A_261, %sub3A_287 : vector<16xi32>
    %select_n3A_289 = arith.select %and3A_285, %sub3A_288, %div3A_261 : vector<16xi1>, vector<16xi32>
    %mul3A_290 = arith.constant 200 : i32
    %mul3A_291 = vector.broadcast %mul3A_290 : i32 to vector<16xi32>
    %mul3A_292 = arith.muli %select_n3A_289, %mul3A_291 : vector<16xi32>
    %sub3A_293 = arith.subi %get3A_258, %mul3A_292 : vector<16xi32>
    %gather3A_294 = tpu.vector_load_idx %arg17[%select_n3A_289] : memref<64xi32, #tpu.memory_space<vmem>>[vector<16xi32>], vector<16xi32>,
    %eq3A_295 = arith.cmpi eq, %gather3A_294, %sub3A_293 : vector<16xi32>
    %jit3A_296 = arith.constant 63 : i32
    %broadcast_in_dim3A_297 = vector.broadcast %jit3A_296 : i32 to vector<16xi32>
    %select_n3A_298 = arith.select %eq3A_295, %select_n3A_289, %broadcast_in_dim3A_297 : vector<16xi1>, vector<16xi32>
    %gather3A_299 = tpu.vector_load_idx %arg16[%get3A_256] : memref<10000xi32, #tpu.memory_space<vmem>>[vector<16xi32>], vector<16xi32>,
    %gather3A_300 = tpu.vector_load_idx %arg13[%get3A_256] : memref<10000xf32, #tpu.memory_space<vmem>>[vector<16xi32>], vector<16xf32>,
    %gather3A_301 = tpu.vector_load_idx %arg13[%get3A_258] : memref<10000xf32, #tpu.memory_space<vmem>>[vector<16xi32>], vector<16xf32>,
    %sub3A_302 = arith.subf %gather3A_300, %gather3A_301 : vector<16xf32>
    %gather3A_303 = tpu.vector_load_idx %arg14[%get3A_256] : memref<10000xf32, #tpu.memory_space<vmem>>[vector<16xi32>], vector<16xf32>,
    %gather3A_304 = tpu.vector_load_idx %arg14[%get3A_258] : memref<10000xf32, #tpu.memory_space<vmem>>[vector<16xi32>], vector<16xf32>,
    %sub3A_305 = arith.subf %gather3A_303, %gather3A_304 : vector<16xf32>
    %gather3A_306 = tpu.vector_load_idx %arg15[%get3A_256] : memref<10000xf32, #tpu.memory_space<vmem>>[vector<16xi32>], vector<16xf32>,
    %gather3A_307 = tpu.vector_load_idx %arg15[%get3A_258] : memref<10000xf32, #tpu.memory_space<vmem>>[vector<16xi32>], vector<16xf32>,
    %sub3A_308 = arith.subf %gather3A_306, %gather3A_307 : vector<16xf32>
    %mul3A_309 = arith.mulf %sub3A_302, %sub3A_302 : vector<16xf32>
    %mul3A_310 = arith.mulf %sub3A_305, %sub3A_305 : vector<16xf32>
    %add3A_311 = arith.addf %mul3A_309, %mul3A_310 : vector<16xf32>
    %mul3A_312 = arith.mulf %sub3A_308, %sub3A_308 : vector<16xf32>
    %add3A_313 = arith.addf %add3A_311, %mul3A_312 : vector<16xf32>
    %swap3A_314 = arith.constant 4928 : index
    %swap3A_315 = tpu.vector_load %arg20[%swap3A_314] {strides = array<i32>} : memref<5000xf32, #tpu.memory_space<vmem>>, vector<16xf32>,
    tpu.vector_store %arg20[%swap3A_314], %add3A_313 {strides = array<i32>} : memref<5000xf32, #tpu.memory_space<vmem>>, vector<16xf32>,
    %swap3A_316 = arith.constant 4928 : index
    %swap3A_317 = tpu.vector_load %arg21[%swap3A_316] {strides = array<i32>} : memref<5000xi32, #tpu.memory_space<vmem>>, vector<16xi32>,
    tpu.vector_store %arg21[%swap3A_316], %gather3A_299 {strides = array<i32>} : memref<5000xi32, #tpu.memory_space<vmem>>, vector<16xi32>,
    %swap3A_318 = arith.constant 4928 : index
    %swap3A_319 = tpu.vector_load %arg22[%swap3A_318] {strides = array<i32>} : memref<5000xi32, #tpu.memory_space<vmem>>, vector<16xi32>,
    tpu.vector_store %arg22[%swap3A_318], %select_n3A_298 {strides = array<i32>} : memref<5000xi32, #tpu.memory_space<vmem>>, vector<16xi32>,
    %get3A_320 = arith.constant 4944 : index
    %get3A_321 = tpu.vector_load %arg18[%get3A_320] {strides = array<i32>} : memref<5000xi32, #tpu.memory_space<vmem>>, vector<16xi32>,
    %get3A_322 = arith.constant 4944 : index
    %get3A_323 = tpu.vector_load %arg19[%get3A_322] {strides = array<i32>} : memref<5000xi32, #tpu.memory_space<vmem>>, vector<16xi32>,
    %jit3A_324 = arith.constant 200 : i32
    %div3A_325 = vector.broadcast %jit3A_324 : i32 to vector<16xi32>
    %div3A_326 = arith.divsi %get3A_323, %div3A_325 : vector<16xi32>
    %sign3A_327 = arith.constant 0 : i32
    %sign3A_328 = vector.broadcast %sign3A_327 : i32 to vector<16xi32>
    %sign3A_329 = arith.cmpi sgt, %get3A_323, %sign3A_328 : vector<16xi32>
    %sign3A_330 = arith.extui %sign3A_329 : vector<16xi1> to vector<16xi32>
    %sign3A_331 = arith.constant 0 : i32
    %sign3A_332 = vector.broadcast %sign3A_331 : i32 to vector<16xi32>
    %sign3A_333 = arith.cmpi slt, %get3A_323, %sign3A_332 : vector<16xi32>
    %sign3A_334 = arith.extui %sign3A_333 : vector<16xi1> to vector<16xi32>
    %sign3A_335 = arith.subi %sign3A_330, %sign3A_334 : vector<16xi32>
    %sign3A_336 = arith.constant 0 : i32
    %sign3A_337 = arith.cmpi sgt, %jit3A_324, %sign3A_336 : i32
    %sign3A_338 = arith.extui %sign3A_337 : i1 to i32
    %sign3A_339 = arith.constant 0 : i32
    %sign3A_340 = arith.cmpi slt, %jit3A_324, %sign3A_339 : i32
    %sign3A_341 = arith.extui %sign3A_340 : i1 to i32
    %sign3A_342 = arith.subi %sign3A_338, %sign3A_341 : i32
    %ne3A_343 = vector.broadcast %sign3A_342 : i32 to vector<16xi32>
    %ne3A_344 = arith.cmpi ne, %sign3A_335, %ne3A_343 : vector<16xi32>
    %rem3A_345 = vector.broadcast %jit3A_324 : i32 to vector<16xi32>
    %rem3A_346 = arith.remsi %get3A_323, %rem3A_345 : vector<16xi32>
    %ne3A_347 = arith.constant 0 : i32
    %ne3A_348 = vector.broadcast %ne3A_347 : i32 to vector<16xi32>
    %ne3A_349 = arith.cmpi ne, %rem3A_346, %ne3A_348 : vector<16xi32>
    %and3A_350 = arith.andi %ne3A_344, %ne3A_349 : vector<16xi1>
    %sub3A_351 = arith.constant 1 : i32
    %sub3A_352 = vector.broadcast %sub3A_351 : i32 to vector<16xi32>
    %sub3A_353 = arith.subi %div3A_326, %sub3A_352 : vector<16xi32>
    %select_n3A_354 = arith.select %and3A_350, %sub3A_353, %div3A_326 : vector<16xi1>, vector<16xi32>
    %mul3A_355 = arith.constant 200 : i32
    %mul3A_356 = vector.broadcast %mul3A_355 : i32 to vector<16xi32>
    %mul3A_357 = arith.muli %select_n3A_354, %mul3A_356 : vector<16xi32>
    %sub3A_358 = arith.subi %get3A_323, %mul3A_357 : vector<16xi32>
    %gather3A_359 = tpu.vector_load_idx %arg17[%select_n3A_354] : memref<64xi32, #tpu.memory_space<vmem>>[vector<16xi32>], vector<16xi32>,
    %eq3A_360 = arith.cmpi eq, %gather3A_359, %sub3A_358 : vector<16xi32>
    %jit3A_361 = arith.constant 63 : i32
    %broadcast_in_dim3A_362 = vector.broadcast %jit3A_361 : i32 to vector<16xi32>
    %select_n3A_363 = arith.select %eq3A_360, %select_n3A_354, %broadcast_in_dim3A_362 : vector<16xi1>, vector<16xi32>
    %gather3A_364 = tpu.vector_load_idx %arg16[%get3A_321] : memref<10000xi32, #tpu.memory_space<vmem>>[vector<16xi32>], vector<16xi32>,
    %gather3A_365 = tpu.vector_load_idx %arg13[%get3A_321] : memref<10000xf32, #tpu.memory_space<vmem>>[vector<16xi32>], vector<16xf32>,
    %gather3A_366 = tpu.vector_load_idx %arg13[%get3A_323] : memref<10000xf32, #tpu.memory_space<vmem>>[vector<16xi32>], vector<16xf32>,
    %sub3A_367 = arith.subf %gather3A_365, %gather3A_366 : vector<16xf32>
    %gather3A_368 = tpu.vector_load_idx %arg14[%get3A_321] : memref<10000xf32, #tpu.memory_space<vmem>>[vector<16xi32>], vector<16xf32>,
    %gather3A_369 = tpu.vector_load_idx %arg14[%get3A_323] : memref<10000xf32, #tpu.memory_space<vmem>>[vector<16xi32>], vector<16xf32>,
    %sub3A_370 = arith.subf %gather3A_368, %gather3A_369 : vector<16xf32>
    %gather3A_371 = tpu.vector_load_idx %arg15[%get3A_321] : memref<10000xf32, #tpu.memory_space<vmem>>[vector<16xi32>], vector<16xf32>,
    %gather3A_372 = tpu.vector_load_idx %arg15[%get3A_323] : memref<10000xf32, #tpu.memory_space<vmem>>[vector<16xi32>], vector<16xf32>,
    %sub3A_373 = arith.subf %gather3A_371, %gather3A_372 : vector<16xf32>
    %mul3A_374 = arith.mulf %sub3A_367, %sub3A_367 : vector<16xf32>
    %mul3A_375 = arith.mulf %sub3A_370, %sub3A_370 : vector<16xf32>
    %add3A_376 = arith.addf %mul3A_374, %mul3A_375 : vector<16xf32>
    %mul3A_377 = arith.mulf %sub3A_373, %sub3A_373 : vector<16xf32>
    %add3A_378 = arith.addf %add3A_376, %mul3A_377 : vector<16xf32>
    %swap3A_379 = arith.constant 4944 : index
    %swap3A_380 = tpu.vector_load %arg20[%swap3A_379] {strides = array<i32>} : memref<5000xf32, #tpu.memory_space<vmem>>, vector<16xf32>,
    tpu.vector_store %arg20[%swap3A_379], %add3A_378 {strides = array<i32>} : memref<5000xf32, #tpu.memory_space<vmem>>, vector<16xf32>,
    %swap3A_381 = arith.constant 4944 : index
    %swap3A_382 = tpu.vector_load %arg21[%swap3A_381] {strides = array<i32>} : memref<5000xi32, #tpu.memory_space<vmem>>, vector<16xi32>,
    tpu.vector_store %arg21[%swap3A_381], %gather3A_364 {strides = array<i32>} : memref<5000xi32, #tpu.memory_space<vmem>>, vector<16xi32>,
    %swap3A_383 = arith.constant 4944 : index
    %swap3A_384 = tpu.vector_load %arg22[%swap3A_383] {strides = array<i32>} : memref<5000xi32, #tpu.memory_space<vmem>>, vector<16xi32>,
    tpu.vector_store %arg22[%swap3A_383], %select_n3A_363 {strides = array<i32>} : memref<5000xi32, #tpu.memory_space<vmem>>, vector<16xi32>,
    %get3A_385 = arith.constant 4960 : index
    %get3A_386 = tpu.vector_load %arg18[%get3A_385] {strides = array<i32>} : memref<5000xi32, #tpu.memory_space<vmem>>, vector<16xi32>,
    %get3A_387 = arith.constant 4960 : index
    %get3A_388 = tpu.vector_load %arg19[%get3A_387] {strides = array<i32>} : memref<5000xi32, #tpu.memory_space<vmem>>, vector<16xi32>,
    %jit3A_389 = arith.constant 200 : i32
    %div3A_390 = vector.broadcast %jit3A_389 : i32 to vector<16xi32>
    %div3A_391 = arith.divsi %get3A_388, %div3A_390 : vector<16xi32>
    %sign3A_392 = arith.constant 0 : i32
    %sign3A_393 = vector.broadcast %sign3A_392 : i32 to vector<16xi32>
    %sign3A_394 = arith.cmpi sgt, %get3A_388, %sign3A_393 : vector<16xi32>
    %sign3A_395 = arith.extui %sign3A_394 : vector<16xi1> to vector<16xi32>
    %sign3A_396 = arith.constant 0 : i32
    %sign3A_397 = vector.broadcast %sign3A_396 : i32 to vector<16xi32>
    %sign3A_398 = arith.cmpi slt, %get3A_388, %sign3A_397 : vector<16xi32>
    %sign3A_399 = arith.extui %sign3A_398 : vector<16xi1> to vector<16xi32>
    %sign3A_400 = arith.subi %sign3A_395, %sign3A_399 : vector<16xi32>
    %sign3A_401 = arith.constant 0 : i32
    %sign3A_402 = arith.cmpi sgt, %jit3A_389, %sign3A_401 : i32
    %sign3A_403 = arith.extui %sign3A_402 : i1 to i32
    %sign3A_404 = arith.constant 0 : i32
    %sign3A_405 = arith.cmpi slt, %jit3A_389, %sign3A_404 : i32
    %sign3A_406 = arith.extui %sign3A_405 : i1 to i32
    %sign3A_407 = arith.subi %sign3A_403, %sign3A_406 : i32
    %ne3A_408 = vector.broadcast %sign3A_407 : i32 to vector<16xi32>
    %ne3A_409 = arith.cmpi ne, %sign3A_400, %ne3A_408 : vector<16xi32>
    %rem3A_410 = vector.broadcast %jit3A_389 : i32 to vector<16xi32>
    %rem3A_411 = arith.remsi %get3A_388, %rem3A_410 : vector<16xi32>
    %ne3A_412 = arith.constant 0 : i32
    %ne3A_413 = vector.broadcast %ne3A_412 : i32 to vector<16xi32>
    %ne3A_414 = arith.cmpi ne, %rem3A_411, %ne3A_413 : vector<16xi32>
    %and3A_415 = arith.andi %ne3A_409, %ne3A_414 : vector<16xi1>
    %sub3A_416 = arith.constant 1 : i32
    %sub3A_417 = vector.broadcast %sub3A_416 : i32 to vector<16xi32>
    %sub3A_418 = arith.subi %div3A_391, %sub3A_417 : vector<16xi32>
    %select_n3A_419 = arith.select %and3A_415, %sub3A_418, %div3A_391 : vector<16xi1>, vector<16xi32>
    %mul3A_420 = arith.constant 200 : i32
    %mul3A_421 = vector.broadcast %mul3A_420 : i32 to vector<16xi32>
    %mul3A_422 = arith.muli %select_n3A_419, %mul3A_421 : vector<16xi32>
    %sub3A_423 = arith.subi %get3A_388, %mul3A_422 : vector<16xi32>
    %gather3A_424 = tpu.vector_load_idx %arg17[%select_n3A_419] : memref<64xi32, #tpu.memory_space<vmem>>[vector<16xi32>], vector<16xi32>,
    %eq3A_425 = arith.cmpi eq, %gather3A_424, %sub3A_423 : vector<16xi32>
    %jit3A_426 = arith.constant 63 : i32
    %broadcast_in_dim3A_427 = vector.broadcast %jit3A_426 : i32 to vector<16xi32>
    %select_n3A_428 = arith.select %eq3A_425, %select_n3A_419, %broadcast_in_dim3A_427 : vector<16xi1>, vector<16xi32>
    %gather3A_429 = tpu.vector_load_idx %arg16[%get3A_386] : memref<10000xi32, #tpu.memory_space<vmem>>[vector<16xi32>], vector<16xi32>,
    %gather3A_430 = tpu.vector_load_idx %arg13[%get3A_386] : memref<10000xf32, #tpu.memory_space<vmem>>[vector<16xi32>], vector<16xf32>,
    %gather3A_431 = tpu.vector_load_idx %arg13[%get3A_388] : memref<10000xf32, #tpu.memory_space<vmem>>[vector<16xi32>], vector<16xf32>,
    %sub3A_432 = arith.subf %gather3A_430, %gather3A_431 : vector<16xf32>
    %gather3A_433 = tpu.vector_load_idx %arg14[%get3A_386] : memref<10000xf32, #tpu.memory_space<vmem>>[vector<16xi32>], vector<16xf32>,
    %gather3A_434 = tpu.vector_load_idx %arg14[%get3A_388] : memref<10000xf32, #tpu.memory_space<vmem>>[vector<16xi32>], vector<16xf32>,
    %sub3A_435 = arith.subf %gather3A_433, %gather3A_434 : vector<16xf32>
    %gather3A_436 = tpu.vector_load_idx %arg15[%get3A_386] : memref<10000xf32, #tpu.memory_space<vmem>>[vector<16xi32>], vector<16xf32>,
    %gather3A_437 = tpu.vector_load_idx %arg15[%get3A_388] : memref<10000xf32, #tpu.memory_space<vmem>>[vector<16xi32>], vector<16xf32>,
    %sub3A_438 = arith.subf %gather3A_436, %gather3A_437 : vector<16xf32>
    %mul3A_439 = arith.mulf %sub3A_432, %sub3A_432 : vector<16xf32>
    %mul3A_440 = arith.mulf %sub3A_435, %sub3A_435 : vector<16xf32>
    %add3A_441 = arith.addf %mul3A_439, %mul3A_440 : vector<16xf32>
    %mul3A_442 = arith.mulf %sub3A_438, %sub3A_438 : vector<16xf32>
    %add3A_443 = arith.addf %add3A_441, %mul3A_442 : vector<16xf32>
    %swap3A_444 = arith.constant 4960 : index
    %swap3A_445 = tpu.vector_load %arg20[%swap3A_444] {strides = array<i32>} : memref<5000xf32, #tpu.memory_space<vmem>>, vector<16xf32>,
    tpu.vector_store %arg20[%swap3A_444], %add3A_443 {strides = array<i32>} : memref<5000xf32, #tpu.memory_space<vmem>>, vector<16xf32>,
    %swap3A_446 = arith.constant 4960 : index
    %swap3A_447 = tpu.vector_load %arg21[%swap3A_446] {strides = array<i32>} : memref<5000xi32, #tpu.memory_space<vmem>>, vector<16xi32>,
    tpu.vector_store %arg21[%swap3A_446], %gather3A_429 {strides = array<i32>} : memref<5000xi32, #tpu.memory_space<vmem>>, vector<16xi32>,
    %swap3A_448 = arith.constant 4960 : index
    %swap3A_449 = tpu.vector_load %arg22[%swap3A_448] {strides = array<i32>} : memref<5000xi32, #tpu.memory_space<vmem>>, vector<16xi32>,
    tpu.vector_store %arg22[%swap3A_448], %select_n3A_428 {strides = array<i32>} : memref<5000xi32, #tpu.memory_space<vmem>>, vector<16xi32>,
    %get3A_450 = arith.constant 4976 : index
    %get3A_451 = tpu.vector_load %arg18[%get3A_450] {strides = array<i32>} : memref<5000xi32, #tpu.memory_space<vmem>>, vector<16xi32>,
    %get3A_452 = arith.constant 4976 : index
    %get3A_453 = tpu.vector_load %arg19[%get3A_452] {strides = array<i32>} : memref<5000xi32, #tpu.memory_space<vmem>>, vector<16xi32>,
    %jit3A_454 = arith.constant 200 : i32
    %div3A_455 = vector.broadcast %jit3A_454 : i32 to vector<16xi32>
    %div3A_456 = arith.divsi %get3A_453, %div3A_455 : vector<16xi32>
    %sign3A_457 = arith.constant 0 : i32
    %sign3A_458 = vector.broadcast %sign3A_457 : i32 to vector<16xi32>
    %sign3A_459 = arith.cmpi sgt, %get3A_453, %sign3A_458 : vector<16xi32>
    %sign3A_460 = arith.extui %sign3A_459 : vector<16xi1> to vector<16xi32>
    %sign3A_461 = arith.constant 0 : i32
    %sign3A_462 = vector.broadcast %sign3A_461 : i32 to vector<16xi32>
    %sign3A_463 = arith.cmpi slt, %get3A_453, %sign3A_462 : vector<16xi32>
    %sign3A_464 = arith.extui %sign3A_463 : vector<16xi1> to vector<16xi32>
    %sign3A_465 = arith.subi %sign3A_460, %sign3A_464 : vector<16xi32>
    %sign3A_466 = arith.constant 0 : i32
    %sign3A_467 = arith.cmpi sgt, %jit3A_454, %sign3A_466 : i32
    %sign3A_468 = arith.extui %sign3A_467 : i1 to i32
    %sign3A_469 = arith.constant 0 : i32
    %sign3A_470 = arith.cmpi slt, %jit3A_454, %sign3A_469 : i32
    %sign3A_471 = arith.extui %sign3A_470 : i1 to i32
    %sign3A_472 = arith.subi %sign3A_468, %sign3A_471 : i32
    %ne3A_473 = vector.broadcast %sign3A_472 : i32 to vector<16xi32>
    %ne3A_474 = arith.cmpi ne, %sign3A_465, %ne3A_473 : vector<16xi32>
    %rem3A_475 = vector.broadcast %jit3A_454 : i32 to vector<16xi32>
    %rem3A_476 = arith.remsi %get3A_453, %rem3A_475 : vector<16xi32>
    %ne3A_477 = arith.constant 0 : i32
    %ne3A_478 = vector.broadcast %ne3A_477 : i32 to vector<16xi32>
    %ne3A_479 = arith.cmpi ne, %rem3A_476, %ne3A_478 : vector<16xi32>
    %and3A_480 = arith.andi %ne3A_474, %ne3A_479 : vector<16xi1>
    %sub3A_481 = arith.constant 1 : i32
    %sub3A_482 = vector.broadcast %sub3A_481 : i32 to vector<16xi32>
    %sub3A_483 = arith.subi %div3A_456, %sub3A_482 : vector<16xi32>
    %select_n3A_484 = arith.select %and3A_480, %sub3A_483, %div3A_456 : vector<16xi1>, vector<16xi32>
    %mul3A_485 = arith.constant 200 : i32
    %mul3A_486 = vector.broadcast %mul3A_485 : i32 to vector<16xi32>
    %mul3A_487 = arith.muli %select_n3A_484, %mul3A_486 : vector<16xi32>
    %sub3A_488 = arith.subi %get3A_453, %mul3A_487 : vector<16xi32>
    %gather3A_489 = tpu.vector_load_idx %arg17[%select_n3A_484] : memref<64xi32, #tpu.memory_space<vmem>>[vector<16xi32>], vector<16xi32>,
    %eq3A_490 = arith.cmpi eq, %gather3A_489, %sub3A_488 : vector<16xi32>
    %jit3A_491 = arith.constant 63 : i32
    %broadcast_in_dim3A_492 = vector.broadcast %jit3A_491 : i32 to vector<16xi32>
    %select_n3A_493 = arith.select %eq3A_490, %select_n3A_484, %broadcast_in_dim3A_492 : vector<16xi1>, vector<16xi32>
    %gather3A_494 = tpu.vector_load_idx %arg16[%get3A_451] : memref<10000xi32, #tpu.memory_space<vmem>>[vector<16xi32>], vector<16xi32>,
    %gather3A_495 = tpu.vector_load_idx %arg13[%get3A_451] : memref<10000xf32, #tpu.memory_space<vmem>>[vector<16xi32>], vector<16xf32>,
    %gather3A_496 = tpu.vector_load_idx %arg13[%get3A_453] : memref<10000xf32, #tpu.memory_space<vmem>>[vector<16xi32>], vector<16xf32>,
    %sub3A_497 = arith.subf %gather3A_495, %gather3A_496 : vector<16xf32>
    %gather3A_498 = tpu.vector_load_idx %arg14[%get3A_451] : memref<10000xf32, #tpu.memory_space<vmem>>[vector<16xi32>], vector<16xf32>,
    %gather3A_499 = tpu.vector_load_idx %arg14[%get3A_453] : memref<10000xf32, #tpu.memory_space<vmem>>[vector<16xi32>], vector<16xf32>,
    %sub3A_500 = arith.subf %gather3A_498, %gather3A_499 : vector<16xf32>
    %gather3A_501 = tpu.vector_load_idx %arg15[%get3A_451] : memref<10000xf32, #tpu.memory_space<vmem>>[vector<16xi32>], vector<16xf32>,
    %gather3A_502 = tpu.vector_load_idx %arg15[%get3A_453] : memref<10000xf32, #tpu.memory_space<vmem>>[vector<16xi32>], vector<16xf32>,
    %sub3A_503 = arith.subf %gather3A_501, %gather3A_502 : vector<16xf32>
    %mul3A_504 = arith.mulf %sub3A_497, %sub3A_497 : vector<16xf32>
    %mul3A_505 = arith.mulf %sub3A_500, %sub3A_500 : vector<16xf32>
    %add3A_506 = arith.addf %mul3A_504, %mul3A_505 : vector<16xf32>
    %mul3A_507 = arith.mulf %sub3A_503, %sub3A_503 : vector<16xf32>
    %add3A_508 = arith.addf %add3A_506, %mul3A_507 : vector<16xf32>
    %swap3A_509 = arith.constant 4976 : index
    %swap3A_510 = tpu.vector_load %arg20[%swap3A_509] {strides = array<i32>} : memref<5000xf32, #tpu.memory_space<vmem>>, vector<16xf32>,
    tpu.vector_store %arg20[%swap3A_509], %add3A_508 {strides = array<i32>} : memref<5000xf32, #tpu.memory_space<vmem>>, vector<16xf32>,
    %swap3A_511 = arith.constant 4976 : index
    %swap3A_512 = tpu.vector_load %arg21[%swap3A_511] {strides = array<i32>} : memref<5000xi32, #tpu.memory_space<vmem>>, vector<16xi32>,
    tpu.vector_store %arg21[%swap3A_511], %gather3A_494 {strides = array<i32>} : memref<5000xi32, #tpu.memory_space<vmem>>, vector<16xi32>,
    %swap3A_513 = arith.constant 4976 : index
    %swap3A_514 = tpu.vector_load %arg22[%swap3A_513] {strides = array<i32>} : memref<5000xi32, #tpu.memory_space<vmem>>, vector<16xi32>,
    tpu.vector_store %arg22[%swap3A_513], %select_n3A_493 {strides = array<i32>} : memref<5000xi32, #tpu.memory_space<vmem>>, vector<16xi32>,
    %get3A_515 = arith.constant 4984 : index
    %get3A_516 = tpu.vector_load %arg18[%get3A_515] {strides = array<i32>} : memref<5000xi32, #tpu.memory_space<vmem>>, vector<16xi32>,
    %get3A_517 = arith.constant 4984 : index
    %get3A_518 = tpu.vector_load %arg19[%get3A_517] {strides = array<i32>} : memref<5000xi32, #tpu.memory_space<vmem>>, vector<16xi32>,
    %jit3A_519 = arith.constant 200 : i32
    %div3A_520 = vector.broadcast %jit3A_519 : i32 to vector<16xi32>
    %div3A_521 = arith.divsi %get3A_518, %div3A_520 : vector<16xi32>
    %sign3A_522 = arith.constant 0 : i32
    %sign3A_523 = vector.broadcast %sign3A_522 : i32 to vector<16xi32>
    %sign3A_524 = arith.cmpi sgt, %get3A_518, %sign3A_523 : vector<16xi32>
    %sign3A_525 = arith.extui %sign3A_524 : vector<16xi1> to vector<16xi32>
    %sign3A_526 = arith.constant 0 : i32
    %sign3A_527 = vector.broadcast %sign3A_526 : i32 to vector<16xi32>
    %sign3A_528 = arith.cmpi slt, %get3A_518, %sign3A_527 : vector<16xi32>
    %sign3A_529 = arith.extui %sign3A_528 : vector<16xi1> to vector<16xi32>
    %sign3A_530 = arith.subi %sign3A_525, %sign3A_529 : vector<16xi32>
    %sign3A_531 = arith.constant 0 : i32
    %sign3A_532 = arith.cmpi sgt, %jit3A_519, %sign3A_531 : i32
    %sign3A_533 = arith.extui %sign3A_532 : i1 to i32
    %sign3A_534 = arith.constant 0 : i32
    %sign3A_535 = arith.cmpi slt, %jit3A_519, %sign3A_534 : i32
    %sign3A_536 = arith.extui %sign3A_535 : i1 to i32
    %sign3A_537 = arith.subi %sign3A_533, %sign3A_536 : i32
    %ne3A_538 = vector.broadcast %sign3A_537 : i32 to vector<16xi32>
    %ne3A_539 = arith.cmpi ne, %sign3A_530, %ne3A_538 : vector<16xi32>
    %rem3A_540 = vector.broadcast %jit3A_519 : i32 to vector<16xi32>
    %rem3A_541 = arith.remsi %get3A_518, %rem3A_540 : vector<16xi32>
    %ne3A_542 = arith.constant 0 : i32
    %ne3A_543 = vector.broadcast %ne3A_542 : i32 to vector<16xi32>
    %ne3A_544 = arith.cmpi ne, %rem3A_541, %ne3A_543 : vector<16xi32>
    %and3A_545 = arith.andi %ne3A_539, %ne3A_544 : vector<16xi1>
    %sub3A_546 = arith.constant 1 : i32
    %sub3A_547 = vector.broadcast %sub3A_546 : i32 to vector<16xi32>
    %sub3A_548 = arith.subi %div3A_521, %sub3A_547 : vector<16xi32>
    %select_n3A_549 = arith.select %and3A_545, %sub3A_548, %div3A_521 : vector<16xi1>, vector<16xi32>
    %mul3A_550 = arith.constant 200 : i32
    %mul3A_551 = vector.broadcast %mul3A_550 : i32 to vector<16xi32>
    %mul3A_552 = arith.muli %select_n3A_549, %mul3A_551 : vector<16xi32>
    %sub3A_553 = arith.subi %get3A_518, %mul3A_552 : vector<16xi32>
    %gather3A_554 = tpu.vector_load_idx %arg17[%select_n3A_549] : memref<64xi32, #tpu.memory_space<vmem>>[vector<16xi32>], vector<16xi32>,
    %eq3A_555 = arith.cmpi eq, %gather3A_554, %sub3A_553 : vector<16xi32>
    %jit3A_556 = arith.constant 63 : i32
    %broadcast_in_dim3A_557 = vector.broadcast %jit3A_556 : i32 to vector<16xi32>
    %select_n3A_558 = arith.select %eq3A_555, %select_n3A_549, %broadcast_in_dim3A_557 : vector<16xi1>, vector<16xi32>
    %gather3A_559 = tpu.vector_load_idx %arg16[%get3A_516] : memref<10000xi32, #tpu.memory_space<vmem>>[vector<16xi32>], vector<16xi32>,
    %gather3A_560 = tpu.vector_load_idx %arg13[%get3A_516] : memref<10000xf32, #tpu.memory_space<vmem>>[vector<16xi32>], vector<16xf32>,
    %gather3A_561 = tpu.vector_load_idx %arg13[%get3A_518] : memref<10000xf32, #tpu.memory_space<vmem>>[vector<16xi32>], vector<16xf32>,
    %sub3A_562 = arith.subf %gather3A_560, %gather3A_561 : vector<16xf32>
    %gather3A_563 = tpu.vector_load_idx %arg14[%get3A_516] : memref<10000xf32, #tpu.memory_space<vmem>>[vector<16xi32>], vector<16xf32>,
    %gather3A_564 = tpu.vector_load_idx %arg14[%get3A_518] : memref<10000xf32, #tpu.memory_space<vmem>>[vector<16xi32>], vector<16xf32>,
    %sub3A_565 = arith.subf %gather3A_563, %gather3A_564 : vector<16xf32>
    %gather3A_566 = tpu.vector_load_idx %arg15[%get3A_516] : memref<10000xf32, #tpu.memory_space<vmem>>[vector<16xi32>], vector<16xf32>,
    %gather3A_567 = tpu.vector_load_idx %arg15[%get3A_518] : memref<10000xf32, #tpu.memory_space<vmem>>[vector<16xi32>], vector<16xf32>,
    %sub3A_568 = arith.subf %gather3A_566, %gather3A_567 : vector<16xf32>
    %mul3A_569 = arith.mulf %sub3A_562, %sub3A_562 : vector<16xf32>
    %mul3A_570 = arith.mulf %sub3A_565, %sub3A_565 : vector<16xf32>
    %add3A_571 = arith.addf %mul3A_569, %mul3A_570 : vector<16xf32>
    %mul3A_572 = arith.mulf %sub3A_568, %sub3A_568 : vector<16xf32>
    %add3A_573 = arith.addf %add3A_571, %mul3A_572 : vector<16xf32>
    %swap3A_574 = arith.constant 4984 : index
    %swap3A_575 = tpu.vector_load %arg20[%swap3A_574] {strides = array<i32>} : memref<5000xf32, #tpu.memory_space<vmem>>, vector<16xf32>,
    tpu.vector_store %arg20[%swap3A_574], %add3A_573 {strides = array<i32>} : memref<5000xf32, #tpu.memory_space<vmem>>, vector<16xf32>,
    %swap3A_576 = arith.constant 4984 : index
    %swap3A_577 = tpu.vector_load %arg21[%swap3A_576] {strides = array<i32>} : memref<5000xi32, #tpu.memory_space<vmem>>, vector<16xi32>,
    tpu.vector_store %arg21[%swap3A_576], %gather3A_559 {strides = array<i32>} : memref<5000xi32, #tpu.memory_space<vmem>>, vector<16xi32>,
    %swap3A_578 = arith.constant 4984 : index
    %swap3A_579 = tpu.vector_load %arg22[%swap3A_578] {strides = array<i32>} : memref<5000xi32, #tpu.memory_space<vmem>>, vector<16xi32>,
    tpu.vector_store %arg22[%swap3A_578], %select_n3A_558 {strides = array<i32>} : memref<5000xi32, #tpu.memory_space<vmem>>, vector<16xi32>,
    "tpu.region"() ({
      %run_scoped3A = tpu.sem_alloc : memref<!tpu.dma_semaphore, #tpu.memory_space<semaphore_mem>>
      %dma_start3A = tpu.memref_slice %arg9[%mul3A_2] : memref<160000xf32, #tpu.memory_space<hbm>> -> memref<5000xf32, #tpu.memory_space<hbm>>
      %dma_start3A_583 = tpu.memref_slice %arg9[%mul3A_2] : memref<160000xf32, #tpu.memory_space<hbm>> -> memref<5000xf32, #tpu.memory_space<hbm>>
      tpu.enqueue_dma source(%arg20 : memref<5000xf32, #tpu.memory_space<vmem>>) target(%dma_start3A_583 : memref<5000xf32, #tpu.memory_space<hbm>>) target_semaphore(%run_scoped3A : memref<!tpu.dma_semaphore, #tpu.memory_space<semaphore_mem>>)
      %dma_wait3A = tpu.memref_slice %arg9[%mul3A_2] : memref<160000xf32, #tpu.memory_space<hbm>> -> memref<5000xf32, #tpu.memory_space<hbm>>
      %dma_wait3A_584 = tpu.memref_slice %arg9[%mul3A_2] : memref<160000xf32, #tpu.memory_space<hbm>> -> memref<5000xf32, #tpu.memory_space<hbm>>
      tpu.wait_dma2 semaphore(%run_scoped3A : memref<!tpu.dma_semaphore, #tpu.memory_space<semaphore_mem>>) src(%arg20 : memref<5000xf32, #tpu.memory_space<vmem>>) dst(%dma_wait3A_584 : memref<5000xf32, #tpu.memory_space<hbm>>)
      tpu.yield
    }) : () -> ()
    "tpu.region"() ({
      %run_scoped3A = tpu.sem_alloc : memref<!tpu.dma_semaphore, #tpu.memory_space<semaphore_mem>>
      %dma_start3A = tpu.memref_slice %arg10[%mul3A_2] : memref<160000xi32, #tpu.memory_space<hbm>> -> memref<5000xi32, #tpu.memory_space<hbm>>
      %dma_start3A_583 = tpu.memref_slice %arg10[%mul3A_2] : memref<160000xi32, #tpu.memory_space<hbm>> -> memref<5000xi32, #tpu.memory_space<hbm>>
      tpu.enqueue_dma source(%arg21 : memref<5000xi32, #tpu.memory_space<vmem>>) target(%dma_start3A_583 : memref<5000xi32, #tpu.memory_space<hbm>>) target_semaphore(%run_scoped3A : memref<!tpu.dma_semaphore, #tpu.memory_space<semaphore_mem>>)
      %dma_wait3A = tpu.memref_slice %arg10[%mul3A_2] : memref<160000xi32, #tpu.memory_space<hbm>> -> memref<5000xi32, #tpu.memory_space<hbm>>
      %dma_wait3A_584 = tpu.memref_slice %arg10[%mul3A_2] : memref<160000xi32, #tpu.memory_space<hbm>> -> memref<5000xi32, #tpu.memory_space<hbm>>
      tpu.wait_dma2 semaphore(%run_scoped3A : memref<!tpu.dma_semaphore, #tpu.memory_space<semaphore_mem>>) src(%arg21 : memref<5000xi32, #tpu.memory_space<vmem>>) dst(%dma_wait3A_584 : memref<5000xi32, #tpu.memory_space<hbm>>)
      tpu.yield
    }) : () -> ()
    "tpu.region"() ({
      %run_scoped3A = tpu.sem_alloc : memref<!tpu.dma_semaphore, #tpu.memory_space<semaphore_mem>>
      %dma_start3A = tpu.memref_slice %arg11[%mul3A_2] : memref<160000xi32, #tpu.memory_space<hbm>> -> memref<5000xi32, #tpu.memory_space<hbm>>
      %dma_start3A_583 = tpu.memref_slice %arg11[%mul3A_2] : memref<160000xi32, #tpu.memory_space<hbm>> -> memref<5000xi32, #tpu.memory_space<hbm>>
      tpu.enqueue_dma source(%arg22 : memref<5000xi32, #tpu.memory_space<vmem>>) target(%dma_start3A_583 : memref<5000xi32, #tpu.memory_space<hbm>>) target_semaphore(%run_scoped3A : memref<!tpu.dma_semaphore, #tpu.memory_space<semaphore_mem>>)
      %dma_wait3A = tpu.memref_slice %arg11[%mul3A_2] : memref<160000xi32, #tpu.memory_space<hbm>> -> memref<5000xi32, #tpu.memory_space<hbm>>
      %dma_wait3A_584 = tpu.memref_slice %arg11[%mul3A_2] : memref<160000xi32, #tpu.memory_space<hbm>> -> memref<5000xi32, #tpu.memory_space<hbm>>
      tpu.wait_dma2 semaphore(%run_scoped3A : memref<!tpu.dma_semaphore, #tpu.memory_space<semaphore_mem>>) src(%arg22 : memref<5000xi32, #tpu.memory_space<vmem>>) dst(%dma_wait3A_584 : memref<5000xi32, #tpu.memory_space<hbm>>)
      tpu.yield
    }) : () -> ()
    %eq3A_580 = arith.constant 0 : i32
    %eq3A_581 = arith.cmpi eq, %add3A, %eq3A_580 : i32
    %convert_element_type3A = arith.extui %eq3A_581 : i1 to i32
    %cond3A = arith.constant 0 : i32
    %cond3A_582 = arith.cmpi ne, %convert_element_type3A, %cond3A : i32
    scf.if %cond3A_582 {
      %iota3A = tpu.iota {dimensions = array<i32: 0>} : vector<16xi32>
      %add3A_583 = arith.constant 0 : i32
      %add3A_584 = vector.broadcast %add3A_583 : i32 to vector<16xi32>
      %add3A_585 = arith.addi %add3A_584, %iota3A : vector<16xi32>
      %min3A = arith.constant 49 : i32
      %min3A_586 = vector.broadcast %min3A : i32 to vector<16xi32>
      %min3A_587 = arith.minsi %add3A_585, %min3A_586 : vector<16xi32>
      %gather3A_588 = tpu.vector_load_idx %arg17[%min3A_587] : memref<64xi32, #tpu.memory_space<vmem>>[vector<16xi32>], vector<16xi32>,
      %lt3A = arith.constant 50 : i32
      %lt3A_589 = vector.broadcast %lt3A : i32 to vector<16xi32>
      %lt3A_590 = arith.cmpi slt, %add3A_585, %lt3A_589 : vector<16xi32>
      %mul3A_591 = arith.constant 200 : i32
      %mul3A_592 = vector.broadcast %mul3A_591 : i32 to vector<16xi32>
      %mul3A_593 = arith.muli %add3A_585, %mul3A_592 : vector<16xi32>
      %add3A_594 = arith.addi %gather3A_588, %mul3A_593 : vector<16xi32>
      %jit3A_595 = arith.constant 0 : i32
      %broadcast_in_dim3A_596 = vector.broadcast %jit3A_595 : i32 to vector<16xi32>
      %select_n3A_597 = arith.select %lt3A_590, %add3A_594, %broadcast_in_dim3A_596 : vector<16xi1>, vector<16xi32>
      %gather3A_598 = tpu.vector_load_idx %arg16[%select_n3A_597] : memref<10000xi32, #tpu.memory_space<vmem>>[vector<16xi32>], vector<16xi32>,
      %swap3A_599 = arith.constant 0 : index
      %swap3A_600 = tpu.vector_load %arg23[%swap3A_599] {strides = array<i32>} : memref<64xi32, #tpu.memory_space<vmem>>, vector<16xi32>,
      tpu.vector_store %arg23[%swap3A_599], %gather3A_598 {strides = array<i32>} : memref<64xi32, #tpu.memory_space<vmem>>, vector<16xi32>,
      %iota3A_601 = tpu.iota {dimensions = array<i32: 0>} : vector<16xi32>
      %add3A_602 = arith.constant 16 : i32
      %add3A_603 = vector.broadcast %add3A_602 : i32 to vector<16xi32>
      %add3A_604 = arith.addi %add3A_603, %iota3A_601 : vector<16xi32>
      %min3A_605 = arith.constant 49 : i32
      %min3A_606 = vector.broadcast %min3A_605 : i32 to vector<16xi32>
      %min3A_607 = arith.minsi %add3A_604, %min3A_606 : vector<16xi32>
      %gather3A_608 = tpu.vector_load_idx %arg17[%min3A_607] : memref<64xi32, #tpu.memory_space<vmem>>[vector<16xi32>], vector<16xi32>,
      %lt3A_609 = arith.constant 50 : i32
      %lt3A_610 = vector.broadcast %lt3A_609 : i32 to vector<16xi32>
      %lt3A_611 = arith.cmpi slt, %add3A_604, %lt3A_610 : vector<16xi32>
      %mul3A_612 = arith.constant 200 : i32
      %mul3A_613 = vector.broadcast %mul3A_612 : i32 to vector<16xi32>
      %mul3A_614 = arith.muli %add3A_604, %mul3A_613 : vector<16xi32>
      %add3A_615 = arith.addi %gather3A_608, %mul3A_614 : vector<16xi32>
      %jit3A_616 = arith.constant 0 : i32
      %broadcast_in_dim3A_617 = vector.broadcast %jit3A_616 : i32 to vector<16xi32>
      %select_n3A_618 = arith.select %lt3A_611, %add3A_615, %broadcast_in_dim3A_617 : vector<16xi1>, vector<16xi32>
      %gather3A_619 = tpu.vector_load_idx %arg16[%select_n3A_618] : memref<10000xi32, #tpu.memory_space<vmem>>[vector<16xi32>], vector<16xi32>,
      %swap3A_620 = arith.constant 16 : index
      %swap3A_621 = tpu.vector_load %arg23[%swap3A_620] {strides = array<i32>} : memref<64xi32, #tpu.memory_space<vmem>>, vector<16xi32>,
      tpu.vector_store %arg23[%swap3A_620], %gather3A_619 {strides = array<i32>} : memref<64xi32, #tpu.memory_space<vmem>>, vector<16xi32>,
      %iota3A_622 = tpu.iota {dimensions = array<i32: 0>} : vector<16xi32>
      %add3A_623 = arith.constant 32 : i32
      %add3A_624 = vector.broadcast %add3A_623 : i32 to vector<16xi32>
      %add3A_625 = arith.addi %add3A_624, %iota3A_622 : vector<16xi32>
      %min3A_626 = arith.constant 49 : i32
      %min3A_627 = vector.broadcast %min3A_626 : i32 to vector<16xi32>
      %min3A_628 = arith.minsi %add3A_625, %min3A_627 : vector<16xi32>
      %gather3A_629 = tpu.vector_load_idx %arg17[%min3A_628] : memref<64xi32, #tpu.memory_space<vmem>>[vector<16xi32>], vector<16xi32>,
      %lt3A_630 = arith.constant 50 : i32
      %lt3A_631 = vector.broadcast %lt3A_630 : i32 to vector<16xi32>
      %lt3A_632 = arith.cmpi slt, %add3A_625, %lt3A_631 : vector<16xi32>
      %mul3A_633 = arith.constant 200 : i32
      %mul3A_634 = vector.broadcast %mul3A_633 : i32 to vector<16xi32>
      %mul3A_635 = arith.muli %add3A_625, %mul3A_634 : vector<16xi32>
      %add3A_636 = arith.addi %gather3A_629, %mul3A_635 : vector<16xi32>
      %jit3A_637 = arith.constant 0 : i32
      %broadcast_in_dim3A_638 = vector.broadcast %jit3A_637 : i32 to vector<16xi32>
      %select_n3A_639 = arith.select %lt3A_632, %add3A_636, %broadcast_in_dim3A_638 : vector<16xi1>, vector<16xi32>
      %gather3A_640 = tpu.vector_load_idx %arg16[%select_n3A_639] : memref<10000xi32, #tpu.memory_space<vmem>>[vector<16xi32>], vector<16xi32>,
      %swap3A_641 = arith.constant 32 : index
      %swap3A_642 = tpu.vector_load %arg23[%swap3A_641] {strides = array<i32>} : memref<64xi32, #tpu.memory_space<vmem>>, vector<16xi32>,
      tpu.vector_store %arg23[%swap3A_641], %gather3A_640 {strides = array<i32>} : memref<64xi32, #tpu.memory_space<vmem>>, vector<16xi32>,
      %iota3A_643 = tpu.iota {dimensions = array<i32: 0>} : vector<16xi32>
      %add3A_644 = arith.constant 48 : i32
      %add3A_645 = vector.broadcast %add3A_644 : i32 to vector<16xi32>
      %add3A_646 = arith.addi %add3A_645, %iota3A_643 : vector<16xi32>
      %min3A_647 = arith.constant 49 : i32
      %min3A_648 = vector.broadcast %min3A_647 : i32 to vector<16xi32>
      %min3A_649 = arith.minsi %add3A_646, %min3A_648 : vector<16xi32>
      %gather3A_650 = tpu.vector_load_idx %arg17[%min3A_649] : memref<64xi32, #tpu.memory_space<vmem>>[vector<16xi32>], vector<16xi32>,
      %lt3A_651 = arith.constant 50 : i32
      %lt3A_652 = vector.broadcast %lt3A_651 : i32 to vector<16xi32>
      %lt3A_653 = arith.cmpi slt, %add3A_646, %lt3A_652 : vector<16xi32>
      %mul3A_654 = arith.constant 200 : i32
      %mul3A_655 = vector.broadcast %mul3A_654 : i32 to vector<16xi32>
      %mul3A_656 = arith.muli %add3A_646, %mul3A_655 : vector<16xi32>
      %add3A_657 = arith.addi %gather3A_650, %mul3A_656 : vector<16xi32>
      %jit3A_658 = arith.constant 0 : i32
      %broadcast_in_dim3A_659 = vector.broadcast %jit3A_658 : i32 to vector<16xi32>
      %select_n3A_660 = arith.select %lt3A_653, %add3A_657, %broadcast_in_dim3A_659 : vector<16xi1>, vector<16xi32>
      %gather3A_661 = tpu.vector_load_idx %arg16[%select_n3A_660] : memref<10000xi32, #tpu.memory_space<vmem>>[vector<16xi32>], vector<16xi32>,
      %swap3A_662 = arith.constant 48 : index
      %swap3A_663 = tpu.vector_load %arg23[%swap3A_662] {strides = array<i32>} : memref<64xi32, #tpu.memory_space<vmem>>, vector<16xi32>,
      tpu.vector_store %arg23[%swap3A_662], %gather3A_661 {strides = array<i32>} : memref<64xi32, #tpu.memory_space<vmem>>, vector<16xi32>,
      "tpu.region"() ({
        %run_scoped3A = tpu.sem_alloc : memref<!tpu.dma_semaphore, #tpu.memory_space<semaphore_mem>>
        tpu.enqueue_dma source(%arg23 : memref<64xi32, #tpu.memory_space<vmem>>) target(%arg12 : memref<64xi32, #tpu.memory_space<hbm>>) target_semaphore(%run_scoped3A : memref<!tpu.dma_semaphore, #tpu.memory_space<semaphore_mem>>)
        tpu.wait_dma2 semaphore(%run_scoped3A : memref<!tpu.dma_semaphore, #tpu.memory_space<semaphore_mem>>) src(%arg23 : memref<64xi32, #tpu.memory_space<vmem>>) dst(%arg12 : memref<64xi32, #tpu.memory_space<hbm>>)
        tpu.yield
      }) : () -> ()
    } else {
    }
    return
  }
}

module attributes {stable_mosaic.version = 14 : i64} {
  func.func @kern(%arg0: i32, %arg1: memref<1x1x8000xf32, #tpu.memory_space<vmem>>, %arg2: memref<1x1x8000xi32, #tpu.memory_space<vmem>>, %arg3: memref<1x1x8000xi32, #tpu.memory_space<vmem>>, %arg4: memref<1x64xi32, #tpu.memory_space<vmem>>, %arg5: memref<64x8xf32, #tpu.memory_space<vmem>>, %arg6: memref<64x1xf32, #tpu.memory_space<vmem>>, %arg7: memref<64x64xf32, #tpu.memory_space<vmem>>, %arg8: memref<64x1xf32, #tpu.memory_space<vmem>>, %arg9: memref<64x16xf32, #tpu.memory_space<vmem>>, %arg10: memref<64x3xf32, #tpu.memory_space<vmem>>, %arg11: memref<64x64xf32, #tpu.memory_space<vmem>>, %arg12: memref<64x64xf32, #tpu.memory_space<vmem>>, %arg13: memref<1x64xf32, #tpu.memory_space<vmem>>, %arg14: memref<64x128xf32, #tpu.memory_space<vmem>>, %arg15: memref<1x128xf32, #tpu.memory_space<vmem>>, %arg16: memref<64x128xf32, #tpu.memory_space<vmem>>, %arg17: memref<64x64xf32, #tpu.memory_space<vmem>>) attributes {dimension_semantics = [#tpu.dimension_semantics<arbitrary>], iteration_bounds = array<i64: 20>, scalar_prefetch = 0 : i64, scratch_operands = 1 : i64, tpu.core_type = #tpu.core_type<tc>, window_params = [{transform_indices = @transform_0, window_bounds = array<i64: 1, 1, 8000>}, {transform_indices = @transform_1, window_bounds = array<i64: 1, 1, 8000>}, {transform_indices = @transform_2, window_bounds = array<i64: 1, 1, 8000>}, {pipeline_mode = #tpu.pipeline_mode<synchronous>, transform_indices = @transform_3, window_bounds = array<i64: 1, 64>}, {pipeline_mode = #tpu.pipeline_mode<synchronous>, transform_indices = @transform_4, window_bounds = array<i64: 64, 8>}, {pipeline_mode = #tpu.pipeline_mode<synchronous>, transform_indices = @transform_5, window_bounds = array<i64: 64, 1>}, {pipeline_mode = #tpu.pipeline_mode<synchronous>, transform_indices = @transform_6, window_bounds = array<i64: 64, 64>}, {pipeline_mode = #tpu.pipeline_mode<synchronous>, transform_indices = @transform_7, window_bounds = array<i64: 64, 1>}, {pipeline_mode = #tpu.pipeline_mode<synchronous>, transform_indices = @transform_8, window_bounds = array<i64: 64, 16>}, {pipeline_mode = #tpu.pipeline_mode<synchronous>, transform_indices = @transform_9, window_bounds = array<i64: 64, 3>}, {pipeline_mode = #tpu.pipeline_mode<synchronous>, transform_indices = @transform_10, window_bounds = array<i64: 64, 64>}, {pipeline_mode = #tpu.pipeline_mode<synchronous>, transform_indices = @transform_11, window_bounds = array<i64: 64, 64>}, {pipeline_mode = #tpu.pipeline_mode<synchronous>, transform_indices = @transform_12, window_bounds = array<i64: 1, 64>}, {pipeline_mode = #tpu.pipeline_mode<synchronous>, transform_indices = @transform_13, window_bounds = array<i64: 64, 128>}, {pipeline_mode = #tpu.pipeline_mode<synchronous>, transform_indices = @transform_14, window_bounds = array<i64: 1, 128>}, {pipeline_mode = #tpu.pipeline_mode<synchronous>, transform_indices = @transform_15, window_bounds = array<i64: 64, 128>}]} {
    %eq3A = arith.constant 0 : i32
    %eq3A_0 = arith.cmpi eq, %arg0, %eq3A : i32
    %convert_element_type3A = arith.extui %eq3A_0 : i1 to i32
    %cond3A = arith.constant 0 : i32
    %cond3A_1 = arith.cmpi ne, %convert_element_type3A, %cond3A : i32
    scf.if %cond3A_1 {
      %broadcast_in_dim3A = arith.constant 0.000000e+00 : f32
      %broadcast_in_dim3A_120 = vector.broadcast %broadcast_in_dim3A : f32 to vector<64x64xf32>
      %swap3A_121 = arith.constant 0 : index
      %swap3A_122 = arith.constant 0 : index
      %swap3A_123 = vector.load %arg17[%swap3A_121, %swap3A_122] : memref<64x64xf32, #tpu.memory_space<vmem>>, vector<64x64xf32>
      tpu.vector_store %arg17[%swap3A_121, %swap3A_122], %broadcast_in_dim3A_120 {strides = array<i32>} : memref<64x64xf32, #tpu.memory_space<vmem>>, vector<64x64xf32>,
    } else {
    }
    %get3A = arith.constant 0 : index
    %get3A_2 = arith.constant 0 : index
    %get3A_3 = arith.constant 0 : index
    %get3A_4 = vector.load %arg1[%get3A, %get3A_2, %get3A_3] : memref<1x1x8000xf32, #tpu.memory_space<vmem>>, vector<1x1x8000xf32>
    %get3A_5 = vector.shape_cast %get3A_4 : vector<1x1x8000xf32> to vector<1x8000xf32>
    %add3A = arith.constant 9.99999996E-13 : f32
    %add3A_6 = vector.broadcast %add3A : f32 to vector<1x8000xf32>
    %add3A_7 = arith.addf %get3A_5, %add3A_6 : vector<1x8000xf32>
    %sqrt3A = math.sqrt %add3A_7 : vector<1x8000xf32>
    %mul3A = arith.constant 0.314159274 : f32
    %mul3A_8 = vector.broadcast %mul3A : f32 to vector<1x8000xf32>
    %mul3A_9 = arith.mulf %mul3A_8, %sqrt3A : vector<1x8000xf32>
    %sin3A = math.sin %mul3A_9 : vector<1x8000xf32>
    %cos3A = math.cos %mul3A_9 : vector<1x8000xf32>
    %mul3A_10 = arith.constant 2.000000e+00 : f32
    %mul3A_11 = vector.broadcast %mul3A_10 : f32 to vector<1x8000xf32>
    %mul3A_12 = arith.mulf %mul3A_11, %cos3A : vector<1x8000xf32>
    %mul3A_13 = arith.mulf %mul3A_12, %sin3A : vector<1x8000xf32>
    %mul3A_14 = arith.mulf %mul3A_12, %mul3A_13 : vector<1x8000xf32>
    %sub3A = arith.subf %mul3A_14, %sin3A : vector<1x8000xf32>
    %mul3A_15 = arith.mulf %mul3A_12, %sub3A : vector<1x8000xf32>
    %sub3A_16 = arith.subf %mul3A_15, %mul3A_13 : vector<1x8000xf32>
    %mul3A_17 = arith.mulf %mul3A_12, %sub3A_16 : vector<1x8000xf32>
    %sub3A_18 = arith.subf %mul3A_17, %sub3A : vector<1x8000xf32>
    %mul3A_19 = arith.mulf %mul3A_12, %sub3A_18 : vector<1x8000xf32>
    %sub3A_20 = arith.subf %mul3A_19, %sub3A_16 : vector<1x8000xf32>
    %mul3A_21 = arith.mulf %mul3A_12, %sub3A_20 : vector<1x8000xf32>
    %sub3A_22 = arith.subf %mul3A_21, %sub3A_18 : vector<1x8000xf32>
    %mul3A_23 = arith.mulf %mul3A_12, %sub3A_22 : vector<1x8000xf32>
    %sub3A_24 = arith.subf %mul3A_23, %sub3A_20 : vector<1x8000xf32>
    %div3A = arith.constant 1.000000e+01 : f32
    %div3A_25 = vector.broadcast %div3A : f32 to vector<1x8000xf32>
    %div3A_26 = arith.divf %sqrt3A, %div3A_25 : vector<1x8000xf32>
    %mul3A_27 = arith.mulf %div3A_26, %div3A_26 : vector<1x8000xf32>
    %mul3A_28 = arith.mulf %mul3A_27, %mul3A_27 : vector<1x8000xf32>
    %mul3A_29 = arith.mulf %mul3A_28, %div3A_26 : vector<1x8000xf32>
    %mul3A_30 = arith.constant 2.100000e+01 : f32
    %mul3A_31 = vector.broadcast %mul3A_30 : f32 to vector<1x8000xf32>
    %mul3A_32 = arith.mulf %mul3A_31, %mul3A_29 : vector<1x8000xf32>
    %sub3A_33 = arith.constant 1.000000e+00 : f32
    %sub3A_34 = vector.broadcast %sub3A_33 : f32 to vector<1x8000xf32>
    %sub3A_35 = arith.subf %sub3A_34, %mul3A_32 : vector<1x8000xf32>
    %mul3A_36 = arith.constant 3.500000e+01 : f32
    %mul3A_37 = vector.broadcast %mul3A_36 : f32 to vector<1x8000xf32>
    %mul3A_38 = arith.mulf %mul3A_37, %mul3A_29 : vector<1x8000xf32>
    %mul3A_39 = arith.mulf %mul3A_38, %div3A_26 : vector<1x8000xf32>
    %add3A_40 = arith.addf %sub3A_35, %mul3A_39 : vector<1x8000xf32>
    %mul3A_41 = arith.constant 1.500000e+01 : f32
    %mul3A_42 = vector.broadcast %mul3A_41 : f32 to vector<1x8000xf32>
    %mul3A_43 = arith.mulf %mul3A_42, %mul3A_29 : vector<1x8000xf32>
    %mul3A_44 = arith.mulf %mul3A_43, %mul3A_27 : vector<1x8000xf32>
    %sub3A_45 = arith.subf %add3A_40, %mul3A_44 : vector<1x8000xf32>
    %lt3A = arith.constant 1.000000e+00 : f32
    %lt3A_46 = vector.broadcast %lt3A : f32 to vector<1x8000xf32>
    %lt3A_47 = arith.cmpf olt, %div3A_26, %lt3A_46 : vector<1x8000xf32>
    %convert_element_type3A_48 = arith.extui %lt3A_47 : vector<1x8000xi1> to vector<1x8000xi32>
    %convert_element_type3A_49 = arith.sitofp %convert_element_type3A_48 : vector<1x8000xi32> to vector<1x8000xf32>
    %mul3A_50 = arith.mulf %sub3A_45, %convert_element_type3A_49 : vector<1x8000xf32>
    %sqrt3A_51 = arith.constant 2.000000e-01 : f32
    %sqrt3A_52 = math.sqrt %sqrt3A_51 : f32
    %mul3A_53 = vector.broadcast %sqrt3A_52 : f32 to vector<1x8000xf32>
    %mul3A_54 = arith.mulf %mul3A_53, %mul3A_50 : vector<1x8000xf32>
    %add3A_55 = arith.constant 9.99999996E-13 : f32
    %add3A_56 = vector.broadcast %add3A_55 : f32 to vector<1x8000xf32>
    %add3A_57 = arith.addf %sqrt3A, %add3A_56 : vector<1x8000xf32>
    %div3A_58 = arith.divf %mul3A_54, %add3A_57 : vector<1x8000xf32>
    %concatenate3A = tpu.concatenate %sin3A, %mul3A_13, %sub3A, %sub3A_16, %sub3A_18, %sub3A_20, %sub3A_22, %sub3A_24 in 0 : vector<1x8000xf32>, vector<1x8000xf32>, vector<1x8000xf32>, vector<1x8000xf32>, vector<1x8000xf32>, vector<1x8000xf32>, vector<1x8000xf32>, vector<1x8000xf32> -> vector<8x8000xf32>
    %mul3A_59 = vector.broadcast %div3A_58 : vector<1x8000xf32> to vector<8x8000xf32>
    %mul3A_60 = arith.mulf %concatenate3A, %mul3A_59 : vector<8x8000xf32>
    %get3A_61 = arith.constant 0 : index
    %get3A_62 = arith.constant 0 : index
    %get3A_63 = vector.load %arg5[%get3A_61, %get3A_62] : memref<64x8xf32, #tpu.memory_space<vmem>>, vector<64x8xf32>
    %dot_general3A = arith.constant dense<0.000000e+00> : vector<64x8000xf32>
    %dot_general3A_64 = tpu.matmul %get3A_63, %mul3A_60, %dot_general3A {dimension_numbers = #tpu.dot_dimension_numbers<[1], [0], [0], [1], [0, 0, 1, 1], [], []>, transpose_lhs_hint = false} : vector<64x8xf32>, vector<8x8000xf32>, vector<64x8000xf32> -> vector<64x8000xf32>
    %get3A_65 = arith.constant 0 : index
    %get3A_66 = arith.constant 0 : index
    %get3A_67 = vector.load %arg6[%get3A_65, %get3A_66] : memref<64x1xf32, #tpu.memory_space<vmem>>, vector<64x1xf32>
    %add3A_68 = vector.broadcast %get3A_67 : vector<64x1xf32> to vector<64x8000xf32>
    %add3A_69 = arith.addf %dot_general3A_64, %add3A_68 : vector<64x8000xf32>
    %max3A = arith.constant 0.000000e+00 : f32
    %max3A_70 = vector.broadcast %max3A : f32 to vector<64x8000xf32>
    %max3A_71 = arith.maximumf %add3A_69, %max3A_70 : vector<64x8000xf32>
    %get3A_72 = arith.constant 0 : index
    %get3A_73 = arith.constant 0 : index
    %get3A_74 = vector.load %arg7[%get3A_72, %get3A_73] : memref<64x64xf32, #tpu.memory_space<vmem>>, vector<64x64xf32>
    %dot_general3A_75 = arith.constant dense<0.000000e+00> : vector<64x8000xf32>
    %dot_general3A_76 = tpu.matmul %get3A_74, %max3A_71, %dot_general3A_75 {dimension_numbers = #tpu.dot_dimension_numbers<[1], [0], [0], [1], [0, 0, 1, 1], [], []>, transpose_lhs_hint = false} : vector<64x64xf32>, vector<64x8000xf32>, vector<64x8000xf32> -> vector<64x8000xf32>
    %get3A_77 = arith.constant 0 : index
    %get3A_78 = arith.constant 0 : index
    %get3A_79 = vector.load %arg8[%get3A_77, %get3A_78] : memref<64x1xf32, #tpu.memory_space<vmem>>, vector<64x1xf32>
    %add3A_80 = vector.broadcast %get3A_79 : vector<64x1xf32> to vector<64x8000xf32>
    %add3A_81 = arith.addf %dot_general3A_76, %add3A_80 : vector<64x8000xf32>
    %get3A_82 = arith.constant 0 : index
    %get3A_83 = arith.constant 0 : index
    %get3A_84 = arith.constant 0 : index
    %get3A_85 = vector.load %arg2[%get3A_82, %get3A_83, %get3A_84] : memref<1x1x8000xi32, #tpu.memory_space<vmem>>, vector<1x1x8000xi32>
    %get3A_86 = vector.shape_cast %get3A_85 : vector<1x1x8000xi32> to vector<1x8000xi32>
    %iota3A = tpu.iota {dimensions = array<i32: 0>} : vector<16x8000xi32>
    %eq3A_87 = vector.broadcast %get3A_86 : vector<1x8000xi32> to vector<16x8000xi32>
    %eq3A_88 = arith.cmpi eq, %iota3A, %eq3A_87 : vector<16x8000xi32>
    %convert_element_type3A_89 = arith.extui %eq3A_88 : vector<16x8000xi1> to vector<16x8000xi32>
    %convert_element_type3A_90 = arith.sitofp %convert_element_type3A_89 : vector<16x8000xi32> to vector<16x8000xf32>
    %get3A_91 = arith.constant 0 : index
    %get3A_92 = arith.constant 0 : index
    %get3A_93 = vector.load %arg9[%get3A_91, %get3A_92] : memref<64x16xf32, #tpu.memory_space<vmem>>, vector<64x16xf32>
    %dot_general3A_94 = arith.constant dense<0.000000e+00> : vector<64x8000xf32>
    %dot_general3A_95 = tpu.matmul %get3A_93, %convert_element_type3A_90, %dot_general3A_94 {dimension_numbers = #tpu.dot_dimension_numbers<[1], [0], [0], [1], [0, 0, 1, 1], [], []>, transpose_lhs_hint = false} : vector<64x16xf32>, vector<16x8000xf32>, vector<64x8000xf32> -> vector<64x8000xf32>
    %mul3A_96 = arith.mulf %add3A_81, %dot_general3A_95 : vector<64x8000xf32>
    %get3A_97 = arith.constant 0 : index
    %get3A_98 = arith.constant 0 : index
    %get3A_99 = arith.constant 0 : index
    %get3A_100 = vector.load %arg3[%get3A_97, %get3A_98, %get3A_99] : memref<1x1x8000xi32, #tpu.memory_space<vmem>>, vector<1x1x8000xi32>
    %get3A_101 = vector.shape_cast %get3A_100 : vector<1x1x8000xi32> to vector<1x8000xi32>
    %iota3A_102 = tpu.iota {dimensions = array<i32: 0>} : vector<64x8000xi32>
    %eq3A_103 = vector.broadcast %get3A_101 : vector<1x8000xi32> to vector<64x8000xi32>
    %eq3A_104 = arith.cmpi eq, %iota3A_102, %eq3A_103 : vector<64x8000xi32>
    %convert_element_type3A_105 = arith.extui %eq3A_104 : vector<64x8000xi1> to vector<64x8000xi32>
    %convert_element_type3A_106 = arith.sitofp %convert_element_type3A_105 : vector<64x8000xi32> to vector<64x8000xf32>
    %get3A_107 = arith.constant 0 : index
    %get3A_108 = arith.constant 0 : index
    %get3A_109 = vector.load %arg17[%get3A_107, %get3A_108] : memref<64x64xf32, #tpu.memory_space<vmem>>, vector<64x64xf32>
    %dot_general3A_110 = arith.constant dense<0.000000e+00> : vector<64x64xf32>
    %dot_general3A_111 = tpu.matmul %mul3A_96, %convert_element_type3A_106, %dot_general3A_110 {dimension_numbers = #tpu.dot_dimension_numbers<[1], [1], [0], [0], [0, 0, 1, 0], [], []>, transpose_lhs_hint = false} : vector<64x8000xf32>, vector<64x8000xf32>, vector<64x64xf32> -> vector<64x64xf32>
    %add3A_112 = arith.addf %get3A_109, %dot_general3A_111 : vector<64x64xf32>
    %swap3A = arith.constant 0 : index
    %swap3A_113 = arith.constant 0 : index
    %swap3A_114 = vector.load %arg17[%swap3A, %swap3A_113] : memref<64x64xf32, #tpu.memory_space<vmem>>, vector<64x64xf32>
    tpu.vector_store %arg17[%swap3A, %swap3A_113], %add3A_112 {strides = array<i32>} : memref<64x64xf32, #tpu.memory_space<vmem>>, vector<64x64xf32>,
    %eq3A_115 = arith.constant 19 : i32
    %eq3A_116 = arith.cmpi eq, %arg0, %eq3A_115 : i32
    %convert_element_type3A_117 = arith.extui %eq3A_116 : i1 to i32
    %cond3A_118 = arith.constant 0 : i32
    %cond3A_119 = arith.cmpi ne, %convert_element_type3A_117, %cond3A_118 : i32
    scf.if %cond3A_119 {
      %get3A_120 = arith.constant 0 : index
      %get3A_121 = arith.constant 0 : index
      %get3A_122 = vector.load %arg17[%get3A_120, %get3A_121] : memref<64x64xf32, #tpu.memory_space<vmem>>, vector<64x64xf32>
      %get3A_123 = arith.constant 0 : index
      %get3A_124 = arith.constant 0 : index
      %get3A_125 = vector.load %arg10[%get3A_123, %get3A_124] : memref<64x3xf32, #tpu.memory_space<vmem>>, vector<64x1xf32>
      %get3A_126 = arith.constant 0 : index
      %get3A_127 = arith.constant 1 : index
      %get3A_128 = vector.load %arg10[%get3A_126, %get3A_127] : memref<64x3xf32, #tpu.memory_space<vmem>>, vector<64x1xf32>
      %mul3A_129 = vector.broadcast %get3A_128 : vector<64x1xf32> to vector<64x64xf32>
      %mul3A_130 = arith.mulf %mul3A_129, %get3A_122 : vector<64x64xf32>
      %add3A_131 = vector.broadcast %get3A_125 : vector<64x1xf32> to vector<64x64xf32>
      %add3A_132 = arith.addf %add3A_131, %mul3A_130 : vector<64x64xf32>
      %get3A_133 = arith.constant 0 : index
      %get3A_134 = arith.constant 2 : index
      %get3A_135 = vector.load %arg10[%get3A_133, %get3A_134] : memref<64x3xf32, #tpu.memory_space<vmem>>, vector<64x1xf32>
      %mul3A_136 = vector.broadcast %get3A_135 : vector<64x1xf32> to vector<64x64xf32>
      %mul3A_137 = arith.mulf %mul3A_136, %get3A_122 : vector<64x64xf32>
      %mul3A_138 = arith.mulf %mul3A_137, %get3A_122 : vector<64x64xf32>
      %add3A_139 = arith.addf %add3A_132, %mul3A_138 : vector<64x64xf32>
      %mul3A_140 = arith.mulf %get3A_122, %add3A_139 : vector<64x64xf32>
      %get3A_141 = arith.constant 0 : index
      %get3A_142 = arith.constant 0 : index
      %get3A_143 = vector.load %arg11[%get3A_141, %get3A_142] : memref<64x64xf32, #tpu.memory_space<vmem>>, vector<64x64xf32>
      %dot_general3A_144 = arith.constant dense<0.000000e+00> : vector<64x64xf32>
      %dot_general3A_145 = tpu.matmul %mul3A_140, %get3A_143, %dot_general3A_144 {dimension_numbers = #tpu.dot_dimension_numbers<[0], [0], [1], [1], [0, 1, 1, 1], [], []>, transpose_lhs_hint = false} : vector<64x64xf32>, vector<64x64xf32>, vector<64x64xf32> -> vector<64x64xf32>
      %get3A_146 = arith.constant 0 : index
      %get3A_147 = arith.constant 0 : index
      %get3A_148 = vector.load %arg4[%get3A_146, %get3A_147] : memref<1x64xi32, #tpu.memory_space<vmem>>, vector<1x64xi32>
      %iota3A_149 = tpu.iota {dimensions = array<i32: 0>} : vector<16x64xi32>
      %eq3A_150 = vector.broadcast %get3A_148 : vector<1x64xi32> to vector<16x64xi32>
      %eq3A_151 = arith.cmpi eq, %iota3A_149, %eq3A_150 : vector<16x64xi32>
      %convert_element_type3A_152 = arith.extui %eq3A_151 : vector<16x64xi1> to vector<16x64xi32>
      %convert_element_type3A_153 = arith.sitofp %convert_element_type3A_152 : vector<16x64xi32> to vector<16x64xf32>
      %get3A_154 = arith.constant 0 : index
      %get3A_155 = arith.constant 0 : index
      %get3A_156 = vector.load %arg9[%get3A_154, %get3A_155] : memref<64x16xf32, #tpu.memory_space<vmem>>, vector<64x16xf32>
      %dot_general3A_157 = arith.constant dense<0.000000e+00> : vector<64x64xf32>
      %dot_general3A_158 = tpu.matmul %get3A_156, %convert_element_type3A_153, %dot_general3A_157 {dimension_numbers = #tpu.dot_dimension_numbers<[1], [0], [0], [1], [0, 0, 1, 1], [], []>, transpose_lhs_hint = false} : vector<64x16xf32>, vector<16x64xf32>, vector<64x64xf32> -> vector<64x64xf32>
      %transpose3A = tpu.transpose %dot_general3A_158, [1, 0] : vector<64x64xf32> -> vector<64x64xf32>
      %add3A_159 = arith.addf %dot_general3A_145, %transpose3A : vector<64x64xf32>
      %get3A_160 = arith.constant 0 : index
      %get3A_161 = arith.constant 0 : index
      %get3A_162 = vector.load %arg12[%get3A_160, %get3A_161] : memref<64x64xf32, #tpu.memory_space<vmem>>, vector<64x64xf32>
      %dot_general3A_163 = arith.constant dense<0.000000e+00> : vector<64x64xf32>
      %dot_general3A_164 = tpu.matmul %add3A_159, %get3A_162, %dot_general3A_163 {dimension_numbers = #tpu.dot_dimension_numbers<[1], [0], [0], [1], [0, 0, 1, 1], [], []>, transpose_lhs_hint = false} : vector<64x64xf32>, vector<64x64xf32>, vector<64x64xf32> -> vector<64x64xf32>
      %get3A_165 = arith.constant 0 : index
      %get3A_166 = arith.constant 0 : index
      %get3A_167 = vector.load %arg13[%get3A_165, %get3A_166] : memref<1x64xf32, #tpu.memory_space<vmem>>, vector<1x64xf32>
      %add3A_168 = vector.broadcast %get3A_167 : vector<1x64xf32> to vector<64x64xf32>
      %add3A_169 = arith.addf %dot_general3A_164, %add3A_168 : vector<64x64xf32>
      %max3A_170 = arith.constant 0.000000e+00 : f32
      %max3A_171 = vector.broadcast %max3A_170 : f32 to vector<64x64xf32>
      %max3A_172 = arith.maximumf %add3A_169, %max3A_171 : vector<64x64xf32>
      %get3A_173 = arith.constant 0 : index
      %get3A_174 = arith.constant 0 : index
      %get3A_175 = vector.load %arg14[%get3A_173, %get3A_174] : memref<64x128xf32, #tpu.memory_space<vmem>>, vector<64x128xf32>
      %dot_general3A_176 = arith.constant dense<0.000000e+00> : vector<64x128xf32>
      %dot_general3A_177 = tpu.matmul %max3A_172, %get3A_175, %dot_general3A_176 {dimension_numbers = #tpu.dot_dimension_numbers<[1], [0], [0], [1], [0, 0, 1, 1], [], []>, transpose_lhs_hint = false} : vector<64x64xf32>, vector<64x128xf32>, vector<64x128xf32> -> vector<64x128xf32>
      %get3A_178 = arith.constant 0 : index
      %get3A_179 = arith.constant 0 : index
      %get3A_180 = vector.load %arg15[%get3A_178, %get3A_179] : memref<1x128xf32, #tpu.memory_space<vmem>>, vector<1x128xf32>
      %add3A_181 = vector.broadcast %get3A_180 : vector<1x128xf32> to vector<64x128xf32>
      %add3A_182 = arith.addf %dot_general3A_177, %add3A_181 : vector<64x128xf32>
      %swap3A_183 = arith.constant 0 : index
      %swap3A_184 = arith.constant 0 : index
      %swap3A_185 = vector.load %arg16[%swap3A_183, %swap3A_184] : memref<64x128xf32, #tpu.memory_space<vmem>>, vector<64x128xf32>
      tpu.vector_store %arg16[%swap3A_183, %swap3A_184], %add3A_182 {strides = array<i32>} : memref<64x128xf32, #tpu.memory_space<vmem>>, vector<64x128xf32>,
    } else {
    }
    return
  }
  func.func @transform_0(%arg0: i32) -> (i32, i32, i32) {
    %c0_i32 = arith.constant 0 : i32
    %c0_i32_0 = arith.constant 0 : i32
    %c0_i32_1 = arith.constant 0 : i32
    return %arg0, %c0_i32, %c0_i32_0 : i32, i32, i32
  }
  func.func @transform_1(%arg0: i32) -> (i32, i32, i32) {
    %c0_i32 = arith.constant 0 : i32
    %c0_i32_0 = arith.constant 0 : i32
    %c0_i32_1 = arith.constant 0 : i32
    return %arg0, %c0_i32, %c0_i32_0 : i32, i32, i32
  }
  func.func @transform_2(%arg0: i32) -> (i32, i32, i32) {
    %c0_i32 = arith.constant 0 : i32
    %c0_i32_0 = arith.constant 0 : i32
    %c0_i32_1 = arith.constant 0 : i32
    return %arg0, %c0_i32, %c0_i32_0 : i32, i32, i32
  }
  func.func @transform_3(%arg0: i32) -> (i32, i32) {
    %c0_i32 = arith.constant 0 : i32
    %c0_i32_0 = arith.constant 0 : i32
    %c0_i32_1 = arith.constant 0 : i32
    return %c0_i32, %c0_i32_0 : i32, i32
  }
  func.func @transform_4(%arg0: i32) -> (i32, i32) {
    %c0_i32 = arith.constant 0 : i32
    %c0_i32_0 = arith.constant 0 : i32
    %c0_i32_1 = arith.constant 0 : i32
    return %c0_i32, %c0_i32_0 : i32, i32
  }
  func.func @transform_5(%arg0: i32) -> (i32, i32) {
    %c0_i32 = arith.constant 0 : i32
    %c0_i32_0 = arith.constant 0 : i32
    %c0_i32_1 = arith.constant 0 : i32
    return %c0_i32, %c0_i32_0 : i32, i32
  }
  func.func @transform_6(%arg0: i32) -> (i32, i32) {
    %c0_i32 = arith.constant 0 : i32
    %c0_i32_0 = arith.constant 0 : i32
    %c0_i32_1 = arith.constant 0 : i32
    return %c0_i32, %c0_i32_0 : i32, i32
  }
  func.func @transform_7(%arg0: i32) -> (i32, i32) {
    %c0_i32 = arith.constant 0 : i32
    %c0_i32_0 = arith.constant 0 : i32
    %c0_i32_1 = arith.constant 0 : i32
    return %c0_i32, %c0_i32_0 : i32, i32
  }
  func.func @transform_8(%arg0: i32) -> (i32, i32) {
    %c0_i32 = arith.constant 0 : i32
    %c0_i32_0 = arith.constant 0 : i32
    %c0_i32_1 = arith.constant 0 : i32
    return %c0_i32, %c0_i32_0 : i32, i32
  }
  func.func @transform_9(%arg0: i32) -> (i32, i32) {
    %c0_i32 = arith.constant 0 : i32
    %c0_i32_0 = arith.constant 0 : i32
    %c0_i32_1 = arith.constant 0 : i32
    return %c0_i32, %c0_i32_0 : i32, i32
  }
  func.func @transform_10(%arg0: i32) -> (i32, i32) {
    %c0_i32 = arith.constant 0 : i32
    %c0_i32_0 = arith.constant 0 : i32
    %c0_i32_1 = arith.constant 0 : i32
    return %c0_i32, %c0_i32_0 : i32, i32
  }
  func.func @transform_11(%arg0: i32) -> (i32, i32) {
    %c0_i32 = arith.constant 0 : i32
    %c0_i32_0 = arith.constant 0 : i32
    %c0_i32_1 = arith.constant 0 : i32
    return %c0_i32, %c0_i32_0 : i32, i32
  }
  func.func @transform_12(%arg0: i32) -> (i32, i32) {
    %c0_i32 = arith.constant 0 : i32
    %c0_i32_0 = arith.constant 0 : i32
    %c0_i32_1 = arith.constant 0 : i32
    return %c0_i32, %c0_i32_0 : i32, i32
  }
  func.func @transform_13(%arg0: i32) -> (i32, i32) {
    %c0_i32 = arith.constant 0 : i32
    %c0_i32_0 = arith.constant 0 : i32
    %c0_i32_1 = arith.constant 0 : i32
    return %c0_i32, %c0_i32_0 : i32, i32
  }
  func.func @transform_14(%arg0: i32) -> (i32, i32) {
    %c0_i32 = arith.constant 0 : i32
    %c0_i32_0 = arith.constant 0 : i32
    %c0_i32_1 = arith.constant 0 : i32
    return %c0_i32, %c0_i32_0 : i32, i32
  }
  func.func @transform_15(%arg0: i32) -> (i32, i32) {
    %c0_i32 = arith.constant 0 : i32
    %c0_i32_0 = arith.constant 0 : i32
    %c0_i32_1 = arith.constant 0 : i32
    return %c0_i32, %c0_i32_0 : i32, i32
  }
}

</mosaic_0001>

<sc_bundles>
// kernel: kernel.4.cloned.1.call-start
scs
__scs_entry_jumppad:
0x0: {  	(pc) =	sbr.rel $0x88, $3  }
0x1: {  	(tag) =	ssettag $0x0;
	lr =	simm.s32 $0x1  }
0x2: {  	[smem:$0x3F92] =	sst lr;
	_ =	strace $0xD0000000  }
0x3: {  	_ = 	snop  }
0x4: {  	_ = 	snop  }
0x5: {  	_ = 	snop  }
0x6: {  	_ = 	snop  }
0x7: {  	_ = 	snop  }
__scs_overlays_trampoline_lowered:
0x8: {  	[smem:$0x3FA1] =	sst s0  }
0x9: {  	[smem:$0x3FA2] =	sst s1  }
0xa: {  	[smem:$0x3FA3] =	sst s2  }
0xb: {  	[smem:$0x3FA4] =	sst s3  }
0xc: {  	[smem:$0x3FA5] =	sst s4  }
0xd: {  	[smem:$0x3FA6] =	sst s5  }
0xe: {  	[smem:$0x3FA7] =	sst s6  }
0xf: {  	[smem:$0x3FA8] =	sst s7  }
0x10: {  	[smem:$0x3FA9] =	sst s8  }
0x11: {  	[smem:$0x3FAA] =	sst s9;
	s0 =	simm.s32 @!p0 $0x0  }
0x12: {  	s1 =	sld [smem:$0x3F90];
	s0 =	simm.s32 @p0 $0x1  }
0x13: {  	[smem:$0x3FAB] =	sst s0;
	s0 =	simm.s32 @!p1 $0x0  }
0x14: {  	s2 =	sld [smem:$0x3F8F];
	s0 =	simm.s32 @p1 $0x1  }
0x15: {  	[smem:$0x3FAC] =	sst s0;
	s0 =	simm.s32 @!p2 $0x0  }
0x16: {  	s3 =	sld [smem:$0x3FDB];
	s0 =	simm.s32 @p2 $0x1  }
0x17: {  	s4 =	simm.s32 $0x1BF5;
	[smem:$0x3FAE] =	sst s0  }
0x18: {  	s0 =	sld [smem:$0x3F91];
	_ =	swait.ge [sflag:s4], $0x0  }
0x19: {  	s7 =	sld [smem:$0x3F92]  }
0x1a: {  	s8 =	sadd.s32 $0xFFFFE003, lr  }
0x1b: {  	s9 =	sadd.s32 $0xFFFFFEF7, lr;
	s5 =	simm.s32 $0xFFFFFFFF;
	p2 =	slt.u32 s8, $0xFFFFF086  }
0x1c: {  	p1 =	slt.u32 s9, $0xF7A;
	s5 =	simm.s32 @!p2 $0x0  }
0x1d: {  	s5 =	simm.s32 @p1 $0x1;
	p0 =	seq.s32 s7, s2  }
0x1e: {  	s7 =	smul.u32 @!p0 $0xF7A, s2;
	p2 =	seq.s32 @!p0 s5, $0x0  }
0x1f: {  	s9 =	smul.u32 $0xF7A, s1;
	s8 =	simm.s32 @!p0 $0x1BF5;
	p2 =	por !p2, p0  }
0x20: {  	[sflag:s8] =	ssyncset.s32 @!p0 $0xFFFFF086;
	s6 =	sadd.s32 @!p0 s3, s7;
	s7 =	simm.s32 @!p0 $0x108  }
0x21: {  	s3 =	sadd.s32 s3, s9;
	s6 =	sadd.s32 @!p0 $0x88, s6;
	s7 =	simm.s32 @p2 $0x1082  }
0x22: {  	[simem:s7], [sflag:s8] =	dma.local @!p0 [hbm:s6], $0xF7A  }
0x23: {  	s9 =	sor.u32 $0xD0000000, s2;
	s6 =	simm.s32 $0x108;
	_ =	swait.ge @!p0 [sflag:s8], $0x0  }
0x24: {  	s3 =	sadd.s32 $0x88, s3;
	s6 =	simm.s32 @!p1 $0x1082;
	[sflag:s4] =	ssyncset.s32 $0xFFFFF086  }
0x25: {  	[simem:s6], [sflag:s4] =	dma.local [hbm:s3], $0xF7A  }
0x26: {  	[smem:$0x3F92] =	sst s1;
	(tag) =	ssettag s2;
	_ =	strace s9  }
0x27: {  	s1 =	sld [smem:$0x3FA2]  }
0x28: {  	s2 =	sld [smem:$0x3FA3]  }
0x29: {  	s4 =	sld [smem:$0x3FA5]  }
0x2a: {  	p0 =	seq.s32 s5, $0x0;
	s5 =	sld [smem:$0x3FA6]  }
0x2b: {  	s6 =	sld [smem:$0x3FA7]  }
0x2c: {  	s7 =	sld [smem:$0x3FA8]  }
0x2d: {  	s3 =	simm.s32 $0x108;
	s8 =	sld [smem:$0x3FA9]  }
0x2e: {  	s3 =	simm.s32 @!p0 $0x1082;
	s9 =	sld [smem:$0x3FAA]  }
0x2f: {  	lr =	sadd.s32 s0, s3;
	s0 =	sld [smem:$0x3FA1]  }
0x30: {  	s3 =	sld [smem:$0x3FA4]  }
0x31: {  	[smem:$0x3FAD] =	sst s10  }
0x32: {  	s10 =	sld [smem:$0x3FAB];
	_ =	sdelay $0x3  }
0x33: {  	p0 =	seq.s32 s10, $0x1;
	s10 =	sld [smem:$0x3FAD];
	_ =	sdelay $0x3  }
0x34: {  	[smem:$0x3FAD] =	sst s10  }
0x35: {  	s10 =	sld [smem:$0x3FAC];
	_ =	sdelay $0x3  }
0x36: {  	p1 =	seq.s32 s10, $0x1;
	s10 =	sld [smem:$0x3FAD];
	_ =	sdelay $0x3  }
0x37: {  	[smem:$0x3FAD] =	sst s10  }
0x38: {  	s10 =	sld [smem:$0x3FAE]  }
0x39: {  	_ = 	snop;
	(pc) =	sbr.ind lr, $3  }
0x3a: {  	_ = 	snop  }
0x3b: {  	_ = 	snop  }
0x3c: {  	p2 =	seq.s32 s10, $0x1;
	s10 =	sld [smem:$0x3FAD]  }
0x3d: {  	_ =	shalt  }
0x3e: {  	_ =	shalt  }
0x3f: {  	_ =	shalt  }
0x40: {  	_ =	shalt  }
0x41: {  	_ =	shalt  }
0x42: {  	_ =	shalt  }
0x43: {  	_ =	shalt  }
0x44: {  	_ =	shalt  }
0x45: {  	_ =	shalt  }
0x46: {  	_ =	shalt  }
0x47: {  	_ =	shalt  }
0x48: {  	_ =	shalt  }
0x49: {  	_ =	shalt  }
0x4a: {  	_ =	shalt  }
0x4b: {  	_ =	shalt  }
0x4c: {  	_ =	shalt  }
0x4d: {  	_ =	shalt  }
0x4e: {  	_ =	shalt  }
0x4f: {  	_ =	shalt  }
0x50: {  	_ =	shalt  }
0x51: {  	_ =	shalt  }
0x52: {  	_ =	shalt  }
0x53: {  	_ =	shalt  }
0x54: {  	_ =	shalt  }
0x55: {  	_ =	shalt  }
0x56: {  	_ =	shalt  }
0x57: {  	_ =	shalt  }
0x58: {  	_ =	shalt  }
0x59: {  	_ =	shalt  }
0x5a: {  	_ =	shalt  }
0x5b: {  	_ =	shalt  }
0x5c: {  	_ =	shalt  }
0x5d: {  	_ =	shalt  }
0x5e: {  	_ =	shalt  }
0x5f: {  	_ =	shalt  }
0x60: {  	_ =	shalt  }
0x61: {  	_ =	shalt  }
0x62: {  	_ =	shalt  }
0x63: {  	_ =	shalt  }
0x64: {  	_ =	shalt  }
0x65: {  	_ =	shalt  }
0x66: {  	_ =	shalt  }
0x67: {  	_ =	shalt  }
0x68: {  	_ =	shalt  }
0x69: {  	_ =	shalt  }
0x6a: {  	_ =	shalt  }
0x6b: {  	_ =	shalt  }
0x6c: {  	_ =	shalt  }
0x6d: {  	_ =	shalt  }
0x6e: {  	_ =	shalt  }
0x6f: {  	_ =	shalt  }
0x70: {  	_ =	shalt  }
0x71: {  	_ =	shalt  }
0x72: {  	_ =	shalt  }
0x73: {  	_ =	shalt  }
0x74: {  	_ =	shalt  }
0x75: {  	_ =	shalt  }
0x76: {  	_ =	shalt  }
0x77: {  	_ =	shalt  }
0x78: {  	_ =	shalt  }
0x79: {  	_ =	shalt  }
0x7a: {  	_ =	shalt  }
0x7b: {  	_ =	shalt  }
0x7c: {  	_ =	shalt  }
0x7d: {  	_ =	shalt  }
0x7e: {  	_ =	shalt  }
0x7f: {  	_ =	shalt  }
0x80: {  	_ =	shalt  }
0x81: {  	_ =	shalt  }
0x82: {  	_ =	shalt  }
0x83: {  	_ =	shalt  }
0x84: {  	_ =	shalt  }
0x85: {  	_ =	shalt  }
0x86: {  	_ =	shalt  }
0x87: {  	_ =	shalt  }
.Lfunc_end0:
.L_simem_size_0:
called_computation_lowered:
.L_overlay_start_0:
0x88: {  	s2 =	sld [smem:$0x3FD9]  }
0x89: {  	s3 =	sld [smem:$0x3FFE];
	_ =	sdelay $0x1  }
0x8a: {  	s1 =	srdreg.scid  }
0x8b: {  	s0 =	sand.u32 $0x1, s1  }
0x8c: {  	s17 =	sshll.u32 s0, $0xA;
	s2 =	sadd.s32 s3, s2  }
0x8d: {  	s2 =	sadd.s32 s2, s17  }
0x8e: {  	[smem:$0x3FB9] =	sst s2  }
0x8f: {  	_ = 	snop  }
0x90: {  	s2 =	sld [smem:$0x3FC9]  }
0x91: {  	s18 =	sld [smem:$0x3FD0];
	(tm) =	ssettm $0x1  }
0x92: {  	s4 =	sld [smem:$0x3FFB];
	_ =	sdelay $0x3  }
0x93: {  	_ =	strace s4  }
0x94: {  	s4 =	sld [smem:$0x3FFC];
	_ =	sdelay $0x3  }
0x95: {  	_ =	strace s4  }
0x96: {  	s4 =	sld [smem:$0x3FFD];
	_ =	sdelay $0x3  }
0x97: {  	_ =	strace s4  }
0x98: {  	_ =	strace $0x8FFFFFFF  }
0x99: {  	s19 =	sld [smem:$0x3FDB];
	_ =	sdelay $0x1  }
0x9a: {  	s5 =	simm.s32 $_scs_section_size  }
0x9b: {  	s6 =	simm.s32 $_size__tile_overlayer_lowered;
	s7 =	simm.s32 $_tile_overlayer_lowered  }
0x9c: {  	s22 =	simm.s32 $0x1BFF;
	s21 =	sshll.u32 s7, $0x1;
	s4 =	sadd.s32 s5, s19  }
0x9d: {  	s8 =	simm.s32 $0x0;
	s20 =	sshll.u32 s6, $0x1;
	s6 =	sadd.s32 s21, s4  }
0x9e: {  	[timem:s8], [sflag:s22] =	dma.local [hbm:s6], s20  }
0x9f: {  	_ =	swait.ge [sflag:s22], s20  }
0xa0: {  	s5 =	ssub.s32 $0x0, s20;
	[sflag:s22] =	ssyncset.done $0x0  }
0xa1: {  	[sflag:s22] =	ssyncadd.s32 s5;
	_ =	sdelay $0x1  }
0xa2: {  	s23 =	simm.s32 $0x1B8B  }
0xa3: {  	_ =	swait.ge [sflag:s23], $0x1  }
0xa4: {  	[sflag:s23] =	ssyncset.done $0x0  }
0xa5: {  	s25 =	simm.s32 $0x1B8E;
	s24 =	sld [smem:$0x3FFE];
	[sflag:s23] =	ssyncadd.s32 $0xFFFFFFFF  }
0xa6: {  	s26 =	simm.s32 $execute0_lowered;
	[smem:$0x3FD2] =	sst s25  }
0xa7: {  	s6 =	sshll.u32 s26, $0x1;
	_ =	strace $0x80000046;
	[dreg:$0x1] =	wrdreg $0xFFFFFFFF  }
0xa8: {  	s28 =	simm.s32 $_size_execute0_lowered;
	s4 =	sadd.s32 s4, s6;
	[dreg:$0x0] =	wrdreg $0x0  }
0xa9: {  	s6 =	sshll.u32 s28, $0x1;
	[dreg:$0x2] =	wrdreg s4  }
0xaa: {  	[dreg:$0x3] =	wrdreg s6  }
0xab: {  	[dreg:$0x4] =	wrdreg $0xC0  }
0xac: {  	_ =	task [dreg:s8], $0x5FFFF  }
0xad: {  	[dreg:$0x1] =	wrdreg $0xFFFFFFFF  }
0xae: {  	[dreg:$0x0] =	wrdreg $0x60  }
0xaf: {  	[dreg:$0x2] =	wrdreg s24  }
0xb0: {  	[dreg:$0x3] =	wrdreg s2  }
0xb1: {  	[dreg:$0x4] =	wrdreg s18  }
0xb2: {  	[dreg:$0x5] =	wrdreg $0x9  }
0xb3: {  	_ =	task.clear_ibuf [dreg:s8], $0x6FFFF;
	_ =	strace $0x90000046  }
0xb4: {  	s29 =	simm.s32 $0x9;
	_ =	strace $0x80000048  }
0xb5: {  	_ =	swait.ge [sflag:s29], $0x1  }
0xb6: {  	[sflag:s29] =	ssyncadd.s32 $0xFFFFFFFF  }
0xb7: {  	_ =	strace $0x90000048  }
0xb8: {  	_ =	sfence  }
0xb9: {  	s30 =	sld [smem:$0x0];
	_ =	sdelay $0x2  }
0xba: {  	s31 =	sshll.u32 s1, $0xD;
	s1 =	sshrl.u32 s1, $0x2  }
0xbb: {  	s3 =	sand.u32 $0x4000, s31;
	s1 =	sadd.s32 s1, s30  }
0xbc: {  	s0 =	sor.u32 s3, s0;
	s1 =	sshll.u32 s1, $0x11  }
0xbd: {  	s0 =	sor.u32 s1, s0  }
0xbe: {  	s0 =	sadd.s32 $0x8F2B, s0  }
0xbf: {  	[sflag:s0] =	ssyncadd.remote.s32 $0x1  }
0xc0: {  	_ =	sfence.sel $0xFFFF  }
0xc1: {  	[dreg:$0x0] =	wrdreg $0xFFFFFFFF;
	(pc) =	sbr.abs _section_cstart, $3  }
0xc2: {  	[dreg:$0x1] =	wrdreg $0xFFFFFFFF  }
0xc3: {  	_ =	task.clear_ibuf [dreg:s8], $0x2FFFF;
	_ =	strace $0x9FFFFFFF  }
0xc4: {  	(tm) =	ssettm $0x7FFFFFFF  }
0xc5: {  	_ =	shalt  }
tec
execute0_lowered:
.L_overlay_start_1:
0x0: {  	(tag) =	ssettag $0x1  }
0x1: {  	s0 =	rddreg [dreg:$0x0];
	s3 =	simm.s32 $0x0  }
0x2: {  	s1 =	srdreg.scid;
	s2 =	stileid.u32;
	s5 =	simm.s32 $0x4F00  }
0x3: {  	[smem:$0x7FF] =	sst s3;
	s1 =	sand.u32 $0x1, s1;
	s2 =	sshll.u32 s2, $0x1  }
0x4: {  	s21 =	sadd.s32 $0x1800, s0;
	s4 =	sadd.s32 $0x1200, s0;
	s2 =	sor.u32 s1, s2  }
0x5: {  	_ =	strace $0x80000047;
	[dreg:$0x4] =	wrdreg s21;
	s22 =	smul.u32 $0x271, s2  }
0x6: {  	s6 =	simm.s32 $0x7680;
	s23 =	sadd.s32 $0xC00, s0;
	[dreg:$0x5] =	wrdreg s4  }
0x7: {  	[dreg:$0x6] =	wrdreg s23;
	s3 =	sadd.s32 s22, s0;
	s0 =	sadd.s32 $0x1AE00, s0  }
0x8: {  	s7 =	simm.s32 $0x9E00;
	[dreg:$0x7] =	wrdreg s0;
	s26 =	sadd.s32 $0x6E00, s3  }
0x9: {  	s1 =	ssub.s32 $0x2, s1;
	s28 =	sadd.s32 $0x1E00, s3;
	[dreg:$0x8] =	wrdreg s26  }
0xa: {  	s4 =	simm.s32 $0x2780;
	s29 =	sadd.s32 $0xBE00, s3;
	[dreg:$0x9] =	wrdreg s28  }
0xb: {  	v0 =	vimm.s32 $0xECA86420;
	vm0 =	vcmask $0xB08;
	vm13 =	vcmask $0x1310;
	s24 =	sshrl.u32 s1, $0x1;
	s30 =	sadd.s32 $0x10E00, s3;
	[dreg:$0xa] =	wrdreg s29  }
0xc: {  	vm1 =	vmmov $0xff;
	v2 =	vimm.s32 $0x0;
	v0 =	vunpack.c.l.s4.s8 v0;
	s25 =	ssub.s32 s1, s24;
	s31 =	sadd.s32 $0x15E00, s3;
	[dreg:$0xb] =	wrdreg s30  }
0xd: {  	vm3 =	vcmask $0x1B18;
	v1 =	vlaneseq.u32;
	v2 =	vsel vm1, $0xFFFFFFFF, v2;
	p0 =	sne.s32 s2, $0x0;
	s0 =	smax.u32 s25, $0x1;
	[dreg:$0xc] =	wrdreg s31  }
0xe: {  	v1 =	vmul.u32 $0x2, v1;
	[tilespmem:$0x1FFF0] =	vst v2;
	v2 =	vimm.s32 $0x0;
	v0 =	vunpack.c.0.s8.s32 v0;
	s2 =	simm.s32 $0x0;
	s3 =	simm.s32 $0x1;
	[dreg:$0xd] =	wrdreg s0  }
.LBB2_1:
0xf: {  	[dreg:$0xe] =	wrdreg s2  }
0x10: {  	s1 =	simm.s32 $0x0;
	s0 =	rddreg [dreg:$0x8];
	s23 =	simm.s32 $0x9E80  }
0x11: {  	[tilespmem:s23], [sflag:$0x1] =	stream.linear.gather [hbm4b:s0+s1], $0x1388, $0x38;
	[tilespmem:$0x10300] =	vst v63  }
0x12: {  	_ =	swait.ge [sflag:s3], $0x1388  }
0x13: {  	[sflag:s3] =	ssyncset.done $0x0  }
0x14: {  	s25 =	simm.s32 $0xB280;
	s24 =	rddreg [dreg:$0x9];
	[sflag:s3] =	ssyncadd.s32 $0xFFFFEC78  }
0x15: {  	[tilespmem:s25], [sflag:$0x1] =	stream.linear.gather [hbm4b:s24+s1], $0x1388, $0x38;
	[tilespmem:$0x10300] =	vst v63  }
0x16: {  	_ =	swait.ge [sflag:s3], $0x1388  }
0x17: {  	[sflag:s3] =	ssyncset.done $0x0  }
0x18: {  	s26 =	rddreg [dreg:$0x4];
	[sflag:s3] =	ssyncadd.s32 $0xFFFFEC78  }
0x19: {  	[tilespmem:s1], [sflag:$0x1] =	stream.linear.gather [hbm4b:s26+s1], $0x2780, $0x38;
	[tilespmem:$0x10300] =	vst v63  }
0x1a: {  	_ =	swait.ge [sflag:s3], $0x2780  }
0x1b: {  	[sflag:s3] =	ssyncset.done $0x0  }
0x1c: {  	s28 =	rddreg [dreg:$0x5];
	[sflag:s3] =	ssyncadd.s32 $0xFFFFD880  }
0x1d: {  	[tilespmem:s4], [sflag:$0x1] =	stream.linear.gather [hbm4b:s28+s1], $0x2780, $0x38;
	[tilespmem:$0x10300] =	vst v63  }
0x1e: {  	_ =	swait.ge [sflag:s3], $0x2780  }
0x1f: {  	[sflag:s3] =	ssyncset.done $0x0  }
0x20: {  	s29 =	rddreg [dreg:$0x6];
	[sflag:s3] =	ssyncadd.s32 $0xFFFFD880  }
0x21: {  	[tilespmem:s5], [sflag:$0x1] =	stream.linear.gather [hbm4b:s29+s1], $0x2780, $0x38;
	[tilespmem:$0x10300] =	vst v63  }
0x22: {  	_ =	swait.ge [sflag:s3], $0x2780  }
0x23: {  	[sflag:s3] =	ssyncset.done $0x0  }
0x24: {  	[sflag:s3] =	ssyncadd.s32 $0xFFFFD880  }
0x25: {  	s30 =	rddreg [dreg:$0x1]  }
0x26: {  	[tilespmem:s6], [sflag:$0x1] =	stream.linear.gather [hbm4b:s30+s1], $0x2780, $0x38;
	[tilespmem:$0x10300] =	vst v63  }
0x27: {  	_ =	swait.ge [sflag:s3], $0x2780  }
0x28: {  	[sflag:s3] =	ssyncset.done $0x0  }
0x29: {  	[sflag:s3] =	ssyncadd.s32 $0xFFFFD880  }
0x2a: {  	s31 =	rddreg [dreg:$0x2]  }
0x2b: {  	[tilespmem:s7], [sflag:$0x1] =	stream.linear.gather [hbm4b:s31+s1], $0x80, $0x38;
	[tilespmem:$0x10300] =	vst v63  }
0x2c: {  	_ =	swait.ge [sflag:s3], $0x80  }
0x2d: {  	[sflag:s3] =	ssyncset.done $0x0  }
0x2e: {  	s0 =	simm.s32 $0x0;
	[sflag:s3] =	ssyncadd.s32 $0xFFFFFF80  }
.LBB2_2:
0x2f: {  	s28 =	sshra.s32 s0, $0x2  }
0x30: {  	v7 =	vld [tilespmem:s28+$0xB280];
	_ =	sdelay $0x4  }
0x31: {  	(v2sf) =	vpush v7, $0xD;
	_ =	sdelay $0x1  }
0x32: {  	(v2sf) =	vpush v7, $0xC;
	_ =	sdelay $0x1  }
0x33: {  	(v2sf) =	vpush v7, $0xE;
	_ =	sdelay $0x1  }
0x34: {  	(v2sf) =	vpush v7, $0xF;
	_ =	sdelay $0x1  }
0x35: {  	(v2sf) =	vpush v7, $0x9;
	_ =	sdelay $0x1  }
0x36: {  	(v2sf) =	vpush v7, $0x8;
	_ =	sdelay $0x1  }
0x37: {  	(v2sf) =	vpush v7, $0xA;
	_ =	sdelay $0x1  }
0x38: {  	(v2sf) =	vpush v7, $0xB  }
0x39: {  	(v2sf) =	vpush v7, $0x0;
	s23 =	spop (v2sf)  }
0x3a: {  	[dreg:$0xf] =	wrdreg s0;
	s7 =	smulhi.u32 $0x51EB851F, s23;
	s0 =	sshra.s32 s23, $0x1F  }
0x3b: {  	s24 =	spop (v2sf);
	s11 =	smul.u32 $0x51EB851F, s0  }
0x3c: {  	(v2sf) =	vpush v7, $0x1;
	s10 =	smulhi.u32 $0x51EB851F, s24;
	s0 =	sshra.s32 s24, $0x1F  }
0x3d: {  	(v2sf) =	vpush v7, $0x2;
	s25 =	spop (v2sf);
	s13 =	smul.u32 $0x51EB851F, s0  }
0x3e: {  	s12 =	smulhi.u32 $0x51EB851F, s25;
	s0 =	sshra.s32 s25, $0x1F  }
0x3f: {  	(v2sf) =	vpush v7, $0x3;
	s26 =	spop (v2sf);
	s15 =	smul.u32 $0x51EB851F, s0  }
0x40: {  	(v2sf) =	vpush v7, $0x4;
	s14 =	smulhi.u32 $0x51EB851F, s26;
	s0 =	sshra.s32 s26, $0x1F  }
0x41: {  	s29 =	spop (v2sf);
	s17 =	smul.u32 $0x51EB851F, s0  }
0x42: {  	(v2sf) =	vpush v7, $0x5;
	s16 =	smulhi.u32 $0x51EB851F, s29;
	s0 =	sshra.s32 s29, $0x1F  }
0x43: {  	v6 =	vld [tilespmem:s28+$0xB290];
	s7 =	sadd.s32 s11, s7;
	s30 =	spop (v2sf);
	s19 =	smul.u32 $0x51EB851F, s0  }
0x44: {  	[smem:$0x6F3] =	sst s7;
	s18 =	smulhi.u32 $0x51EB851F, s30;
	s0 =	sshra.s32 s30, $0x1F  }
0x45: {  	s10 =	sadd.s32 s13, s10;
	s31 =	spop (v2sf);
	s20 =	smul.u32 $0x51EB851F, s0  }
0x46: {  	(v2sf) =	vpush v7, $0x6;
	[smem:$0x6F2] =	sst s10;
	s21 =	smulhi.u32 $0x51EB851F, s31;
	s0 =	sshra.s32 s31, $0x1F  }
0x47: {  	s12 =	sadd.s32 s15, s12;
	s1 =	spop (v2sf);
	(v2sf) =	vpush v7, $0x7;
	s23 =	smul.u32 $0x51EB851F, s0  }
0x48: {  	s22 =	smulhi.u32 $0x51EB851F, s1;
	s0 =	sshra.s32 s1, $0x1F;
	s2 =	spop (v2sf);
	(v2sf) =	vpush v6, $0xD  }
0x49: {  	[smem:$0x6F4] =	sst s12;
	s14 =	sadd.s32 s17, s14;
	s25 =	smul.u32 $0x51EB851F, s0  }
0x4a: {  	[smem:$0x6F5] =	sst s14;
	s16 =	sadd.s32 s19, s16;
	s24 =	smulhi.u32 $0x51EB851F, s2  }
0x4b: {  	s0 =	sshra.s32 s2, $0x1F;
	s1 =	spop (v2sf);
	[smem:$0x6F7] =	sst s16  }
0x4c: {  	(v2sf) =	vpush v6, $0xC;
	s19 =	sadd.s32 s20, s18;
	s2 =	smulhi.u32 $0x51EB851F, s1;
	s3 =	spop (v2sf)  }
0x4d: {  	[smem:$0x6F6] =	sst s19;
	s4 =	smulhi.u32 $0x51EB851F, s3  }
0x4e: {  	(v2sf) =	vpush v6, $0xE;
	s5 =	spop (v2sf);
	[smem:$0x6CF] =	sst s2  }
0x4f: {  	s2 =	sshra.s32 s3, $0x1F;
	s6 =	smulhi.u32 $0x51EB851F, s5;
	s9 =	spop (v2sf)  }
0x50: {  	(v2sf) =	vpush v6, $0xF;
	[smem:$0x6D0] =	sst s4;
	s4 =	smul.u32 $0x51EB851F, s2  }
0x51: {  	s26 =	smulhi.u32 $0x51EB851F, s9;
	s29 =	spop (v2sf)  }
0x52: {  	s2 =	sshra.s32 s5, $0x1F;
	[smem:$0x6D1] =	sst s6;
	s30 =	smulhi.u32 $0x51EB851F, s29  }
0x53: {  	(v2sf) =	vpush v6, $0x9;
	s3 =	smul.u32 $0x51EB851F, s2;
	s2 =	sshra.s32 s9, $0x1F;
	[smem:$0x6D2] =	sst s26  }
0x54: {  	s5 =	smul.u32 $0x51EB851F, s2;
	s2 =	sshra.s32 s29, $0x1F;
	[smem:$0x6D3] =	sst s30  }
0x55: {  	(v2sf) =	vpush v6, $0x8;
	s6 =	smul.u32 $0x51EB851F, s2;
	s31 =	spop (v2sf)  }
0x56: {  	s9 =	smulhi.u32 $0x51EB851F, s31;
	s26 =	spop (v2sf)  }
0x57: {  	s2 =	sshra.s32 s31, $0x1F;
	s29 =	smulhi.u32 $0x51EB851F, s26;
	s30 =	spop (v2sf)  }
0x58: {  	[smem:$0x6D4] =	sst s9;
	s9 =	smul.u32 $0x51EB851F, s2  }
0x59: {  	s18 =	sld [smem:$0x6D3];
	s2 =	sshra.s32 s26, $0x1F;
	s31 =	smulhi.u32 $0x51EB851F, s30  }
0x5a: {  	(v2sf) =	vpush v6, $0xA;
	[smem:$0x6D5] =	sst s29;
	s26 =	smul.u32 $0x51EB851F, s2;
	s2 =	sshra.s32 s30, $0x1F  }
0x5b: {  	(v2sf) =	vpush v6, $0xB;
	s30 =	spop (v2sf);
	s29 =	smul.u32 $0x51EB851F, s2  }
0x5c: {  	[smem:$0x6D6] =	sst s31;
	s31 =	smulhi.u32 $0x51EB851F, s30  }
0x5d: {  	s2 =	sshra.s32 s30, $0x1F;
	s30 =	spop (v2sf);
	[smem:$0x6D7] =	sst s29  }
0x5e: {  	[smem:$0x6D8] =	sst s31;
	s29 =	smul.u32 $0x51EB851F, s2  }
0x5f: {  	(v2sf) =	vpush v6, $0x0;
	s31 =	smulhi.u32 $0x51EB851F, s30;
	s2 =	sshra.s32 s30, $0x1F;
	s30 =	spop (v2sf)  }
0x60: {  	[smem:$0x6D9] =	sst s29;
	s29 =	smul.u32 $0x51EB851F, s2  }
0x61: {  	(v2sf) =	vpush v6, $0x1;
	[smem:$0x6DA] =	sst s31;
	s31 =	smulhi.u32 $0x51EB851F, s30  }
0x62: {  	s2 =	sshra.s32 s30, $0x1F;
	s30 =	spop (v2sf);
	[smem:$0x6DB] =	sst s29  }
0x63: {  	[smem:$0x6DC] =	sst s31;
	s29 =	smul.u32 $0x51EB851F, s2  }
0x64: {  	(v2sf) =	vpush v6, $0x2;
	s31 =	smulhi.u32 $0x51EB851F, s30;
	s2 =	sshra.s32 s30, $0x1F;
	s30 =	spop (v2sf)  }
0x65: {  	[smem:$0x6DD] =	sst s29;
	s29 =	smul.u32 $0x51EB851F, s2  }
0x66: {  	(v2sf) =	vpush v6, $0x3;
	[smem:$0x6DE] =	sst s31;
	s31 =	smulhi.u32 $0x51EB851F, s30  }
0x67: {  	s1 =	sshra.s32 s1, $0x1F;
	[smem:$0x6DF] =	sst s29  }
0x68: {  	s8 =	smul.u32 $0x51EB851F, s1;
	(v2sf) =	vpush v6, $0x4;
	s2 =	sshra.s32 s30, $0x1F;
	[smem:$0x6E0] =	sst s31  }
0x69: {  	s29 =	smul.u32 $0x51EB851F, s2;
	s30 =	spop (v2sf)  }
0x6a: {  	(v2sf) =	vpush v6, $0x5;
	s31 =	smulhi.u32 $0x51EB851F, s30;
	s2 =	sshra.s32 s30, $0x1F;
	s30 =	spop (v2sf)  }
0x6b: {  	[smem:$0x6E1] =	sst s29;
	s29 =	smul.u32 $0x51EB851F, s2  }
0x6c: {  	s2 =	sshra.s32 s30, $0x1F;
	[smem:$0x6E2] =	sst s31;
	s31 =	smulhi.u32 $0x51EB851F, s30  }
0x6d: {  	s2 =	smul.u32 $0x51EB851F, s2;
	[smem:$0x6E3] =	sst s29  }
0x6e: {  	s29 =	spop (v2sf);
	[smem:$0x6E4] =	sst s31  }
0x6f: {  	[smem:$0x6E5] =	sst s2;
	s30 =	smulhi.u32 $0x51EB851F, s29;
	s2 =	sshra.s32 s29, $0x1F  }
0x70: {  	s31 =	spop (v2sf);
	s1 =	smul.u32 $0x51EB851F, s2  }
0x71: {  	s7 =	sld [smem:$0x6D6];
	s29 =	smulhi.u32 $0x51EB851F, s31;
	s2 =	sshra.s32 s31, $0x1F  }
0x72: {  	[smem:$0x6E6] =	sst s30;
	s2 =	smul.u32 $0x51EB851F, s2  }
0x73: {  	s30 =	spop (v2sf);
	[smem:$0x6E7] =	sst s29  }
0x74: {  	v5 =	vld [tilespmem:s28+$0xB2A0];
	s31 =	smulhi.u32 $0x51EB851F, s30;
	s29 =	sadd.s32 s23, s21;
	[smem:$0x6E8] =	sst s2  }
0x75: {  	(v2sf) =	vpush v6, $0x6;
	s2 =	sshra.s32 s30, $0x1F;
	s30 =	spop (v2sf);
	[smem:$0x6FA] =	sst s29  }
0x76: {  	[smem:$0x6E9] =	sst s31;
	s2 =	smul.u32 $0x51EB851F, s2  }
0x77: {  	(v2sf) =	vpush v6, $0x7;
	s31 =	smulhi.u32 $0x51EB851F, s30;
	s11 =	spop (v2sf)  }
0x78: {  	s13 =	smulhi.u32 $0x51EB851F, s11;
	[smem:$0x6EA] =	sst s2  }
0x79: {  	(v2sf) =	vpush v5, $0xD;
	s15 =	spop (v2sf);
	[smem:$0x6EB] =	sst s31  }
0x7a: {  	s2 =	sshra.s32 s30, $0x1F;
	s30 =	sadd.s32 s25, s22;
	[smem:$0x6ED] =	sst s13  }
0x7b: {  	s17 =	smulhi.u32 $0x51EB851F, s15;
	[smem:$0x6FC] =	sst s30  }
0x7c: {  	(v2sf) =	vpush v5, $0xC;
	s13 =	sld [smem:$0x6D0]  }
0x7d: {  	s2 =	smul.u32 $0x51EB851F, s2;
	[smem:$0x6EF] =	sst s17  }
0x7e: {  	s17 =	sld [smem:$0x6D2]  }
0x7f: {  	(v2sf) =	vpush v5, $0xE;
	[smem:$0x6EC] =	sst s2;
	s2 =	sshra.s32 s11, $0x1F  }
0x80: {  	s11 =	sld [smem:$0x6CF];
	s2 =	smul.u32 $0x51EB851F, s2  }
0x81: {  	(v2sf) =	vpush v5, $0xF;
	s22 =	sadd.s32 s4, s13;
	s4 =	sld [smem:$0x6D4]  }
0x82: {  	s0 =	smul.u32 $0x51EB851F, s0;
	[smem:$0x6EE] =	sst s2;
	s2 =	sshra.s32 s15, $0x1F  }
0x83: {  	s13 =	sld [smem:$0x6DA];
	s2 =	smul.u32 $0x51EB851F, s2  }
0x84: {  	(v2sf) =	vpush v5, $0x9;
	s20 =	spop (v2sf);
	s15 =	sld [smem:$0x6D1]  }
0x85: {  	s31 =	smulhi.u32 $0x51EB851F, s20;
	[smem:$0x6F0] =	sst s2;
	s2 =	sshra.s32 s20, $0x1F  }
0x86: {  	(v2sf) =	vpush v5, $0x8;
	s19 =	sadd.s32 s8, s11;
	s29 =	smul.u32 $0x51EB851F, s2;
	s2 =	spop (v2sf)  }
0x87: {  	s8 =	sld [smem:$0x6D7];
	s30 =	smulhi.u32 $0x51EB851F, s2;
	s10 =	sshra.s32 s2, $0x1F  }
0x88: {  	s12 =	spop (v2sf);
	s2 =	sadd.s32 s5, s17;
	s5 =	sld [smem:$0x6D5]  }
0x89: {  	s14 =	sadd.s32 s0, s24;
	s23 =	smul.u32 $0x51EB851F, s10;
	[smem:$0x6F8] =	sst s2  }
0x8a: {  	s24 =	smulhi.u32 $0x51EB851F, s12;
	s2 =	sadd.s32 s6, s18;
	s10 =	sld [smem:$0x6D9]  }
0x8b: {  	s0 =	sshra.s32 s12, $0x1F;
	s16 =	spop (v2sf);
	[smem:$0x6F9] =	sst s2  }
0x8c: {  	s20 =	smul.u32 $0x51EB851F, s0;
	s2 =	sadd.s32 s9, s4;
	s9 =	sld [smem:$0x6D8]  }
0x8d: {  	s25 =	sadd.s32 s3, s15;
	s21 =	smulhi.u32 $0x51EB851F, s16;
	s4 =	sld [smem:$0x6DC]  }
0x8e: {  	(v2sf) =	vpush v5, $0xA;
	s0 =	sshra.s32 s16, $0x1F;
	s3 =	spop (v2sf);
	[smem:$0x6FB] =	sst s2  }
0x8f: {  	s17 =	smul.u32 $0x51EB851F, s0;
	s2 =	sadd.s32 s26, s5;
	s26 =	sld [smem:$0x6DB]  }
0x90: {  	s0 =	sshra.s32 s3, $0x1F;
	s6 =	spop (v2sf);
	s5 =	sld [smem:$0x6DD]  }
0x91: {  	[smem:$0x6F1] =	sst s2;
	s15 =	smul.u32 $0x51EB851F, s0  }
0x92: {  	s2 =	sadd.s32 s8, s7;
	s16 =	smulhi.u32 $0x51EB851F, s6;
	s7 =	sld [smem:$0x6DE]  }
0x93: {  	s0 =	sshra.s32 s6, $0x1F;
	s11 =	spop (v2sf);
	s8 =	sld [smem:$0x6DF]  }
0x94: {  	[smem:$0x6FD] =	sst s2;
	s2 =	sadd.s32 s10, s9;
	s12 =	smul.u32 $0x51EB851F, s0  }
0x95: {  	(v2sf) =	vpush v5, $0xB;
	s0 =	sshra.s32 s11, $0x1F;
	s6 =	spop (v2sf);
	s9 =	sld [smem:$0x6E0]  }
0x96: {  	[smem:$0x6FE] =	sst s2;
	s2 =	sadd.s32 s26, s13;
	s13 =	smulhi.u32 $0x51EB851F, s11  }
0x97: {  	s10 =	smul.u32 $0x51EB851F, s0;
	s26 =	sld [smem:$0x6E1]  }
0x98: {  	(v2sf) =	vpush v5, $0x0;
	s11 =	smulhi.u32 $0x51EB851F, s6;
	s0 =	sshra.s32 s6, $0x1F;
	s6 =	sld [smem:$0x6E4]  }
0x99: {  	[smem:$0x700] =	sst s2  }
0x9a: {  	s2 =	sadd.s32 s5, s4;
	s4 =	sld [smem:$0x6E2]  }
0x9b: {  	s5 =	sld [smem:$0x6E3]  }
0x9c: {  	s18 =	smulhi.u32 $0x51EB851F, s3;
	[smem:$0x702] =	sst s2  }
0x9d: {  	s3 =	spop (v2sf);
	s2 =	sadd.s32 s8, s7;
	s7 =	sld [smem:$0x6E5]  }
0x9e: {  	s8 =	smulhi.u32 $0x51EB851F, s3;
	[smem:$0x706] =	sst s2  }
0x9f: {  	s2 =	sadd.s32 s26, s9;
	s26 =	sshra.s32 s3, $0x1F;
	s3 =	sld [smem:$0x6E6]  }
0xa0: {  	s9 =	smul.u32 $0x51EB851F, s0;
	s0 =	sadd.s32 s5, s4;
	s5 =	sld [smem:$0x6E7]  }
0xa1: {  	[smem:$0x708] =	sst s0  }
0xa2: {  	s0 =	sadd.s32 s7, s6;
	s6 =	smul.u32 $0x51EB851F, s26;
	s26 =	sld [smem:$0x6E8]  }
0xa3: {  	[smem:$0x704] =	sst s2  }
0xa4: {  	(v2sf) =	vpush v5, $0x1;
	[smem:$0x70A] =	sst s0;
	s0 =	sadd.s32 s1, s3;
	s2 =	spop (v2sf)  }
0xa5: {  	s1 =	sadd.s32 s26, s5;
	s26 =	sld [smem:$0x6EA];
	s4 =	sshra.s32 s2, $0x1F  }
0xa6: {  	(v2sf) =	vpush v5, $0x2;
	s5 =	smul.u32 $0x51EB851F, s4;
	s4 =	sld [smem:$0x6E9]  }
0xa7: {  	[smem:$0x6FF] =	sst s0;
	s3 =	spop (v2sf)  }
0xa8: {  	[smem:$0x701] =	sst s1;
	s0 =	sshra.s32 s3, $0x1F  }
0xa9: {  	(v2sf) =	vpush v5, $0x3;
	s1 =	sadd.s32 s26, s4;
	s4 =	smulhi.u32 $0x51EB851F, s3;
	s3 =	sld [smem:$0x6EB]  }
0xaa: {  	s26 =	sld [smem:$0x6EC]  }
0xab: {  	(v2sf) =	vpush v5, $0x4;
	s7 =	smulhi.u32 $0x51EB851F, s2;
	s2 =	sld [smem:$0x6ED]  }
0xac: {  	[smem:$0x703] =	sst s1  }
0xad: {  	s20 =	sadd.s32 s20, s24;
	(v2sf) =	vpush v5, $0x5;
	s1 =	sadd.s32 s26, s3;
	s26 =	sld [smem:$0x6EE]  }
0xae: {  	v4 =	vld [tilespmem:s28+$0xB2B0];
	[smem:$0x70B] =	sst s20  }
0xaf: {  	(v2sf) =	vpush v5, $0x6;
	[smem:$0x705] =	sst s1  }
0xb0: {  	s1 =	sadd.s32 s26, s2;
	s26 =	sld [smem:$0x6F0]  }
0xb1: {  	(v2sf) =	vpush v5, $0x7;
	[smem:$0x707] =	sst s1  }
0xb2: {  	s31 =	sadd.s32 s29, s31;
	s1 =	sld [smem:$0x6EF]  }
0xb3: {  	s15 =	sadd.s32 s15, s18;
	(v2sf) =	vpush v4, $0xD;
	s3 =	smul.u32 $0x51EB851F, s0;
	s0 =	spop (v2sf)  }
0xb4: {  	s23 =	sadd.s32 s23, s30;
	[smem:$0x70C] =	sst s15;
	s2 =	smulhi.u32 $0x51EB851F, s0  }
0xb5: {  	(v2sf) =	vpush v4, $0xC;
	s0 =	sshra.s32 s0, $0x1F;
	s1 =	sadd.s32 s26, s1;
	s26 =	spop (v2sf)  }
0xb6: {  	s30 =	sadd.s32 s17, s21;
	[smem:$0x709] =	sst s1;
	s1 =	smul.u32 $0x51EB851F, s0  }
0xb7: {  	s24 =	sadd.s32 s12, s16;
	(v2sf) =	vpush v4, $0xE;
	s29 =	smulhi.u32 $0x51EB851F, s26;
	s0 =	sshra.s32 s26, $0x1F  }
0xb8: {  	s10 =	sadd.s32 s10, s13;
	s26 =	spop (v2sf);
	s0 =	smul.u32 $0x51EB851F, s0  }
0xb9: {  	[smem:$0x70D] =	sst s10;
	(v2sf) =	vpush v4, $0xF;
	s20 =	smulhi.u32 $0x51EB851F, s26;
	s26 =	sshra.s32 s26, $0x1F  }
0xba: {  	s9 =	sadd.s32 s9, s11;
	s17 =	smul.u32 $0x51EB851F, s26;
	s26 =	spop (v2sf)  }
0xbb: {  	[smem:$0x70E] =	sst s9;
	(v2sf) =	vpush v4, $0x9;
	s15 =	smulhi.u32 $0x51EB851F, s26;
	s21 =	sshra.s32 s26, $0x1F  }
0xbc: {  	s6 =	sadd.s32 s6, s8;
	s26 =	spop (v2sf);
	s12 =	smul.u32 $0x51EB851F, s21  }
0xbd: {  	[smem:$0x70F] =	sst s6;
	s13 =	smulhi.u32 $0x51EB851F, s26;
	s16 =	sshra.s32 s26, $0x1F  }
0xbe: {  	(v2sf) =	vpush v4, $0x8;
	s18 =	spop (v2sf);
	s16 =	smul.u32 $0x51EB851F, s16  }
0xbf: {  	s11 =	sadd.s32 s3, s4;
	s6 =	smulhi.u32 $0x51EB851F, s18;
	s21 =	sshra.s32 s18, $0x1F  }
0xc0: {  	s18 =	sadd.s32 s5, s7;
	s26 =	spop (v2sf);
	s5 =	smul.u32 $0x51EB851F, s21  }
0xc1: {  	s9 =	sadd.s32 s1, s2;
	s3 =	smulhi.u32 $0x51EB851F, s26;
	s8 =	sshra.s32 s26, $0x1F  }
0xc2: {  	s10 =	spop (v2sf);
	s1 =	smul.u32 $0x51EB851F, s8;
	s8 =	sadd.s32 s0, s29  }
0xc3: {  	s0 =	smulhi.u32 $0x51EB851F, s10;
	s2 =	sshra.s32 s10, $0x1F;
	s10 =	sadd.s32 s17, s20  }
0xc4: {  	s20 =	spop (v2sf);
	s17 =	sadd.s32 s12, s15;
	s2 =	smul.u32 $0x51EB851F, s2  }
0xc5: {  	s13 =	sadd.s32 s16, s13;
	s7 =	smulhi.u32 $0x51EB851F, s20;
	s4 =	sshra.s32 s20, $0x1F  }
0xc6: {  	s29 =	sadd.s32 s5, s6;
	s4 =	smul.u32 $0x51EB851F, s4;
	s21 =	spop (v2sf)  }
0xc7: {  	s15 =	sadd.s32 s1, s3;
	s5 =	smulhi.u32 $0x51EB851F, s21;
	s26 =	sshra.s32 s21, $0x1F  }
0xc8: {  	s0 =	sadd.s32 s2, s0;
	s16 =	spop (v2sf);
	s12 =	smul.u32 $0x51EB851F, s26  }
0xc9: {  	[smem:$0x710] =	sst s0;
	s20 =	smulhi.u32 $0x51EB851F, s16;
	s21 =	sshra.s32 s16, $0x1F  }
0xca: {  	s26 =	sadd.s32 s4, s7;
	s2 =	smul.u32 $0x51EB851F, s21;
	s4 =	spop (v2sf)  }
0xcb: {  	[smem:$0x711] =	sst s26;
	s1 =	sadd.s32 s12, s5;
	s5 =	smulhi.u32 $0x51EB851F, s4  }
0xcc: {  	s3 =	sshra.s32 s4, $0x1F;
	s0 =	sadd.s32 s2, s20;
	s20 =	sld [smem:$0x6F1]  }
0xcd: {  	s7 =	spop (v2sf);
	s6 =	smul.u32 $0x51EB851F, s3  }
0xce: {  	s26 =	sshra.s32 s14, $0x6;
	s12 =	smulhi.u32 $0x51EB851F, s7;
	s3 =	sld [smem:$0x6F3]  }
0xcf: {  	s2 =	sshra.s32 s7, $0x1F;
	[smem:$0x713] =	sst s0;
	s16 =	sshra.s32 s20, $0x1F  }
0xd0: {  	vm9 =	vcmask $0x300;
	s21 =	smul.u32 $0x51EB851F, s2;
	s0 =	sadd.s32 s6, s5;
	s6 =	sld [smem:$0x6F2];
	v3 =	vmov s16  }
0xd1: {  	vm11 =	vcmask $0x704;
	s2 =	sshrl.u32 s14, $0x1F;
	s5 =	sshra.s32 s14, $0x1F;
	s14 =	sshra.s32 s19, $0x6;
	v3 =	vsel vm9, s26, v3  }
0xd2: {  	v9 =	vmov s2;
	[smem:$0x714] =	sst s0;
	s0 =	sadd.s32 s21, s12;
	s21 =	sshra.s32 s19, $0x1F;
	v3 =	vsel vm11, s5, v3  }
0xd3: {  	vm12 =	vcmask $0xF0C;
	v9 =	vnsel vm9, $0x0, v9;
	s16 =	sshrl.u32 s19, $0x1F;
	s7 =	sshrl.u32 s6, $0x1F;
	s5 =	sld [smem:$0x6F4];
	v3 =	vsel vm0, s14, v3  }
0xd4: {  	v9 =	vsel vm0, s16, v9;
	s16 =	sld [smem:$0x6F6];
	v8 =	vmov s7;
	s7 =	sshra.s32 s22, $0x6;
	v10 =	vsel vm12, s21, v3  }
0xd5: {  	s12 =	sshrl.u32 s3, $0x1F;
	v55 =	vsel vm13, s7, v10;
	s7 =	sld [smem:$0x6F7]  }
0xd6: {  	vm2 =	vmmov vm13;
	s4 =	sld [smem:$0x6F5];
	s2 =	sshrl.u32 s22, $0x1F;
	v8 =	vsel vm0, s12, v8;
	s26 =	sshrl.u32 s5, $0x1F  }
0xd7: {  	[smem:$0x712] =	sst s1;
	v54 =	vsel vm13, s2, v9;
	s12 =	sshra.s32 s22, $0x1F;
	s14 =	sshrl.u32 s16, $0x1F;
	v8 =	vsel vm13, s26, v8;
	vm13 =	vcmask $0x1714  }
0xd8: {  	vm1 =	vmmov vm0;
	v56 =	vmov s14;
	s26 =	sshra.s32 s25, $0x6;
	v9 =	vsel vm13, s12, v55;
	s12 =	sld [smem:$0x6F8];
	s21 =	sshrl.u32 s7, $0x1F  }
0xd9: {  	s14 =	sshra.s32 s25, $0x1F;
	v9 =	vsel vm3, s26, v9;
	v10 =	vsel vm0, s21, v56;
	s21 =	sld [smem:$0x6F9];
	vm0 =	vcmask $0x1F1C  }
0xda: {  	s1 =	sshrl.u32 s4, $0x1F;
	s19 =	sshrl.u32 s25, $0x1F;
	v9 =	vsel vm0, s14, v9;
	s14 =	sld [smem:$0x6FA]  }
0xdb: {  	vm12 =	vcmask $0x2320;
	v3 =	vsel vm3, s1, v8;
	v8 =	vsel vm3, s19, v54;
	s22 =	sshrl.u32 s12, $0x1F  }
0xdc: {  	vm6 =	vcmask $0x2B28;
	v8 =	vsel vm12, s22, v8;
	s19 =	sshrl.u32 s21, $0x1F  }
0xdd: {  	v8 =	vsel vm6, s19, v8;
	s22 =	sshrl.u32 s14, $0x1F;
	s19 =	sld [smem:$0x6FB]  }
0xde: {  	s26 =	sshra.s32 s12, $0x6;
	v10 =	vsel vm2, s22, v10;
	s22 =	sshra.s32 s12, $0x1F;
	s12 =	sld [smem:$0x6FC]  }
0xdf: {  	vm7 =	vcmask $0x3330;
	vm14 =	vcmask $0x3B38;
	[smem:$0x715] =	sst s0;
	s0 =	sshra.s32 s3, $0x6;
	s6 =	sshra.s32 s6, $0x6  }
0xe0: {  	vm15 =	vcmask $0x2724;
	v59 =	vmov s6;
	s3 =	sshra.s32 s7, $0x6;
	v9 =	vsel vm12, s26, v9;
	s26 =	sshrl.u32 s20, $0x1F;
	s25 =	sshrl.u32 s19, $0x1F  }
0xe1: {  	v58 =	vsel vm15, s22, v9;
	s22 =	sshra.s32 s16, $0x6;
	v9 =	vsel vm1, s0, v59;
	v8 =	vsel vm7, s25, v8;
	s25 =	sshrl.u32 s12, $0x1F;
	s16 =	sshra.s32 s12, $0x6  }
0xe2: {  	v12 =	vmov s22;
	s12 =	sld [smem:$0x6FF];
	v11 =	vsel vm3, s25, v10;
	v57 =	vsel vm14, s26, v8;
	s25 =	sshra.s32 s21, $0x6;
	s26 =	sshra.s32 s5, $0x6  }
0xe3: {  	s6 =	sshra.s32 s4, $0x6;
	s7 =	sshra.s32 s14, $0x6;
	v12 =	vsel vm1, s3, v12;
	v8 =	vsel vm6, s25, v58;
	v9 =	vsel vm2, s26, v9;
	s25 =	sld [smem:$0x6FD]  }
0xe4: {  	vm8 =	vcmask $0x2F2C;
	s5 =	sshra.s32 s21, $0x1F;
	v12 =	vsel vm2, s7, v12;
	v15 =	vsel vm3, s6, v9;
	s6 =	sld [smem:$0x6FE]  }
0xe5: {  	(v2sf) =	vpush v4, $0xA;
	s14 =	sshra.s32 s19, $0x6;
	v18 =	vsel vm3, s16, v12;
	s16 =	sshra.s32 s23, $0x1F;
	v8 =	vsel vm8, s5, v8;
	s5 =	sld [smem:$0x702]  }
0xe6: {  	s22 =	sshra.s32 s20, $0x6;
	v62 =	vmov s16;
	s16 =	sld [smem:$0x704];
	v8 =	vsel vm7, s14, v8;
	s14 =	sshrl.u32 s12, $0x1F  }
0xe7: {  	s21 =	sshra.s32 s19, $0x1F;
	s26 =	sshrl.u32 s25, $0x1F;
	v61 =	vmov s14;
	s14 =	sld [smem:$0x700]  }
0xe8: {  	vm4 =	vcmask $0x3734;
	s7 =	sshrl.u32 s6, $0x1F;
	s2 =	sshra.s32 s6, $0x6;
	s6 =	sld [smem:$0x703]  }
0xe9: {  	v8 =	vsel vm4, s21, v8;
	s1 =	sshra.s32 s25, $0x6;
	s21 =	sshra.s32 s12, $0x6;
	v60 =	vmov s7;
	s7 =	sld [smem:$0x701]  }
0xea: {  	v19 =	vsel vm14, s22, v8;
	v12 =	vsel vm9, s21, v62;
	s22 =	sshra.s32 s12, $0x1F;
	s12 =	sshrl.u32 s16, $0x1F;
	s21 =	sld [smem:$0x705]  }
0xeb: {  	s25 =	sshrl.u32 s5, $0x1F;
	v31 =	vmov s12;
	s12 =	sld [smem:$0x708];
	s19 =	sshrl.u32 s14, $0x1F  }
0xec: {  	v9 =	vnsel vm9, $0x0, v61;
	v8 =	vsel vm1, s26, v60;
	s0 =	sshra.s32 s14, $0x6;
	s26 =	sshrl.u32 s6, $0x1F;
	s20 =	sshrl.u32 s7, $0x1F  }
0xed: {  	v12 =	vsel vm11, s22, v12;
	s22 =	sshra.s32 s7, $0x1F;
	v13 =	vsel vm1, s20, v9;
	s20 =	sshra.s32 s7, $0x6;
	s7 =	sld [smem:$0x706]  }
0xee: {  	s14 =	sshra.s32 s16, $0x6;
	v8 =	vsel vm2, s19, v8;
	s19 =	sshrl.u32 s21, $0x1F;
	v30 =	vsel vm2, s26, v13;
	v12 =	vsel vm1, s20, v12;
	s20 =	sld [smem:$0x707]  }
0xef: {  	s16 =	sshra.s32 s21, $0x1F;
	v63 =	vsel vm3, s25, v8;
	s4 =	sshrl.u32 s12, $0x1F;
	v8 =	vsel vm3, s19, v30;
	s19 =	sld [smem:$0x709]  }
0xf0: {  	v16 =	vmov s14;
	s14 =	sshra.s32 s12, $0x6;
	s12 =	sld [smem:$0x70C];
	s25 =	sshrl.u32 s7, $0x1F  }
0xf1: {  	vm5 =	vcmask $0xF0C;
	v33 =	vmov s2;
	s2 =	sshra.s32 s7, $0x6;
	s7 =	sshra.s32 s5, $0x6;
	s26 =	sshrl.u32 s20, $0x1F  }
0xf2: {  	v12 =	vsel vm5, s22, v12;
	v13 =	vsel vm1, s25, v31;
	s25 =	sshra.s32 s6, $0x6;
	v16 =	vsel vm1, s2, v16;
	s2 =	sshra.s32 s18, $0x6;
	s22 =	sshrl.u32 s19, $0x1F  }
0xf3: {  	(v2sf) =	vpush v4, $0xB;
	v8 =	vsel vm12, s26, v8;
	v12 =	vsel vm2, s25, v12;
	s26 =	sshra.s32 s6, $0x1F;
	s6 =	sld [smem:$0x70A];
	s25 =	sshrl.u32 s23, $0x1F  }
0xf4: {  	(v2sf) =	vpush v4, $0x0;
	v8 =	vsel vm6, s22, v8;
	s22 =	sshrl.u32 s31, $0x1F;
	v14 =	vsel vm13, s26, v12;
	s26 =	sshra.s32 s21, $0x6;
	s21 =	spop (v2sf)  }
0xf5: {  	v35 =	vsel vm2, s14, v16;
	s14 =	sshrl.u32 s12, $0x1F;
	v8 =	vsel vm7, s22, v8;
	v14 =	vsel vm3, s26, v14;
	s22 =	smulhi.u32 $0x51EB851F, s21;
	s26 =	sshra.s32 s20, $0x6  }
0xf6: {  	v13 =	vsel vm2, s4, v13;
	s4 =	sshrl.u32 s6, $0x1F;
	v32 =	vsel vm14, s25, v8;
	v14 =	vsel vm0, s16, v14;
	s25 =	sshra.s32 s21, $0x1F;
	s16 =	sshra.s32 s19, $0x6  }
0xf7: {  	(v2sf) =	vpush v4, $0x1;
	s19 =	sshra.s32 s19, $0x1F;
	v13 =	vsel vm3, s4, v13;
	s4 =	sshra.s32 s20, $0x1F;
	s3 =	smul.u32 $0x51EB851F, s25  }
0xf8: {  	(v2sf) =	vpush v4, $0x2;
	v8 =	vsel vm1, s1, v33;
	v14 =	vsel vm12, s26, v14;
	s20 =	sshrl.u32 s30, $0x1F;
	s25 =	sshra.s32 s31, $0x6;
	s26 =	sld [smem:$0x70B]  }
0xf9: {  	(v2sf) =	vpush v4, $0x3;
	v8 =	vsel vm2, s0, v8;
	s0 =	sshrl.u32 s18, $0x1F;
	s18 =	sshra.s32 s9, $0x6;
	v17 =	vsel vm15, s4, v14;
	s4 =	smov.u32 s30  }
0xfa: {  	(v2sf) =	vpush v4, $0x4;
	v34 =	vsel vm3, s7, v8;
	s7 =	sshra.s32 s23, $0x6;
	s23 =	sld [smem:$0x70E];
	s30 =	sshrl.u32 s29, $0x1F  }
0xfb: {  	(v2sf) =	vpush v4, $0x5;
	v36 =	vsel vm6, s16, v17;
	s21 =	sadd.s32 s3, s22;
	s22 =	sshra.s32 s6, $0x6;
	s6 =	sshra.s32 s31, $0x1F  }
0xfc: {  	(v2sf) =	vpush v4, $0x6;
	s16 =	sshrl.u32 s24, $0x1F;
	s3 =	sshra.s32 s12, $0x6;
	v17 =	vsel vm8, s19, v36;
	s5 =	sshrl.u32 s26, $0x1F  }
0xfd: {  	v46 =	vld [tilespmem:$0x1FFF0];
	v20 =	vmov s20;
	v37 =	vsel vm3, s22, v35;
	s19 =	sld [smem:$0x70D];
	s22 =	sshrl.u32 s11, $0x1F;
	v38 =	vsel vm7, s25, v17;
	s25 =	sshrl.u32 s23, $0x1F  }
0xfe: {  	v41 =	vld [tilespmem:s28+$0x9E80];
	v3 =	vcombine.low v11, v3;
	v39 =	vsel vm1, s5, v20;
	v21 =	vmov s22;
	s22 =	sshrl.u32 s9, $0x1F;
	s12 =	sshra.s32 s23, $0x6;
	s23 =	sshrl.u32 s8, $0x1F  }
0xff: {  	v15 =	vcombine.low v18, v15;
	v8 =	vsel vm4, s6, v38;
	v20 =	vsel vm2, s14, v39;
	s6 =	sshra.s32 s26, $0x6;
	s26 =	sld [smem:$0x70F];
	s14 =	sshra.s32 s11, $0x1F  }
0x100: {  	v10 =	vperm.xlane v57, v1;
	v43 =	vmov s25;
	s25 =	sshrl.u32 s17, $0x1F;
	s20 =	sshrl.u32 s19, $0x1F;
	v40 =	vsel vm14, s7, v8;
	s7 =	sshra.s32 s4, $0x6  }
0x101: {  	v3 =	vperm.xlane v3, v0;
	v15 =	vperm.xlane v15, v0;
	v42 =	vnsel vm9, $0x0, v21;
	s4 =	sshra.s32 s24, $0x6;
	s5 =	sshra.s32 s19, $0x6;
	s24 =	sshrl.u32 s10, $0x1F  }
0x102: {  	v44 =	vperm.xlane v19, v1;
	v8 =	vsel vm3, s16, v20;
	v11 =	vsel vm1, s22, v42;
	s19 =	sshra.s32 s11, $0x6;
	s22 =	sshra.s32 s8, $0x6;
	s16 =	spop (v2sf)  }
0x103: {  	vm0 =	vnez.u8 v46;
	s11 =	sshra.s32 s17, $0x1F;
	v11 =	vsel vm2, s23, v11;
	v45 =	vsel vm1, s20, v43;
	s20 =	sshra.s32 s9, $0x1F;
	s23 =	sshra.s32 s8, $0x1F  }
0x104: {  	v3 =	vsel vm0, v10, v3;
	v47 =	vsel vm0, v44, v15;
	s8 =	sshra.s32 s10, $0x1F;
	s31 =	sshrl.u32 s26, $0x1F;
	s1 =	sshra.s32 s26, $0x6;
	v11 =	vsel vm3, s24, v11  }
0x105: {  	v15 =	vadd.s32 v3, v47;
	s26 =	sshrl.u32 s13, $0x1F;
	s24 =	sshra.s32 s10, $0x6;
	v11 =	vsel vm12, s25, v11;
	v3 =	vsel vm2, s31, v45;
	s31 =	simm.s32 $0x0  }
0x106: {  	vm10 =	vmmov vm14;
	s10 =	sshrl.u32 s15, $0x1F;
	s25 =	sshra.s32 s16, $0x1F;
	v11 =	vsel vm6, s26, v11;
	v50 =	vld.idx.msk [tilespmem:v41+s31+$0x0], $0xffff;
	v51 =	vsel vm3, s0, v3;
	s0 =	smulhi.u32 $0x51EB851F, s16  }
0x107: {  	(v2sf) =	vpush v4, $0x7;
	vm14 =	vmmov vm9;
	v52 =	vld.idx.msk [tilespmem:v7+s31+$0x0], $0xffff;
	s26 =	sshra.s32 s15, $0x1F;
	s16 =	smul.u32 $0x51EB851F, s25;
	s31 =	spop (v2sf);
	v48 =	vsel vm7, s30, v11  }
0x108: {  	v23 =	vmov s7;
	v22 =	vmov s26;
	s9 =	sshra.s32 s31, $0x1F;
	v10 =	vsel vm10, s10, v48;
	s10 =	sshra.s32 s17, $0x6;
	s17 =	smulhi.u32 $0x51EB851F, s31  }
0x109: {  	v55 =	vmov s12;
	s12 =	sshra.s32 s29, $0x6;
	v23 =	vsel vm1, s6, v23;
	v22 =	vsel vm14, s19, v22;
	s7 =	smul.u32 $0x51EB851F, s9;
	s19 =	spop (v2sf)  }
0x10a: {  	v49 =	vmul.u32 $0xFFFFFF38, v15;
	v54 =	vsel vm2, s3, v23;
	s30 =	simm.s32 $0x2780;
	v22 =	vsel vm11, s14, v22;
	s6 =	smulhi.u32 $0x51EB851F, s19;
	s14 =	sshra.s32 s19, $0x1F  }
0x10b: {  	v23 =	vsel vm1, s5, v55;
	s3 =	sshra.s32 s29, $0x1F;
	v3 =	vsub.s32 $0x0, v7;
	v53 =	vld.idx.msk [tilespmem:v41+s30+$0x0], $0xffff;
	s25 =	spop (v2sf);
	v22 =	vsel vm1, s18, v22;
	s18 =	smul.u32 $0x51EB851F, s14  }
0x10c: {  	v23 =	vsel vm2, s1, v23;
	s1 =	sshra.s32 s15, $0x6;
	vm10 =	vne.s32 v49, v3;
	v3 =	vld [tilespmem:s28+$0xB2C0];
	s19 =	smulhi.u32 $0x51EB851F, s25;
	s26 =	sshra.s32 s25, $0x1F  }
0x10d: {  	vm9 =	vlt.s32 v7, $0x1;
	v25 =	vld.idx.msk [tilespmem:v7+s30+$0x0], $0xffff;
	s31 =	simm.s32 $0x4F00;
	s29 =	spop (v2sf);
	s15 =	smul.u32 $0x51EB851F, s26  }
0x10e: {  	s9 =	sshra.s32 s13, $0x6;
	vm9 =	vmand vm9, vm10;
	v26 =	vld.idx.msk [tilespmem:v41+s31+$0x0], $0xffff;
	v22 =	vsel vm5, s20, v22;
	s20 =	smulhi.u32 $0x51EB851F, s29;
	s30 =	sshra.s32 s29, $0x1F  }
0x10f: {  	v27 =	vld.idx.msk [tilespmem:v7+s31+$0x0], $0xffff;
	v24 =	vsel vm9, $0xFFFFFFFF, v2;
	s29 =	sadd.s32 s16, s0;
	s26 =	spop (v2sf);
	s16 =	smul.u32 $0x51EB851F, s30  }
0x110: {  	v9 =	vcombine.low v13, v63;
	v57 =	vsel vm3, s2, v23;
	s13 =	sshra.s32 s13, $0x1F;
	v24 =	vadd.s32 v24, v15;
	s30 =	smulhi.u32 $0x51EB851F, s26;
	s2 =	sshra.s32 s26, $0x1F  }
0x111: {  	v12 =	vperm.xlane v32, v1;
	s5 =	sadd.s32 s7, s17;
	v22 =	vsel vm2, s22, v22;
	s22 =	spop (v2sf);
	(v2sf) =	vpush v3, $0xD;
	s2 =	smul.u32 $0x51EB851F, s2  }
0x112: {  	v9 =	vperm.xlane v9, v0;
	v19 =	vsub.f32 v50, v52;
	v22 =	vsel vm13, s23, v22;
	s25 =	sshra.s32 s22, $0x1F;
	s7 =	sadd.s32 s15, s19;
	s19 =	spop (v2sf)  }
0x113: {  	v62 =	vld [tilespmem:s28+$0x9E90];
	v56 =	vsub.f32 v53, v25;
	s23 =	simm.s32 $0x7680;
	v22 =	vsel vm3, s24, v22;
	s24 =	sld [smem:$0x710];
	(v2sf) =	vpush v3, $0xC;
	s26 =	smul.u32 $0x51EB851F, s25  }
0x114: {  	vm9 =	vcmask $0x1F1C;
	s14 =	simm.s32 $0x9E00;
	v60 =	vmul.f32 v19, v19;
	v59 =	vsub.f32 v26, v27;
	v20 =	vld.idx.msk [tilespmem:v41+s23+$0x0], $0xffff;
	s0 =	smulhi.u32 $0x51EB851F, s19;
	s25 =	sld [smem:$0x712]  }
0x115: {  	v22 =	vsel vm9, s8, v22;
	v21 =	vmul.f32 v56, v56;
	(v2sf) =	vpush v3, $0xE;
	s8 =	sadd.s32 s16, s20;
	s16 =	simm.s32 $0x2780;
	v58 =	vld.idx.msk [tilespmem:v24+s14+$0x0], $0xffff;
	s14 =	sld [smem:$0x711]  }
0x116: {  	v61 =	vmul.u32 $0xFFFFFF38, v24;
	v22 =	vsel vm12, s10, v22;
	v25 =	vmul.f32 v59, v59;
	s10 =	sadd.s32 s18, s6;
	s6 =	sadd.s32 s2, s30;
	s30 =	sld [smem:$0x713]  }
0x117: {  	(v2sf) =	vpush v3, $0xF;
	s2 =	sld [smem:$0x714];
	v22 =	vsel vm15, s11, v22;
	v21 =	vadd.f32 v21, v60;
	s11 =	smulhi.u32 $0x51EB851F, s22;
	s22 =	sshra.s32 s19, $0x1F  }
0x118: {  	v9 =	vsel vm0, v12, v9;
	v15 =	vsel vm3, s4, v54;
	v7 =	vadd.s32 v7, v61;
	s4 =	sshrl.u32 s24, $0x1F;
	s20 =	sshrl.u32 s25, $0x1F;
	s23 =	smul.u32 $0x51EB851F, s22  }
0x119: {  	(v2sf) =	vpush v3, $0x9;
	s22 =	spop (v2sf);
	s17 =	sshrl.u32 s14, $0x1F;
	v63 =	vadd.f32 v25, v21;
	v21 =	vcombine.low v37, v34;
	s18 =	sshrl.u32 s30, $0x1F  }
0x11a: {  	v26 =	vsel vm6, s9, v22;
	v25 =	vperm.xlane v40, v1;
	s11 =	sadd.s32 s26, s11;
	s19 =	sshrl.u32 s2, $0x1F;
	[tilespmem:s28+$0xDA80] =	vst v20;
	s26 =	sld [smem:$0x715];
	vm9 =	veq.s32 v58, v7  }
0x11b: {  	v14 =	vsel vm8, s13, v26;
	s15 =	smulhi.u32 $0x51EB851F, s22;
	s9 =	sadd.s32 s23, s0;
	s0 =	sshra.s32 s22, $0x1F;
	[tilespmem:s28+$0xC680] =	vst v63;
	v23 =	vperm.xlane v21, v0;
	v27 =	vnsel vm9, $0x3F, v24  }
0x11c: {  	v11 =	vcombine.low v51, v8;
	v28 =	vmov s17;
	s17 =	sshrl.u32 s21, $0x1F;
	v29 =	vsel vm7, s12, v14;
	s23 =	simm.s32 $0x0;
	s22 =	sshrl.u32 s29, $0x1F;
	[tilespmem:s28+$0xEE80] =	vst v27  }
0x11d: {  	(v2sf) =	vpush v3, $0x8;
	s12 =	sshrl.u32 s5, $0x1F;
	s0 =	smul.u32 $0x51EB851F, s0;
	v32 =	vsel vm4, s3, v29;
	s3 =	sshrl.u32 s10, $0x1F;
	v7 =	vsel vm0, v25, v23;
	v30 =	vld.idx.msk [tilespmem:v62+s23+$0x0], $0xffff  }
0x11e: {  	v31 =	vsel vm1, s4, v28;
	s4 =	sshrl.u32 s7, $0x1F;
	v38 =	vmov s12;
	s12 =	sshra.s32 s30, $0x6;
	s13 =	sshrl.u32 s26, $0x1F;
	v9 =	vadd.s32 v9, v7;
	v16 =	vld.idx.msk [tilespmem:v6+s23+$0x0], $0xffff  }
0x11f: {  	s15 =	sadd.s32 s0, s15;
	s0 =	sshrl.u32 s6, $0x1F;
	v35 =	vmov s13;
	s13 =	sshra.s32 s24, $0x6;
	v7 =	vsel vm2, s20, v31;
	v20 =	vld.idx.msk [tilespmem:v62+s16+$0x0], $0xffff;
	v33 =	vmul.u32 $0xFFFFFF38, v9  }
0x120: {  	vm5 =	vcmask $0x3B38;
	v34 =	vsub.s32 $0x0, v6;
	s23 =	sshrl.u32 s8, $0x1F;
	v36 =	vld.idx.msk [tilespmem:v6+s16+$0x0], $0xffff;
	s16 =	sshra.s32 s14, $0x6;
	v7 =	vsel vm3, s18, v7;
	s18 =	spop (v2sf)  }
0x121: {  	v12 =	vsel vm5, s1, v32;
	vm9 =	vlt.s32 v6, $0x1;
	s14 =	sshra.s32 s25, $0x6;
	vm10 =	vne.s32 v33, v34;
	s24 =	smulhi.u32 $0x51EB851F, s18;
	s1 =	sshra.s32 s18, $0x1F  }
0x122: {  	v21 =	vnsel vm14, $0x0, v38;
	v37 =	vsel vm1, s19, v35;
	s19 =	sshra.s32 s26, $0x6;
	vm9 =	vmand vm9, vm10;
	s25 =	spop (v2sf);
	s1 =	smul.u32 $0x51EB851F, s1  }
0x123: {  	v42 =	vsel vm1, s3, v21;
	v40 =	vld.idx.msk [tilespmem:v62+s31+$0x0], $0xffff;
	v17 =	vsel vm2, s17, v37;
	s17 =	sshra.s32 s2, $0x6;
	v39 =	vsel vm9, $0xFFFFFFFF, v2;
	s2 =	smulhi.u32 $0x51EB851F, s25;
	s18 =	sshra.s32 s25, $0x1F  }
0x124: {  	v41 =	vld.idx.msk [tilespmem:v6+s31+$0x0], $0xffff;
	v43 =	vsel vm2, s4, v42;
	s4 =	sshra.s32 s15, $0x1F;
	v22 =	vadd.s32 v39, v9;
	s30 =	spop (v2sf);
	s3 =	smul.u32 $0x51EB851F, s18  }
0x125: {  	v11 =	vperm.xlane v11, v0;
	v14 =	vsub.f32 v30, v16;
	v16 =	vsel vm3, s23, v43;
	s25 =	sshra.s32 s5, $0x6;
	s23 =	smulhi.u32 $0x51EB851F, s30;
	s18 =	sshra.s32 s30, $0x1F  }
0x126: {  	v45 =	vmov s4;
	v44 =	vsel vm3, s22, v17;
	(v2sf) =	vpush v3, $0xA;
	s26 =	spop (v2sf);
	s22 =	smul.u32 $0x51EB851F, s18;
	s18 =	sshra.s32 s21, $0x6  }
0x127: {  	v13 =	vsub.f32 v20, v36;
	v16 =	vsel vm12, s0, v16;
	v17 =	vsel vm14, s25, v45;
	s21 =	smulhi.u32 $0x51EB851F, s26;
	s25 =	sshra.s32 s26, $0x1F;
	s0 =	sadd.s32 s1, s24  }
0x128: {  	v10 =	vperm.xlane v10, v1;
	v15 =	vcombine.low v57, v15;
	(v2sf) =	vpush v3, $0xB;
	s30 =	spop (v2sf);
	s24 =	smul.u32 $0x51EB851F, s25;
	s25 =	simm.s32 $0x9E00  }
0x129: {  	v47 =	vsub.f32 v40, v41;
	v14 =	vmul.f32 v14, v14;
	v13 =	vmul.f32 v13, v13;
	s26 =	sshra.s32 s30, $0x1F;
	v48 =	vld.idx.msk [tilespmem:v22+s25+$0x0], $0xffff;
	s25 =	smulhi.u32 $0x51EB851F, s30  }
0x12a: {  	v50 =	vld [tilespmem:s28+$0x9EA0];
	v10 =	vsel vm0, v10, v11;
	v15 =	vperm.xlane v15, v0;
	(v2sf) =	vpush v3, $0x0;
	s30 =	smul.u32 $0x51EB851F, s26;
	s26 =	simm.s32 $0x7680  }
0x12b: {  	s20 =	sshrl.u32 s11, $0x1F;
	(v2sf) =	vpush v3, $0x1;
	v49 =	vmul.f32 v47, v47;
	v13 =	vadd.f32 v13, v14;
	v51 =	vld.idx.msk [tilespmem:v62+s26+$0x0], $0xffff  }
0x12c: {  	vm4 =	vcmask $0xF0C;
	v46 =	vmul.u32 $0xFFFFFF38, v22;
	(v2sf) =	vpush v3, $0x2;
	s3 =	sadd.s32 s3, s2;
	s4 =	spop (v2sf);
	s1 =	sadd.s32 s22, s23  }
0x12d: {  	v12 =	vperm.xlane v12, v1;
	(v2sf) =	vpush v3, $0x3;
	s23 =	sshra.s32 s4, $0x1F;
	s2 =	sadd.s32 s24, s21;
	s24 =	smulhi.u32 $0x51EB851F, s4;
	v13 =	vadd.f32 v49, v13  }
0x12e: {  	v57 =	vsel vm6, s20, v16;
	s20 =	sshra.s32 s9, $0x1F;
	v6 =	vadd.s32 v6, v46;
	(v2sf) =	vpush v3, $0x4;
	s21 =	sshra.s32 s29, $0x6;
	s29 =	smul.u32 $0x51EB851F, s23  }
0x12f: {  	v52 =	vsel vm0, v12, v15;
	s22 =	sshrl.u32 s9, $0x1F;
	(v2sf) =	vpush v3, $0x5;
	s26 =	sshra.s32 s5, $0x1F;
	s4 =	sadd.s32 s30, s25;
	[tilespmem:s28+$0xC690] =	vst v13;
	vm9 =	veq.s32 v48, v6  }
0x130: {  	(v2sf) =	vpush v3, $0x6;
	s30 =	sshra.s32 s10, $0x6;
	s10 =	sshra.s32 s10, $0x1F;
	s5 =	sadd.s32 s29, s24;
	v54 =	vsel vm11, s26, v17;
	v55 =	vnsel vm9, $0x3F, v22;
	[tilespmem:s28+$0xDA90] =	vst v51  }
0x131: {  	v53 =	vadd.s32 v10, v52;
	(v2sf) =	vpush v3, $0x7;
	s29 =	sshra.s32 s11, $0x6;
	v10 =	vsel vm1, s30, v54;
	s30 =	sshra.s32 s11, $0x1F;
	s11 =	simm.s32 $0x0;
	[tilespmem:s28+$0xEE90] =	vst v55  }
0x132: {  	s23 =	sshra.s32 s7, $0x6;
	s24 =	sshra.s32 s7, $0x1F;
	s25 =	sshra.s32 s8, $0x6;
	v10 =	vsel vm4, s10, v10;
	v59 =	vld.idx.msk [tilespmem:v50+s11+$0x0], $0xffff  }
0x133: {  	s8 =	sshra.s32 s8, $0x1F;
	s7 =	sshra.s32 s9, $0x6;
	s9 =	simm.s32 $0x2780;
	v10 =	vsel vm2, s23, v10;
	v61 =	vld.idx.msk [tilespmem:v5+s11+$0x0], $0xffff  }
0x134: {  	v56 =	vmul.u32 $0xFFFFFF38, v53;
	s26 =	sshra.s32 s6, $0x6;
	s6 =	sshra.s32 s6, $0x1F;
	v10 =	vsel vm13, s24, v10;
	s24 =	sshra.s32 s15, $0x6;
	v63 =	vld.idx.msk [tilespmem:v50+s9+$0x0], $0xffff  }
0x135: {  	v58 =	vsub.s32 $0x0, v5;
	s10 =	spop (v2sf);
	s11 =	sshrl.u32 s15, $0x1F;
	v22 =	vld.idx.msk [tilespmem:v5+s9+$0x0], $0xffff;
	s9 =	sshrl.u32 s3, $0x1F  }
0x136: {  	v21 =	vmov s16;
	vm10 =	vne.s32 v56, v58;
	vm9 =	vlt.s32 v5, $0x1;
	s15 =	sshrl.u32 s1, $0x1F;
	s23 =	smulhi.u32 $0x51EB851F, s10;
	s10 =	sshra.s32 s10, $0x1F  }
0x137: {  	v60 =	vsel vm7, s22, v57;
	vm9 =	vmand vm9, vm10;
	vm10 =	vmmov vm5;
	s3 =	sshra.s32 s3, $0x6;
	s22 =	smul.u32 $0x51EB851F, s10;
	s10 =	spop (v2sf)  }
0x138: {  	v10 =	vsel vm3, s25, v10;
	v12 =	vsel vm5, s11, v60;
	s11 =	sshrl.u32 s0, $0x1F;
	vm5 =	vcmask $0x1F1C;
	s25 =	smulhi.u32 $0x51EB851F, s10;
	s10 =	sshra.s32 s10, $0x1F  }
0x139: {  	v23 =	vmov s19;
	v16 =	vsel vm1, s13, v21;
	v10 =	vsel vm5, s8, v10;
	s8 =	sshrl.u32 s2, $0x1F;
	s16 =	spop (v2sf);
	s13 =	smul.u32 $0x51EB851F, s10  }
0x13a: {  	v16 =	vsel vm2, s14, v16;
	v62 =	vsel vm9, $0xFFFFFFFF, v2;
	v10 =	vsel vm12, s26, v10;
	s14 =	smulhi.u32 $0x51EB851F, s16;
	s19 =	sshra.s32 s16, $0x1F;
	s26 =	spop (v2sf)  }
0x13b: {  	v17 =	vsel vm1, s17, v23;
	v6 =	vadd.s32 v62, v53;
	v10 =	vsel vm15, s6, v10;
	s6 =	sadd.s32 s22, s23;
	s17 =	smul.u32 $0x51EB851F, s19;
	s19 =	spop (v2sf)  }
0x13c: {  	v7 =	vcombine.low v44, v7;
	v17 =	vsel vm2, s18, v17;
	v10 =	vsel vm6, s29, v10;
	s18 =	smulhi.u32 $0x51EB851F, s26;
	s26 =	sshra.s32 s26, $0x1F;
	s16 =	spop (v2sf)  }
0x13d: {  	v16 =	vsel vm3, s12, v16;
	v28 =	vsel vm3, s21, v17;
	v25 =	vld.idx.msk [tilespmem:v50+s31+$0x0], $0xffff;
	s29 =	simm.s32 $0x9E00;
	v10 =	vsel vm8, s30, v10;
	s30 =	smul.u32 $0x51EB851F, s26;
	s23 =	spop (v2sf)  }
0x13e: {  	v9 =	vcombine.low v28, v16;
	v26 =	vld.idx.msk [tilespmem:v5+s31+$0x0], $0xffff;
	s21 =	smulhi.u32 $0x51EB851F, s19;
	s31 =	sshra.s32 s19, $0x1F;
	s19 =	spop (v2sf)  }
0x13f: {  	v7 =	vperm.xlane v7, v0;
	vm14 =	vmmov vm15;
	v10 =	vsel vm7, s7, v10;
	s7 =	sadd.s32 s13, s25;
	s25 =	smul.u32 $0x51EB851F, s31;
	s12 =	spop (v2sf)  }
0x140: {  	v9 =	vperm.xlane v9, v0;
	v31 =	vmov s9;
	s10 =	sshrl.u32 s4, $0x1F;
	vm15 =	vcmask $0x3734;
	v27 =	vld.idx.msk [tilespmem:v6+s29+$0x0], $0xffff;
	s26 =	smulhi.u32 $0x51EB851F, s16;
	s29 =	spop (v2sf)  }
0x141: {  	v45 =	vmov s3;
	v12 =	vperm.xlane v12, v1;
	v10 =	vsel vm15, s20, v10;
	s18 =	sadd.s32 s30, s18;
	s30 =	smulhi.u32 $0x51EB851F, s29;
	s20 =	sshra.s32 s29, $0x1F  }
0x142: {  	v24 =	vmul.u32 $0xFFFFFF38, v6;
	v11 =	vsub.f32 v59, v61;
	s14 =	sadd.s32 s17, s14;
	s16 =	sshra.s32 s16, $0x1F;
	v10 =	vsel vm10, s24, v10;
	s20 =	smul.u32 $0x51EB851F, s20  }
0x143: {  	v7 =	vsel vm0, v12, v7;
	v14 =	vsub.f32 v63, v22;
	s16 =	smul.u32 $0x51EB851F, s16;
	s31 =	sshrl.u32 s14, $0x1F;
	s24 =	sshrl.u32 s5, $0x1F;
	v10 =	vperm.xlane v10, v1  }
0x144: {  	v13 =	vsub.f32 v25, v26;
	vm8 =	vcmask $0x300;
	v11 =	vmul.f32 v11, v11;
	s13 =	sadd.s32 s25, s21;
	s21 =	sshrl.u32 s6, $0x1F;
	s9 =	sadd.s32 s20, s30  }
0x145: {  	v14 =	vmul.f32 v14, v14;
	s25 =	sshrl.u32 s7, $0x1F;
	v37 =	vmov s31;
	s31 =	simm.s32 $0x7680;
	v9 =	vsel vm0, v10, v9;
	s22 =	sshra.s32 s9, $0x1F  }
0x146: {  	s5 =	sshra.s32 s5, $0x6;
	s16 =	sadd.s32 s16, s26;
	s29 =	sshra.s32 s14, $0x6;
	v7 =	vadd.s32 v7, v9;
	v9 =	vsel vm1, s11, v31;
	v34 =	vmov s22  }
0x147: {  	v5 =	vadd.s32 v5, v24;
	s26 =	sshra.s32 s23, $0x1F;
	s14 =	sshra.s32 s14, $0x1F;
	v9 =	vsel vm2, s15, v9;
	s15 =	smulhi.u32 $0x51EB851F, s23;
	v35 =	vsel vm8, s29, v34  }
0x148: {  	v30 =	vmul.f32 v13, v13;
	v29 =	vadd.f32 v14, v11;
	s20 =	smulhi.u32 $0x51EB851F, s19;
	s19 =	sshra.s32 s19, $0x1F;
	s30 =	sshra.s32 s18, $0x6;
	v10 =	vsel vm11, s14, v35  }
0x149: {  	v12 =	vnsel vm8, $0x0, v37;
	v39 =	vmov s24;
	s11 =	sshrl.u32 s18, $0x1F;
	s18 =	sshra.s32 s18, $0x1F;
	s19 =	smul.u32 $0x51EB851F, s19;
	v10 =	vsel vm1, s30, v10  }
0x14a: {  	s17 =	sshrl.u32 s13, $0x1F;
	v8 =	vld.idx.msk [tilespmem:v50+s31+$0x0], $0xffff;
	s31 =	sshra.s32 s13, $0x6;
	v46 =	vmov s5;
	v12 =	vsel vm1, s11, v12;
	s22 =	smul.u32 $0x51EB851F, s26;
	v10 =	vsel vm4, s18, v10  }
0x14b: {  	vm9 =	veq.s32 v27, v5;
	v12 =	vsel vm2, s17, v12;
	s17 =	sshra.s32 s13, $0x1F;
	s29 =	smulhi.u32 $0x51EB851F, s12;
	s30 =	sshra.s32 s12, $0x1F;
	v10 =	vsel vm2, s31, v10  }
0x14c: {  	v5 =	vadd.f32 v30, v29;
	v14 =	vsel vm1, s10, v39;
	s15 =	sadd.s32 s22, s15;
	s22 =	sshra.s32 s16, $0x6;
	s11 =	smul.u32 $0x51EB851F, s30;
	v10 =	vsel vm13, s17, v10  }
0x14d: {  	s24 =	sshra.s32 s16, $0x1F;
	v6 =	vnsel vm9, $0x3F, v6;
	v40 =	vsel vm2, s21, v14;
	s26 =	sshrl.u32 s16, $0x1F;
	s20 =	sadd.s32 s19, s20;
	v10 =	vsel vm3, s22, v10  }
0x14e: {  	v36 =	vld [tilespmem:s28+$0x9EB0];
	v9 =	vsel vm3, s8, v9;
	v12 =	vsel vm3, s26, v12;
	s18 =	sshrl.u32 s15, $0x1F;
	s8 =	sadd.s32 s11, s29;
	s29 =	sshra.s32 s15, $0x6;
	v10 =	vsel vm5, s24, v10  }
0x14f: {  	[tilespmem:s28+$0xC6A0] =	vst v5;
	v5 =	vsel vm3, s25, v40;
	s23 =	sshrl.u32 s20, $0x1F;
	s12 =	sshra.s32 s4, $0x6;
	s30 =	sshra.s32 s15, $0x1F;
	v12 =	vsel vm12, s18, v12;
	v43 =	vsel vm12, s29, v10  }
0x150: {  	s0 =	sshra.s32 s0, $0x6;
	[tilespmem:s28+$0xDAA0] =	vst v8;
	s14 =	sshra.s32 s20, $0x6;
	v41 =	vsel vm6, s23, v12;
	v12 =	vsel vm1, s12, v46;
	v8 =	vsel vm14, s30, v43  }
0x151: {  	s16 =	sshra.s32 s6, $0x6;
	s15 =	sshra.s32 s1, $0x6;
	s17 =	sshra.s32 s20, $0x1F;
	vm5 =	vcmask $0x2F2C;
	v10 =	vsel vm1, s0, v45;
	v8 =	vsel vm6, s14, v8  }
0x152: {  	s19 =	sshra.s32 s2, $0x6;
	s20 =	sshra.s32 s7, $0x6;
	v12 =	vsel vm2, s16, v12;
	s21 =	sshra.s32 s8, $0x6;
	v10 =	vsel vm2, s15, v10;
	v8 =	vsel vm5, s17, v8  }
0x153: {  	s23 =	sshra.s32 s8, $0x1F;
	v12 =	vsel vm3, s20, v12;
	v10 =	vsel vm3, s19, v10;
	v8 =	vsel vm7, s21, v8  }
0x154: {  	s25 =	sshra.s32 s9, $0x6;
	vm5 =	vcmask $0x3B38;
	v10 =	vcombine.low v12, v10;
	v8 =	vsel vm15, s23, v8  }
0x155: {  	[tilespmem:s28+$0xEEA0] =	vst v6;
	s31 =	simm.s32 $0x0;
	v8 =	vsel vm5, s25, v8  }
0x156: {  	v44 =	vld.idx.msk [tilespmem:v36+s31+$0x0], $0xffff;
	v10 =	vperm.xlane v10, v0;
	v8 =	vperm.xlane v8, v1  }
0x157: {  	v47 =	vld.idx.msk [tilespmem:v4+s31+$0x0], $0xffff  }
0x158: {  	v52 =	vsel vm0, v8, v10;
	v10 =	vld [tilespmem:s28+$0xB2D0];
	_ =	sdelay $0x4  }
0x159: {  	(v2sf) =	vpush v10, $0xD;
	_ =	sdelay $0x1  }
0x15a: {  	(v2sf) =	vpush v10, $0xC;
	_ =	sdelay $0x1  }
0x15b: {  	(v2sf) =	vpush v10, $0xE;
	_ =	sdelay $0x1  }
0x15c: {  	(v2sf) =	vpush v10, $0xF;
	_ =	sdelay $0x1  }
0x15d: {  	v32 =	vmul.u32 $0xFFFFFF38, v7;
	(v2sf) =	vpush v10, $0x9  }
0x15e: {  	v33 =	vsub.s32 $0x0, v4;
	s18 =	simm.s32 $0x2780  }
0x15f: {  	vm9 =	vlt.s32 v4, $0x1;
	vm10 =	vne.s32 v32, v33;
	v48 =	vld.idx.msk [tilespmem:v36+s18+$0x0], $0xffff;
	(v2sf) =	vpush v10, $0x8  }
0x160: {  	vm9 =	vmand vm9, vm10;
	v49 =	vld.idx.msk [tilespmem:v4+s18+$0x0], $0xffff  }
0x161: {  	v38 =	vsel vm9, $0xFFFFFFFF, v2;
	s24 =	simm.s32 $0x4F00;
	(v2sf) =	vpush v10, $0xA  }
0x162: {  	v5 =	vcombine.low v5, v9;
	v7 =	vadd.s32 v38, v7;
	s26 =	sshrl.u32 s8, $0x1F;
	v50 =	vld.idx.msk [tilespmem:v36+s24+$0x0], $0xffff;
	(v2sf) =	vpush v10, $0xB  }
0x163: {  	s22 =	sshrl.u32 s9, $0x1F;
	v42 =	vsel vm7, s26, v41;
	v51 =	vld.idx.msk [tilespmem:v4+s24+$0x0], $0xffff  }
0x164: {  	v5 =	vperm.xlane v5, v0;
	v6 =	vsel vm5, s22, v42;
	s2 =	spop (v2sf)  }
0x165: {  	v54 =	vsub.f32 v48, v49;
	v6 =	vperm.xlane v6, v1;
	(v2sf) =	vpush v10, $0x0;
	s3 =	smulhi.u32 $0x51EB851F, s2;
	s0 =	sshra.s32 s2, $0x1F  }
0x166: {  	v58 =	vsub.s32 $0x0, v3;
	v60 =	vld [tilespmem:s28+$0x9EC0];
	s29 =	simm.s32 $0x9E00;
	v53 =	vsub.f32 v44, v47;
	s4 =	spop (v2sf);
	s16 =	smul.u32 $0x51EB851F, s0  }
0x167: {  	v57 =	vld.idx.msk [tilespmem:v7+s29+$0x0], $0xffff;
	s30 =	simm.s32 $0x7680;
	v9 =	vmul.f32 v54, v54;
	v5 =	vsel vm0, v6, v5;
	(v2sf) =	vpush v10, $0x1;
	s15 =	smulhi.u32 $0x51EB851F, s4;
	s0 =	sshra.s32 s4, $0x1F  }
0x168: {  	v59 =	vld.idx.msk [tilespmem:v36+s30+$0x0], $0xffff;
	v55 =	vsub.f32 v50, v51;
	v8 =	vmul.f32 v53, v53;
	v5 =	vadd.s32 v5, v52;
	s5 =	spop (v2sf);
	s18 =	smul.u32 $0x51EB851F, s0  }
0x169: {  	v61 =	vmul.u32 $0xFFFFFF38, v7;
	v56 =	vmul.u32 $0xFFFFFF38, v5;
	(v2sf) =	vpush v10, $0x2;
	s17 =	smulhi.u32 $0x51EB851F, s5;
	s0 =	sshra.s32 s5, $0x1F  }
0x16a: {  	vm9 =	vlt.s32 v3, $0x1;
	v6 =	vmul.f32 v55, v55;
	v8 =	vadd.f32 v9, v8;
	s6 =	spop (v2sf);
	s20 =	smul.u32 $0x51EB851F, s0  }
0x16b: {  	v4 =	vadd.s32 v4, v61;
	vm10 =	vne.s32 v56, v58;
	(v2sf) =	vpush v10, $0x3;
	s19 =	smulhi.u32 $0x51EB851F, s6;
	s0 =	sshra.s32 s6, $0x1F  }
0x16c: {  	v6 =	vadd.f32 v6, v8;
	vm9 =	vmand vm9, vm10;
	s7 =	spop (v2sf);
	(v2sf) =	vpush v10, $0x4;
	s22 =	smul.u32 $0x51EB851F, s0  }
0x16d: {  	[tilespmem:s28+$0xDAB0] =	vst v59;
	v62 =	vsel vm9, $0xFFFFFFFF, v2;
	vm9 =	veq.s32 v57, v4;
	s21 =	smulhi.u32 $0x51EB851F, s7;
	s0 =	sshra.s32 s7, $0x1F  }
0x16e: {  	[tilespmem:s28+$0xC6B0] =	vst v6;
	v4 =	vnsel vm9, $0x3F, v7;
	s8 =	spop (v2sf);
	s24 =	smul.u32 $0x51EB851F, s0  }
0x16f: {  	s26 =	simm.s32 $0x4F00;
	v8 =	vld [tilespmem:s28+$0xB2E0];
	v11 =	vadd.s32 v62, v5;
	[tilespmem:s28+$0xEEB0] =	vst v4;
	(v2sf) =	vpush v10, $0x5;
	s23 =	smulhi.u32 $0x51EB851F, s8;
	s0 =	sshra.s32 s8, $0x1F  }
0x170: {  	v14 =	vld.idx.msk [tilespmem:v60+s26+$0x0], $0xffff;
	s9 =	spop (v2sf);
	s26 =	smul.u32 $0x51EB851F, s0  }
0x171: {  	(v2sf) =	vpush v10, $0x6;
	s25 =	smulhi.u32 $0x51EB851F, s9;
	s0 =	sshra.s32 s9, $0x1F;
	s10 =	spop (v2sf)  }
0x172: {  	s31 =	simm.s32 $0x0;
	v12 =	vld.idx.msk [tilespmem:v60+s30+$0x0], $0xffff;
	(v2sf) =	vpush v10, $0x7;
	s30 =	smul.u32 $0x51EB851F, s0;
	s0 =	sshra.s32 s10, $0x1F  }
0x173: {  	v15 =	vld.idx.msk [tilespmem:v60+s31+$0x0], $0xffff;
	s0 =	smul.u32 $0x51EB851F, s0  }
0x174: {  	v13 =	vld.idx.msk [tilespmem:v11+s29+$0x0], $0xffff;
	s29 =	smulhi.u32 $0x51EB851F, s10;
	s11 =	spop (v2sf);
	(v2sf) =	vpush v8, $0xD  }
0x175: {  	v16 =	vld.idx.msk [tilespmem:v3+s31+$0x0], $0xffff;
	s31 =	smulhi.u32 $0x51EB851F, s11;
	[smem:$0x717] =	sst s0;
	s0 =	sshra.s32 s11, $0x1F  }
0x176: {  	s11 =	smul.u32 $0x51EB851F, s0;
	s12 =	spop (v2sf)  }
0x177: {  	(v2sf) =	vpush v8, $0xC;
	s13 =	smulhi.u32 $0x51EB851F, s12;
	s0 =	sshra.s32 s12, $0x1F  }
0x178: {  	s1 =	simm.s32 $0x2780;
	s14 =	spop (v2sf);
	s9 =	smul.u32 $0x51EB851F, s0  }
0x179: {  	v17 =	vld.idx.msk [tilespmem:v60+s1+$0x0], $0xffff;
	[smem:$0x716] =	sst s3;
	s2 =	smulhi.u32 $0x51EB851F, s14;
	s0 =	sshra.s32 s14, $0x1F  }
0x17a: {  	v63 =	vld.idx.msk [tilespmem:v3+s1+$0x0], $0xffff;
	(v2sf) =	vpush v8, $0xE;
	s3 =	spop (v2sf);
	s1 =	smul.u32 $0x51EB851F, s0  }
0x17b: {  	s4 =	smulhi.u32 $0x51EB851F, s3;
	s0 =	sshra.s32 s3, $0x1F;
	s5 =	spop (v2sf)  }
0x17c: {  	[smem:$0x719] =	sst s2;
	s2 =	smul.u32 $0x51EB851F, s0  }
0x17d: {  	(v2sf) =	vpush v8, $0xF;
	[smem:$0x718] =	sst s13;
	s6 =	smulhi.u32 $0x51EB851F, s5;
	s0 =	sshra.s32 s5, $0x1F  }
0x17e: {  	s7 =	spop (v2sf);
	s8 =	smul.u32 $0x51EB851F, s0  }
0x17f: {  	(v2sf) =	vpush v8, $0x9;
	[smem:$0x71A] =	sst s4;
	s10 =	smulhi.u32 $0x51EB851F, s7;
	s0 =	sshra.s32 s7, $0x1F  }
0x180: {  	s12 =	spop (v2sf);
	s5 =	smul.u32 $0x51EB851F, s0  }
0x181: {  	(v2sf) =	vpush v8, $0x8;
	s13 =	smulhi.u32 $0x51EB851F, s12;
	s14 =	spop (v2sf)  }
0x182: {  	[smem:$0x71B] =	sst s6;
	s0 =	sshra.s32 s12, $0x1F;
	s6 =	smulhi.u32 $0x51EB851F, s14  }
0x183: {  	(v2sf) =	vpush v8, $0xA;
	s4 =	smul.u32 $0x51EB851F, s0;
	s0 =	sshra.s32 s14, $0x1F;
	s7 =	spop (v2sf)  }
0x184: {  	[smem:$0x71E] =	sst s6;
	s6 =	smul.u32 $0x51EB851F, s0;
	s0 =	sshra.s32 s7, $0x1F  }
0x185: {  	(v2sf) =	vpush v8, $0xB;
	s0 =	smul.u32 $0x51EB851F, s0  }
0x186: {  	[smem:$0x71C] =	sst s10;
	s12 =	spop (v2sf)  }
0x187: {  	s10 =	smulhi.u32 $0x51EB851F, s7;
	[smem:$0x720] =	sst s0;
	s0 =	sshra.s32 s12, $0x1F  }
0x188: {  	[smem:$0x71D] =	sst s13;
	s0 =	smul.u32 $0x51EB851F, s0  }
0x189: {  	s13 =	smulhi.u32 $0x51EB851F, s12;
	s14 =	spop (v2sf)  }
0x18a: {  	(v2sf) =	vpush v8, $0x0;
	s7 =	smulhi.u32 $0x51EB851F, s14;
	[smem:$0x722] =	sst s0;
	s0 =	sshra.s32 s14, $0x1F  }
0x18b: {  	[smem:$0x71F] =	sst s10;
	(v2sf) =	vpush v8, $0x1;
	s0 =	smul.u32 $0x51EB851F, s0  }
0x18c: {  	(v2sf) =	vpush v8, $0x2;
	s10 =	spop (v2sf);
	[smem:$0x721] =	sst s13  }
0x18d: {  	s12 =	smulhi.u32 $0x51EB851F, s10;
	[smem:$0x724] =	sst s0;
	s0 =	sshra.s32 s10, $0x1F  }
0x18e: {  	s13 =	spop (v2sf);
	s0 =	smul.u32 $0x51EB851F, s0  }
0x18f: {  	[smem:$0x723] =	sst s7;
	s14 =	smulhi.u32 $0x51EB851F, s13  }
0x190: {  	s7 =	spop (v2sf);
	[smem:$0x726] =	sst s0;
	s0 =	sshra.s32 s13, $0x1F  }
0x191: {  	(v2sf) =	vpush v8, $0x3;
	[smem:$0x725] =	sst s12;
	s0 =	smul.u32 $0x51EB851F, s0  }
0x192: {  	s12 =	spop (v2sf);
	[smem:$0x727] =	sst s14  }
0x193: {  	(v2sf) =	vpush v8, $0x4;
	s10 =	smulhi.u32 $0x51EB851F, s7;
	[smem:$0x728] =	sst s0;
	s0 =	sshra.s32 s7, $0x1F  }
0x194: {  	s14 =	spop (v2sf);
	s0 =	smul.u32 $0x51EB851F, s0  }
0x195: {  	(v2sf) =	vpush v8, $0x5;
	[smem:$0x729] =	sst s10;
	s13 =	smulhi.u32 $0x51EB851F, s12  }
0x196: {  	s7 =	smulhi.u32 $0x51EB851F, s14;
	[smem:$0x72A] =	sst s0;
	s0 =	sshra.s32 s12, $0x1F  }
0x197: {  	[smem:$0x72B] =	sst s13;
	s0 =	smul.u32 $0x51EB851F, s0  }
0x198: {  	[smem:$0x72D] =	sst s7  }
0x199: {  	(v2sf) =	vpush v8, $0x6;
	s10 =	spop (v2sf);
	[smem:$0x72C] =	sst s0;
	s0 =	sshra.s32 s14, $0x1F  }
0x19a: {  	s13 =	spop (v2sf);
	s0 =	smul.u32 $0x51EB851F, s0  }
0x19b: {  	s12 =	smulhi.u32 $0x51EB851F, s10;
	s7 =	spop (v2sf)  }
0x19c: {  	v7 =	vld [tilespmem:s28+$0xB2F0];
	s14 =	smulhi.u32 $0x51EB851F, s13;
	[smem:$0x72E] =	sst s0;
	s0 =	sshra.s32 s10, $0x1F  }
0x19d: {  	(v2sf) =	vpush v8, $0x7;
	[smem:$0x72F] =	sst s12;
	s12 =	smul.u32 $0x51EB851F, s0  }
0x19e: {  	s0 =	sshra.s32 s13, $0x1F;
	s13 =	smulhi.u32 $0x51EB851F, s7  }
0x19f: {  	[smem:$0x730] =	sst s14;
	s10 =	smul.u32 $0x51EB851F, s0;
	s0 =	sshra.s32 s7, $0x1F  }
0x1a0: {  	s14 =	spop (v2sf);
	s7 =	smul.u32 $0x51EB851F, s0  }
0x1a1: {  	(v2sf) =	vpush v7, $0xD;
	[smem:$0x731] =	sst s13;
	s13 =	smulhi.u32 $0x51EB851F, s14;
	s0 =	sshra.s32 s14, $0x1F  }
0x1a2: {  	s3 =	smul.u32 $0x51EB851F, s0;
	s0 =	spop (v2sf)  }
0x1a3: {  	s14 =	smulhi.u32 $0x51EB851F, s0  }
0x1a4: {  	[smem:$0x732] =	sst s13;
	s13 =	spop (v2sf)  }
0x1a5: {  	(v2sf) =	vpush v7, $0xC;
	[smem:$0x733] =	sst s14;
	s14 =	smulhi.u32 $0x51EB851F, s13;
	s13 =	sshra.s32 s13, $0x1F  }
0x1a6: {  	s13 =	smul.u32 $0x51EB851F, s13;
	_ =	sdelay $0x1  }
0x1a7: {  	[smem:$0x735] =	sst s13;
	s13 =	spop (v2sf)  }
0x1a8: {  	(v2sf) =	vpush v7, $0xE;
	[smem:$0x734] =	sst s14;
	s14 =	smulhi.u32 $0x51EB851F, s13;
	s13 =	sshra.s32 s13, $0x1F  }
0x1a9: {  	s13 =	smul.u32 $0x51EB851F, s13;
	_ =	sdelay $0x1  }
0x1aa: {  	[smem:$0x737] =	sst s13;
	s13 =	spop (v2sf)  }
0x1ab: {  	(v2sf) =	vpush v7, $0xF;
	[smem:$0x736] =	sst s14;
	s14 =	smulhi.u32 $0x51EB851F, s13;
	s13 =	sshra.s32 s13, $0x1F  }
0x1ac: {  	s13 =	smul.u32 $0x51EB851F, s13;
	_ =	sdelay $0x1  }
0x1ad: {  	[smem:$0x739] =	sst s13;
	s13 =	spop (v2sf)  }
0x1ae: {  	(v2sf) =	vpush v7, $0x9;
	[smem:$0x738] =	sst s14;
	s14 =	smulhi.u32 $0x51EB851F, s13;
	s13 =	sshra.s32 s13, $0x1F  }
0x1af: {  	s13 =	smul.u32 $0x51EB851F, s13;
	_ =	sdelay $0x1  }
0x1b0: {  	[smem:$0x73B] =	sst s13;
	s13 =	spop (v2sf)  }
0x1b1: {  	(v2sf) =	vpush v7, $0x8;
	[smem:$0x73A] =	sst s14;
	s14 =	smulhi.u32 $0x51EB851F, s13;
	s13 =	sshra.s32 s13, $0x1F  }
0x1b2: {  	s13 =	smul.u32 $0x51EB851F, s13;
	_ =	sdelay $0x1  }
0x1b3: {  	[smem:$0x73D] =	sst s13;
	s13 =	spop (v2sf)  }
0x1b4: {  	(v2sf) =	vpush v7, $0xA;
	[smem:$0x73C] =	sst s14;
	s14 =	smulhi.u32 $0x51EB851F, s13;
	s13 =	sshra.s32 s13, $0x1F  }
0x1b5: {  	s13 =	smul.u32 $0x51EB851F, s13;
	_ =	sdelay $0x1  }
0x1b6: {  	[smem:$0x73F] =	sst s13;
	s13 =	spop (v2sf)  }
0x1b7: {  	(v2sf) =	vpush v7, $0xB;
	[smem:$0x73E] =	sst s14;
	s14 =	smulhi.u32 $0x51EB851F, s13;
	s13 =	sshra.s32 s13, $0x1F  }
0x1b8: {  	s13 =	smul.u32 $0x51EB851F, s13;
	_ =	sdelay $0x1  }
0x1b9: {  	[smem:$0x741] =	sst s13;
	s13 =	spop (v2sf)  }
0x1ba: {  	(v2sf) =	vpush v7, $0x0;
	[smem:$0x740] =	sst s14;
	s14 =	smulhi.u32 $0x51EB851F, s13;
	s13 =	sshra.s32 s13, $0x1F  }
0x1bb: {  	s13 =	smul.u32 $0x51EB851F, s13;
	_ =	sdelay $0x1  }
0x1bc: {  	[smem:$0x743] =	sst s13;
	s13 =	spop (v2sf)  }
0x1bd: {  	(v2sf) =	vpush v7, $0x1;
	[smem:$0x742] =	sst s14;
	s14 =	smulhi.u32 $0x51EB851F, s13;
	s13 =	sshra.s32 s13, $0x1F  }
0x1be: {  	s13 =	smul.u32 $0x51EB851F, s13;
	_ =	sdelay $0x1  }
0x1bf: {  	[smem:$0x745] =	sst s13;
	s13 =	spop (v2sf)  }
0x1c0: {  	(v2sf) =	vpush v7, $0x2;
	[smem:$0x744] =	sst s14;
	s14 =	smulhi.u32 $0x51EB851F, s13;
	s13 =	sshra.s32 s13, $0x1F  }
0x1c1: {  	s13 =	smul.u32 $0x51EB851F, s13;
	_ =	sdelay $0x1  }
0x1c2: {  	[smem:$0x747] =	sst s13;
	s13 =	spop (v2sf)  }
0x1c3: {  	(v2sf) =	vpush v7, $0x3;
	[smem:$0x746] =	sst s14;
	s14 =	smulhi.u32 $0x51EB851F, s13;
	s13 =	sshra.s32 s13, $0x1F  }
0x1c4: {  	s13 =	smul.u32 $0x51EB851F, s13;
	_ =	sdelay $0x1  }
0x1c5: {  	[smem:$0x749] =	sst s13;
	s13 =	spop (v2sf)  }
0x1c6: {  	(v2sf) =	vpush v7, $0x4;
	[smem:$0x748] =	sst s14;
	s14 =	smulhi.u32 $0x51EB851F, s13;
	s13 =	sshra.s32 s13, $0x1F  }
0x1c7: {  	s13 =	smul.u32 $0x51EB851F, s13;
	_ =	sdelay $0x1  }
0x1c8: {  	[smem:$0x74B] =	sst s13;
	s13 =	spop (v2sf)  }
0x1c9: {  	(v2sf) =	vpush v7, $0x5;
	[smem:$0x74A] =	sst s14;
	s14 =	smulhi.u32 $0x51EB851F, s13;
	s13 =	sshra.s32 s13, $0x1F  }
0x1ca: {  	s13 =	smul.u32 $0x51EB851F, s13;
	_ =	sdelay $0x1  }
0x1cb: {  	[smem:$0x74D] =	sst s13;
	s13 =	spop (v2sf)  }
0x1cc: {  	(v2sf) =	vpush v7, $0x6;
	[smem:$0x74C] =	sst s14;
	s14 =	smulhi.u32 $0x51EB851F, s13;
	s13 =	sshra.s32 s13, $0x1F  }
0x1cd: {  	s13 =	smul.u32 $0x51EB851F, s13;
	_ =	sdelay $0x1  }
0x1ce: {  	v6 =	vld [tilespmem:s28+$0xB300];
	[smem:$0x74F] =	sst s13;
	s13 =	spop (v2sf)  }
0x1cf: {  	(v2sf) =	vpush v7, $0x7;
	[smem:$0x74E] =	sst s14;
	s14 =	smulhi.u32 $0x51EB851F, s13;
	s13 =	sshra.s32 s13, $0x1F  }
0x1d0: {  	s13 =	smul.u32 $0x51EB851F, s13;
	_ =	sdelay $0x1  }
0x1d1: {  	[smem:$0x751] =	sst s13;
	s13 =	spop (v2sf)  }
0x1d2: {  	(v2sf) =	vpush v6, $0xD;
	[smem:$0x750] =	sst s14;
	s14 =	smulhi.u32 $0x51EB851F, s13;
	s13 =	sshra.s32 s13, $0x1F  }
0x1d3: {  	s13 =	smul.u32 $0x51EB851F, s13;
	_ =	sdelay $0x1  }
0x1d4: {  	s15 =	sadd.s32 s18, s15;
	[smem:$0x753] =	sst s13;
	s13 =	spop (v2sf)  }
0x1d5: {  	(v2sf) =	vpush v6, $0xC;
	[smem:$0x752] =	sst s14;
	s14 =	smulhi.u32 $0x51EB851F, s13;
	s13 =	sshra.s32 s13, $0x1F  }
0x1d6: {  	[smem:$0x77F] =	sst s15;
	s18 =	sadd.s32 s20, s17;
	s13 =	smul.u32 $0x51EB851F, s13  }
0x1d7: {  	[smem:$0x780] =	sst s18  }
0x1d8: {  	s19 =	sadd.s32 s22, s19;
	[smem:$0x755] =	sst s13;
	s13 =	spop (v2sf)  }
0x1d9: {  	(v2sf) =	vpush v6, $0xE;
	[smem:$0x754] =	sst s14;
	s14 =	smulhi.u32 $0x51EB851F, s13;
	s13 =	sshra.s32 s13, $0x1F  }
0x1da: {  	[smem:$0x781] =	sst s19;
	s22 =	sadd.s32 s24, s21;
	s13 =	smul.u32 $0x51EB851F, s13  }
0x1db: {  	[smem:$0x782] =	sst s22  }
0x1dc: {  	s23 =	sadd.s32 s26, s23;
	[smem:$0x757] =	sst s13;
	s13 =	spop (v2sf)  }
0x1dd: {  	[smem:$0x756] =	sst s14;
	s14 =	smulhi.u32 $0x51EB851F, s13;
	s13 =	sshra.s32 s13, $0x1F  }
0x1de: {  	[smem:$0x783] =	sst s23;
	s26 =	sadd.s32 s30, s25;
	s13 =	smul.u32 $0x51EB851F, s13  }
0x1df: {  	[smem:$0x784] =	sst s26;
	(v2sf) =	vpush v6, $0xF  }
0x1e0: {  	s11 =	sadd.s32 s11, s31;
	[smem:$0x759] =	sst s13;
	s13 =	spop (v2sf)  }
0x1e1: {  	(v2sf) =	vpush v6, $0x9;
	[smem:$0x758] =	sst s14;
	s14 =	smulhi.u32 $0x51EB851F, s13;
	s13 =	sshra.s32 s13, $0x1F  }
0x1e2: {  	[smem:$0x785] =	sst s11;
	s13 =	smul.u32 $0x51EB851F, s13  }
0x1e3: {  	s23 =	sld [smem:$0x718];
	(v2sf) =	vpush v6, $0x8  }
0x1e4: {  	(v2sf) =	vpush v6, $0xA;
	[smem:$0x75B] =	sst s13;
	s13 =	spop (v2sf)  }
0x1e5: {  	[smem:$0x75A] =	sst s14;
	s14 =	smulhi.u32 $0x51EB851F, s13;
	s13 =	sshra.s32 s13, $0x1F  }
0x1e6: {  	s25 =	sld [smem:$0x719];
	s13 =	smul.u32 $0x51EB851F, s13  }
0x1e7: {  	s31 =	sld [smem:$0x71B]  }
0x1e8: {  	[smem:$0x75D] =	sst s13;
	s13 =	spop (v2sf)  }
0x1e9: {  	s9 =	sadd.s32 s9, s23;
	(v2sf) =	vpush v6, $0xB;
	[smem:$0x75C] =	sst s14;
	s14 =	smulhi.u32 $0x51EB851F, s13  }
0x1ea: {  	[smem:$0x788] =	sst s9;
	(v2sf) =	vpush v6, $0x0  }
0x1eb: {  	s13 =	sshra.s32 s13, $0x1F;
	[smem:$0x75E] =	sst s14  }
0x1ec: {  	s1 =	sadd.s32 s1, s25;
	s13 =	smul.u32 $0x51EB851F, s13;
	s14 =	sld [smem:$0x716]  }
0x1ed: {  	[smem:$0x789] =	sst s1  }
0x1ee: {  	[smem:$0x75F] =	sst s13;
	s13 =	spop (v2sf)  }
0x1ef: {  	s14 =	sadd.s32 s16, s14;
	s16 =	smulhi.u32 $0x51EB851F, s13;
	s13 =	sshra.s32 s13, $0x1F  }
0x1f0: {  	(v2sf) =	vpush v6, $0x1;
	s15 =	smul.u32 $0x51EB851F, s13;
	s13 =	spop (v2sf)  }
0x1f1: {  	[smem:$0x77E] =	sst s14;
	s17 =	smulhi.u32 $0x51EB851F, s13;
	s13 =	sshra.s32 s13, $0x1F  }
0x1f2: {  	s20 =	spop (v2sf);
	s19 =	smul.u32 $0x51EB851F, s13  }
0x1f3: {  	(v2sf) =	vpush v6, $0x2;
	s18 =	smulhi.u32 $0x51EB851F, s20;
	s13 =	sshra.s32 s20, $0x1F;
	s24 =	spop (v2sf)  }
0x1f4: {  	s20 =	sld [smem:$0x717];
	s15 =	sadd.s32 s15, s16;
	s13 =	smul.u32 $0x51EB851F, s13  }
0x1f5: {  	s30 =	smulhi.u32 $0x51EB851F, s24;
	[smem:$0x7B1] =	sst s15  }
0x1f6: {  	[smem:$0x760] =	sst s13  }
0x1f7: {  	[smem:$0x761] =	sst s30  }
0x1f8: {  	s21 =	spop (v2sf);
	s14 =	sadd.s32 s20, s29;
	s29 =	sld [smem:$0x71A]  }
0x1f9: {  	s13 =	sshra.s32 s24, $0x1F;
	s24 =	spop (v2sf);
	s20 =	sld [smem:$0x71C]  }
0x1fa: {  	[smem:$0x787] =	sst s14;
	s13 =	smul.u32 $0x51EB851F, s13  }
0x1fb: {  	s11 =	smulhi.u32 $0x51EB851F, s24;
	s26 =	sshra.s32 s24, $0x1F;
	s24 =	sld [smem:$0x71E]  }
0x1fc: {  	s9 =	smul.u32 $0x51EB851F, s26;
	s26 =	sld [smem:$0x71F]  }
0x1fd: {  	s22 =	sshra.s32 s21, $0x1F;
	[smem:$0x762] =	sst s13  }
0x1fe: {  	(v2sf) =	vpush v6, $0x3;
	s13 =	smul.u32 $0x51EB851F, s22;
	s22 =	sld [smem:$0x71D]  }
0x1ff: {  	s30 =	spop (v2sf);
	s2 =	sadd.s32 s2, s29;
	s29 =	sld [smem:$0x720]  }
0x200: {  	s14 =	smulhi.u32 $0x51EB851F, s21;
	s1 =	sshra.s32 s30, $0x1F;
	[smem:$0x78A] =	sst s2  }
0x201: {  	s2 =	sadd.s32 s8, s31;
	s8 =	smulhi.u32 $0x51EB851F, s30;
	s30 =	sld [smem:$0x721]  }
0x202: {  	s21 =	spop (v2sf);
	s31 =	sld [smem:$0x722]  }
0x203: {  	s23 =	smulhi.u32 $0x51EB851F, s21;
	[smem:$0x78B] =	sst s2;
	s2 =	sadd.s32 s5, s20  }
0x204: {  	s5 =	smul.u32 $0x51EB851F, s1;
	s1 =	sshra.s32 s21, $0x1F;
	s21 =	sld [smem:$0x723]  }
0x205: {  	[smem:$0x78C] =	sst s2  }
0x206: {  	(v2sf) =	vpush v6, $0x4;
	[smem:$0x763] =	sst s23  }
0x207: {  	s2 =	sadd.s32 s4, s22;
	s22 =	sld [smem:$0x724]  }
0x208: {  	s14 =	sadd.s32 s13, s14;
	s4 =	sld [smem:$0x729]  }
0x209: {  	[smem:$0x7B5] =	sst s14  }
0x20a: {  	[smem:$0x78D] =	sst s2  }
0x20b: {  	(v2sf) =	vpush v6, $0x5;
	s1 =	smul.u32 $0x51EB851F, s1;
	s2 =	sadd.s32 s6, s24;
	s24 =	sld [smem:$0x725]  }
0x20c: {  	[smem:$0x786] =	sst s2  }
0x20d: {  	s25 =	spop (v2sf);
	[smem:$0x764] =	sst s1  }
0x20e: {  	s6 =	smulhi.u32 $0x51EB851F, s25;
	s1 =	sshra.s32 s25, $0x1F;
	s25 =	sld [smem:$0x726]  }
0x20f: {  	s2 =	sadd.s32 s29, s26;
	s29 =	sld [smem:$0x727]  }
0x210: {  	[smem:$0x78E] =	sst s2  }
0x211: {  	(v2sf) =	vpush v6, $0x6;
	s2 =	sadd.s32 s31, s30;
	s30 =	sld [smem:$0x728]  }
0x212: {  	s1 =	smul.u32 $0x51EB851F, s1;
	[smem:$0x78F] =	sst s2  }
0x213: {  	s2 =	sadd.s32 s22, s21;
	s22 =	sld [smem:$0x72B]  }
0x214: {  	[smem:$0x765] =	sst s1  }
0x215: {  	s20 =	spop (v2sf);
	[smem:$0x790] =	sst s2  }
0x216: {  	s23 =	smulhi.u32 $0x51EB851F, s20;
	s1 =	sshra.s32 s20, $0x1F;
	s20 =	sld [smem:$0x72A]  }
0x217: {  	s2 =	sadd.s32 s25, s24;
	s25 =	sld [smem:$0x72D]  }
0x218: {  	[smem:$0x791] =	sst s2  }
0x219: {  	s2 =	sadd.s32 s30, s29;
	s30 =	sld [smem:$0x72F]  }
0x21a: {  	s26 =	spop (v2sf);
	[smem:$0x766] =	sst s23  }
0x21b: {  	s1 =	smul.u32 $0x51EB851F, s1;
	[smem:$0x792] =	sst s2  }
0x21c: {  	v5 =	vld [tilespmem:s28+$0xB310];
	s31 =	smulhi.u32 $0x51EB851F, s26;
	s23 =	sld [smem:$0x72C]  }
0x21d: {  	[smem:$0x767] =	sst s1  }
0x21e: {  	(v2sf) =	vpush v6, $0x7;
	[smem:$0x768] =	sst s31  }
0x21f: {  	s1 =	sshra.s32 s26, $0x1F;
	s26 =	sld [smem:$0x72E]  }
0x220: {  	s21 =	spop (v2sf);
	s31 =	sld [smem:$0x730]  }
0x221: {  	(v2sf) =	vpush v5, $0xD;
	s24 =	smulhi.u32 $0x51EB851F, s21;
	s2 =	sadd.s32 s20, s4;
	s20 =	sld [smem:$0x731]  }
0x222: {  	(v2sf) =	vpush v5, $0xC;
	[smem:$0x793] =	sst s2  }
0x223: {  	[smem:$0x76A] =	sst s24  }
0x224: {  	(v2sf) =	vpush v5, $0xE;
	s1 =	smul.u32 $0x51EB851F, s1;
	s13 =	sld [smem:$0x767]  }
0x225: {  	s2 =	sadd.s32 s23, s22;
	s23 =	sld [smem:$0x733]  }
0x226: {  	[smem:$0x769] =	sst s1  }
0x227: {  	[smem:$0x794] =	sst s2  }
0x228: {  	s1 =	sshra.s32 s21, $0x1F;
	s21 =	sld [smem:$0x732]  }
0x229: {  	(v2sf) =	vpush v5, $0xF;
	s2 =	sadd.s32 s26, s25;
	s25 =	sld [smem:$0x734]  }
0x22a: {  	s26 =	sld [smem:$0x735]  }
0x22b: {  	s0 =	sshra.s32 s0, $0x1F;
	[smem:$0x796] =	sst s2  }
0x22c: {  	s0 =	smul.u32 $0x51EB851F, s0;
	s2 =	sadd.s32 s12, s30;
	s30 =	sld [smem:$0x736]  }
0x22d: {  	s29 =	spop (v2sf);
	[smem:$0x797] =	sst s2  }
0x22e: {  	s1 =	smul.u32 $0x51EB851F, s1;
	s2 =	sadd.s32 s10, s31;
	s31 =	sld [smem:$0x737]  }
0x22f: {  	s4 =	smulhi.u32 $0x51EB851F, s29;
	s0 =	sadd.s32 s0, s23;
	s23 =	sld [smem:$0x73B]  }
0x230: {  	s12 =	spop (v2sf);
	[smem:$0x76B] =	sst s1  }
0x231: {  	s22 =	spop (v2sf);
	[smem:$0x798] =	sst s2  }
0x232: {  	(v2sf) =	vpush v5, $0x9;
	s2 =	sadd.s32 s7, s20;
	s7 =	smulhi.u32 $0x51EB851F, s12;
	[smem:$0x79B] =	sst s0  }
0x233: {  	s1 =	sshra.s32 s29, $0x1F;
	s29 =	spop (v2sf);
	s20 =	sld [smem:$0x739]  }
0x234: {  	s24 =	sshra.s32 s22, $0x1F;
	s1 =	smul.u32 $0x51EB851F, s1;
	[smem:$0x799] =	sst s2  }
0x235: {  	s2 =	sadd.s32 s3, s21;
	s3 =	smulhi.u32 $0x51EB851F, s22;
	s22 =	sld [smem:$0x73A]  }
0x236: {  	s0 =	smul.u32 $0x51EB851F, s24;
	[smem:$0x79A] =	sst s2  }
0x237: {  	s10 =	smulhi.u32 $0x51EB851F, s29;
	[smem:$0x76C] =	sst s1  }
0x238: {  	s21 =	spop (v2sf);
	[smem:$0x76E] =	sst s0  }
0x239: {  	s1 =	sshra.s32 s12, $0x1F;
	[smem:$0x76F] =	sst s10;
	s24 =	smulhi.u32 $0x51EB851F, s21  }
0x23a: {  	(v2sf) =	vpush v5, $0x8;
	s0 =	sshra.s32 s29, $0x1F;
	s12 =	sld [smem:$0x738];
	s1 =	smul.u32 $0x51EB851F, s1  }
0x23b: {  	s0 =	smul.u32 $0x51EB851F, s0;
	[smem:$0x771] =	sst s24  }
0x23c: {  	[smem:$0x76D] =	sst s1  }
0x23d: {  	[smem:$0x770] =	sst s0  }
0x23e: {  	s1 =	sadd.s32 s26, s25;
	s25 =	sld [smem:$0x73C]  }
0x23f: {  	s26 =	sld [smem:$0x73D]  }
0x240: {  	[smem:$0x79C] =	sst s1  }
0x241: {  	s29 =	spop (v2sf);
	s1 =	sadd.s32 s31, s30;
	s30 =	sld [smem:$0x73E]  }
0x242: {  	s10 =	smulhi.u32 $0x51EB851F, s29;
	s31 =	sld [smem:$0x73F]  }
0x243: {  	(v2sf) =	vpush v5, $0xA;
	[smem:$0x79D] =	sst s1  }
0x244: {  	[smem:$0x773] =	sst s10  }
0x245: {  	s1 =	sadd.s32 s20, s12;
	s12 =	sld [smem:$0x740]  }
0x246: {  	s0 =	sshra.s32 s21, $0x1F;
	s20 =	sld [smem:$0x741]  }
0x247: {  	s0 =	smul.u32 $0x51EB851F, s0;
	s10 =	sld [smem:$0x748]  }
0x248: {  	[smem:$0x795] =	sst s1  }
0x249: {  	s21 =	spop (v2sf);
	[smem:$0x772] =	sst s0  }
0x24a: {  	s24 =	smulhi.u32 $0x51EB851F, s21;
	s1 =	sadd.s32 s23, s22;
	s22 =	sld [smem:$0x742]  }
0x24b: {  	s23 =	sld [smem:$0x743]  }
0x24c: {  	[smem:$0x775] =	sst s24  }
0x24d: {  	(v2sf) =	vpush v5, $0xB;
	s24 =	sld [smem:$0x74C]  }
0x24e: {  	[smem:$0x79E] =	sst s1  }
0x24f: {  	s1 =	sadd.s32 s26, s25;
	s25 =	sld [smem:$0x744]  }
0x250: {  	s26 =	sld [smem:$0x745]  }
0x251: {  	s0 =	sshra.s32 s29, $0x1F;
	[smem:$0x79F] =	sst s1  }
0x252: {  	s29 =	spop (v2sf);
	s1 =	sadd.s32 s31, s30;
	s30 =	sld [smem:$0x746]  }
0x253: {  	s0 =	smul.u32 $0x51EB851F, s0;
	s31 =	sld [smem:$0x747]  }
0x254: {  	s2 =	smulhi.u32 $0x51EB851F, s29;
	[smem:$0x7A0] =	sst s1  }
0x255: {  	(v2sf) =	vpush v5, $0x0;
	[smem:$0x774] =	sst s0  }
0x256: {  	[smem:$0x777] =	sst s2  }
0x257: {  	s1 =	sadd.s32 s20, s12;
	s12 =	sld [smem:$0x749]  }
0x258: {  	s0 =	sshra.s32 s21, $0x1F;
	s21 =	sld [smem:$0x74A]  }
0x259: {  	s2 =	sld [smem:$0x750]  }
0x25a: {  	[smem:$0x7A1] =	sst s1  }
0x25b: {  	s1 =	sadd.s32 s23, s22;
	s22 =	sld [smem:$0x74B]  }
0x25c: {  	s20 =	spop (v2sf);
	[smem:$0x7A2] =	sst s1  }
0x25d: {  	(v2sf) =	vpush v5, $0x1;
	s0 =	smul.u32 $0x51EB851F, s0;
	s1 =	sadd.s32 s26, s25;
	s25 =	sld [smem:$0x74D]  }
0x25e: {  	s23 =	smulhi.u32 $0x51EB851F, s20;
	[smem:$0x7A3] =	sst s1  }
0x25f: {  	[smem:$0x776] =	sst s0  }
0x260: {  	[smem:$0x779] =	sst s23  }
0x261: {  	s0 =	sshra.s32 s29, $0x1F;
	s29 =	sld [smem:$0x74E]  }
0x262: {  	s1 =	sadd.s32 s31, s30;
	s30 =	sld [smem:$0x74F]  }
0x263: {  	s23 =	sld [smem:$0x754]  }
0x264: {  	s26 =	spop (v2sf);
	[smem:$0x7A4] =	sst s1  }
0x265: {  	s31 =	smulhi.u32 $0x51EB851F, s26;
	s1 =	sadd.s32 s12, s10;
	s10 =	sld [smem:$0x751]  }
0x266: {  	[smem:$0x7A5] =	sst s1  }
0x267: {  	[smem:$0x77B] =	sst s31  }
0x268: {  	s0 =	smul.u32 $0x51EB851F, s0;
	s1 =	sadd.s32 s22, s21;
	s21 =	sld [smem:$0x753]  }
0x269: {  	s31 =	sld [smem:$0x757]  }
0x26a: {  	[smem:$0x778] =	sst s0  }
0x26b: {  	[smem:$0x7A6] =	sst s1  }
0x26c: {  	s12 =	spop (v2sf);
	s0 =	sshra.s32 s20, $0x1F;
	s20 =	sld [smem:$0x752]  }
0x26d: {  	s22 =	smulhi.u32 $0x51EB851F, s12;
	s1 =	sadd.s32 s25, s24;
	s24 =	sld [smem:$0x755]  }
0x26e: {  	[smem:$0x7A7] =	sst s1  }
0x26f: {  	(v2sf) =	vpush v5, $0x2;
	[smem:$0x77D] =	sst s22  }
0x270: {  	s1 =	sadd.s32 s30, s29;
	s30 =	sld [smem:$0x756]  }
0x271: {  	(v2sf) =	vpush v5, $0x3;
	s22 =	sld [smem:$0x75B]  }
0x272: {  	(v2sf) =	vpush v5, $0x4;
	[smem:$0x7A9] =	sst s1  }
0x273: {  	s0 =	smul.u32 $0x51EB851F, s0;
	s1 =	sadd.s32 s10, s2;
	s10 =	sld [smem:$0x758]  }
0x274: {  	(v2sf) =	vpush v5, $0x5;
	s2 =	sld [smem:$0x76E]  }
0x275: {  	[smem:$0x77A] =	sst s0  }
0x276: {  	[smem:$0x7AA] =	sst s1  }
0x277: {  	s1 =	sadd.s32 s21, s20;
	s21 =	sld [smem:$0x75A]  }
0x278: {  	s0 =	sshra.s32 s26, $0x1F;
	[smem:$0x7AB] =	sst s1  }
0x279: {  	s0 =	smul.u32 $0x51EB851F, s0;
	s1 =	sadd.s32 s24, s23;
	s23 =	sld [smem:$0x75C]  }
0x27a: {  	[smem:$0x7AC] =	sst s1  }
0x27b: {  	[smem:$0x77C] =	sst s0  }
0x27c: {  	s0 =	sshra.s32 s12, $0x1F;
	s12 =	sld [smem:$0x759]  }
0x27d: {  	(v2sf) =	vpush v5, $0x6;
	s1 =	sadd.s32 s31, s30;
	s30 =	sld [smem:$0x75D]  }
0x27e: {  	v4 =	vld [tilespmem:s28+$0xB320];
	s25 =	spop (v2sf);
	[smem:$0x7AD] =	sst s1  }
0x27f: {  	s29 =	smulhi.u32 $0x51EB851F, s25;
	s1 =	sadd.s32 s12, s10;
	s10 =	sld [smem:$0x75E]  }
0x280: {  	(v2sf) =	vpush v5, $0x7;
	s20 =	spop (v2sf);
	s12 =	sld [smem:$0x75F]  }
0x281: {  	s31 =	spop (v2sf);
	[smem:$0x7A8] =	sst s1;
	s1 =	sadd.s32 s22, s21  }
0x282: {  	s21 =	sadd.s32 s19, s17;
	s17 =	sadd.s32 s9, s11;
	s9 =	sld [smem:$0x765]  }
0x283: {  	(v2sf) =	vpush v4, $0xD;
	s16 =	spop (v2sf);
	s11 =	sld [smem:$0x766]  }
0x284: {  	s26 =	smul.u32 $0x51EB851F, s0;
	s0 =	sshra.s32 s25, $0x1F;
	[smem:$0x7AE] =	sst s1  }
0x285: {  	s24 =	smul.u32 $0x51EB851F, s0;
	[smem:$0x7B2] =	sst s21  }
0x286: {  	s25 =	smulhi.u32 $0x51EB851F, s20;
	s1 =	sadd.s32 s30, s23;
	s30 =	sld [smem:$0x760]  }
0x287: {  	s0 =	sshra.s32 s20, $0x1F;
	s24 =	sadd.s32 s24, s29;
	[smem:$0x7B6] =	sst s17  }
0x288: {  	(v2sf) =	vpush v4, $0xC;
	s22 =	smul.u32 $0x51EB851F, s0;
	[smem:$0x7C7] =	sst s24  }
0x289: {  	s0 =	sshra.s32 s31, $0x1F;
	s23 =	smulhi.u32 $0x51EB851F, s31;
	[smem:$0x7AF] =	sst s1  }
0x28a: {  	(v2sf) =	vpush v4, $0xE;
	s20 =	smul.u32 $0x51EB851F, s0;
	s1 =	sadd.s32 s12, s10;
	s10 =	sld [smem:$0x761]  }
0x28b: {  	s21 =	smulhi.u32 $0x51EB851F, s16;
	s12 =	sld [smem:$0x762]  }
0x28c: {  	s31 =	spop (v2sf);
	s22 =	sadd.s32 s22, s25;
	[smem:$0x7B0] =	sst s1  }
0x28d: {  	s19 =	smulhi.u32 $0x51EB851F, s31;
	[smem:$0x7C8] =	sst s22  }
0x28e: {  	s1 =	sadd.s32 s30, s18;
	s30 =	sadd.s32 s5, s8;
	s5 =	sld [smem:$0x763]  }
0x28f: {  	s15 =	spop (v2sf);
	s20 =	sadd.s32 s20, s23;
	s8 =	sld [smem:$0x764]  }
0x290: {  	s0 =	sshra.s32 s16, $0x1F;
	s17 =	smulhi.u32 $0x51EB851F, s15;
	[smem:$0x7CA] =	sst s20  }
0x291: {  	(v2sf) =	vpush v4, $0xF;
	s18 =	smul.u32 $0x51EB851F, s0;
	[smem:$0x7B3] =	sst s1  }
0x292: {  	s0 =	sshra.s32 s31, $0x1F;
	s31 =	spop (v2sf);
	[smem:$0x7B7] =	sst s30  }
0x293: {  	s1 =	sadd.s32 s12, s10;
	s16 =	smul.u32 $0x51EB851F, s0;
	s30 =	sld [smem:$0x768]  }
0x294: {  	s0 =	sshra.s32 s15, $0x1F;
	s15 =	smulhi.u32 $0x51EB851F, s31;
	[smem:$0x7B4] =	sst s1  }
0x295: {  	s14 =	smul.u32 $0x51EB851F, s0;
	s0 =	sshra.s32 s31, $0x1F;
	s31 =	sld [smem:$0x769]  }
0x296: {  	(v2sf) =	vpush v4, $0x9;
	s18 =	sadd.s32 s18, s21;
	s1 =	sadd.s32 s8, s5;
	s8 =	sld [smem:$0x76B]  }
0x297: {  	s10 =	spop (v2sf);
	[smem:$0x7CC] =	sst s18  }
0x298: {  	(v2sf) =	vpush v4, $0x8;
	s12 =	smul.u32 $0x51EB851F, s0;
	s0 =	sshra.s32 s10, $0x1F;
	[smem:$0x7B9] =	sst s1  }
0x299: {  	s5 =	spop (v2sf);
	s1 =	sadd.s32 s9, s6;
	s6 =	sld [smem:$0x76A]  }
0x29a: {  	[smem:$0x7BA] =	sst s1;
	s1 =	sadd.s32 s13, s11;
	s13 =	smulhi.u32 $0x51EB851F, s10  }
0x29b: {  	s9 =	sld [smem:$0x76C];
	s10 =	smul.u32 $0x51EB851F, s0  }
0x29c: {  	s11 =	smulhi.u32 $0x51EB851F, s5;
	s0 =	sshra.s32 s5, $0x1F;
	s5 =	sld [smem:$0x76F]  }
0x29d: {  	[smem:$0x7BB] =	sst s1  }
0x29e: {  	s1 =	sadd.s32 s31, s30;
	s31 =	sld [smem:$0x76D]  }
0x29f: {  	[smem:$0x7BC] =	sst s1  }
0x2a0: {  	s30 =	spop (v2sf);
	s1 =	sadd.s32 s8, s6;
	s6 =	sld [smem:$0x770]  }
0x2a1: {  	(v2sf) =	vpush v4, $0xA;
	s8 =	smulhi.u32 $0x51EB851F, s30;
	[smem:$0x7BD] =	sst s1;
	s1 =	sadd.s32 s9, s4  }
0x2a2: {  	s9 =	smul.u32 $0x51EB851F, s0;
	s0 =	sshra.s32 s30, $0x1F;
	s30 =	sld [smem:$0x771]  }
0x2a3: {  	[smem:$0x7B8] =	sst s1  }
0x2a4: {  	s1 =	sadd.s32 s31, s7;
	s31 =	sld [smem:$0x772]  }
0x2a5: {  	s4 =	spop (v2sf);
	[smem:$0x7BE] =	sst s1;
	s1 =	sadd.s32 s2, s3  }
0x2a6: {  	s7 =	smul.u32 $0x51EB851F, s0;
	[smem:$0x7BF] =	sst s1;
	s1 =	sadd.s32 s6, s5  }
0x2a7: {  	s0 =	sshra.s32 s4, $0x1F;
	s3 =	spop (v2sf);
	[smem:$0x7C3] =	sst s1  }
0x2a8: {  	s6 =	smulhi.u32 $0x51EB851F, s4;
	s1 =	sadd.s32 s31, s30;
	s30 =	sld [smem:$0x773]  }
0x2a9: {  	s5 =	smul.u32 $0x51EB851F, s0;
	s31 =	sld [smem:$0x774]  }
0x2aa: {  	s4 =	smulhi.u32 $0x51EB851F, s3;
	s0 =	sshra.s32 s3, $0x1F;
	s3 =	sld [smem:$0x775]  }
0x2ab: {  	[smem:$0x7C5] =	sst s1  }
0x2ac: {  	s1 =	sadd.s32 s31, s30;
	s30 =	sld [smem:$0x776]  }
0x2ad: {  	(v2sf) =	vpush v4, $0xB;
	s2 =	sld [smem:$0x777]  }
0x2ae: {  	(v2sf) =	vpush v4, $0x0;
	[smem:$0x7C1] =	sst s1  }
0x2af: {  	s16 =	sadd.s32 s16, s19;
	s1 =	sadd.s32 s30, s3;
	s30 =	sld [smem:$0x778]  }
0x2b0: {  	(v2sf) =	vpush v4, $0x1;
	[smem:$0x7CD] =	sst s16;
	s31 =	spop (v2sf)  }
0x2b1: {  	(v2sf) =	vpush v4, $0x2;
	s3 =	smul.u32 $0x51EB851F, s0;
	s0 =	sshra.s32 s31, $0x1F;
	[smem:$0x7C0] =	sst s1  }
0x2b2: {  	(v2sf) =	vpush v4, $0x3;
	s1 =	sadd.s32 s30, s2;
	s2 =	smulhi.u32 $0x51EB851F, s31;
	s31 =	sld [smem:$0x77A]  }
0x2b3: {  	(v2sf) =	vpush v4, $0x4;
	[smem:$0x7C4] =	sst s1  }
0x2b4: {  	s14 =	sadd.s32 s14, s17;
	s1 =	sld [smem:$0x779]  }
0x2b5: {  	[smem:$0x7C9] =	sst s14  }
0x2b6: {  	s30 =	sld [smem:$0x77B]  }
0x2b7: {  	s12 =	sadd.s32 s12, s15;
	s1 =	sadd.s32 s31, s1;
	s31 =	sld [smem:$0x77C]  }
0x2b8: {  	[smem:$0x7CF] =	sst s12;
	s10 =	sadd.s32 s10, s13  }
0x2b9: {  	[smem:$0x7CE] =	sst s10  }
0x2ba: {  	s30 =	sadd.s32 s31, s30;
	s31 =	sld [smem:$0x77D]  }
0x2bb: {  	(v2sf) =	vpush v4, $0x5;
	[smem:$0x7C6] =	sst s1;
	s1 =	smul.u32 $0x51EB851F, s0  }
0x2bc: {  	s9 =	sadd.s32 s9, s11;
	s0 =	spop (v2sf);
	[smem:$0x7C2] =	sst s30  }
0x2bd: {  	s30 =	smulhi.u32 $0x51EB851F, s0;
	s31 =	sadd.s32 s26, s31;
	s26 =	spop (v2sf)  }
0x2be: {  	s7 =	sadd.s32 s7, s8;
	(v2sf) =	vpush v4, $0x6;
	s24 =	smulhi.u32 $0x51EB851F, s26;
	s26 =	sshra.s32 s26, $0x1F  }
0x2bf: {  	s0 =	sshra.s32 s0, $0x1F;
	s22 =	smul.u32 $0x51EB851F, s26;
	s26 =	spop (v2sf)  }
0x2c0: {  	s5 =	sadd.s32 s5, s6;
	s0 =	smul.u32 $0x51EB851F, s0;
	s23 =	spop (v2sf)  }
0x2c1: {  	s20 =	smulhi.u32 $0x51EB851F, s26;
	s29 =	sshra.s32 s26, $0x1F;
	s26 =	spop (v2sf)  }
0x2c2: {  	s3 =	sadd.s32 s3, s4;
	s15 =	spop (v2sf);
	[smem:$0x7D0] =	sst s9  }
0x2c3: {  	s1 =	sadd.s32 s1, s2;
	s18 =	smul.u32 $0x51EB851F, s29;
	[dreg:$0x1f] =	wrdreg s7  }
0x2c4: {  	s16 =	smulhi.u32 $0x51EB851F, s23;
	s25 =	sshra.s32 s23, $0x1F;
	[dreg:$0x1d] =	wrdreg s5  }
0x2c5: {  	s0 =	sadd.s32 s0, s30;
	s14 =	smul.u32 $0x51EB851F, s25;
	[dreg:$0x1e] =	wrdreg s3  }
0x2c6: {  	s12 =	smulhi.u32 $0x51EB851F, s26;
	s29 =	sshra.s32 s26, $0x1F;
	[dreg:$0x1b] =	wrdreg s1  }
0x2c7: {  	s11 =	sadd.s32 s22, s24;
	[dreg:$0x17] =	wrdreg s0;
	s10 =	smul.u32 $0x51EB851F, s29  }
0x2c8: {  	[smem:$0x7D1] =	sst s11;
	s9 =	smulhi.u32 $0x51EB851F, s15  }
0x2c9: {  	s17 =	sshra.s32 s15, $0x1F;
	s15 =	sadd.s32 s18, s20;
	s20 =	sld [smem:$0x77E]  }
0x2ca: {  	s21 =	spop (v2sf);
	s24 =	sld [smem:$0x781]  }
0x2cb: {  	s30 =	sld [smem:$0x785];
	s19 =	smul.u32 $0x51EB851F, s17  }
0x2cc: {  	s23 =	smulhi.u32 $0x51EB851F, s21;
	s25 =	sshra.s32 s21, $0x1F;
	[smem:$0x7D2] =	sst s15  }
0x2cd: {  	s29 =	spop (v2sf);
	s16 =	sadd.s32 s14, s16;
	s21 =	sld [smem:$0x77F]  }
0x2ce: {  	s26 =	smul.u32 $0x51EB851F, s25;
	[smem:$0x7D3] =	sst s16  }
0x2cf: {  	s6 =	smulhi.u32 $0x51EB851F, s29;
	s25 =	sld [smem:$0x782]  }
0x2d0: {  	s8 =	sshra.s32 s29, $0x1F;
	s17 =	sadd.s32 s10, s12;
	s29 =	sld [smem:$0x784]  }
0x2d1: {  	[dreg:$0x19] =	wrdreg s17;
	s18 =	sadd.s32 s19, s9  }
0x2d2: {  	s13 =	smul.u32 $0x51EB851F, s8;
	s2 =	sshra.s32 s20, $0x6;
	[dreg:$0x15] =	wrdreg s18  }
0x2d3: {  	s10 =	sshrl.u32 s24, $0x1F;
	s19 =	sadd.s32 s26, s23;
	s23 =	sld [smem:$0x780]  }
0x2d4: {  	s3 =	sshra.s32 s24, $0x6;
	s16 =	sshrl.u32 s30, $0x1F;
	s26 =	sld [smem:$0x783]  }
0x2d5: {  	s22 =	sshrl.u32 s21, $0x1F;
	s5 =	sshra.s32 s21, $0x6;
	s18 =	sld [smem:$0x786]  }
0x2d6: {  	s21 =	sshra.s32 s30, $0x6;
	[dreg:$0x13] =	wrdreg s19;
	s0 =	sadd.s32 s13, s6  }
0x2d7: {  	s14 =	sshrl.u32 s29, $0x1F;
	s6 =	sshra.s32 s29, $0x6;
	s29 =	sld [smem:$0x789]  }
0x2d8: {  	s11 =	sshrl.u32 s25, $0x1F;
	v26 =	vmov s22;
	s22 =	sshra.s32 s30, $0x1F;
	[dreg:$0x10] =	wrdreg s0  }
0x2d9: {  	s0 =	sshrl.u32 s20, $0x1F;
	s20 =	sld [smem:$0x787];
	s9 =	sshrl.u32 s23, $0x1F  }
0x2da: {  	vm11 =	vmmov vm8;
	vm10 =	vcmask $0xF0C;
	vm9 =	vcmask $0x704;
	s1 =	sshra.s32 s23, $0x6;
	s12 =	sshrl.u32 s26, $0x1F;
	s19 =	sshra.s32 s18, $0x1F  }
0x2db: {  	v24 =	vmov s16;
	s13 =	sshra.s32 s26, $0x6;
	s23 =	sld [smem:$0x788];
	v20 =	vsel vm1, s0, v26;
	v25 =	vmov s19;
	s30 =	sshrl.u32 s29, $0x1F  }
0x2dc: {  	v20 =	vsel vm2, s9, v20;
	s19 =	sshra.s32 s29, $0x6;
	v27 =	vmov s12;
	s15 =	sshrl.u32 s20, $0x1F;
	v19 =	vsel vm11, s21, v25;
	s21 =	sld [smem:$0x78A]  }
0x2dd: {  	v9 =	vnsel vm11, $0x0, v24;
	s8 =	sshra.s32 s20, $0x6;
	s20 =	sshra.s32 s29, $0x1F;
	v36 =	vsel vm3, s10, v20;
	s29 =	sld [smem:$0x78C];
	v20 =	vsel vm1, s11, v27  }
0x2de: {  	s4 =	sshra.s32 s25, $0x6;
	v30 =	vmov s13;
	s24 =	sshrl.u32 s23, $0x1F;
	v19 =	vsel vm9, s22, v19;
	s25 =	sshra.s32 s23, $0x6;
	v20 =	vsel vm2, s14, v20  }
0x2df: {  	s26 =	sshra.s32 s23, $0x1F;
	v9 =	vsel vm1, s24, v9;
	v19 =	vsel vm1, s25, v19;
	s24 =	sld [smem:$0x78B];
	v39 =	vsel vm3, s15, v20  }
0x2e0: {  	v20 =	vsel vm1, s4, v30;
	s4 =	sld [smem:$0x791];
	v9 =	vsel vm2, s30, v9;
	s22 =	sshrl.u32 s21, $0x1F;
	v19 =	vsel vm10, s26, v19;
	s30 =	sshrl.u32 s29, $0x1F  }
0x2e1: {  	vm15 =	vmmov vm11;
	vm11 =	vcmask $0x1714;
	s11 =	sshra.s32 s29, $0x1F;
	v19 =	vsel vm2, s19, v19;
	s19 =	sshra.s32 s29, $0x6;
	s29 =	sld [smem:$0x790]  }
0x2e2: {  	s23 =	sshra.s32 s21, $0x6;
	s25 =	sshrl.u32 s24, $0x1F;
	v19 =	vsel vm11, s20, v19;
	s20 =	sld [smem:$0x78D]  }
0x2e3: {  	v9 =	vsel vm3, s22, v9;
	s26 =	sshra.s32 s24, $0x6;
	s16 =	sshra.s32 s24, $0x1F;
	s24 =	sld [smem:$0x78E]  }
0x2e4: {  	vm4 =	vmmov vm6;
	s10 =	sshra.s32 s21, $0x1F;
	v9 =	vsel vm12, s25, v9;
	v19 =	vsel vm3, s23, v19;
	s23 =	sshrl.u32 s18, $0x1F;
	s25 =	sld [smem:$0x78F]  }
0x2e5: {  	v9 =	vsel vm4, s30, v9;
	s30 =	sshrl.u32 s29, $0x1F;
	s7 =	sshra.s32 s29, $0x6;
	s29 =	sld [smem:$0x798]  }
0x2e6: {  	vm6 =	vmmov vm0;
	vm0 =	vmmov vm4;
	vm4 =	vcmask $0x1F1C;
	s21 =	sshrl.u32 s20, $0x1F;
	s22 =	sshra.s32 s20, $0x6;
	s17 =	sshra.s32 s20, $0x1F  }
0x2e7: {  	vm8 =	vmmov vm3;
	v29 =	vmov s5;
	v28 =	vsel vm4, s10, v19;
	s10 =	sshra.s32 s18, $0x6;
	s15 =	sshrl.u32 s24, $0x1F;
	s18 =	sld [smem:$0x792]  }
0x2e8: {  	v20 =	vsel vm2, s6, v20;
	s0 =	sshra.s32 s24, $0x6;
	v19 =	vsel vm1, s2, v29;
	s2 =	sshra.s32 s4, $0x6;
	s20 =	sld [smem:$0x794];
	v9 =	vsel vm7, s21, v9  }
0x2e9: {  	s5 =	sshra.s32 s25, $0x6;
	v19 =	vsel vm2, s1, v19;
	v38 =	vsel vm5, s23, v9;
	v9 =	vsel vm12, s26, v28;
	s26 =	sshrl.u32 s25, $0x1F;
	s23 =	sld [smem:$0x797]  }
0x2ea: {  	v41 =	vsel vm3, s8, v20;
	v40 =	vsel vm3, s3, v19;
	v9 =	vsel vm14, s16, v9;
	s6 =	sshrl.u32 s18, $0x1F;
	s1 =	sshra.s32 s18, $0x6;
	s18 =	sld [smem:$0x795]  }
0x2eb: {  	vm3 =	vcmask $0x2F2C;
	s16 =	sshrl.u32 s4, $0x1F;
	v31 =	vmov s26;
	s3 =	sshra.s32 s20, $0x6;
	v9 =	vsel vm0, s19, v9;
	s19 =	sld [smem:$0x793]  }
0x2ec: {  	v19 =	vsel vm1, s15, v31;
	s15 =	sshra.s32 s29, $0x1F;
	v9 =	vsel vm3, s11, v9;
	s11 =	sshrl.u32 s20, $0x1F;
	s24 =	sshra.s32 s23, $0x6  }
0x2ed: {  	s25 =	sshrl.u32 s23, $0x1F;
	s26 =	sshra.s32 s23, $0x1F;
	s23 =	sld [smem:$0x79A]  }
0x2ee: {  	vm13 =	vmmov vm14;
	v33 =	vsel vm2, s30, v19;
	s30 =	sshrl.u32 s29, $0x1F;
	s20 =	sld [smem:$0x799];
	s21 =	sshra.s32 s18, $0x1F  }
0x2ef: {  	vm14 =	vcmask $0x3734;
	v9 =	vsel vm7, s22, v9;
	s22 =	sld [smem:$0x796];
	s9 =	sshrl.u32 s19, $0x1F;
	s8 =	sshra.s32 s19, $0x6;
	v32 =	vmov s21  }
0x2f0: {  	v9 =	vsel vm14, s17, v9;
	s19 =	sshra.s32 s29, $0x6;
	v20 =	vsel vm15, s24, v32;
	v37 =	vmov s9;
	s24 =	sshrl.u32 s23, $0x1F;
	s9 =	sld [smem:$0x79D]  }
0x2f1: {  	v26 =	vsel vm8, s16, v33;
	v35 =	vmov s25;
	v42 =	vsel vm5, s10, v9;
	s25 =	sshra.s32 s23, $0x6;
	s17 =	sshra.s32 s23, $0x1F;
	s23 =	sld [smem:$0x79E]  }
0x2f2: {  	s21 =	sshrl.u32 s20, $0x1F;
	s16 =	sshra.s32 s20, $0x1F;
	v9 =	vnsel vm15, $0x0, v35;
	v34 =	vsel vm9, s26, v20;
	v20 =	vsel vm1, s6, v37;
	s26 =	sld [smem:$0x79B]  }
0x2f3: {  	s12 =	sshrl.u32 s22, $0x1F;
	s4 =	sshra.s32 s22, $0x6;
	v9 =	vsel vm1, s30, v9;
	v19 =	vsel vm1, s19, v34;
	v20 =	vsel vm2, s11, v20;
	s19 =	sld [smem:$0x79C]  }
0x2f4: {  	s22 =	sshra.s32 s20, $0x6;
	v9 =	vsel vm2, s21, v9;
	s11 =	sld [smem:$0x7A1];
	v19 =	vsel vm10, s15, v19;
	v29 =	vsel vm8, s12, v20;
	s12 =	sshrl.u32 s9, $0x1F  }
0x2f5: {  	v43 =	vmov s5;
	v9 =	vsel vm8, s24, v9;
	s15 =	sshra.s32 s9, $0x1F;
	s24 =	sshrl.u32 s23, $0x1F;
	s5 =	sshra.s32 s23, $0x6;
	v19 =	vsel vm2, s22, v19  }
0x2f6: {  	s23 =	sld [smem:$0x7A5];
	s29 =	sshrl.u32 s26, $0x1F;
	s30 =	sshra.s32 s26, $0x6;
	v19 =	vsel vm11, s16, v19  }
0x2f7: {  	s14 =	sshra.s32 s26, $0x1F;
	s20 =	sshrl.u32 s19, $0x1F;
	v9 =	vsel vm12, s29, v9;
	v19 =	vsel vm8, s25, v19;
	s25 =	sld [smem:$0x79F]  }
0x2f8: {  	s22 =	sshrl.u32 s18, $0x1F;
	s18 =	sshra.s32 s18, $0x6;
	s29 =	sld [smem:$0x7A0];
	v9 =	vsel vm0, s20, v9  }
0x2f9: {  	s21 =	sshra.s32 s19, $0x6;
	s16 =	sshra.s32 s19, $0x1F;
	v19 =	vsel vm4, s17, v19;
	v9 =	vsel vm7, s12, v9;
	s17 =	sld [smem:$0x7A2]  }
0x2fa: {  	v20 =	vsel vm1, s0, v43;
	s19 =	sshra.s32 s9, $0x6;
	v30 =	vsel vm5, s22, v9;
	s22 =	sld [smem:$0x7A4];
	s26 =	sshrl.u32 s25, $0x1F  }
0x2fb: {  	v20 =	vsel vm2, s7, v20;
	v19 =	vsel vm12, s30, v19;
	s30 =	sshrl.u32 s29, $0x1F;
	s0 =	sshra.s32 s29, $0x6;
	s29 =	sld [smem:$0x7A7];
	v45 =	vmov s26  }
0x2fc: {  	v34 =	vsel vm8, s2, v20;
	s2 =	sshra.s32 s11, $0x6;
	s20 =	sshrl.u32 s11, $0x1F;
	v19 =	vsel vm13, s14, v19;
	v21 =	vsel vm1, s24, v45;
	s24 =	sld [smem:$0x7A6]  }
0x2fd: {  	s6 =	sshra.s32 s25, $0x6;
	v19 =	vsel vm0, s21, v19;
	s13 =	sshrl.u32 s17, $0x1F;
	s7 =	sshra.s32 s17, $0x6  }
0x2fe: {  	s21 =	sld [smem:$0x7A3];
	v19 =	vsel vm3, s16, v19;
	s16 =	sshrl.u32 s22, $0x1F;
	s11 =	sshra.s32 s22, $0x6  }
0x2ff: {  	v44 =	vmov s8;
	s17 =	sshra.s32 s29, $0x6;
	s22 =	sld [smem:$0x7A9];
	v19 =	vsel vm7, s19, v19;
	s25 =	sshrl.u32 s24, $0x1F  }
0x300: {  	v20 =	vsel vm1, s1, v44;
	v19 =	vsel vm14, s15, v19;
	s26 =	sshra.s32 s24, $0x6;
	s15 =	sshra.s32 s24, $0x1F;
	s24 =	sld [smem:$0x7A8]  }
0x301: {  	v20 =	vsel vm2, s3, v20;
	s3 =	sshra.s32 s29, $0x1F;
	v46 =	vsel vm2, s30, v21;
	s30 =	sshrl.u32 s29, $0x1F;
	s29 =	sld [smem:$0x7AB]  }
0x302: {  	(v2sf) =	vpush v4, $0x7;
	s1 =	sshrl.u32 s23, $0x1F;
	s8 =	sshrl.u32 s21, $0x1F;
	v47 =	vmov s25;
	s25 =	sld [smem:$0x7AA]  }
0x303: {  	v37 =	vsel vm8, s4, v20;
	s9 =	sshra.s32 s21, $0x6;
	v50 =	vmov s8;
	s8 =	sld [smem:$0x7AE];
	v20 =	vnsel vm15, $0x0, v47;
	s21 =	sshra.s32 s24, $0x1F  }
0x304: {  	s10 =	sshra.s32 s23, $0x6;
	s23 =	sshrl.u32 s22, $0x1F;
	v21 =	vsel vm1, s13, v50;
	s13 =	sld [smem:$0x7B0];
	v20 =	vsel vm1, s30, v20;
	v48 =	vmov s21  }
0x305: {  	v9 =	vld [tilespmem:s28+$0xB330];
	v35 =	vsel vm5, s18, v19;
	s18 =	sshra.s32 s22, $0x6;
	v20 =	vsel vm2, s23, v20;
	s23 =	sld [smem:$0x7AC];
	v49 =	vsel vm15, s26, v48;
	s26 =	sshrl.u32 s25, $0x1F  }
0x306: {  	s12 =	sshra.s32 s22, $0x1F;
	s14 =	sshra.s32 s29, $0x1F;
	v20 =	vsel vm8, s26, v20;
	s26 =	sld [smem:$0x7AD]  }
0x307: {  	v22 =	vsel vm8, s20, v46;
	s30 =	sshrl.u32 s29, $0x1F;
	s20 =	sshra.s32 s25, $0x6;
	s21 =	sshra.s32 s29, $0x6;
	v19 =	vsel vm9, s15, v49  }
0x308: {  	s15 =	sshra.s32 s25, $0x1F;
	v19 =	vsel vm1, s17, v19;
	s25 =	sshrl.u32 s23, $0x1F;
	s22 =	sshra.s32 s23, $0x6  }
0x309: {  	s19 =	sshra.s32 s23, $0x1F;
	s17 =	sld [smem:$0x7B4];
	v19 =	vsel vm10, s3, v19;
	s29 =	sshrl.u32 s26, $0x1F  }
0x30a: {  	(v2sf) =	vpush v9, $0xD;
	v20 =	vsel vm12, s30, v20;
	s23 =	sshra.s32 s26, $0x6;
	v19 =	vsel vm2, s18, v19;
	s18 =	sshra.s32 s26, $0x1F;
	s26 =	sld [smem:$0x7B1]  }
0x30b: {  	v20 =	vsel vm0, s25, v20;
	v19 =	vsel vm11, s12, v19;
	s12 =	sld [smem:$0x7AF]  }
0x30c: {  	(v2sf) =	vpush v9, $0xC;
	v21 =	vsel vm2, s16, v21;
	s16 =	sshrl.u32 s8, $0x1F;
	s30 =	sshrl.u32 s24, $0x1F;
	v20 =	vsel vm7, s29, v20;
	s29 =	sld [smem:$0x7B2]  }
0x30d: {  	v51 =	vmov s6;
	s4 =	sshra.s32 s13, $0x6;
	s3 =	sshra.s32 s8, $0x6;
	v19 =	vsel vm8, s20, v19;
	v27 =	vsel vm5, s30, v20;
	s30 =	sld [smem:$0x7B3]  }
0x30e: {  	v28 =	vsel vm8, s1, v21;
	v20 =	vsel vm1, s5, v51;
	v19 =	vsel vm4, s15, v19;
	s15 =	sshrl.u32 s26, $0x1F;
	s1 =	sshra.s32 s26, $0x6;
	s26 =	sld [smem:$0x7B5]  }
0x30f: {  	v52 =	vmov s9;
	(v2sf) =	vpush v9, $0xE;
	s9 =	sshra.s32 s17, $0x6;
	s20 =	sshrl.u32 s13, $0x1F;
	v20 =	vsel vm2, s0, v20;
	s0 =	sld [smem:$0x7B8]  }
0x310: {  	s25 =	sshrl.u32 s12, $0x1F;
	s8 =	sshra.s32 s12, $0x6;
	s12 =	sshrl.u32 s29, $0x1F  }
0x311: {  	v19 =	vsel vm12, s21, v19;
	s6 =	sshra.s32 s29, $0x6;
	s29 =	sld [smem:$0x7B6];
	s21 =	sshrl.u32 s30, $0x1F  }
0x312: {  	s13 =	sshra.s32 s30, $0x6;
	v19 =	vsel vm13, s14, v19;
	s14 =	sshrl.u32 s17, $0x1F;
	s30 =	spop (v2sf)  }
0x313: {  	v21 =	vsel vm1, s7, v52;
	v53 =	vmov s25;
	s25 =	sld [smem:$0x7B9];
	s17 =	sshrl.u32 s26, $0x1F;
	s7 =	sshra.s32 s26, $0x6  }
0x314: {  	(v2sf) =	vpush v9, $0xF;
	v21 =	vsel vm2, s11, v21;
	v19 =	vsel vm0, s22, v19;
	s26 =	sshra.s32 s30, $0x1F;
	s5 =	sshrl.u32 s29, $0x1F;
	s11 =	sshra.s32 s29, $0x6  }
0x315: {  	v19 =	vsel vm3, s19, v19;
	s19 =	sshra.s32 s29, $0x1F;
	s29 =	smulhi.u32 $0x51EB851F, s30;
	s30 =	sld [smem:$0x7B7]  }
0x316: {  	(v2sf) =	vpush v9, $0x9;
	s24 =	sshra.s32 s24, $0x6  }
0x317: {  	v32 =	vsel vm8, s2, v20;
	s2 =	sshra.s32 s0, $0x1F;
	v54 =	vsel vm1, s16, v53;
	v19 =	vsel vm7, s23, v19;
	s16 =	sshrl.u32 s25, $0x1F;
	s23 =	sshra.s32 s25, $0x6  }
0x318: {  	(v2sf) =	vpush v9, $0x8;
	v33 =	vsel vm8, s10, v21;
	v19 =	vsel vm14, s18, v19;
	s10 =	sshrl.u32 s30, $0x1F;
	s22 =	sshra.s32 s30, $0x6;
	s18 =	sshra.s32 s30, $0x1F  }
0x319: {  	v55 =	vmov s2;
	v31 =	vsel vm5, s24, v19;
	s30 =	spop (v2sf);
	v19 =	vsel vm2, s20, v54;
	s20 =	sshra.s32 s25, $0x1F;
	s25 =	sld [smem:$0x7BA]  }
0x31a: {  	v56 =	vmov s5;
	v20 =	vsel vm15, s11, v55;
	s5 =	smulhi.u32 $0x51EB851F, s30;
	s24 =	sshra.s32 s30, $0x1F  }
0x31b: {  	v20 =	vsel vm9, s19, v20;
	v21 =	vnsel vm15, $0x0, v56;
	s30 =	spop (v2sf);
	s11 =	smul.u32 $0x51EB851F, s24  }
0x31c: {  	v19 =	vsel vm8, s15, v19;
	v21 =	vsel vm1, s10, v21;
	v20 =	vsel vm1, s22, v20;
	s10 =	smulhi.u32 $0x51EB851F, s30;
	s15 =	sshrl.u32 s25, $0x1F  }
0x31d: {  	(v2sf) =	vpush v9, $0xA;
	v20 =	vsel vm10, s18, v20;
	s22 =	sshra.s32 s25, $0x6;
	s24 =	sshra.s32 s25, $0x1F;
	s25 =	sld [smem:$0x7BB]  }
0x31e: {  	v57 =	vmov s21;
	v21 =	vsel vm2, s16, v21;
	s18 =	sshra.s32 s30, $0x1F;
	s2 =	spop (v2sf);
	v20 =	vsel vm2, s23, v20;
	s23 =	sld [smem:$0x7BC]  }
0x31f: {  	v23 =	vsel vm1, s12, v57;
	s12 =	smulhi.u32 $0x51EB851F, s2;
	v21 =	vsel vm8, s15, v21;
	v20 =	vsel vm11, s20, v20;
	s15 =	sshra.s32 s2, $0x1F;
	s2 =	sld [smem:$0x7BD]  }
0x320: {  	s16 =	smul.u32 $0x51EB851F, s18;
	v20 =	vsel vm8, s22, v20;
	s30 =	sshrl.u32 s25, $0x1F  }
0x321: {  	s5 =	sadd.s32 s11, s5;
	s19 =	sshra.s32 s25, $0x6;
	s20 =	sshrl.u32 s23, $0x1F;
	v59 =	vsel vm4, s24, v20;
	v21 =	vsel vm12, s30, v21  }
0x322: {  	v23 =	vsel vm2, s14, v23;
	s14 =	smul.u32 $0x51EB851F, s15;
	s21 =	sshra.s32 s25, $0x1F;
	s22 =	sshrl.u32 s2, $0x1F;
	v60 =	vsel vm12, s19, v59;
	v21 =	vsel vm0, s20, v21  }
0x323: {  	[smem:$0x7D6] =	sst s5;
	s25 =	spop (v2sf);
	s20 =	sshra.s32 s23, $0x6;
	v58 =	vsel vm7, s22, v21;
	v21 =	vsel vm8, s17, v23;
	v23 =	vsel vm13, s21, v60  }
0x324: {  	s15 =	smulhi.u32 $0x51EB851F, s25;
	s18 =	sshra.s32 s25, $0x1F;
	s23 =	sshra.s32 s23, $0x1F;
	v23 =	vsel vm0, s20, v23  }
0x325: {  	(v2sf) =	vpush v9, $0xB;
	s25 =	sshra.s32 s2, $0x6;
	s2 =	sshra.s32 s2, $0x1F;
	s22 =	spop (v2sf);
	v23 =	vsel vm3, s23, v23  }
0x326: {  	s24 =	smulhi.u32 $0x51EB851F, s22;
	s19 =	sshra.s32 s22, $0x1F;
	s22 =	sld [smem:$0x7BE];
	v23 =	vsel vm7, s25, v23  }
0x327: {  	s30 =	sshrl.u32 s0, $0x1F;
	s17 =	smul.u32 $0x51EB851F, s18;
	v23 =	vsel vm14, s2, v23;
	s2 =	sld [smem:$0x7BF]  }
0x328: {  	v61 =	vmov s8;
	v20 =	vsel vm5, s30, v58;
	s30 =	spop (v2sf);
	s20 =	sld [smem:$0x7C0]  }
0x329: {  	v24 =	vsel vm1, s3, v61;
	s16 =	sadd.s32 s16, s10;
	s8 =	smul.u32 $0x51EB851F, s19;
	s23 =	sld [smem:$0x7C1]  }
0x32a: {  	(v2sf) =	vpush v9, $0x0;
	v24 =	vsel vm2, s4, v24;
	s4 =	smulhi.u32 $0x51EB851F, s30;
	[smem:$0x7CB] =	sst s24;
	s24 =	sshrl.u32 s2, $0x1F  }
0x32b: {  	s18 =	sshra.s32 s30, $0x1F;
	s19 =	sshra.s32 s0, $0x6;
	v43 =	vmov s24;
	s24 =	sld [smem:$0x7C4]  }
0x32c: {  	(v2sf) =	vpush v9, $0x1;
	s30 =	spop (v2sf);
	s0 =	sld [smem:$0x7C2];
	s25 =	sshrl.u32 s20, $0x1F  }
0x32d: {  	v62 =	vmov s13;
	v24 =	vsel vm8, s1, v24;
	s1 =	smulhi.u32 $0x51EB851F, s30;
	s21 =	sshrl.u32 s22, $0x1F;
	v44 =	vmov s25;
	s13 =	sshrl.u32 s23, $0x1F  }
0x32e: {  	(v2sf) =	vpush v9, $0x2;
	v44 =	vsel vm1, s13, v44;
	s13 =	sld [smem:$0x7C3];
	v43 =	vsel vm1, s21, v43;
	s21 =	sshra.s32 s30, $0x1F;
	s30 =	sshrl.u32 s24, $0x1F  }
0x32f: {  	v25 =	vsel vm1, s6, v62;
	v23 =	vsel vm5, s19, v23;
	s19 =	sshrl.u32 s0, $0x1F;
	v44 =	vsel vm2, s30, v44;
	s30 =	smul.u32 $0x51EB851F, s21;
	s21 =	sld [smem:$0x7C6]  }
0x330: {  	s26 =	smul.u32 $0x51EB851F, s26;
	v25 =	vsel vm2, s9, v25;
	[smem:$0x7D5] =	sst s16;
	s14 =	sadd.s32 s14, s12;
	v46 =	vmov s19  }
0x331: {  	s9 =	simm.s32 $0x4F00;
	v25 =	vsel vm8, s7, v25;
	s7 =	sshrl.u32 s31, $0x1F;
	[smem:$0x7D7] =	sst s14;
	v46 =	vnsel vm15, $0x0, v46  }
0x332: {  	v45 =	vld.idx.msk [tilespmem:v3+s9+$0x0], $0xffff;
	v46 =	vsel vm1, s7, v46;
	s7 =	sld [smem:$0x7C7];
	s25 =	sshrl.u32 s13, $0x1F;
	s9 =	sshrl.u32 s21, $0x1F  }
0x333: {  	v47 =	vsub.f32 v15, v16;
	v43 =	vsel vm2, s25, v43;
	s25 =	sld [smem:$0x7C5];
	v16 =	vsel vm8, s9, v44;
	s9 =	sadd.s32 s26, s29  }
0x334: {  	(v2sf) =	vpush v9, $0x3;
	s16 =	sshra.s32 s31, $0x6;
	s19 =	spop (v2sf);
	[smem:$0x7D4] =	sst s9  }
0x335: {  	s3 =	smul.u32 $0x51EB851F, s18;
	s5 =	sshra.s32 s19, $0x1F;
	s9 =	sld [smem:$0x7C8]  }
0x336: {  	s10 =	smul.u32 $0x51EB851F, s5;
	s18 =	sshrl.u32 s7, $0x1F;
	s26 =	sld [smem:$0x7C9]  }
0x337: {  	s6 =	sshrl.u32 s25, $0x1F;
	s1 =	sadd.s32 s30, s1;
	s29 =	smulhi.u32 $0x51EB851F, s19  }
0x338: {  	v17 =	vsub.f32 v17, v63;
	v63 =	vsel vm2, s18, v46;
	v15 =	vsel vm8, s6, v43;
	s6 =	smov.u32 s0;
	[smem:$0x7DD] =	sst s1;
	s18 =	sshrl.u32 s9, $0x1F  }
0x339: {  	s10 =	sadd.s32 s10, s29;
	s19 =	sshra.s32 s26, $0x1F;
	v18 =	vsel vm8, s18, v63;
	s18 =	spop (v2sf)  }
0x33a: {  	v51 =	vmul.u32 $0xFFFFFF38, v11;
	[smem:$0x7DF] =	sst s10;
	v50 =	vmov s19;
	s11 =	smulhi.u32 $0x51EB851F, s18;
	s19 =	sshra.s32 s18, $0x1F  }
0x33b: {  	v17 =	vmul.f32 v17, v17;
	v49 =	vmul.f32 v47, v47;
	v48 =	vsub.f32 v14, v45;
	v14 =	vld [tilespmem:s28+$0x9ED0];
	s0 =	sshra.s32 s0, $0x6;
	s18 =	spop (v2sf);
	s12 =	smul.u32 $0x51EB851F, s19  }
0x33c: {  	v3 =	vadd.s32 v3, v51;
	v52 =	vsel vm15, s0, v50;
	s0 =	sshra.s32 s6, $0x1F;
	s19 =	sadd.s32 s17, s15;
	s15 =	smulhi.u32 $0x51EB851F, s18  }
0x33d: {  	v17 =	vadd.f32 v17, v49;
	vm9 =	veq.s32 v13, v3;
	s14 =	sshra.s32 s18, $0x1F;
	s5 =	spop (v2sf);
	[smem:$0x7D8] =	sst s19  }
0x33e: {  	(v2sf) =	vpush v9, $0x4;
	v43 =	vmul.f32 v48, v48;
	vm15 =	vcmask $0x704;
	s18 =	smulhi.u32 $0x51EB851F, s5;
	s17 =	sshra.s32 s5, $0x1F;
	s5 =	sld [smem:$0x7CA]  }
0x33f: {  	v11 =	vnsel vm9, $0x3F, v11;
	s2 =	sshra.s32 s2, $0x6;
	s30 =	simm.s32 $0x0;
	v58 =	vsel vm15, s0, v52;
	s19 =	sld [smem:$0x7CB]  }
0x340: {  	[tilespmem:s28+$0xDAC0] =	vst v12;
	(v2sf) =	vpush v9, $0x5;
	v17 =	vadd.f32 v43, v17;
	s10 =	sshra.s32 s9, $0x1F;
	v62 =	vsel vm1, s16, v58;
	s16 =	simm.s32 $0x2780;
	s12 =	sadd.s32 s12, s11  }
0x341: {  	[tilespmem:s28+$0xEEC0] =	vst v11;
	s14 =	smul.u32 $0x51EB851F, s14;
	s11 =	sshra.s32 s25, $0x6;
	[smem:$0x7DA] =	sst s12  }
0x342: {  	v3 =	vld [tilespmem:s28+$0xB340];
	(v2sf) =	vpush v9, $0x6;
	[tilespmem:s28+$0xC6C0] =	vst v17;
	s12 =	sshrl.u32 s26, $0x1F;
	s6 =	sshrl.u32 s5, $0x1F;
	s0 =	sadd.s32 s8, s19  }
0x343: {  	v47 =	vld.idx.msk [tilespmem:v14+s16+$0x0], $0xffff;
	s19 =	spop (v2sf);
	v18 =	vsel vm12, s6, v18;
	[smem:$0x7DB] =	sst s0;
	s6 =	sadd.s32 s3, s4  }
0x344: {  	v48 =	vld.idx.msk [tilespmem:v10+s16+$0x0], $0xffff;
	s3 =	smul.u32 $0x51EB851F, s17;
	s17 =	sld [smem:$0x7CC];
	s4 =	simm.s32 $0x0  }
0x345: {  	(v2sf) =	vpush v9, $0x7;
	s16 =	sshra.s32 s5, $0x1F;
	[smem:$0x7D9] =	sst s6;
	v63 =	vld.idx.msk [tilespmem:v14+s4+$0x0], $0xffff;
	s6 =	sshra.s32 s31, $0x1F  }
0x346: {  	v45 =	vld.idx.msk [tilespmem:v10+s4+$0x0], $0xffff;
	s31 =	smov.u32 s7;
	s7 =	sshra.s32 s7, $0x6;
	s4 =	sshra.s32 s9, $0x6  }
0x347: {  	s9 =	simm.s32 $0x7680;
	v17 =	vsel vm10, s6, v62;
	s6 =	sld [smem:$0x7CD];
	s29 =	sshra.s32 s31, $0x1F  }
0x348: {  	v36 =	vcombine.low v39, v36;
	s31 =	sadd.s32 s3, s18;
	s3 =	simm.s32 $0x4F00;
	s18 =	sshra.s32 s24, $0x6  }
0x349: {  	v53 =	vcombine.low v41, v40;
	v57 =	vperm.xlane v42, v1;
	(v2sf) =	vpush v3, $0xD;
	s24 =	sshra.s32 s21, $0x6;
	s8 =	sshrl.u32 s17, $0x1F;
	[smem:$0x7DE] =	sst s31  }
0x34a: {  	v55 =	vperm.xlane v38, v1;
	v17 =	vsel vm2, s7, v17;
	s7 =	sshra.s32 s22, $0x6;
	v61 =	vsel vm0, s8, v18;
	s8 =	smulhi.u32 $0x51EB851F, s19;
	s19 =	sshra.s32 s19, $0x1F  }
0x34b: {  	v56 =	vperm.xlane v53, v0;
	v54 =	vperm.xlane v36, v0;
	s22 =	sshra.s32 s17, $0x1F;
	s0 =	sshrl.u32 s6, $0x1F;
	s1 =	smul.u32 $0x51EB851F, s19  }
0x34c: {  	(v2sf) =	vpush v3, $0xC;
	v17 =	vsel vm11, s29, v17;
	s19 =	sadd.s32 s14, s15;
	s14 =	sshra.s32 s23, $0x6;
	s15 =	sshra.s32 s20, $0x6  }
0x34d: {  	v59 =	vsel vm6, v55, v54;
	v60 =	vsel vm6, v57, v56;
	v17 =	vsel vm8, s4, v17;
	s20 =	spop (v2sf);
	s4 =	sshra.s32 s6, $0x6;
	[smem:$0x7DC] =	sst s19  }
0x34e: {  	v11 =	vadd.s32 v59, v60;
	(v2sf) =	vpush v3, $0xE;
	v17 =	vsel vm4, s10, v17;
	s19 =	sshra.s32 s17, $0x6;
	s23 =	smulhi.u32 $0x51EB851F, s20;
	s10 =	sshra.s32 s20, $0x1F  }
0x34f: {  	v49 =	vmov s2;
	v44 =	vmul.u32 $0xFFFFFF38, v11;
	s29 =	spop (v2sf);
	s2 =	sadd.s32 s1, s8;
	s25 =	smul.u32 $0x51EB851F, s10  }
0x350: {  	vm9 =	vlt.s32 v10, $0x1;
	vm14 =	vmmov vm10;
	v46 =	vsub.s32 $0x0, v10;
	s8 =	sshra.s32 s13, $0x6;
	s13 =	sshra.s32 s5, $0x6;
	s31 =	smulhi.u32 $0x51EB851F, s29  }
0x351: {  	vm10 =	vne.s32 v44, v46;
	v38 =	vsel vm1, s7, v49;
	v54 =	vmov s15;
	s10 =	sshra.s32 s29, $0x1F;
	s7 =	spop (v2sf);
	s29 =	sld [smem:$0x7D1]  }
0x352: {  	(v2sf) =	vpush v3, $0xF;
	vm9 =	vmand vm9, vm10;
	v55 =	vsel vm1, s14, v54;
	s5 =	sshra.s32 s6, $0x1F;
	[smem:$0x7E0] =	sst s2;
	s6 =	smul.u32 $0x51EB851F, s10  }
0x353: {  	v51 =	vsel vm9, $0xFFFFFFFF, v2;
	v17 =	vsel vm12, s13, v17;
	v36 =	vsel vm2, s18, v55;
	s14 =	smulhi.u32 $0x51EB851F, s7;
	s13 =	sshra.s32 s7, $0x1F;
	s18 =	sld [smem:$0x7CE]  }
0x354: {  	v41 =	vadd.s32 v51, v11;
	v13 =	vsel vm7, s0, v61;
	s17 =	simm.s32 $0x9E00;
	v53 =	vsel vm2, s8, v38;
	s21 =	spop (v2sf);
	s20 =	smul.u32 $0x51EB851F, s13  }
0x355: {  	v60 =	vld.idx.msk [tilespmem:v14+s9+$0x0], $0xffff;
	s0 =	sshra.s32 s26, $0x6;
	v11 =	vsel vm5, s12, v13;
	s10 =	rddreg [dreg:$0x1f];
	v17 =	vsel vm13, s16, v17;
	v13 =	vsel vm8, s11, v53;
	s11 =	smulhi.u32 $0x51EB851F, s21  }
0x356: {  	v50 =	vld.idx.msk [tilespmem:v14+s3+$0x0], $0xffff;
	s1 =	sshra.s32 s21, $0x1F;
	s7 =	sshrl.u32 s10, $0x1F;
	v17 =	vsel vm0, s19, v17;
	s19 =	sadd.s32 s25, s23  }
0x357: {  	v29 =	vcombine.low v29, v26;
	v52 =	vld.idx.msk [tilespmem:v10+s3+$0x0], $0xffff;
	v14 =	vsel vm8, s24, v36;
	s25 =	sld [smem:$0x7CF];
	s23 =	sadd.s32 s6, s31;
	s24 =	smul.u32 $0x51EB851F, s1  }
0x358: {  	v35 =	vperm.xlane v35, v1;
	v22 =	vcombine.low v28, v22;
	s31 =	spop (v2sf);
	s9 =	sshrl.u32 s29, $0x1F;
	s16 =	sshrl.u32 s18, $0x1F  }
0x359: {  	v18 =	vsub.f32 v47, v48;
	v12 =	vsub.f32 v63, v45;
	v17 =	vsel vm3, s22, v17;
	[smem:$0x7E1] =	sst s19;
	s1 =	smulhi.u32 $0x51EB851F, s31;
	s2 =	sshra.s32 s31, $0x1F  }
0x35a: {  	vm3 =	vcmask $0x3734;
	[smem:$0x7E2] =	sst s23;
	v58 =	vsel vm7, s4, v17;
	v63 =	vmov s16;
	s15 =	smul.u32 $0x51EB851F, s2;
	s16 =	sadd.s32 s20, s14  }
0x35b: {  	v22 =	vperm.xlane v22, v0;
	v18 =	vmul.f32 v18, v18;
	v62 =	vsel vm3, s5, v58;
	s22 =	sshrl.u32 s25, $0x1F;
	s5 =	spop (v2sf);
	[smem:$0x7E3] =	sst s16  }
0x35c: {  	v56 =	vsub.f32 v50, v52;
	v12 =	vmul.f32 v12, v12;
	v57 =	vld.idx.msk [tilespmem:v41+s17+$0x0], $0xffff;
	v40 =	vsel vm1, s22, v63;
	s22 =	sld [smem:$0x7D0];
	s2 =	smulhi.u32 $0x51EB851F, s5;
	s6 =	sshra.s32 s5, $0x1F  }
0x35d: {  	v27 =	vperm.xlane v27, v1;
	v42 =	vcombine.low v37, v34;
	(v2sf) =	vpush v3, $0x9;
	v17 =	vld [tilespmem:s28+$0x9EE0];
	s13 =	spop (v2sf);
	s5 =	rddreg [dreg:$0x1b];
	s1 =	sadd.s32 s15, s1  }
0x35e: {  	v59 =	vmul.u32 $0xFFFFFF38, v41;
	v12 =	vadd.f32 v18, v12;
	v61 =	vmul.f32 v56, v56;
	s14 =	smulhi.u32 $0x51EB851F, s13;
	s23 =	sshra.s32 s13, $0x1F;
	s13 =	rddreg [dreg:$0x1d]  }
0x35f: {  	v32 =	vcombine.low v33, v32;
	(v2sf) =	vpush v3, $0x8;
	v50 =	vmov s9;
	s9 =	simm.s32 $0x4F00;
	s12 =	smul.u32 $0x51EB851F, s6;
	[smem:$0x7E5] =	sst s1  }
0x360: {  	v34 =	vperm.xlane v42, v0;
	v10 =	vadd.s32 v10, v59;
	v12 =	vadd.f32 v61, v12;
	s3 =	smul.u32 $0x51EB851F, s23;
	s23 =	rddreg [dreg:$0x19];
	s4 =	sshrl.u32 s22, $0x1F  }
0x361: {  	(v2sf) =	vpush v3, $0xA;
	[tilespmem:s28+$0xDAD0] =	vst v60;
	vm9 =	veq.s32 v57, v10;
	s31 =	spop (v2sf);
	s2 =	sadd.s32 s12, s2;
	v47 =	vsel vm2, s4, v40;
	s4 =	sld [smem:$0x7D3]  }
0x362: {  	v44 =	vperm.xlane v29, v0;
	v45 =	vperm.xlane v30, v1;
	[tilespmem:s28+$0xC6D0] =	vst v12;
	v46 =	vnsel vm9, $0x3F, v41;
	s19 =	smulhi.u32 $0x51EB851F, s31;
	s8 =	sshra.s32 s31, $0x1F;
	[smem:$0x7E4] =	sst s2  }
0x363: {  	v22 =	vsel vm6, v27, v22;
	[tilespmem:s28+$0xEED0] =	vst v46;
	s8 =	smul.u32 $0x51EB851F, s8;
	s16 =	sadd.s32 s3, s14;
	v10 =	vsel vm8, s7, v47;
	s7 =	rddreg [dreg:$0x1e]  }
0x364: {  	v32 =	vperm.xlane v32, v0;
	v48 =	vsel vm6, v35, v34;
	s21 =	simm.s32 $0x2780;
	s24 =	sadd.s32 s24, s11;
	v12 =	vsel vm6, v45, v44;
	v59 =	vld.idx.msk [tilespmem:v8+s9+$0x0], $0xffff;
	[smem:$0x7E6] =	sst s16  }
0x365: {  	v31 =	vperm.xlane v31, v1;
	v18 =	vsel vm5, s0, v62;
	v26 =	vadd.s32 v12, v48;
	s0 =	sshrl.u32 s5, $0x1F;
	s19 =	sadd.s32 s8, s19;
	v57 =	vld.idx.msk [tilespmem:v17+s9+$0x0], $0xffff;
	s9 =	sld [smem:$0x7D4]  }
0x366: {  	v55 =	vsub.s32 $0x0, v8;
	(v2sf) =	vpush v3, $0xB;
	v53 =	vmul.u32 $0xFFFFFF38, v26;
	s26 =	sshrl.u32 s13, $0x1F;
	v51 =	vld.idx.msk [tilespmem:v8+s30+$0x0], $0xffff;
	s20 =	sshrl.u32 s7, $0x1F;
	[smem:$0x7E8] =	sst s19  }
0x367: {  	vm13 =	vmmov vm0;
	vm0 =	vcmask $0x300;
	s12 =	sshra.s32 s10, $0x6;
	v56 =	vld.idx.msk [tilespmem:v8+s21+$0x0], $0xffff;
	s16 =	sshra.s32 s25, $0x6;
	v52 =	vmov s20;
	s20 =	sld [smem:$0x7D2]  }
0x368: {  	vm9 =	vlt.s32 v8, $0x1;
	vm10 =	vne.s32 v53, v55;
	v49 =	vld.idx.msk [tilespmem:v17+s30+$0x0], $0xffff;
	s19 =	sshra.s32 s22, $0x6;
	s22 =	sshra.s32 s13, $0x6;
	v12 =	vsel vm1, s26, v52;
	s26 =	rddreg [dreg:$0x17]  }
0x369: {  	v30 =	vnsel vm0, $0x0, v50;
	(v2sf) =	vpush v3, $0x0;
	vm9 =	vmand vm9, vm10;
	v54 =	vld.idx.msk [tilespmem:v17+s21+$0x0], $0xffff;
	s13 =	rddreg [dreg:$0x10];
	s6 =	sshrl.u32 s4, $0x1F;
	s21 =	sshrl.u32 s26, $0x1F  }
0x36a: {  	(v2sf) =	vpush v3, $0x1;
	v58 =	vsel vm9, $0xFFFFFFFF, v2;
	v12 =	vsel vm2, s0, v12;
	s0 =	rddreg [dreg:$0x15];
	s15 =	sshra.s32 s9, $0x1F;
	s30 =	sshrl.u32 s20, $0x1F  }
0x36b: {  	v26 =	vadd.s32 v58, v26;
	s26 =	sshra.s32 s26, $0x6;
	s31 =	sshrl.u32 s0, $0x1F;
	v60 =	vmov s15;
	s15 =	sshra.s32 s29, $0x1F;
	v30 =	vsel vm1, s30, v30  }
0x36c: {  	(v2sf) =	vpush v3, $0x2;
	v41 =	vsel vm6, v31, v32;
	s25 =	sshra.s32 s20, $0x1F;
	s30 =	sshrl.u32 s23, $0x1F;
	v30 =	vsel vm2, s6, v30;
	s6 =	spop (v2sf)  }
0x36d: {  	v12 =	vsel vm8, s21, v12;
	v29 =	vsub.f32 v49, v51;
	v30 =	vsel vm8, s30, v30;
	s11 =	smulhi.u32 $0x51EB851F, s6;
	s21 =	sshra.s32 s6, $0x1F;
	s6 =	rddreg [dreg:$0x13]  }
0x36e: {  	v27 =	vadd.s32 v22, v41;
	v61 =	vsub.f32 v54, v56;
	v30 =	vsel vm12, s31, v30;
	s31 =	sshra.s32 s29, $0x6;
	s1 =	smul.u32 $0x51EB851F, s21;
	s29 =	spop (v2sf)  }
0x36f: {  	(v2sf) =	vpush v3, $0x3;
	v44 =	vmul.u32 $0xFFFFFF38, v27;
	v29 =	vmul.f32 v29, v29;
	s30 =	sshrl.u32 s6, $0x1F;
	s10 =	smulhi.u32 $0x51EB851F, s29;
	s2 =	sshra.s32 s29, $0x1F  }
0x370: {  	v63 =	vld.idx.msk [tilespmem:v26+s17+$0x0], $0xffff;
	v34 =	vmul.f32 v61, v61;
	s21 =	sshra.s32 s20, $0x6;
	v30 =	vsel vm13, s30, v30;
	v62 =	vsel vm0, s31, v60;
	s30 =	spop (v2sf);
	s8 =	smul.u32 $0x51EB851F, s2  }
0x371: {  	v47 =	vsub.s32 $0x0, v7;
	v35 =	vsub.f32 v57, v59;
	s31 =	sshra.s32 s4, $0x6;
	v36 =	vsel vm15, s15, v62;
	s1 =	sadd.s32 s1, s11;
	s17 =	smulhi.u32 $0x51EB851F, s30  }
0x372: {  	v39 =	vmul.u32 $0xFFFFFF38, v26;
	v34 =	vadd.f32 v34, v29;
	v29 =	vld [tilespmem:s28+$0x9EF0];
	s3 =	sshra.s32 s30, $0x1F;
	s30 =	sshra.s32 s7, $0x6;
	s2 =	sshra.s32 s4, $0x1F;
	v36 =	vsel vm1, s21, v36  }
0x373: {  	(v2sf) =	vpush v3, $0x4;
	v38 =	vmul.f32 v35, v35;
	s4 =	smov.u32 s23;
	v36 =	vsel vm14, s25, v36;
	s25 =	sshra.s32 s18, $0x6;
	s18 =	simm.s32 $0x7680  }
0x374: {  	vm10 =	vne.s32 v44, v47;
	v33 =	vadd.s32 v8, v39;
	(v2sf) =	vpush v3, $0x5;
	s23 =	sshra.s32 s23, $0x6;
	[smem:$0x7EC] =	sst s1;
	s15 =	smul.u32 $0x51EB851F, s3;
	v17 =	vld.idx.msk [tilespmem:v17+s18+$0x0], $0xffff  }
0x375: {  	(v2sf) =	vpush v3, $0x6;
	v28 =	vadd.f32 v38, v34;
	s1 =	spop (v2sf);
	vm9 =	veq.s32 v63, v33;
	s3 =	sshrl.u32 s13, $0x1F;
	s7 =	sshra.s32 s4, $0x1F  }
0x376: {  	s21 =	simm.s32 $0x0;
	v57 =	vmov s30;
	s30 =	simm.s32 $0x4F00;
	s20 =	smulhi.u32 $0x51EB851F, s1;
	v43 =	vnsel vm9, $0x3F, v26;
	v40 =	vsel vm2, s31, v36  }
0x377: {  	s11 =	sshra.s32 s1, $0x1F;
	v45 =	vsel vm7, s3, v30;
	vm9 =	vlt.s32 v7, $0x1;
	s3 =	smov.u32 s0;
	s0 =	sshra.s32 s0, $0x6;
	[tilespmem:s28+$0xC6E0] =	vst v28;
	v42 =	vsel vm11, s2, v40  }
0x378: {  	s31 =	sshra.s32 s5, $0x6;
	s11 =	smul.u32 $0x51EB851F, s11;
	s5 =	spop (v2sf);
	[tilespmem:s28+$0xEEE0] =	vst v43;
	vm9 =	vmand vm9, vm10;
	v53 =	vmov s25;
	v46 =	vsel vm8, s23, v42  }
0x379: {  	v8 =	vld [tilespmem:s28+$0xB350];
	s14 =	smulhi.u32 $0x51EB851F, s5;
	s29 =	sshra.s32 s5, $0x1F;
	s5 =	sshrl.u32 s9, $0x1F;
	v51 =	vsel vm9, $0xFFFFFFFF, v2;
	v56 =	vsel vm1, s16, v53;
	v28 =	vsel vm4, s7, v46;
	[tilespmem:s28+$0xDAE0] =	vst v17  }
0x37a: {  	s1 =	simm.s32 $0x2780;
	s4 =	sshra.s32 s3, $0x1F;
	s23 =	smul.u32 $0x51EB851F, s29;
	v22 =	vsel vm5, s5, v45;
	vm4 =	vcmask $0x2724;
	v28 =	vsel vm12, s0, v28;
	v48 =	vld.idx.msk [tilespmem:v29+s21+$0x0], $0xffff  }
0x37b: {  	v54 =	vadd.s32 v51, v27;
	s5 =	sshra.s32 s13, $0x6;
	s13 =	sshra.s32 s13, $0x1F;
	v27 =	vsel vm2, s19, v56;
	s7 =	sshra.s32 s6, $0x6;
	v50 =	vsel vm4, s4, v28;
	v49 =	vld.idx.msk [tilespmem:v7+s21+$0x0], $0xffff  }
0x37c: {  	v27 =	vsel vm8, s12, v27;
	s12 =	sld [smem:$0x7D7];
	s21 =	spop (v2sf);
	v26 =	vsel vm13, s7, v50;
	s7 =	simm.s32 $0x4F00;
	v40 =	vld.idx.msk [tilespmem:v29+s18+$0x0], $0xffff  }
0x37d: {  	(v2sf) =	vpush v3, $0x7;
	s4 =	sshra.s32 s6, $0x1F;
	s18 =	sadd.s32 s23, s14;
	s0 =	smulhi.u32 $0x51EB851F, s21;
	v58 =	vld.idx.msk [tilespmem:v29+s7+$0x0], $0xffff  }
0x37e: {  	s29 =	sshra.s32 s21, $0x1F;
	s6 =	spop (v2sf);
	v59 =	vld.idx.msk [tilespmem:v7+s7+$0x0], $0xffff;
	s7 =	sld [smem:$0x7D5]  }
0x37f: {  	v28 =	vsel vm1, s22, v57;
	s22 =	sshra.s32 s9, $0x6;
	[smem:$0x7E7] =	sst s18;
	s25 =	smul.u32 $0x51EB851F, s29  }
0x380: {  	(v2sf) =	vpush v8, $0xD;
	s16 =	smulhi.u32 $0x51EB851F, s6;
	s29 =	sshra.s32 s6, $0x1F;
	s6 =	sld [smem:$0x7D6]  }
0x381: {  	vm11 =	vmmov vm13;
	v52 =	vld.idx.msk [tilespmem:v29+s1+$0x0], $0xffff;
	vm13 =	vcmask $0x2F2C;
	s21 =	simm.s32 $0x2780;
	s9 =	smul.u32 $0x51EB851F, s29;
	s29 =	spop (v2sf)  }
0x382: {  	v55 =	vld.idx.msk [tilespmem:v7+s1+$0x0], $0xffff;
	v28 =	vsel vm2, s31, v28;
	v26 =	vsel vm13, s4, v26;
	s1 =	smulhi.u32 $0x51EB851F, s29;
	s31 =	sshra.s32 s29, $0x1F;
	s3 =	sshrl.u32 s7, $0x1F  }
0x383: {  	v26 =	vsel vm7, s5, v26;
	s5 =	spop (v2sf);
	s29 =	sadd.s32 s8, s10;
	s10 =	sld [smem:$0x7D8]  }
0x384: {  	s0 =	sadd.s32 s25, s0;
	s2 =	smul.u32 $0x51EB851F, s31;
	s4 =	sshrl.u32 s6, $0x1F  }
0x385: {  	v28 =	vsel vm8, s26, v28;
	v26 =	vsel vm3, s13, v26;
	s26 =	smulhi.u32 $0x51EB851F, s5;
	s19 =	sshra.s32 s5, $0x1F;
	[smem:$0x7E9] =	sst s29  }
0x386: {  	v26 =	vsel vm5, s22, v26;
	v60 =	vmov s3;
	s3 =	spop (v2sf);
	[smem:$0x7EA] =	sst s0;
	s22 =	sadd.s32 s9, s16  }
0x387: {  	s13 =	sshrl.u32 s12, $0x1F;
	v36 =	vsel vm1, s4, v60;
	s4 =	smul.u32 $0x51EB851F, s19;
	[smem:$0x7EB] =	sst s22  }
0x388: {  	s19 =	smulhi.u32 $0x51EB851F, s3;
	s8 =	sshra.s32 s3, $0x1F;
	s22 =	sld [smem:$0x7DA]  }
0x389: {  	v17 =	vsub.f32 v48, v49;
	v62 =	vsel vm2, s13, v36;
	s13 =	sadd.s32 s15, s17;
	s17 =	sadd.s32 s11, s20;
	s11 =	sld [smem:$0x7DE]  }
0x38a: {  	s5 =	sshrl.u32 s10, $0x1F;
	s15 =	spop (v2sf);
	[smem:$0x7EF] =	sst s13  }
0x38b: {  	(v2sf) =	vpush v8, $0xC;
	v37 =	vmul.f32 v17, v17;
	s1 =	sadd.s32 s2, s1;
	v17 =	vsel vm8, s5, v62;
	s5 =	smul.u32 $0x51EB851F, s8;
	[smem:$0x7F2] =	sst s17  }
0x38c: {  	v31 =	vsub.f32 v52, v55;
	s3 =	smulhi.u32 $0x51EB851F, s15;
	s8 =	sshra.s32 s15, $0x1F;
	s20 =	spop (v2sf)  }
0x38d: {  	v19 =	vcombine.low v21, v19;
	v39 =	vld [tilespmem:s28+$0x9F00];
	(v2sf) =	vpush v8, $0xE;
	s31 =	simm.s32 $0x9E00;
	[smem:$0x7ED] =	sst s1;
	s8 =	smul.u32 $0x51EB851F, s8  }
0x38e: {  	v24 =	vcombine.low v25, v24;
	v61 =	vld.idx.msk [tilespmem:v54+s31+$0x0], $0xffff;
	v32 =	vsub.f32 v58, v59;
	v31 =	vmul.f32 v31, v31;
	s17 =	sld [smem:$0x7DB];
	s4 =	sadd.s32 s4, s26;
	s0 =	smulhi.u32 $0x51EB851F, s20  }
0x38f: {  	v20 =	vperm.xlane v20, v1;
	v19 =	vperm.xlane v19, v0;
	v63 =	vmul.u32 $0xFFFFFF38, v54;
	s23 =	sshra.s32 s20, $0x1F;
	s20 =	sld [smem:$0x7D9];
	s14 =	spop (v2sf)  }
0x390: {  	v24 =	vperm.xlane v24, v0;
	v41 =	vmul.f32 v32, v32;
	v31 =	vadd.f32 v31, v37;
	s29 =	sshrl.u32 s22, $0x1F;
	[smem:$0x7F0] =	sst s4;
	s13 =	smul.u32 $0x51EB851F, s23  }
0x391: {  	v19 =	vsel vm6, v20, v19;
	v23 =	vperm.xlane v23, v1;
	v38 =	vadd.s32 v7, v63;
	s15 =	smulhi.u32 $0x51EB851F, s14;
	s2 =	sshra.s32 s14, $0x1F;
	s23 =	sadd.s32 s5, s19  }
0x392: {  	(v2sf) =	vpush v8, $0xF;
	v44 =	vmov s29;
	s29 =	sshrl.u32 s11, $0x1F;
	v42 =	vadd.f32 v41, v31;
	[smem:$0x7F1] =	sst s23;
	s3 =	sadd.s32 s8, s3  }
0x393: {  	v46 =	vsel vm6, v23, v24;
	(v2sf) =	vpush v8, $0x9;
	[tilespmem:s28+$0xDAF0] =	vst v40;
	s14 =	sshra.s32 s7, $0x6;
	vm9 =	veq.s32 v61, v38;
	[smem:$0x7F3] =	sst s3;
	s0 =	sadd.s32 s13, s0  }
0x394: {  	v20 =	vadd.s32 v19, v46;
	s2 =	smul.u32 $0x51EB851F, s2;
	s25 =	sshrl.u32 s20, $0x1F;
	v45 =	vnsel vm9, $0x3F, v54;
	[tilespmem:s28+$0xC6F0] =	vst v42;
	[smem:$0x7F4] =	sst s0  }
0x395: {  	(v2sf) =	vpush v8, $0x8;
	v49 =	vmul.u32 $0xFFFFFF38, v20;
	v43 =	vmov s25;
	[tilespmem:s28+$0xEEF0] =	vst v45;
	s25 =	simm.s32 $0x0;
	s0 =	sshra.s32 s6, $0x6;
	s6 =	sld [smem:$0x7DF]  }
0x396: {  	(v2sf) =	vpush v8, $0xA;
	v52 =	vsub.s32 $0x0, v6;
	s16 =	sshrl.u32 s17, $0x1F;
	s8 =	sadd.s32 s2, s15;
	s15 =	sld [smem:$0x7E1];
	v50 =	vld.idx.msk [tilespmem:v39+s25+$0x0], $0xffff  }
0x397: {  	vm10 =	vne.s32 v49, v52;
	s5 =	simm.s32 $0x7680;
	s23 =	sshra.s32 s22, $0x6;
	vm9 =	vlt.s32 v6, $0x1;
	v47 =	vsel vm1, s16, v43;
	s16 =	sld [smem:$0x7DC];
	v53 =	vld.idx.msk [tilespmem:v6+s25+$0x0], $0xffff  }
0x398: {  	(v2sf) =	vpush v8, $0xB;
	s1 =	sshra.s32 s20, $0x6;
	vm9 =	vmand vm9, vm10;
	s2 =	sshra.s32 s12, $0x6;
	[smem:$0x7F5] =	sst s8;
	v54 =	vld.idx.msk [tilespmem:v39+s21+$0x0], $0xffff  }
0x399: {  	vm3 =	vmmov vm5;
	vm5 =	vcmask $0x300;
	s12 =	smov.u32 s24;
	s8 =	sld [smem:$0x7E0];
	v57 =	vsel vm9, $0xFFFFFFFF, v2;
	v31 =	vld.idx.msk [tilespmem:v39+s30+$0x0], $0xffff;
	s25 =	sshra.s32 s24, $0x1F  }
0x39a: {  	(v2sf) =	vpush v8, $0x0;
	v48 =	vnsel vm5, $0x0, v44;
	v59 =	vld.idx.msk [tilespmem:v6+s30+$0x0], $0xffff;
	s24 =	sshrl.u32 s24, $0x1F;
	v30 =	vadd.s32 v57, v20;
	s30 =	spop (v2sf);
	s18 =	sshrl.u32 s16, $0x1F  }
0x39b: {  	v56 =	vld.idx.msk [tilespmem:v6+s21+$0x0], $0xffff;
	v58 =	vmov s25;
	s25 =	sshra.s32 s10, $0x6;
	s9 =	sshrl.u32 s6, $0x1F;
	v19 =	vsel vm1, s18, v48;
	s18 =	sld [smem:$0x7DD]  }
0x39c: {  	v61 =	vmov s14;
	s19 =	sshrl.u32 s15, $0x1F;
	v32 =	vsel vm5, s23, v58;
	s14 =	smulhi.u32 $0x51EB851F, s30;
	s23 =	spop (v2sf)  }
0x39d: {  	v7 =	vld.idx.msk [tilespmem:v39+s5+$0x0], $0xffff;
	s5 =	sshra.s32 s6, $0x6;
	s13 =	sshrl.u32 s8, $0x1F;
	s3 =	sshra.s32 s23, $0x1F;
	v51 =	vsel vm2, s29, v19  }
0x39e: {  	s10 =	smul.u32 $0x51EB851F, s3;
	v55 =	vsel vm8, s13, v51;
	s13 =	sld [smem:$0x7E2];
	s26 =	sshrl.u32 s18, $0x1F  }
0x39f: {  	(v2sf) =	vpush v8, $0x1;
	s3 =	sld [smem:$0x7E8];
	v24 =	vsub.f32 v50, v53;
	v63 =	vld.idx.msk [tilespmem:v30+s31+$0x0], $0xffff;
	s31 =	sshra.s32 s11, $0x6;
	v21 =	vsel vm2, s26, v47;
	s26 =	sshra.s32 s22, $0x1F  }
0x3a0: {  	v23 =	vsub.f32 v54, v56;
	s22 =	sshra.s32 s16, $0x1F;
	v19 =	vsel vm8, s9, v21;
	v21 =	vsel vm12, s19, v55;
	s9 =	sld [smem:$0x7E3];
	s19 =	sshra.s32 s30, $0x1F  }
0x3a1: {  	vm0 =	vcmask $0x1714;
	v31 =	vsub.f32 v31, v59;
	s21 =	sshrl.u32 s13, $0x1F;
	v32 =	vsel vm15, s26, v32;
	s26 =	spop (v2sf);
	s7 =	smul.u32 $0x51EB851F, s19  }
0x3a2: {  	v24 =	vmul.f32 v24, v24;
	v36 =	vmul.f32 v23, v23;
	v23 =	vld [tilespmem:s28+$0x9F10];
	v21 =	vsel vm11, s21, v21;
	s21 =	sshra.s32 s16, $0x6;
	s30 =	smulhi.u32 $0x51EB851F, s26;
	s4 =	spop (v2sf)  }
0x3a3: {  	v38 =	vmov s1;
	v37 =	vmul.u32 $0xFFFFFF38, v30;
	v31 =	vmul.f32 v31, v31;
	s16 =	sshra.s32 s11, $0x1F;
	s19 =	sshra.s32 s17, $0x6;
	s29 =	sshrl.u32 s9, $0x1F  }
0x3a4: {  	v24 =	vadd.f32 v36, v24;
	s17 =	sshra.s32 s15, $0x1F;
	v32 =	vsel vm1, s21, v32;
	s20 =	spop (v2sf);
	v60 =	vsel vm7, s29, v21;
	s29 =	smulhi.u32 $0x51EB851F, s23  }
0x3a5: {  	v6 =	vadd.s32 v6, v37;
	s21 =	sshra.s32 s18, $0x6;
	v46 =	vsel vm1, s19, v38;
	v62 =	vsel vm14, s22, v32;
	s22 =	spop (v2sf);
	s23 =	smulhi.u32 $0x51EB851F, s4  }
0x3a6: {  	v39 =	vadd.f32 v31, v24;
	[smem:$0x7EE] =	sst s30;
	v48 =	vsel vm2, s21, v46;
	s21 =	sshra.s32 s13, $0x6;
	v21 =	vsel vm1, s0, v61;
	s30 =	smulhi.u32 $0x51EB851F, s22  }
0x3a7: {  	[tilespmem:s28+$0xDB00] =	vst v7;
	vm9 =	veq.s32 v63, v6;
	v25 =	vsel vm2, s31, v62;
	s0 =	sshra.s32 s8, $0x1F;
	s6 =	spop (v2sf);
	v21 =	vsel vm2, s2, v21;
	s2 =	sshra.s32 s26, $0x1F  }
0x3a8: {  	v44 =	vnsel vm9, $0x3F, v30;
	[tilespmem:s28+$0xC700] =	vst v39;
	v20 =	vsel vm3, s24, v60;
	v25 =	vsel vm0, s16, v25;
	s26 =	smulhi.u32 $0x51EB851F, s20;
	s24 =	sshra.s32 s8, $0x6;
	s16 =	simm.s32 $0x0  }
0x3a9: {  	[tilespmem:s28+$0xEF00] =	vst v44;
	s18 =	spop (v2sf);
	s31 =	smul.u32 $0x51EB851F, s2;
	s2 =	sshra.s32 s4, $0x1F  }
0x3aa: {  	v15 =	vcombine.low v16, v15;
	(v2sf) =	vpush v8, $0x2;
	vm10 =	vmmov vm11;
	v47 =	vld.idx.msk [tilespmem:v23+s16+$0x0], $0xffff;
	s19 =	smulhi.u32 $0x51EB851F, s18;
	s1 =	sshra.s32 s18, $0x1F;
	s4 =	sshra.s32 s13, $0x1F  }
0x3ab: {  	vm11 =	vmmov vm5;
	vm5 =	vcmask $0x1F1C;
	v43 =	vsel vm8, s24, v25;
	v50 =	vld.idx.msk [tilespmem:v5+s16+$0x0], $0xffff;
	s16 =	sld [smem:$0x7E4];
	s11 =	smul.u32 $0x51EB851F, s2;
	s2 =	sshra.s32 s20, $0x1F  }
0x3ac: {  	v13 =	vcombine.low v14, v13;
	v21 =	vsel vm8, s25, v21;
	s13 =	sld [smem:$0x7E5];
	v45 =	vsel vm5, s0, v43;
	s0 =	sadd.s32 s7, s14;
	s25 =	smul.u32 $0x51EB851F, s2  }
0x3ad: {  	v11 =	vperm.xlane v11, v1;
	v40 =	vperm.xlane v15, v0;
	s14 =	simm.s32 $0x4F00;
	s2 =	sshra.s32 s22, $0x1F;
	s22 =	smulhi.u32 $0x51EB851F, s6  }
0x3ae: {  	v41 =	vperm.xlane v13, v0;
	v42 =	vperm.xlane v18, v1;
	s8 =	sshra.s32 s15, $0x6;
	[smem:$0x7F6] =	sst s0;
	s0 =	smul.u32 $0x51EB851F, s1;
	v55 =	vld.idx.msk [tilespmem:v23+s14+$0x0], $0xffff  }
0x3af: {  	s15 =	sshra.s32 s9, $0x1F;
	v7 =	vsel vm12, s8, v45;
	s8 =	spop (v2sf);
	v57 =	vld.idx.msk [tilespmem:v5+s14+$0x0], $0xffff;
	s14 =	sld [smem:$0x7E9]  }
0x3b0: {  	v11 =	vsel vm6, v11, v40;
	v6 =	vsel vm6, v42, v41;
	s24 =	smul.u32 $0x51EB851F, s2;
	s2 =	sshra.s32 s6, $0x1F;
	v7 =	vsel vm4, s17, v7;
	s6 =	sshra.s32 s9, $0x6  }
0x3b1: {  	(v2sf) =	vpush v8, $0x3;
	v6 =	vadd.s32 v11, v6;
	s7 =	sshrl.u32 s16, $0x1F;
	s17 =	sshrl.u32 s13, $0x1F;
	s18 =	smulhi.u32 $0x51EB851F, s8;
	v7 =	vsel vm10, s21, v7  }
0x3b2: {  	v49 =	vmul.u32 $0xFFFFFF38, v6;
	s20 =	smul.u32 $0x51EB851F, s2;
	s2 =	simm.s32 $0x2780;
	v54 =	vmov s7;
	v7 =	vsel vm13, s4, v7;
	s4 =	sld [smem:$0x7E6]  }
0x3b3: {  	(v2sf) =	vpush v8, $0x4;
	v51 =	vsub.s32 $0x0, v5;
	s21 =	sshra.s32 s8, $0x1F;
	s25 =	sadd.s32 s25, s26;
	v13 =	vsel vm1, s17, v54;
	s17 =	sld [smem:$0x7EA]  }
0x3b4: {  	vm9 =	vlt.s32 v5, $0x1;
	vm0 =	vmmov vm10;
	vm10 =	vne.s32 v49, v51;
	s7 =	sshrl.u32 s3, $0x1F;
	s0 =	sadd.s32 s0, s19;
	[smem:$0x7FA] =	sst s25  }
0x3b5: {  	s3 =	sshra.s32 s3, $0x6;
	vm9 =	vmand vm9, vm10;
	vm10 =	vcmask $0x3734;
	s8 =	sshrl.u32 s14, $0x1F;
	[smem:$0x7FB] =	sst s0;
	v7 =	vsel vm7, s6, v7  }
0x3b6: {  	s6 =	sshra.s32 s12, $0x6;
	v7 =	vsel vm10, s15, v7;
	s15 =	sld [smem:$0x7E7];
	s1 =	sshrl.u32 s4, $0x1F  }
0x3b7: {  	s30 =	sadd.s32 s24, s30;
	v56 =	vsel vm9, $0xFFFFFFFF, v2;
	v58 =	vsel vm2, s1, v13;
	v13 =	vsel vm3, s6, v7;
	s6 =	sadd.s32 s10, s29;
	s29 =	sld [smem:$0x7EB]  }
0x3b8: {  	s0 =	sshra.s32 s13, $0x6;
	v25 =	vadd.s32 v56, v6;
	s1 =	smul.u32 $0x51EB851F, s21;
	s21 =	sld [smem:$0x7ED]  }
0x3b9: {  	v52 =	vld.idx.msk [tilespmem:v23+s2+$0x0], $0xffff;
	s12 =	spop (v2sf);
	s20 =	sadd.s32 s20, s22;
	s10 =	sld [smem:$0x7EE]  }
0x3ba: {  	v11 =	vsel vm8, s5, v48;
	v53 =	vld.idx.msk [tilespmem:v5+s2+$0x0], $0xffff;
	s5 =	sshra.s32 s12, $0x1F;
	s2 =	sshrl.u32 s15, $0x1F;
	[smem:$0x7F7] =	sst s6  }
0x3bb: {  	v10 =	vcombine.low v12, v10;
	s6 =	smulhi.u32 $0x51EB851F, s12;
	s12 =	sadd.s32 s11, s23;
	v59 =	vmov s2;
	s2 =	sld [smem:$0x7EC]  }
0x3bc: {  	(v2sf) =	vpush v8, $0x5;
	s5 =	smul.u32 $0x51EB851F, s5;
	s23 =	simm.s32 $0x9E00;
	[smem:$0x7F9] =	sst s12  }
0x3bd: {  	v10 =	vperm.xlane v10, v0;
	(v2sf) =	vpush v8, $0x6;
	s9 =	sshrl.u32 s17, $0x1F;
	s13 =	sshra.s32 s4, $0x6;
	v60 =	vnsel vm11, $0x0, v59;
	v34 =	vld.idx.msk [tilespmem:v25+s23+$0x0], $0xffff;
	s23 =	sld [smem:$0x7EF]  }
0x3be: {  	v14 =	vsub.f32 v47, v50;
	v7 =	vsel vm8, s7, v58;
	s7 =	sshrl.u32 s29, $0x1F;
	s5 =	sadd.s32 s5, s6;
	v6 =	vsel vm1, s9, v60;
	s9 =	sshrl.u32 s21, $0x1F  }
0x3bf: {  	v61 =	vmov s8;
	v62 =	vsub.f32 v52, v53;
	v6 =	vsel vm2, s7, v6;
	s8 =	sshrl.u32 s2, $0x1F;
	s7 =	sadd.s32 s31, s10;
	s10 =	sld [smem:$0x7F0]  }
0x3c0: {  	v24 =	vsub.f32 v55, v57;
	v63 =	vsel vm1, s8, v61;
	v33 =	vsel vm8, s9, v6;
	[smem:$0x7F8] =	sst s7;
	v6 =	vld [tilespmem:s28+$0xB360];
	s31 =	sshrl.u32 s23, $0x1F;
	s9 =	spop (v2sf)  }
0x3c1: {  	v35 =	vmul.f32 v14, v14;
	v15 =	vmul.f32 v62, v62;
	v16 =	vsel vm2, s31, v63;
	s8 =	smulhi.u32 $0x51EB851F, s9;
	s26 =	sshra.s32 s9, $0x1F;
	s31 =	simm.s32 $0x7680  }
0x3c2: {  	v22 =	vperm.xlane v22, v1;
	v37 =	vld [tilespmem:s28+$0x9F20];
	(v2sf) =	vpush v8, $0x7;
	v36 =	vmul.u32 $0xFFFFFF38, v25;
	s7 =	sshrl.u32 s10, $0x1F;
	s9 =	smul.u32 $0x51EB851F, s26;
	s26 =	sld [smem:$0x7F1]  }
0x3c3: {  	v24 =	vmul.f32 v24, v24;
	v15 =	vadd.f32 v15, v35;
	s12 =	spop (v2sf);
	v18 =	vsel vm12, s7, v33;
	s7 =	sadd.s32 s1, s18;
	s18 =	sld [smem:$0x7F3]  }
0x3c4: {  	v41 =	vperm.xlane v26, v1;
	v39 =	vcombine.low v28, v27;
	s4 =	sshra.s32 s2, $0x6;
	s2 =	sshra.s32 s29, $0x6;
	v23 =	vld.idx.msk [tilespmem:v23+s31+$0x0], $0xffff;
	s25 =	smulhi.u32 $0x51EB851F, s12  }
0x3c5: {  	v5 =	vadd.s32 v5, v36;
	v38 =	vadd.f32 v24, v15;
	s31 =	sshra.s32 s12, $0x1F;
	s1 =	sshra.s32 s16, $0x6;
	s11 =	sshrl.u32 s26, $0x1F;
	(v2sf) =	vpush v6, $0xD  }
0x3c6: {  	v40 =	vperm.xlane v39, v0;
	vm9 =	veq.s32 v34, v5;
	s16 =	sshra.s32 s15, $0x6;
	v18 =	vsel vm0, s11, v18;
	s11 =	smul.u32 $0x51EB851F, s31;
	s19 =	sshrl.u32 s18, $0x1F  }
0x3c7: {  	[tilespmem:s28+$0xC710] =	vst v38;
	v43 =	vnsel vm9, $0x3F, v25;
	s6 =	sadd.s32 s9, s8;
	s8 =	sshra.s32 s14, $0x6;
	(v2sf) =	vpush v6, $0xC;
	v42 =	vsel vm7, s19, v18;
	s19 =	sld [smem:$0x7F4]  }
0x3c8: {  	v44 =	vsel vm6, v22, v10;
	v12 =	vsel vm6, v41, v40;
	[tilespmem:s28+$0xEF10] =	vst v43;
	s9 =	sshra.s32 s23, $0x6;
	v48 =	vmov s1;
	s31 =	sadd.s32 s11, s25;
	s11 =	sld [smem:$0x7F2]  }
0x3c9: {  	v12 =	vadd.s32 v44, v12;
	s23 =	simm.s32 $0x2780;
	s1 =	sshra.s32 s26, $0x1F;
	[tilespmem:s28+$0xDB10] =	vst v23;
	(v2sf) =	vpush v6, $0xE;
	v23 =	vsel vm1, s0, v48;
	s25 =	simm.s32 $0x0  }
0x3ca: {  	vm10 =	vmmov vm3;
	vm3 =	vmmov vm11;
	v23 =	vsel vm2, s13, v23;
	s13 =	sld [smem:$0x7F5];
	v46 =	vld.idx.msk [tilespmem:v37+s25+$0x0], $0xffff;
	s22 =	sshrl.u32 s19, $0x1F;
	s24 =	sshra.s32 s19, $0x1F  }
0x3cb: {  	(v2sf) =	vpush v6, $0xF;
	v47 =	vld.idx.msk [tilespmem:v4+s25+$0x0], $0xffff;
	s25 =	sshra.s32 s17, $0x1F;
	s12 =	sshrl.u32 s11, $0x1F;
	v10 =	vsel vm10, s22, v42;
	v45 =	vmov s24;
	s22 =	sshra.s32 s15, $0x1F  }
0x3cc: {  	v18 =	vmul.u32 $0xFFFFFF38, v12;
	s24 =	sshra.s32 s17, $0x6;
	s17 =	spop (v2sf);
	v15 =	vsel vm3, s16, v45;
	s16 =	sshra.s32 s29, $0x1F  }
0x3cd: {  	v49 =	vsub.s32 $0x0, v4;
	vm11 =	vmmov vm10;
	v50 =	vld.idx.msk [tilespmem:v37+s23+$0x0], $0xffff;
	s29 =	sshra.s32 s21, $0x1F;
	v15 =	vsel vm15, s22, v15;
	s22 =	sshra.s32 s21, $0x6;
	s21 =	simm.s32 $0x4F00  }
0x3ce: {  	vm9 =	vlt.s32 v4, $0x1;
	s11 =	sshra.s32 s11, $0x6;
	vm10 =	vne.s32 v18, v49;
	s15 =	sshra.s32 s10, $0x6;
	s14 =	sshra.s32 s17, $0x1F;
	v15 =	vsel vm1, s24, v15;
	v53 =	vld.idx.msk [tilespmem:v37+s21+$0x0], $0xffff  }
0x3cf: {  	v5 =	vsel vm8, s12, v16;
	vm9 =	vmand vm9, vm10;
	s12 =	sshra.s32 s10, $0x1F;
	v55 =	vld.idx.msk [tilespmem:v4+s21+$0x0], $0xffff;
	s24 =	smul.u32 $0x51EB851F, s14;
	s21 =	spop (v2sf);
	v15 =	vsel vm14, s25, v15  }
0x3d0: {  	v51 =	vld.idx.msk [tilespmem:v4+s23+$0x0], $0xffff;
	s10 =	sld [smem:$0x7F6];
	v52 =	vsel vm9, $0xFFFFFFFF, v2;
	s14 =	sshra.s32 s18, $0x6;
	vm14 =	vcmask $0x1714;
	s23 =	smulhi.u32 $0x51EB851F, s21;
	v15 =	vsel vm2, s2, v15  }
0x3d1: {  	v24 =	vadd.s32 v52, v12;
	v12 =	vsel vm8, s3, v23;
	s3 =	sshra.s32 s19, $0x6;
	s2 =	smulhi.u32 $0x51EB851F, s17;
	v15 =	vsel vm14, s16, v15;
	s16 =	spop (v2sf)  }
0x3d2: {  	v54 =	vmov s8;
	s25 =	sshra.s32 s26, $0x6;
	s26 =	sshra.s32 s21, $0x1F;
	v15 =	vsel vm8, s22, v15;
	s0 =	smulhi.u32 $0x51EB851F, s16  }
0x3d3: {  	v56 =	vsel vm1, s4, v54;
	s19 =	simm.s32 $0x9E00;
	s17 =	sshra.s32 s16, $0x1F;
	v15 =	vsel vm5, s29, v15;
	s29 =	smul.u32 $0x51EB851F, s26  }
0x3d4: {  	v57 =	vsel vm2, s9, v56;
	s22 =	sshra.s32 s18, $0x1F;
	s9 =	smul.u32 $0x51EB851F, s17;
	v15 =	vsel vm12, s15, v15;
	s18 =	spop (v2sf)  }
0x3d5: {  	s15 =	sadd.s32 s24, s2;
	v58 =	vsel vm4, s12, v15;
	s21 =	smulhi.u32 $0x51EB851F, s18;
	s24 =	sshra.s32 s18, $0x1F  }
0x3d6: {  	v19 =	vcombine.low v19, v17;
	s12 =	sadd.s32 s29, s23;
	s29 =	spop (v2sf);
	v59 =	vsel vm0, s25, v58;
	s25 =	smul.u32 $0x51EB851F, s24  }
0x3d7: {  	v11 =	vcombine.low v11, v21;
	(v2sf) =	vpush v6, $0x9;
	v18 =	vsub.f32 v50, v51;
	s26 =	sshrl.u32 s13, $0x1F;
	s16 =	smulhi.u32 $0x51EB851F, s29;
	s8 =	sshra.s32 s29, $0x1F  }
0x3d8: {  	v28 =	vperm.xlane v19, v0;
	v29 =	vperm.xlane v20, v1;
	v16 =	vsub.f32 v46, v47;
	v61 =	vld.idx.msk [tilespmem:v24+s19+$0x0], $0xffff;
	s17 =	sshrl.u32 s10, $0x1F;
	s19 =	spop (v2sf);
	s8 =	smul.u32 $0x51EB851F, s8  }
0x3d9: {  	v11 =	vperm.xlane v11, v0;
	v18 =	vmul.f32 v18, v18;
	v15 =	vsel vm8, s11, v57;
	s11 =	simm.s32 $0x7680;
	s18 =	sld [smem:$0x7F7];
	s23 =	smulhi.u32 $0x51EB851F, s19  }
0x3da: {  	v16 =	vmul.f32 v16, v16;
	v60 =	vsub.f32 v53, v55;
	v22 =	vsel vm13, s1, v59;
	s24 =	sshra.s32 s19, $0x1F;
	s29 =	spop (v2sf);
	s19 =	sld [smem:$0x7F8]  }
0x3db: {  	v13 =	vperm.xlane v13, v1;
	v63 =	vld [tilespmem:s28+$0x9F30];
	(v2sf) =	vpush v6, $0x8;
	v22 =	vsel vm7, s14, v22;
	s14 =	sadd.s32 s9, s0;
	s21 =	sadd.s32 s25, s21;
	s4 =	smul.u32 $0x51EB851F, s24  }
0x3dc: {  	v62 =	vmul.u32 $0xFFFFFF38, v24;
	v16 =	vadd.f32 v18, v16;
	v23 =	vmul.f32 v60, v60;
	s25 =	sshrl.u32 s18, $0x1F;
	s0 =	smulhi.u32 $0x51EB851F, s29;
	s24 =	sld [smem:$0x7FA]  }
0x3dd: {  	v32 =	vsel vm6, v29, v28;
	v11 =	vsel vm6, v13, v11;
	v31 =	vmov s17;
	v14 =	vld.idx.msk [tilespmem:v37+s11+$0x0], $0xffff;
	s9 =	sshra.s32 s20, $0x6;
	[smem:$0x7FC] =	sst s21;
	s1 =	sadd.s32 s8, s16  }
0x3de: {  	v4 =	vadd.s32 v4, v62;
	v34 =	vsel vm1, s26, v31;
	v16 =	vadd.f32 v23, v16;
	s16 =	sshra.s32 s29, $0x1F;
	s21 =	sld [smem:$0x7F9];
	s29 =	sshrl.u32 s30, $0x1F  }
0x3df: {  	v33 =	vadd.s32 v32, v11;
	vm9 =	veq.s32 v61, v4;
	v11 =	vsel vm2, s25, v34;
	s25 =	simm.s32 $0x0;
	s8 =	sshrl.u32 s20, $0x1F;
	s17 =	smul.u32 $0x51EB851F, s16  }
0x3e0: {  	(v2sf) =	vpush v6, $0xA;
	vm4 =	vcmask $0x3734;
	[tilespmem:s28+$0xC720] =	vst v16;
	v4 =	vnsel vm9, $0x3F, v24;
	s20 =	sshra.s32 s5, $0x1F;
	s2 =	sadd.s32 s4, s23;
	s23 =	sshrl.u32 s19, $0x1F  }
0x3e1: {  	v30 =	vsel vm4, s22, v22;
	[tilespmem:s28+$0xEF20] =	vst v4;
	s16 =	sshra.s32 s10, $0x6;
	s4 =	sadd.s32 s17, s0;
	s17 =	sld [smem:$0x7FB]  }
0x3e2: {  	v36 =	vmul.u32 $0xFFFFFF38, v33;
	(v2sf) =	vpush v6, $0xB;
	v35 =	vsel vm11, s3, v30;
	s10 =	sshrl.u32 s7, $0x1F;
	s3 =	sshra.s32 s30, $0x6;
	s30 =	sshrl.u32 s12, $0x1F;
	[tilespmem:s28+$0xDB20] =	vst v14  }
0x3e3: {  	v39 =	vsub.s32 $0x0, v9;
	(v2sf) =	vpush v6, $0x0;
	s22 =	sshrl.u32 s24, $0x1F;
	v51 =	vmov s16;
	s16 =	sshra.s32 s6, $0x1F;
	s26 =	sshrl.u32 s21, $0x1F;
	v37 =	vld.idx.msk [tilespmem:v63+s25+$0x0], $0xffff  }
0x3e4: {  	vm10 =	vne.s32 v36, v39;
	(v2sf) =	vpush v6, $0x1;
	vm9 =	vlt.s32 v9, $0x1;
	v40 =	vld.idx.msk [tilespmem:v9+s25+$0x0], $0xffff;
	s25 =	sshra.s32 s13, $0x6;
	s13 =	simm.s32 $0x2780;
	s0 =	sshrl.u32 s17, $0x1F  }
0x3e5: {  	vm9 =	vmand vm9, vm10;
	v38 =	vmov s22;
	s22 =	sshra.s32 s19, $0x6;
	s11 =	sshra.s32 s21, $0x6;
	s19 =	sshrl.u32 s6, $0x1F;
	v42 =	vld.idx.msk [tilespmem:v63+s13+$0x0], $0xffff;
	v41 =	vmov s0  }
0x3e6: {  	(v2sf) =	vpush v6, $0x2;
	v45 =	vsel vm9, $0xFFFFFFFF, v2;
	s21 =	spop (v2sf);
	v43 =	vld.idx.msk [tilespmem:v9+s13+$0x0], $0xffff;
	s13 =	sshra.s32 s24, $0x6;
	s24 =	sshrl.u32 s5, $0x1F;
	v44 =	vnsel vm3, $0x0, v41  }
0x3e7: {  	v11 =	vsel vm8, s23, v11;
	v16 =	vsel vm1, s26, v38;
	s26 =	smulhi.u32 $0x51EB851F, s21;
	s23 =	sshra.s32 s21, $0x1F;
	s21 =	sshra.s32 s7, $0x1F;
	v13 =	vsel vm1, s10, v44  }
0x3e8: {  	v21 =	vadd.s32 v45, v33;
	v20 =	vsel vm1, s25, v51;
	s25 =	simm.s32 $0x7680;
	s0 =	sshra.s32 s18, $0x6;
	s18 =	simm.s32 $0x4F00;
	v13 =	vsel vm2, s24, v13  }
0x3e9: {  	v16 =	vsel vm2, s29, v16;
	v58 =	vmov s13;
	s13 =	sshra.s32 s15, $0x1F;
	s29 =	sshra.s32 s17, $0x6;
	v46 =	vld.idx.msk [tilespmem:v63+s18+$0x0], $0xffff;
	s24 =	sshrl.u32 s31, $0x1F;
	v48 =	vsel vm8, s19, v13  }
0x3ea: {  	(v2sf) =	vpush v6, $0x3;
	v47 =	vld.idx.msk [tilespmem:v9+s18+$0x0], $0xffff;
	s19 =	spop (v2sf);
	v50 =	vsel vm12, s24, v48;
	s24 =	sshra.s32 s17, $0x1F;
	s17 =	smul.u32 $0x51EB851F, s23  }
0x3eb: {  	v5 =	vcombine.low v5, v7;
	(v2sf) =	vpush v6, $0x4;
	s18 =	sshrl.u32 s15, $0x1F;
	s23 =	sshra.s32 s7, $0x6;
	s10 =	sshra.s32 s19, $0x1F  }
0x3ec: {  	(v2sf) =	vpush v6, $0x5;
	v49 =	vsel vm8, s8, v16;
	v16 =	vsel vm0, s18, v50;
	s18 =	sshra.s32 s5, $0x6;
	s5 =	smul.u32 $0x51EB851F, s10;
	s8 =	sadd.s32 s17, s26  }
0x3ed: {  	v55 =	vld [tilespmem:s28+$0x9F40];
	v14 =	vsub.f32 v37, v40;
	v19 =	vsub.f32 v42, v43;
	v16 =	vsel vm7, s30, v16;
	s26 =	smulhi.u32 $0x51EB851F, s19;
	s30 =	simm.s32 $0x9E00;
	s19 =	sshrl.u32 s14, $0x1F  }
0x3ee: {  	v32 =	vsub.s32 $0x0, v3;
	v5 =	vperm.xlane v5, v0;
	s10 =	sshra.s32 s31, $0x6;
	s17 =	sshra.s32 s15, $0x6;
	v52 =	vld.idx.msk [tilespmem:v21+s30+$0x0], $0xffff;
	v54 =	vsel vm11, s19, v16;
	s19 =	sshra.s32 s6, $0x6  }
0x3ef: {  	v56 =	vld.idx.msk [tilespmem:v63+s25+$0x0], $0xffff;
	v53 =	vmul.f32 v14, v14;
	v19 =	vmul.f32 v19, v19;
	v4 =	vsub.f32 v46, v47;
	s6 =	sshra.s32 s31, $0x1F;
	s5 =	sadd.s32 s5, s26;
	s26 =	spop (v2sf)  }
0x3f0: {  	(v2sf) =	vpush v6, $0x6;
	v57 =	vmul.u32 $0xFFFFFF38, v21;
	v20 =	vsel vm2, s0, v20;
	s31 =	sshra.s32 s14, $0x1F;
	s30 =	smulhi.u32 $0x51EB851F, s26;
	s7 =	sshra.s32 s26, $0x1F  }
0x3f1: {  	v19 =	vadd.f32 v19, v53;
	s15 =	sshra.s32 s14, $0x6;
	v4 =	vmul.f32 v4, v4;
	v61 =	vmov s31;
	s0 =	spop (v2sf);
	s7 =	smul.u32 $0x51EB851F, s7  }
0x3f2: {  	v9 =	vadd.s32 v9, v57;
	v59 =	vsel vm8, s22, v20;
	v62 =	vsel vm3, s29, v61;
	s26 =	smulhi.u32 $0x51EB851F, s0;
	s22 =	sshra.s32 s0, $0x1F;
	s29 =	spop (v2sf)  }
0x3f3: {  	vm5 =	vcmask $0x2F2C;
	v19 =	vadd.f32 v4, v19;
	s25 =	smul.u32 $0x51EB851F, s22;
	s22 =	sshra.s32 s12, $0x6;
	s31 =	spop (v2sf);
	vm9 =	veq.s32 v52, v9  }
0x3f4: {  	v60 =	vsel vm1, s11, v58;
	[tilespmem:s28+$0xDB30] =	vst v56;
	s11 =	sadd.s32 s7, s30;
	s30 =	sshra.s32 s29, $0x1F;
	v63 =	vnsel vm9, $0x3F, v21;
	v21 =	vsel vm15, s24, v62;
	s24 =	smulhi.u32 $0x51EB851F, s29  }
0x3f5: {  	vm13 =	vmmov vm11;
	v26 =	vsel vm2, s3, v60;
	(v2sf) =	vpush v6, $0x7;
	[tilespmem:s28+$0xC730] =	vst v19;
	s7 =	sshra.s32 s12, $0x1F;
	s3 =	spop (v2sf);
	s12 =	smul.u32 $0x51EB851F, s30  }
0x3f6: {  	vm11 =	vcmask $0xF0C;
	v4 =	vld [tilespmem:s28+$0xB370];
	s0 =	simm.s32 $0x0;
	v19 =	vcombine.low v15, v12;
	s30 =	sadd.s32 s25, s26;
	s25 =	smulhi.u32 $0x51EB851F, s3;
	v12 =	vsel vm1, s23, v21;
	[tilespmem:s28+$0xEF30] =	vst v63  }
0x3f7: {  	v22 =	vperm.xlane v10, v1;
	vm4 =	vcmask $0x2724;
	s23 =	sshra.s32 s31, $0x1F;
	[smem:$0x7FD] =	sst s30;
	v23 =	vsel vm11, s21, v12;
	v25 =	vld.idx.msk [tilespmem:v55+s0+$0x0], $0xffff;
	s21 =	smulhi.u32 $0x51EB851F, s31  }
0x3f8: {  	vm10 =	vlt.s32 v3, $0x1;
	v11 =	vcombine.low v49, v11;
	v9 =	vperm.xlane v19, v0;
	s26 =	sshra.s32 s3, $0x1F;
	v19 =	vld.idx.msk [tilespmem:v3+s0+$0x0], $0xffff;
	s0 =	sld [smem:$0x7FC];
	s29 =	smul.u32 $0x51EB851F, s23  }
0x3f9: {  	v24 =	vperm.xlane v35, v1;
	v5 =	vsel vm6, v22, v5;
	s23 =	simm.s32 $0x2780;
	s31 =	spop (v2sf);
	v10 =	vsel vm2, s18, v23;
	s18 =	sshrl.u32 s1, $0x1F  }
0x3fa: {  	v30 =	vsel vm8, s9, v26;
	v11 =	vperm.xlane v11, v0;
	v28 =	vld.idx.msk [tilespmem:v55+s23+$0x0], $0xffff;
	s9 =	smulhi.u32 $0x51EB851F, s31;
	s3 =	sshra.s32 s31, $0x1F;
	s31 =	spop (v2sf);
	v10 =	vsel vm14, s20, v10  }
0x3fb: {  	v50 =	vsub.s32 $0x0, v8;
	(v2sf) =	vpush v4, $0xD;
	v29 =	vld.idx.msk [tilespmem:v3+s23+$0x0], $0xffff;
	s23 =	sshrl.u32 s4, $0x1F;
	v10 =	vsel vm8, s19, v10;
	s19 =	smul.u32 $0x51EB851F, s26;
	s26 =	simm.s32 $0x4F00  }
0x3fc: {  	v14 =	vperm.xlane v54, v1;
	v27 =	vsel vm6, v24, v9;
	vm14 =	vcmask $0x1F1C;
	s20 =	sadd.s32 s12, s24;
	s12 =	sshra.s32 s31, $0x1F;
	s24 =	spop (v2sf);
	v33 =	vld.idx.msk [tilespmem:v55+s26+$0x0], $0xffff  }
0x3fd: {  	(v2sf) =	vpush v4, $0xC;
	s21 =	sadd.s32 s29, s21;
	v39 =	vmov s18;
	s18 =	sshra.s32 s2, $0x6;
	v10 =	vsel vm14, s16, v10;
	v34 =	vld.idx.msk [tilespmem:v3+s26+$0x0], $0xffff;
	s26 =	smulhi.u32 $0x51EB851F, s24  }
0x3fe: {  	v12 =	vcombine.low v30, v59;
	v5 =	vadd.s32 v5, v27;
	s14 =	sshrl.u32 s0, $0x1F;
	s16 =	sshrl.u32 s2, $0x1F;
	v10 =	vsel vm12, s10, v10;
	s10 =	smul.u32 $0x51EB851F, s3  }
0x3ff: {  	(v2sf) =	vpush v4, $0xE;
	v31 =	vmul.u32 $0xFFFFFF38, v5;
	v41 =	vsel vm1, s14, v39;
	s14 =	sshra.s32 s4, $0x6;
	s4 =	sshra.s32 s5, $0x6;
	s3 =	smul.u32 $0x51EB851F, s12  }
0x400: {  	(v2sf) =	vpush v4, $0xF;
	s12 =	sshra.s32 s24, $0x1F;
	s24 =	sshrl.u32 s8, $0x1F;
	v13 =	vsel vm2, s16, v41;
	v10 =	vsel vm4, s6, v10;
	s6 =	smulhi.u32 $0x51EB851F, s31  }
0x401: {  	v12 =	vperm.xlane v12, v0;
	s31 =	spop (v2sf);
	v13 =	vsel vm8, s23, v13;
	s23 =	sshra.s32 s21, $0x6;
	v10 =	vsel vm0, s17, v10;
	s17 =	sshra.s32 s0, $0x6  }
0x402: {  	vm9 =	vne.s32 v31, v32;
	v15 =	vsub.f32 v25, v19;
	v35 =	vsel vm5, s13, v10;
	s13 =	sadd.s32 s19, s25;
	s25 =	smul.u32 $0x51EB851F, s12;
	s12 =	sadd.s32 s10, s9  }
0x403: {  	vm9 =	vmand vm10, vm9;
	v57 =	vmov s4;
	v7 =	vsub.f32 v28, v29;
	s9 =	smulhi.u32 $0x51EB851F, s31;
	s10 =	sadd.s32 s3, s6;
	s19 =	simm.s32 $0x7680  }
0x404: {  	v36 =	vsel vm9, $0xFFFFFFFF, v2;
	(v2sf) =	vpush v4, $0x9;
	v9 =	vsel vm7, s22, v35;
	s22 =	sshra.s32 s31, $0x1F;
	s29 =	spop (v2sf);
	v43 =	vld.idx.msk [tilespmem:v55+s19+$0x0], $0xffff;
	s19 =	sshra.s32 s8, $0x6  }
0x405: {  	v15 =	vmul.f32 v15, v15;
	v7 =	vmul.f32 v7, v7;
	v10 =	vadd.s32 v36, v5;
	s0 =	sshrl.u32 s13, $0x1F;
	s3 =	smul.u32 $0x51EB851F, s22;
	s6 =	sadd.s32 s25, s26  }
0x406: {  	vm9 =	vcmask $0x3734;
	(v2sf) =	vpush v4, $0x8;
	v37 =	vsub.f32 v33, v34;
	s31 =	smulhi.u32 $0x51EB851F, s29;
	s22 =	sshra.s32 s29, $0x1F;
	s25 =	sshrl.u32 s5, $0x1F  }
0x407: {  	(v2sf) =	vpush v4, $0xA;
	v38 =	vmul.u32 $0xFFFFFF38, v10;
	v7 =	vadd.f32 v7, v15;
	s26 =	sshrl.u32 s11, $0x1F;
	s29 =	sshrl.u32 s30, $0x1F;
	s30 =	sshrl.u32 s20, $0x1F  }
0x408: {  	v9 =	vsel vm9, s7, v9;
	v59 =	vsel vm1, s19, v57;
	s19 =	sld [smem:$0x7FD];
	s22 =	smul.u32 $0x51EB851F, s22;
	v44 =	vmov s25;
	s7 =	sadd.s32 s3, s9  }
0x409: {  	v42 =	vld [tilespmem:s28+$0x9F50];
	(v2sf) =	vpush v4, $0xB;
	v5 =	vmul.f32 v37, v37;
	s3 =	simm.s32 $0x9E00;
	v16 =	vsel vm1, s24, v44;
	s24 =	sshra.s32 s20, $0x6;
	s20 =	sshra.s32 s20, $0x1F  }
0x40a: {  	(v2sf) =	vpush v4, $0x0;
	v9 =	vsel vm13, s15, v9;
	v3 =	vadd.s32 v3, v38;
	s9 =	sadd.s32 s22, s31;
	s31 =	sshrl.u32 s21, $0x1F;
	v40 =	vld.idx.msk [tilespmem:v10+s3+$0x0], $0xffff;
	s15 =	spop (v2sf)  }
0x40b: {  	v46 =	vmov s30;
	(v2sf) =	vpush v4, $0x1;
	v9 =	vperm.xlane v9, v1;
	s22 =	sshra.s32 s1, $0x6;
	s3 =	smulhi.u32 $0x51EB851F, s15;
	s1 =	sshra.s32 s15, $0x1F  }
0x40c: {  	v47 =	vnsel vm3, $0x0, v46;
	(v2sf) =	vpush v4, $0x2;
	v16 =	vsel vm2, s26, v16;
	s21 =	sshra.s32 s21, $0x1F;
	s25 =	spop (v2sf);
	s16 =	smul.u32 $0x51EB851F, s1  }
0x40d: {  	v7 =	vadd.f32 v5, v7;
	(v2sf) =	vpush v4, $0x3;
	v16 =	vsel vm8, s29, v16;
	s30 =	sshra.s32 s9, $0x1F;
	s1 =	smulhi.u32 $0x51EB851F, s25;
	s2 =	sshra.s32 s25, $0x1F  }
0x40e: {  	v45 =	vsel vm6, v9, v12;
	v55 =	vmov s22;
	(v2sf) =	vpush v4, $0x4;
	s15 =	sshra.s32 s11, $0x6;
	s26 =	spop (v2sf);
	s11 =	smul.u32 $0x51EB851F, s2  }
0x40f: {  	[tilespmem:s28+$0xDB40] =	vst v43;
	v48 =	vmov s30;
	s30 =	sshra.s32 s13, $0x6;
	v17 =	vsel vm1, s17, v55;
	s2 =	smulhi.u32 $0x51EB851F, s26;
	s5 =	sshra.s32 s26, $0x1F;
	vm9 =	veq.s32 v40, v3  }
0x410: {  	[tilespmem:s28+$0xC740] =	vst v7;
	v9 =	vsel vm3, s24, v48;
	s24 =	sshra.s32 s13, $0x1F;
	v17 =	vsel vm2, s18, v17;
	s29 =	spop (v2sf);
	s8 =	smul.u32 $0x51EB851F, s5;
	v10 =	vnsel vm9, $0x3F, v10  }
0x411: {  	(v2sf) =	vpush v4, $0x5;
	s26 =	simm.s32 $0x0;
	v9 =	vsel vm15, s20, v9;
	v58 =	vsel vm8, s14, v17;
	s14 =	simm.s32 $0x9E00;
	s13 =	smulhi.u32 $0x51EB851F, s29;
	[tilespmem:s28+$0xEF40] =	vst v10  }
0x412: {  	v7 =	vsel vm1, s31, v47;
	v3 =	vsel vm6, v14, v11;
	s5 =	sshra.s32 s29, $0x1F;
	s29 =	sshrl.u32 s12, $0x1F;
	v9 =	vsel vm1, s23, v9;
	s23 =	simm.s32 $0x2780;
	v51 =	vld.idx.msk [tilespmem:v42+s26+$0x0], $0xffff  }
0x413: {  	v7 =	vsel vm2, s0, v7;
	s16 =	sadd.s32 s16, s3;
	s3 =	sshra.s32 s19, $0x6;
	v3 =	vadd.s32 v3, v45;
	s20 =	smul.u32 $0x51EB851F, s5;
	v9 =	vsel vm11, s21, v9;
	v52 =	vld.idx.msk [tilespmem:v8+s26+$0x0], $0xffff  }
0x414: {  	(v2sf) =	vpush v4, $0x6;
	s1 =	sadd.s32 s11, s1;
	v49 =	vmul.u32 $0xFFFFFF38, v3;
	v9 =	vsel vm2, s30, v9;
	s30 =	simm.s32 $0x4F00;
	s2 =	sadd.s32 s8, s2;
	v53 =	vld.idx.msk [tilespmem:v42+s23+$0x0], $0xffff  }
0x415: {  	vm13 =	vmmov vm15;
	vm15 =	vmmov vm0;
	v7 =	vsel vm8, s29, v7;
	s25 =	spop (v2sf);
	s26 =	sshrl.u32 s10, $0x1F;
	v15 =	vld.idx.msk [tilespmem:v8+s23+$0x0], $0xffff;
	s23 =	sshrl.u32 s6, $0x1F  }
0x416: {  	vm9 =	vlt.s32 v8, $0x1;
	s31 =	spop (v2sf);
	vm10 =	vne.s32 v49, v50;
	v7 =	vsel vm12, s26, v7;
	s21 =	smulhi.u32 $0x51EB851F, s25;
	s5 =	sshra.s32 s25, $0x1F  }
0x417: {  	vm9 =	vmand vm9, vm10;
	v7 =	vsel vm0, s23, v7;
	s23 =	sshrl.u32 s7, $0x1F;
	vm0 =	vcmask $0x1714;
	s22 =	smul.u32 $0x51EB851F, s5;
	s0 =	spop (v2sf)  }
0x418: {  	v56 =	vld.idx.msk [tilespmem:v8+s30+$0x0], $0xffff;
	s18 =	sshra.s32 s31, $0x1F;
	v54 =	vsel vm9, $0xFFFFFFFF, v2;
	v9 =	vsel vm0, s24, v9;
	s24 =	smulhi.u32 $0x51EB851F, s31;
	s29 =	spop (v2sf)  }
0x419: {  	s31 =	sshra.s32 s10, $0x1F;
	v14 =	vadd.s32 v54, v3;
	v3 =	vld.idx.msk [tilespmem:v42+s30+$0x0], $0xffff;
	s30 =	sshra.s32 s12, $0x6;
	s26 =	spop (v2sf)  }
0x41a: {  	v7 =	vsel vm7, s23, v7;
	v9 =	vsel vm8, s30, v9;
	s30 =	sshra.s32 s10, $0x6;
	s10 =	smul.u32 $0x51EB851F, s18;
	s25 =	spop (v2sf)  }
0x41b: {  	s12 =	sshra.s32 s12, $0x1F;
	v11 =	vsub.f32 v53, v15;
	v15 =	vsel vm2, s15, v59;
	s15 =	smulhi.u32 $0x51EB851F, s29;
	s23 =	spop (v2sf);
	(v2sf) =	vpush v4, $0x7  }
0x41c: {  	s18 =	sshra.s32 s6, $0x6;
	s6 =	sshra.s32 s6, $0x1F;
	v9 =	vsel vm14, s12, v9;
	s11 =	smulhi.u32 $0x51EB851F, s26  }
0x41d: {  	v15 =	vsel vm8, s3, v15;
	s3 =	sadd.s32 s20, s13;
	v9 =	vsel vm12, s30, v9;
	s30 =	simm.s32 $0x7680;
	s17 =	spop (v2sf)  }
0x41e: {  	v10 =	vsub.f32 v51, v52;
	v9 =	vsel vm4, s31, v9;
	v5 =	vld.idx.msk [tilespmem:v42+s30+$0x0], $0xffff;
	s31 =	sshra.s32 s7, $0x6;
	s30 =	sshra.s32 s9, $0x6;
	s20 =	smulhi.u32 $0x51EB851F, s23  }
0x41f: {  	s12 =	spop (v2sf);
	v60 =	vld.idx.msk [tilespmem:v14+s14+$0x0], $0xffff;
	s14 =	smulhi.u32 $0x51EB851F, s0;
	s0 =	sshra.s32 s0, $0x1F  }
0x420: {  	v10 =	vmul.f32 v10, v10;
	v9 =	vsel vm15, s18, v9;
	s18 =	sshrl.u32 s9, $0x1F;
	s9 =	sshra.s32 s25, $0x1F;
	s4 =	spop (v2sf)  }
0x421: {  	v11 =	vmul.f32 v11, v11;
	v18 =	vsub.f32 v3, v56;
	v3 =	vld [tilespmem:s28+$0x9F60];
	s0 =	smul.u32 $0x51EB851F, s0;
	v9 =	vsel vm5, s6, v9;
	s6 =	sshra.s32 s29, $0x1F;
	s29 =	sshra.s32 s7, $0x1F  }
0x422: {  	vm11 =	vmmov vm5;
	v61 =	vmul.u32 $0xFFFFFF38, v14;
	s13 =	smul.u32 $0x51EB851F, s9;
	s9 =	sadd.s32 s10, s24;
	s10 =	simm.s32 $0x2780  }
0x423: {  	v10 =	vadd.f32 v11, v10;
	vm5 =	vcmask $0x3B38;
	s24 =	simm.s32 $0x4F00;
	s5 =	spop (v2sf);
	v62 =	vmul.f32 v18, v18;
	s19 =	smul.u32 $0x51EB851F, s6  }
0x424: {  	vm4 =	vcmask $0x3734;
	v9 =	vsel vm7, s31, v9;
	s31 =	sshra.s32 s26, $0x1F;
	v7 =	vsel vm5, s18, v7;
	s18 =	sshrl.u32 s16, $0x1F;
	s26 =	sshrl.u32 s1, $0x1F  }
0x425: {  	v8 =	vadd.s32 v8, v61;
	s6 =	sadd.s32 s22, s21;
	s22 =	sshra.s32 s23, $0x1F;
	v9 =	vsel vm4, s29, v9;
	s29 =	smul.u32 $0x51EB851F, s31;
	v63 =	vadd.f32 v62, v10  }
0x426: {  	v25 =	vsub.s32 $0x0, v6;
	v16 =	vcombine.low v16, v13;
	s23 =	simm.s32 $0x0;
	s21 =	sshrl.u32 s3, $0x1F;
	s22 =	smul.u32 $0x51EB851F, s22;
	[tilespmem:s28+$0xDB50] =	vst v5;
	vm9 =	veq.s32 v60, v8  }
0x427: {  	vm0 =	vcmask $0xF0C;
	v17 =	vcombine.low v15, v58;
	s1 =	sshra.s32 s1, $0x6;
	s7 =	sadd.s32 s0, s14;
	s0 =	smulhi.u32 $0x51EB851F, s17;
	[tilespmem:s28+$0xC750] =	vst v63;
	v19 =	vnsel vm9, $0x3F, v14  }
0x428: {  	v18 =	vperm.xlane v16, v0;
	v7 =	vperm.xlane v7, v1;
	s31 =	sshra.s32 s17, $0x1F;
	s14 =	sshrl.u32 s6, $0x1F;
	v9 =	vsel vm5, s30, v9;
	s30 =	smulhi.u32 $0x51EB851F, s25;
	[tilespmem:s28+$0xEF50] =	vst v19  }
0x429: {  	v20 =	vperm.xlane v17, v0;
	v24 =	vmov s26;
	s25 =	sshrl.u32 s2, $0x1F;
	s17 =	smul.u32 $0x51EB851F, s31;
	s8 =	sadd.s32 s19, s15;
	v9 =	vperm.xlane v9, v1;
	v21 =	vld.idx.msk [tilespmem:v3+s23+$0x0], $0xffff  }
0x42a: {  	v44 =	vmov s1;
	v11 =	vsel vm1, s18, v24;
	v7 =	vsel vm6, v7, v18;
	s11 =	sadd.s32 s29, s11;
	s29 =	sshrl.u32 s9, $0x1F;
	v10 =	vld.idx.msk [tilespmem:v3+s10+$0x0], $0xffff;
	s31 =	spop (v2sf)  }
0x42b: {  	v11 =	vsel vm2, s25, v11;
	s25 =	sshrl.u32 s7, $0x1F;
	vm9 =	vlt.s32 v6, $0x1;
	v5 =	vsel vm6, v9, v20;
	v26 =	vld.idx.msk [tilespmem:v6+s10+$0x0], $0xffff;
	s15 =	smulhi.u32 $0x51EB851F, s31;
	s10 =	sshra.s32 s31, $0x1F  }
0x42c: {  	s9 =	sshra.s32 s9, $0x6;
	v11 =	vsel vm8, s21, v11;
	v29 =	vmov s29;
	s21 =	sshrl.u32 s11, $0x1F;
	v5 =	vadd.s32 v7, v5;
	v22 =	vld.idx.msk [tilespmem:v6+s23+$0x0], $0xffff;
	s10 =	smul.u32 $0x51EB851F, s10  }
0x42d: {  	s13 =	sadd.s32 s13, s30;
	s0 =	sadd.s32 s17, s0;
	s17 =	sshrl.u32 s8, $0x1F;
	v14 =	vsel vm1, s14, v29;
	v31 =	vmov s21;
	v27 =	vld.idx.msk [tilespmem:v3+s24+$0x0], $0xffff;
	v23 =	vmul.u32 $0xFFFFFF38, v5  }
0x42e: {  	v45 =	vmov s9;
	s14 =	sadd.s32 s22, s20;
	s30 =	sshrl.u32 s13, $0x1F;
	v28 =	vld.idx.msk [tilespmem:v6+s24+$0x0], $0xffff;
	v34 =	vsel vm2, s25, v14;
	v35 =	vnsel vm3, $0x0, v31;
	s10 =	sadd.s32 s10, s15  }
0x42f: {  	s19 =	sshrl.u32 s14, $0x1F;
	v36 =	vsel vm1, s30, v35;
	v42 =	vsel vm8, s17, v34;
	vm10 =	vne.s32 v23, v25;
	s22 =	sshra.s32 s10, $0x1F  }
0x430: {  	s29 =	sshra.s32 s11, $0x6;
	v12 =	vsel vm2, s19, v36;
	vm9 =	vmand vm9, vm10;
	v33 =	vmov s22  }
0x431: {  	s11 =	sshra.s32 s11, $0x1F;
	s18 =	sshra.s32 s13, $0x6;
	s20 =	smulhi.u32 $0x51EB851F, s5;
	vm10 =	vmmov vm6;
	v32 =	vsub.f32 v10, v26;
	v10 =	vsel vm3, s29, v33  }
0x432: {  	s13 =	sshra.s32 s13, $0x1F;
	vm6 =	vcmask $0x1714;
	v7 =	vsub.f32 v21, v22;
	s31 =	smulhi.u32 $0x51EB851F, s12;
	s12 =	sshra.s32 s12, $0x1F;
	v10 =	vsel vm13, s11, v10  }
0x433: {  	s5 =	sshra.s32 s5, $0x1F;
	s21 =	sshra.s32 s14, $0x6;
	v30 =	vsel vm9, $0xFFFFFFFF, v2;
	v9 =	vsub.f32 v27, v28;
	s12 =	smul.u32 $0x51EB851F, s12;
	v10 =	vsel vm1, s18, v10  }
0x434: {  	s5 =	smul.u32 $0x51EB851F, s5;
	s14 =	sshra.s32 s14, $0x1F;
	s17 =	sshra.s32 s7, $0x6;
	v5 =	vadd.s32 v30, v5;
	v7 =	vmul.f32 v7, v7;
	v10 =	vsel vm0, s13, v10  }
0x435: {  	v8 =	vmul.f32 v32, v32;
	v37 =	vmul.u32 $0xFFFFFF38, v5;
	s12 =	sadd.s32 s12, s31;
	s31 =	smulhi.u32 $0x51EB851F, s4;
	s4 =	sshra.s32 s4, $0x1F;
	v39 =	vsel vm2, s21, v10  }
0x436: {  	s5 =	sadd.s32 s5, s20;
	vm9 =	vcmask $0x2724;
	v38 =	vmul.f32 v9, v9;
	s4 =	smul.u32 $0x51EB851F, s4;
	s29 =	sshra.s32 s0, $0x6;
	v9 =	vsel vm6, s14, v39  }
0x437: {  	v7 =	vadd.f32 v8, v7;
	v6 =	vadd.s32 v6, v37;
	s15 =	sshra.s32 s6, $0x6;
	s22 =	sshrl.u32 s0, $0x1F;
	s0 =	sshra.s32 s0, $0x1F;
	v9 =	vsel vm8, s29, v9  }
0x438: {  	s25 =	sshrl.u32 s12, $0x1F;
	v13 =	vsel vm1, s15, v45;
	v40 =	vsel vm8, s22, v12;
	s4 =	sadd.s32 s4, s31;
	s31 =	sshra.s32 s12, $0x6;
	v9 =	vsel vm14, s0, v9  }
0x439: {  	v7 =	vadd.f32 v38, v7;
	s12 =	sshra.s32 s12, $0x1F;
	v41 =	vsel vm12, s25, v40;
	s30 =	sshrl.u32 s4, $0x1F;
	s11 =	sshrl.u32 s5, $0x1F;
	v9 =	vsel vm12, s31, v9  }
0x43a: {  	v46 =	vld [tilespmem:s28+$0x9F70];
	v13 =	vsel vm2, s17, v13;
	v8 =	vsel vm15, s30, v41;
	s13 =	simm.s32 $0x9E00;
	s14 =	sshra.s32 s16, $0x6;
	s16 =	sshra.s32 s4, $0x6;
	v9 =	vsel vm9, s12, v9  }
0x43b: {  	s2 =	sshra.s32 s2, $0x6;
	s19 =	simm.s32 $0x7680;
	s18 =	sshra.s32 s4, $0x1F;
	v8 =	vsel vm7, s11, v8;
	v43 =	vld.idx.msk [tilespmem:v5+s13+$0x0], $0xffff;
	v12 =	vsel vm1, s14, v44;
	v9 =	vsel vm15, s16, v9  }
0x43c: {  	s20 =	sshra.s32 s3, $0x6;
	v3 =	vld.idx.msk [tilespmem:v3+s19+$0x0], $0xffff;
	s22 =	sshra.s32 s5, $0x6;
	v10 =	vcombine.low v42, v11;
	s21 =	sshra.s32 s8, $0x6;
	v12 =	vsel vm2, s2, v12;
	v9 =	vsel vm11, s18, v9  }
0x43d: {  	s25 =	sshrl.u32 s10, $0x1F;
	v13 =	vsel vm8, s21, v13;
	s29 =	sshra.s32 s5, $0x1F;
	v12 =	vsel vm8, s20, v12;
	v9 =	vsel vm7, s22, v9  }
0x43e: {  	s30 =	sshra.s32 s10, $0x6;
	v8 =	vsel vm5, s25, v8;
	v12 =	vcombine.low v13, v12;
	v9 =	vsel vm4, s29, v9  }
0x43f: {  	v8 =	vperm.xlane v8, v1;
	v10 =	vperm.xlane v10, v0;
	v9 =	vsel vm5, s30, v9  }
0x440: {  	[tilespmem:s28+$0xC760] =	vst v7;
	vm9 =	veq.s32 v43, v6;
	v47 =	vperm.xlane v12, v0;
	v48 =	vperm.xlane v9, v1  }
0x441: {  	[tilespmem:s28+$0xDB60] =	vst v3;
	v5 =	vnsel vm9, $0x3F, v5  }
0x442: {  	s23 =	simm.s32 $0x0;
	v3 =	vsel vm10, v8, v10;
	[tilespmem:s28+$0xEF60] =	vst v5;
	v49 =	vsel vm10, v48, v47  }
0x443: {  	v50 =	vld.idx.msk [tilespmem:v46+s23+$0x0], $0xffff;
	v3 =	vadd.s32 v3, v49  }
0x444: {  	s26 =	simm.s32 $0x2780;
	v52 =	vld.idx.msk [tilespmem:v4+s23+$0x0], $0xffff;
	v51 =	vmul.u32 $0xFFFFFF38, v3  }
0x445: {  	v53 =	vsub.s32 $0x0, v4;
	v54 =	vld.idx.msk [tilespmem:v46+s26+$0x0], $0xffff  }
0x446: {  	s24 =	simm.s32 $0x4F00;
	vm9 =	vlt.s32 v4, $0x1;
	v55 =	vld.idx.msk [tilespmem:v4+s26+$0x0], $0xffff;
	vm10 =	vne.s32 v51, v53  }
0x447: {  	v56 =	vld.idx.msk [tilespmem:v46+s24+$0x0], $0xffff;
	vm9 =	vmand vm9, vm10  }
0x448: {  	v58 =	vld.idx.msk [tilespmem:v4+s24+$0x0], $0xffff;
	v57 =	vsel vm9, $0xFFFFFFFF, v2  }
0x449: {  	v3 =	vadd.s32 v57, v3;
	_ =	sdelay $0x1  }
0x44a: {  	v5 =	vsub.f32 v50, v52;
	v6 =	vsub.f32 v54, v55;
	_ =	sdelay $0x1  }
0x44b: {  	v59 =	vsub.f32 v56, v58;
	v5 =	vmul.f32 v5, v5;
	v6 =	vmul.f32 v6, v6  }
0x44c: {  	v60 =	vld.idx.msk [tilespmem:v3+s13+$0x0], $0xffff  }
0x44d: {  	s31 =	rddreg [dreg:$0xf];
	v61 =	vld.idx.msk [tilespmem:v46+s19+$0x0], $0xffff;
	v62 =	vmul.f32 v59, v59;
	v5 =	vadd.f32 v6, v5  }
0x44e: {  	p1 =	sne.s32 s31, $0x4800;
	v63 =	vmul.u32 $0xFFFFFF38, v3  }
.Ltmp0:
0x44f: {  	v5 =	vadd.f32 v62, v5;
	(pc) =	sbr.rel @p1 .LBB2_2-.Ltmp0, $4  }
0x450: {  	v4 =	vadd.s32 v4, v63  }
0x451: {  	[tilespmem:s28+$0xC770] =	vst v5;
	vm9 =	veq.s32 v60, v4  }
0x452: {  	[tilespmem:s28+$0xDB70] =	vst v61;
	v3 =	vnsel vm9, $0x3F, v3  }
0x453: {  	vm3 =	vmmov vm8;
	vm13 =	vmmov vm2;
	vm0 =	vmmov vm1;
	s0 =	sadd.s32 $0x400, s31;
	[tilespmem:s28+$0xEF70] =	vst v3  }
0x454: {  	v9 =	vld [tilespmem:$0xC580];
	_ =	sdelay $0x4  }
0x455: {  	(v2sf) =	vpush v9, $0xD;
	_ =	sdelay $0x1  }
0x456: {  	(v2sf) =	vpush v9, $0xC;
	_ =	sdelay $0x1  }
0x457: {  	(v2sf) =	vpush v9, $0xE;
	_ =	sdelay $0x1  }
0x458: {  	(v2sf) =	vpush v9, $0xF;
	_ =	sdelay $0x1  }
0x459: {  	(v2sf) =	vpush v9, $0x9;
	_ =	sdelay $0x1  }
0x45a: {  	(v2sf) =	vpush v9, $0x8;
	_ =	sdelay $0x1  }
0x45b: {  	(v2sf) =	vpush v9, $0xA;
	_ =	sdelay $0x1  }
0x45c: {  	(v2sf) =	vpush v9, $0xB  }
0x45d: {  	s0 =	spop (v2sf)  }
0x45e: {  	(v2sf) =	vpush v9, $0x0;
	s1 =	smulhi.u32 $0x51EB851F, s0;
	s0 =	sshra.s32 s0, $0x1F  }
0x45f: {  	s30 =	spop (v2sf);
	s13 =	smul.u32 $0x51EB851F, s0  }
0x460: {  	(v2sf) =	vpush v9, $0x1;
	s12 =	smulhi.u32 $0x51EB851F, s30;
	s0 =	sshra.s32 s30, $0x1F  }
0x461: {  	s31 =	spop (v2sf);
	s15 =	smul.u32 $0x51EB851F, s0  }
0x462: {  	(v2sf) =	vpush v9, $0x2;
	[smem:$0x60F] =	sst s1;
	s14 =	smulhi.u32 $0x51EB851F, s31;
	s0 =	sshra.s32 s31, $0x1F  }
0x463: {  	s1 =	spop (v2sf);
	s17 =	smul.u32 $0x51EB851F, s0  }
0x464: {  	(v2sf) =	vpush v9, $0x3;
	s16 =	smulhi.u32 $0x51EB851F, s1;
	s0 =	sshra.s32 s1, $0x1F  }
0x465: {  	s2 =	spop (v2sf);
	s19 =	smul.u32 $0x51EB851F, s0  }
0x466: {  	(v2sf) =	vpush v9, $0x4;
	s18 =	smulhi.u32 $0x51EB851F, s2;
	s0 =	sshra.s32 s2, $0x1F  }
0x467: {  	s3 =	spop (v2sf);
	s21 =	smul.u32 $0x51EB851F, s0  }
0x468: {  	(v2sf) =	vpush v9, $0x5;
	s20 =	smulhi.u32 $0x51EB851F, s3;
	s0 =	sshra.s32 s3, $0x1F  }
0x469: {  	s4 =	spop (v2sf);
	s23 =	smul.u32 $0x51EB851F, s0  }
0x46a: {  	v7 =	vld [tilespmem:$0xC590];
	(v2sf) =	vpush v9, $0x6;
	s22 =	smulhi.u32 $0x51EB851F, s4;
	s0 =	sshra.s32 s4, $0x1F  }
0x46b: {  	s5 =	spop (v2sf);
	s25 =	smul.u32 $0x51EB851F, s0  }
0x46c: {  	(v2sf) =	vpush v9, $0x7;
	s24 =	smulhi.u32 $0x51EB851F, s5;
	s0 =	sshra.s32 s5, $0x1F  }
0x46d: {  	s28 =	smul.u32 $0x51EB851F, s0;
	s6 =	spop (v2sf)  }
0x46e: {  	s26 =	smulhi.u32 $0x51EB851F, s6;
	s0 =	sshra.s32 s6, $0x1F  }
0x46f: {  	(v2sf) =	vpush v7, $0xD;
	s7 =	spop (v2sf);
	s6 =	smul.u32 $0x51EB851F, s0  }
0x470: {  	s29 =	smulhi.u32 $0x51EB851F, s7;
	s0 =	sshra.s32 s7, $0x1F  }
0x471: {  	s8 =	spop (v2sf);
	s2 =	smul.u32 $0x51EB851F, s0  }
0x472: {  	(v2sf) =	vpush v7, $0xC;
	s30 =	smulhi.u32 $0x51EB851F, s8;
	s0 =	sshra.s32 s8, $0x1F  }
0x473: {  	s9 =	spop (v2sf);
	s1 =	smul.u32 $0x51EB851F, s0  }
0x474: {  	s31 =	smulhi.u32 $0x51EB851F, s9;
	s0 =	sshra.s32 s9, $0x1F  }
0x475: {  	(v2sf) =	vpush v7, $0xE;
	s10 =	spop (v2sf);
	s8 =	smul.u32 $0x51EB851F, s0  }
0x476: {  	s3 =	smulhi.u32 $0x51EB851F, s10;
	s0 =	sshra.s32 s10, $0x1F  }
0x477: {  	s11 =	spop (v2sf);
	s5 =	smul.u32 $0x51EB851F, s0  }
0x478: {  	(v2sf) =	vpush v7, $0xF;
	s4 =	smulhi.u32 $0x51EB851F, s11  }
0x479: {  	s7 =	spop (v2sf);
	[smem:$0x610] =	sst s3  }
0x47a: {  	s0 =	sshra.s32 s11, $0x1F;
	[smem:$0x611] =	sst s4;
	s4 =	smulhi.u32 $0x51EB851F, s7  }
0x47b: {  	(v2sf) =	vpush v7, $0x9;
	s3 =	smul.u32 $0x51EB851F, s0;
	s0 =	sshra.s32 s7, $0x1F;
	s9 =	spop (v2sf)  }
0x47c: {  	[smem:$0x612] =	sst s4;
	s4 =	smul.u32 $0x51EB851F, s0;
	s0 =	sshra.s32 s9, $0x1F  }
0x47d: {  	s0 =	smul.u32 $0x51EB851F, s0  }
0x47e: {  	(v2sf) =	vpush v7, $0x8;
	s10 =	spop (v2sf)  }
0x47f: {  	s7 =	smulhi.u32 $0x51EB851F, s9;
	[smem:$0x614] =	sst s0;
	s0 =	sshra.s32 s10, $0x1F  }
0x480: {  	(v2sf) =	vpush v7, $0xA;
	s0 =	smul.u32 $0x51EB851F, s0  }
0x481: {  	s11 =	smulhi.u32 $0x51EB851F, s10;
	s9 =	spop (v2sf)  }
0x482: {  	(v2sf) =	vpush v7, $0xB;
	s10 =	smulhi.u32 $0x51EB851F, s9;
	[smem:$0x616] =	sst s0;
	s0 =	sshra.s32 s9, $0x1F  }
0x483: {  	s0 =	smul.u32 $0x51EB851F, s0  }
0x484: {  	(v2sf) =	vpush v7, $0x0;
	[smem:$0x615] =	sst s11;
	s11 =	spop (v2sf)  }
0x485: {  	[smem:$0x618] =	sst s0;
	s0 =	sshra.s32 s11, $0x1F  }
0x486: {  	[smem:$0x617] =	sst s10;
	s0 =	smul.u32 $0x51EB851F, s0  }
0x487: {  	(v2sf) =	vpush v7, $0x1;
	s9 =	smulhi.u32 $0x51EB851F, s11;
	s10 =	spop (v2sf)  }
0x488: {  	[smem:$0x61A] =	sst s0;
	s0 =	sshra.s32 s10, $0x1F  }
0x489: {  	[smem:$0x619] =	sst s9;
	s0 =	smul.u32 $0x51EB851F, s0  }
0x48a: {  	(v2sf) =	vpush v7, $0x2;
	s9 =	spop (v2sf);
	s11 =	smulhi.u32 $0x51EB851F, s10  }
0x48b: {  	s10 =	smulhi.u32 $0x51EB851F, s9;
	[smem:$0x61C] =	sst s0;
	s0 =	sshra.s32 s9, $0x1F  }
0x48c: {  	(v2sf) =	vpush v7, $0x3;
	[smem:$0x61B] =	sst s11;
	s0 =	smul.u32 $0x51EB851F, s0  }
0x48d: {  	s11 =	spop (v2sf);
	[smem:$0x61D] =	sst s10  }
0x48e: {  	s9 =	smulhi.u32 $0x51EB851F, s11;
	[smem:$0x61E] =	sst s0;
	s0 =	sshra.s32 s11, $0x1F  }
0x48f: {  	(v2sf) =	vpush v7, $0x4;
	s10 =	spop (v2sf);
	s0 =	smul.u32 $0x51EB851F, s0  }
0x490: {  	[smem:$0x61F] =	sst s9;
	s11 =	smulhi.u32 $0x51EB851F, s10  }
0x491: {  	s9 =	spop (v2sf);
	[smem:$0x620] =	sst s0;
	s0 =	sshra.s32 s10, $0x1F  }
0x492: {  	[smem:$0x621] =	sst s11;
	s0 =	smul.u32 $0x51EB851F, s0  }
0x493: {  	(v2sf) =	vpush v7, $0x5;
	s11 =	spop (v2sf);
	s10 =	smulhi.u32 $0x51EB851F, s9  }
0x494: {  	[smem:$0x622] =	sst s0;
	s0 =	sshra.s32 s9, $0x1F;
	s9 =	smulhi.u32 $0x51EB851F, s11  }
0x495: {  	[smem:$0x623] =	sst s10;
	s0 =	smul.u32 $0x51EB851F, s0  }
0x496: {  	s10 =	spop (v2sf);
	[smem:$0x625] =	sst s9  }
0x497: {  	(v2sf) =	vpush v7, $0x6;
	s9 =	smulhi.u32 $0x51EB851F, s10;
	[smem:$0x624] =	sst s0;
	s0 =	sshra.s32 s11, $0x1F  }
0x498: {  	[smem:$0x613] =	sst s7;
	s7 =	smul.u32 $0x51EB851F, s0;
	s0 =	sshra.s32 s10, $0x1F  }
0x499: {  	s11 =	spop (v2sf);
	s0 =	smul.u32 $0x51EB851F, s0  }
0x49a: {  	v6 =	vld [tilespmem:$0xC5A0];
	s10 =	smulhi.u32 $0x51EB851F, s11  }
0x49b: {  	(v2sf) =	vpush v7, $0x7;
	[smem:$0x627] =	sst s0;
	s0 =	sshra.s32 s11, $0x1F;
	s11 =	spop (v2sf)  }
0x49c: {  	[smem:$0x628] =	sst s10;
	s10 =	smulhi.u32 $0x51EB851F, s11  }
0x49d: {  	[smem:$0x626] =	sst s9;
	s9 =	smul.u32 $0x51EB851F, s0  }
0x49e: {  	[smem:$0x629] =	sst s10;
	s10 =	spop (v2sf)  }
0x49f: {  	(v2sf) =	vpush v6, $0xD;
	s0 =	sshra.s32 s11, $0x1F;
	s11 =	smulhi.u32 $0x51EB851F, s10;
	s10 =	sshra.s32 s10, $0x1F  }
0x4a0: {  	s10 =	smul.u32 $0x51EB851F, s10;
	_ =	sdelay $0x1  }
0x4a1: {  	[smem:$0x62B] =	sst s10;
	s10 =	spop (v2sf)  }
0x4a2: {  	(v2sf) =	vpush v6, $0xC;
	[smem:$0x62A] =	sst s11;
	s11 =	smulhi.u32 $0x51EB851F, s10;
	s10 =	sshra.s32 s10, $0x1F  }
0x4a3: {  	s10 =	smul.u32 $0x51EB851F, s10;
	_ =	sdelay $0x1  }
0x4a4: {  	[smem:$0x62D] =	sst s10;
	s10 =	spop (v2sf)  }
0x4a5: {  	(v2sf) =	vpush v6, $0xE;
	[smem:$0x62C] =	sst s11;
	s11 =	smulhi.u32 $0x51EB851F, s10;
	s10 =	sshra.s32 s10, $0x1F  }
0x4a6: {  	s10 =	smul.u32 $0x51EB851F, s10;
	_ =	sdelay $0x1  }
0x4a7: {  	[smem:$0x62F] =	sst s10;
	s10 =	spop (v2sf)  }
0x4a8: {  	(v2sf) =	vpush v6, $0xF;
	[smem:$0x62E] =	sst s11;
	s11 =	smulhi.u32 $0x51EB851F, s10;
	s10 =	sshra.s32 s10, $0x1F  }
0x4a9: {  	s10 =	smul.u32 $0x51EB851F, s10;
	_ =	sdelay $0x1  }
0x4aa: {  	[smem:$0x631] =	sst s10;
	s10 =	spop (v2sf)  }
0x4ab: {  	(v2sf) =	vpush v6, $0x9;
	[smem:$0x630] =	sst s11;
	s11 =	smulhi.u32 $0x51EB851F, s10;
	s10 =	sshra.s32 s10, $0x1F  }
0x4ac: {  	s10 =	smul.u32 $0x51EB851F, s10;
	_ =	sdelay $0x1  }
0x4ad: {  	[smem:$0x633] =	sst s10;
	s10 =	spop (v2sf)  }
0x4ae: {  	(v2sf) =	vpush v6, $0x8;
	[smem:$0x632] =	sst s11;
	s11 =	smulhi.u32 $0x51EB851F, s10;
	s10 =	sshra.s32 s10, $0x1F  }
0x4af: {  	s10 =	smul.u32 $0x51EB851F, s10;
	_ =	sdelay $0x1  }
0x4b0: {  	[smem:$0x635] =	sst s10;
	s10 =	spop (v2sf)  }
0x4b1: {  	(v2sf) =	vpush v6, $0xA;
	[smem:$0x634] =	sst s11;
	s11 =	smulhi.u32 $0x51EB851F, s10;
	s10 =	sshra.s32 s10, $0x1F  }
0x4b2: {  	s10 =	smul.u32 $0x51EB851F, s10;
	_ =	sdelay $0x1  }
0x4b3: {  	[smem:$0x637] =	sst s10;
	s10 =	spop (v2sf)  }
0x4b4: {  	(v2sf) =	vpush v6, $0xB;
	[smem:$0x636] =	sst s11;
	s11 =	smulhi.u32 $0x51EB851F, s10;
	s10 =	sshra.s32 s10, $0x1F  }
0x4b5: {  	s10 =	smul.u32 $0x51EB851F, s10;
	_ =	sdelay $0x1  }
0x4b6: {  	[smem:$0x639] =	sst s10;
	s10 =	spop (v2sf)  }
0x4b7: {  	(v2sf) =	vpush v6, $0x0;
	[smem:$0x638] =	sst s11;
	s11 =	smulhi.u32 $0x51EB851F, s10;
	s10 =	sshra.s32 s10, $0x1F  }
0x4b8: {  	s10 =	smul.u32 $0x51EB851F, s10;
	_ =	sdelay $0x1  }
0x4b9: {  	[smem:$0x63B] =	sst s10;
	s10 =	spop (v2sf)  }
0x4ba: {  	(v2sf) =	vpush v6, $0x1;
	[smem:$0x63A] =	sst s11;
	s11 =	smulhi.u32 $0x51EB851F, s10;
	s10 =	sshra.s32 s10, $0x1F  }
0x4bb: {  	s10 =	smul.u32 $0x51EB851F, s10;
	_ =	sdelay $0x1  }
0x4bc: {  	[smem:$0x63D] =	sst s10;
	s10 =	spop (v2sf)  }
0x4bd: {  	(v2sf) =	vpush v6, $0x2;
	[smem:$0x63C] =	sst s11;
	s11 =	smulhi.u32 $0x51EB851F, s10;
	s10 =	sshra.s32 s10, $0x1F  }
0x4be: {  	s10 =	smul.u32 $0x51EB851F, s10;
	_ =	sdelay $0x1  }
0x4bf: {  	[smem:$0x63F] =	sst s10;
	s10 =	spop (v2sf)  }
0x4c0: {  	(v2sf) =	vpush v6, $0x3;
	[smem:$0x63E] =	sst s11;
	s11 =	smulhi.u32 $0x51EB851F, s10;
	s10 =	sshra.s32 s10, $0x1F  }
0x4c1: {  	s10 =	smul.u32 $0x51EB851F, s10;
	_ =	sdelay $0x1  }
0x4c2: {  	[smem:$0x641] =	sst s10;
	s10 =	spop (v2sf)  }
0x4c3: {  	(v2sf) =	vpush v6, $0x4;
	[smem:$0x640] =	sst s11;
	s11 =	smulhi.u32 $0x51EB851F, s10;
	s10 =	sshra.s32 s10, $0x1F  }
0x4c4: {  	s10 =	smul.u32 $0x51EB851F, s10;
	_ =	sdelay $0x1  }
0x4c5: {  	s12 =	sadd.s32 s15, s12;
	[smem:$0x643] =	sst s10;
	s10 =	spop (v2sf)  }
0x4c6: {  	(v2sf) =	vpush v6, $0x5;
	[smem:$0x642] =	sst s11;
	s11 =	smulhi.u32 $0x51EB851F, s10;
	s10 =	sshra.s32 s10, $0x1F  }
0x4c7: {  	[smem:$0x66B] =	sst s12;
	s15 =	sadd.s32 s17, s14;
	s10 =	smul.u32 $0x51EB851F, s10  }
0x4c8: {  	[smem:$0x66D] =	sst s15  }
0x4c9: {  	s16 =	sadd.s32 s19, s16;
	[smem:$0x645] =	sst s10;
	s10 =	spop (v2sf)  }
0x4ca: {  	(v2sf) =	vpush v6, $0x6;
	[smem:$0x644] =	sst s11;
	s11 =	smulhi.u32 $0x51EB851F, s10;
	s10 =	sshra.s32 s10, $0x1F  }
0x4cb: {  	[smem:$0x66F] =	sst s16;
	s19 =	sadd.s32 s23, s20;
	s10 =	smul.u32 $0x51EB851F, s10  }
0x4cc: {  	[smem:$0x671] =	sst s19  }
0x4cd: {  	s23 =	sadd.s32 s28, s24;
	[smem:$0x647] =	sst s10;
	s10 =	spop (v2sf)  }
0x4ce: {  	(v2sf) =	vpush v6, $0x7;
	[smem:$0x646] =	sst s11;
	s11 =	smulhi.u32 $0x51EB851F, s10;
	s10 =	sshra.s32 s10, $0x1F  }
0x4cf: {  	[smem:$0x677] =	sst s23;
	s6 =	sadd.s32 s6, s26;
	s10 =	smul.u32 $0x51EB851F, s10  }
0x4d0: {  	v5 =	vld [tilespmem:$0xC5B0];
	[smem:$0x66C] =	sst s6  }
0x4d1: {  	s2 =	sadd.s32 s2, s29;
	[smem:$0x649] =	sst s10;
	s10 =	spop (v2sf)  }
0x4d2: {  	[smem:$0x648] =	sst s11;
	s11 =	smulhi.u32 $0x51EB851F, s10;
	s10 =	sshra.s32 s10, $0x1F  }
0x4d3: {  	[smem:$0x66E] =	sst s2;
	s1 =	sadd.s32 s1, s30;
	s10 =	smul.u32 $0x51EB851F, s10  }
0x4d4: {  	[smem:$0x670] =	sst s1  }
0x4d5: {  	s29 =	sadd.s32 s8, s31;
	(v2sf) =	vpush v5, $0xD;
	[smem:$0x64B] =	sst s10;
	s10 =	spop (v2sf)  }
0x4d6: {  	[smem:$0x64A] =	sst s11;
	s11 =	smulhi.u32 $0x51EB851F, s10;
	s10 =	sshra.s32 s10, $0x1F  }
0x4d7: {  	[smem:$0x672] =	sst s29;
	(v2sf) =	vpush v5, $0xC;
	s10 =	smul.u32 $0x51EB851F, s10  }
0x4d8: {  	s30 =	sld [smem:$0x610]  }
0x4d9: {  	(v2sf) =	vpush v5, $0xE;
	[smem:$0x64D] =	sst s10;
	s10 =	spop (v2sf)  }
0x4da: {  	[smem:$0x64C] =	sst s11;
	s11 =	smulhi.u32 $0x51EB851F, s10;
	s10 =	sshra.s32 s10, $0x1F  }
0x4db: {  	s16 =	sld [smem:$0x611];
	s2 =	sadd.s32 s5, s30;
	s10 =	smul.u32 $0x51EB851F, s10  }
0x4dc: {  	[smem:$0x674] =	sst s2;
	(v2sf) =	vpush v5, $0xF  }
0x4dd: {  	(v2sf) =	vpush v5, $0x9;
	[smem:$0x64F] =	sst s10;
	s10 =	spop (v2sf)  }
0x4de: {  	s2 =	sadd.s32 s3, s16;
	(v2sf) =	vpush v5, $0x8;
	[smem:$0x64E] =	sst s11;
	s11 =	smulhi.u32 $0x51EB851F, s10  }
0x4df: {  	[smem:$0x676] =	sst s2  }
0x4e0: {  	[smem:$0x650] =	sst s11  }
0x4e1: {  	(v2sf) =	vpush v5, $0xA;
	s11 =	sld [smem:$0x60F]  }
0x4e2: {  	s23 =	sld [smem:$0x615]  }
0x4e3: {  	s30 =	sld [smem:$0x619];
	s10 =	sshra.s32 s10, $0x1F  }
0x4e4: {  	s11 =	sadd.s32 s13, s11;
	s13 =	smul.u32 $0x51EB851F, s10;
	s10 =	spop (v2sf)  }
0x4e5: {  	[smem:$0x669] =	sst s11;
	s12 =	smulhi.u32 $0x51EB851F, s10;
	s10 =	sshra.s32 s10, $0x1F  }
0x4e6: {  	s17 =	spop (v2sf);
	s14 =	smul.u32 $0x51EB851F, s10  }
0x4e7: {  	s15 =	smulhi.u32 $0x51EB851F, s17;
	s10 =	sshra.s32 s17, $0x1F;
	s17 =	sadd.s32 s21, s18  }
0x4e8: {  	s18 =	spop (v2sf);
	s21 =	sadd.s32 s25, s22;
	[smem:$0x673] =	sst s17  }
0x4e9: {  	s10 =	smul.u32 $0x51EB851F, s10;
	[smem:$0x675] =	sst s21  }
0x4ea: {  	s20 =	smulhi.u32 $0x51EB851F, s18;
	s21 =	sld [smem:$0x614]  }
0x4eb: {  	(v2sf) =	vpush v5, $0xB;
	s22 =	spop (v2sf);
	[smem:$0x651] =	sst s10  }
0x4ec: {  	s25 =	spop (v2sf);
	[smem:$0x652] =	sst s20;
	s10 =	sshra.s32 s18, $0x1F  }
0x4ed: {  	s26 =	sshra.s32 s25, $0x1F;
	s28 =	spop (v2sf);
	s10 =	smul.u32 $0x51EB851F, s10  }
0x4ee: {  	s18 =	sld [smem:$0x612];
	s6 =	smul.u32 $0x51EB851F, s26  }
0x4ef: {  	s20 =	sld [smem:$0x613];
	s8 =	smulhi.u32 $0x51EB851F, s28  }
0x4f0: {  	s1 =	sshra.s32 s28, $0x1F;
	s31 =	spop (v2sf);
	s26 =	sld [smem:$0x617]  }
0x4f1: {  	s28 =	sld [smem:$0x618];
	s5 =	smul.u32 $0x51EB851F, s1  }
0x4f2: {  	s17 =	smulhi.u32 $0x51EB851F, s31;
	s1 =	sshra.s32 s31, $0x1F;
	s31 =	sld [smem:$0x61A]  }
0x4f3: {  	[smem:$0x653] =	sst s10  }
0x4f4: {  	s2 =	sadd.s32 s4, s18;
	s18 =	sld [smem:$0x61C]  }
0x4f5: {  	[smem:$0x655] =	sst s17  }
0x4f6: {  	[smem:$0x678] =	sst s2  }
0x4f7: {  	(v2sf) =	vpush v5, $0x0;
	s11 =	smulhi.u32 $0x51EB851F, s22;
	s10 =	sshra.s32 s22, $0x1F;
	s17 =	sld [smem:$0x61B]  }
0x4f8: {  	s4 =	smul.u32 $0x51EB851F, s1;
	s2 =	sadd.s32 s21, s20;
	s20 =	sld [smem:$0x61D]  }
0x4f9: {  	s24 =	smul.u32 $0x51EB851F, s10;
	s21 =	sld [smem:$0x61E]  }
0x4fa: {  	s19 =	spop (v2sf);
	[smem:$0x66A] =	sst s2  }
0x4fb: {  	(v2sf) =	vpush v5, $0x1;
	s22 =	smulhi.u32 $0x51EB851F, s19;
	s1 =	sshra.s32 s19, $0x1F;
	[smem:$0x654] =	sst s24  }
0x4fc: {  	s24 =	sld [smem:$0x616];
	s1 =	smul.u32 $0x51EB851F, s1  }
0x4fd: {  	[smem:$0x656] =	sst s22  }
0x4fe: {  	[smem:$0x657] =	sst s1  }
0x4ff: {  	s2 =	sadd.s32 s24, s23;
	s23 =	sld [smem:$0x61F]  }
0x500: {  	s24 =	sld [smem:$0x620]  }
0x501: {  	(v2sf) =	vpush v5, $0x2;
	[smem:$0x67A] =	sst s2  }
0x502: {  	s2 =	sadd.s32 s28, s26;
	s26 =	sld [smem:$0x621]  }
0x503: {  	s28 =	sld [smem:$0x622]  }
0x504: {  	[smem:$0x67C] =	sst s2  }
0x505: {  	(v2sf) =	vpush v5, $0x3;
	s10 =	smulhi.u32 $0x51EB851F, s25;
	s2 =	sadd.s32 s31, s30;
	s30 =	sld [smem:$0x623]  }
0x506: {  	s25 =	spop (v2sf);
	s31 =	sld [smem:$0x624]  }
0x507: {  	s29 =	smulhi.u32 $0x51EB851F, s25;
	[smem:$0x67D] =	sst s2  }
0x508: {  	s2 =	sadd.s32 s18, s17;
	s17 =	sld [smem:$0x625]  }
0x509: {  	[smem:$0x658] =	sst s29  }
0x50a: {  	s1 =	sshra.s32 s25, $0x1F;
	s16 =	spop (v2sf);
	[smem:$0x67F] =	sst s2  }
0x50b: {  	s1 =	smul.u32 $0x51EB851F, s1;
	s2 =	sadd.s32 s21, s20;
	s20 =	sld [smem:$0x627]  }
0x50c: {  	s19 =	smulhi.u32 $0x51EB851F, s16;
	s21 =	sld [smem:$0x628]  }
0x50d: {  	[smem:$0x659] =	sst s1  }
0x50e: {  	[smem:$0x65A] =	sst s19  }
0x50f: {  	(v2sf) =	vpush v5, $0x4;
	[smem:$0x682] =	sst s2  }
0x510: {  	(v2sf) =	vpush v5, $0x5;
	s22 =	spop (v2sf);
	s19 =	sld [smem:$0x626]  }
0x511: {  	s25 =	smulhi.u32 $0x51EB851F, s22;
	s2 =	sadd.s32 s24, s23;
	s23 =	sld [smem:$0x629]  }
0x512: {  	[smem:$0x681] =	sst s2  }
0x513: {  	[smem:$0x65C] =	sst s25  }
0x514: {  	s29 =	spop (v2sf);
	s2 =	sadd.s32 s28, s26;
	s26 =	sld [smem:$0x62A]  }
0x515: {  	s1 =	sshra.s32 s16, $0x1F;
	s16 =	smulhi.u32 $0x51EB851F, s29;
	s28 =	sld [smem:$0x62B]  }
0x516: {  	[smem:$0x684] =	sst s2  }
0x517: {  	[smem:$0x65E] =	sst s16  }
0x518: {  	s2 =	sadd.s32 s31, s30;
	s30 =	sld [smem:$0x62C]  }
0x519: {  	(v2sf) =	vpush v5, $0x6;
	s1 =	smul.u32 $0x51EB851F, s1;
	s31 =	sld [smem:$0x62D]  }
0x51a: {  	s16 =	sld [smem:$0x62F]  }
0x51b: {  	s0 =	smul.u32 $0x51EB851F, s0;
	[smem:$0x65B] =	sst s1  }
0x51c: {  	[smem:$0x686] =	sst s2;
	s2 =	sadd.s32 s7, s17  }
0x51d: {  	(v2sf) =	vpush v5, $0x7;
	s0 =	sadd.s32 s0, s23;
	[smem:$0x67B] =	sst s2  }
0x51e: {  	s18 =	spop (v2sf);
	s1 =	sshra.s32 s22, $0x1F;
	[smem:$0x683] =	sst s0  }
0x51f: {  	s22 =	spop (v2sf);
	s2 =	sadd.s32 s20, s19;
	s19 =	sld [smem:$0x631]  }
0x520: {  	s24 =	smulhi.u32 $0x51EB851F, s22;
	s25 =	sshra.s32 s22, $0x1F;
	s22 =	sld [smem:$0x633]  }
0x521: {  	v4 =	vld [tilespmem:$0xC5C0];
	[smem:$0x67E] =	sst s2  }
0x522: {  	s2 =	sadd.s32 s9, s21;
	s9 =	sld [smem:$0x62E]  }
0x523: {  	s1 =	smul.u32 $0x51EB851F, s1;
	s21 =	sld [smem:$0x632]  }
0x524: {  	s0 =	smul.u32 $0x51EB851F, s25;
	s25 =	sld [smem:$0x635]  }
0x525: {  	[smem:$0x65D] =	sst s1  }
0x526: {  	(v2sf) =	vpush v4, $0xD;
	[smem:$0x680] =	sst s2  }
0x527: {  	[smem:$0x661] =	sst s24  }
0x528: {  	s1 =	sshra.s32 s29, $0x1F;
	s29 =	spop (v2sf);
	s24 =	sld [smem:$0x634]  }
0x529: {  	s2 =	sld [smem:$0x638];
	s1 =	smul.u32 $0x51EB851F, s1  }
0x52a: {  	[smem:$0x662] =	sst s0;
	s7 =	smulhi.u32 $0x51EB851F, s29  }
0x52b: {  	s3 =	smulhi.u32 $0x51EB851F, s18;
	[smem:$0x65F] =	sst s1  }
0x52c: {  	s0 =	sshra.s32 s29, $0x1F;
	s17 =	spop (v2sf);
	[smem:$0x663] =	sst s7  }
0x52d: {  	(v2sf) =	vpush v4, $0xC;
	s0 =	smul.u32 $0x51EB851F, s0;
	s1 =	sshra.s32 s18, $0x1F;
	s18 =	sld [smem:$0x630]  }
0x52e: {  	s20 =	smulhi.u32 $0x51EB851F, s17;
	s7 =	sld [smem:$0x639]  }
0x52f: {  	[smem:$0x664] =	sst s0  }
0x530: {  	[smem:$0x665] =	sst s20  }
0x531: {  	s1 =	smul.u32 $0x51EB851F, s1;
	s0 =	sshra.s32 s17, $0x1F;
	s17 =	sld [smem:$0x63B]  }
0x532: {  	s20 =	sld [smem:$0x63D]  }
0x533: {  	[smem:$0x660] =	sst s1  }
0x534: {  	s1 =	sadd.s32 s28, s26;
	s28 =	sld [smem:$0x636]  }
0x535: {  	s23 =	spop (v2sf);
	[smem:$0x685] =	sst s1  }
0x536: {  	s26 =	smulhi.u32 $0x51EB851F, s23;
	s1 =	sadd.s32 s31, s30;
	s30 =	sld [smem:$0x637]  }
0x537: {  	(v2sf) =	vpush v4, $0xE;
	[smem:$0x687] =	sst s1  }
0x538: {  	s29 =	smul.u32 $0x51EB851F, s0;
	s0 =	sshra.s32 s23, $0x1F;
	[smem:$0x666] =	sst s26  }
0x539: {  	s0 =	smul.u32 $0x51EB851F, s0;
	s1 =	sadd.s32 s16, s9;
	s16 =	sld [smem:$0x63A]  }
0x53a: {  	(v2sf) =	vpush v4, $0xF;
	[smem:$0x688] =	sst s1  }
0x53b: {  	[smem:$0x667] =	sst s0  }
0x53c: {  	s31 =	spop (v2sf);
	s1 =	sadd.s32 s19, s18;
	s19 =	sld [smem:$0x63C]  }
0x53d: {  	(v2sf) =	vpush v4, $0x9;
	s9 =	smulhi.u32 $0x51EB851F, s31;
	s0 =	sshra.s32 s31, $0x1F;
	s31 =	sld [smem:$0x641]  }
0x53e: {  	[smem:$0x679] =	sst s1  }
0x53f: {  	[smem:$0x668] =	sst s9  }
0x540: {  	s1 =	sadd.s32 s22, s21;
	s21 =	sld [smem:$0x63E]  }
0x541: {  	s22 =	sld [smem:$0x63F]  }
0x542: {  	[smem:$0x68A] =	sst s1;
	s1 =	sadd.s32 s25, s24  }
0x543: {  	[smem:$0x689] =	sst s1  }
0x544: {  	s1 =	sadd.s32 s30, s28;
	s30 =	sld [smem:$0x640]  }
0x545: {  	[smem:$0x68B] =	sst s1  }
0x546: {  	s18 =	spop (v2sf);
	s1 =	sadd.s32 s7, s2;
	s2 =	sld [smem:$0x642]  }
0x547: {  	s14 =	sadd.s32 s14, s12;
	(v2sf) =	vpush v4, $0x8;
	s26 =	smul.u32 $0x51EB851F, s0;
	s7 =	sld [smem:$0x643]  }
0x548: {  	(v2sf) =	vpush v4, $0xA;
	s0 =	sshra.s32 s18, $0x1F;
	[smem:$0x68E] =	sst s1;
	s1 =	sadd.s32 s17, s16  }
0x549: {  	(v2sf) =	vpush v4, $0xB;
	s23 =	spop (v2sf);
	[smem:$0x691] =	sst s1;
	s1 =	sadd.s32 s20, s19  }
0x54a: {  	(v2sf) =	vpush v4, $0x0;
	s24 =	smul.u32 $0x51EB851F, s0;
	[smem:$0x68F] =	sst s1;
	s1 =	sadd.s32 s22, s21  }
0x54b: {  	(v2sf) =	vpush v4, $0x1;
	s25 =	smulhi.u32 $0x51EB851F, s23;
	[smem:$0x693] =	sst s1;
	s1 =	sadd.s32 s31, s30  }
0x54c: {  	(v2sf) =	vpush v4, $0x2;
	s9 =	spop (v2sf);
	[smem:$0x696] =	sst s1;
	s1 =	sadd.s32 s7, s2  }
0x54d: {  	s5 =	sadd.s32 s5, s8;
	(v2sf) =	vpush v4, $0x3;
	s28 =	smulhi.u32 $0x51EB851F, s18;
	[smem:$0x68C] =	sst s1  }
0x54e: {  	s0 =	sshra.s32 s23, $0x1F;
	s23 =	smulhi.u32 $0x51EB851F, s9;
	s1 =	sld [smem:$0x644]  }
0x54f: {  	s22 =	smul.u32 $0x51EB851F, s0;
	s0 =	sshra.s32 s9, $0x1F;
	[smem:$0x699] =	sst s14  }
0x550: {  	s24 =	sadd.s32 s24, s28;
	s20 =	smul.u32 $0x51EB851F, s0;
	[smem:$0x69F] =	sst s5  }
0x551: {  	s22 =	sadd.s32 s22, s25;
	[smem:$0x6AA] =	sst s24  }
0x552: {  	s20 =	sadd.s32 s20, s23;
	[smem:$0x6AB] =	sst s22  }
0x553: {  	[smem:$0x6AC] =	sst s20  }
0x554: {  	s16 =	sld [smem:$0x645]  }
0x555: {  	s17 =	sld [smem:$0x646]  }
0x556: {  	s18 =	sld [smem:$0x647]  }
0x557: {  	s30 =	sld [smem:$0x648]  }
0x558: {  	s31 =	sld [smem:$0x649]  }
0x559: {  	s7 =	sld [smem:$0x64A]  }
0x55a: {  	s9 =	sld [smem:$0x64B]  }
0x55b: {  	s2 =	sld [smem:$0x652];
	s1 =	sadd.s32 s16, s1  }
0x55c: {  	[smem:$0x690] =	sst s1  }
0x55d: {  	s1 =	sadd.s32 s18, s17;
	s17 =	sld [smem:$0x64C]  }
0x55e: {  	s19 =	spop (v2sf);
	s18 =	sld [smem:$0x64D]  }
0x55f: {  	s21 =	smulhi.u32 $0x51EB851F, s19;
	s0 =	sshra.s32 s19, $0x1F;
	[smem:$0x692] =	sst s1  }
0x560: {  	s16 =	spop (v2sf);
	s1 =	sadd.s32 s31, s30;
	s30 =	sld [smem:$0x64E]  }
0x561: {  	s19 =	smul.u32 $0x51EB851F, s0;
	s0 =	sshra.s32 s16, $0x1F;
	s31 =	sld [smem:$0x64F]  }
0x562: {  	[smem:$0x694] =	sst s1;
	s1 =	sadd.s32 s9, s7;
	s7 =	spop (v2sf)  }
0x563: {  	[smem:$0x695] =	sst s1;
	s1 =	sadd.s32 s18, s17;
	s18 =	smulhi.u32 $0x51EB851F, s16  }
0x564: {  	s9 =	sld [smem:$0x650];
	s16 =	smul.u32 $0x51EB851F, s0  }
0x565: {  	s17 =	smulhi.u32 $0x51EB851F, s7;
	s0 =	sshra.s32 s7, $0x1F;
	s7 =	sld [smem:$0x653]  }
0x566: {  	(v2sf) =	vpush v4, $0x4;
	[smem:$0x697] =	sst s1  }
0x567: {  	s1 =	sadd.s32 s31, s30;
	s31 =	sld [smem:$0x651]  }
0x568: {  	[smem:$0x698] =	sst s1;
	s1 =	sadd.s32 s13, s9  }
0x569: {  	s30 =	spop (v2sf);
	s16 =	sadd.s32 s16, s18;
	[smem:$0x68D] =	sst s1  }
0x56a: {  	s14 =	smul.u32 $0x51EB851F, s0;
	s0 =	sshra.s32 s30, $0x1F;
	[smem:$0x6AD] =	sst s16  }
0x56b: {  	s1 =	sadd.s32 s31, s15;
	s15 =	smulhi.u32 $0x51EB851F, s30;
	s30 =	sld [smem:$0x654]  }
0x56c: {  	s14 =	sadd.s32 s14, s17;
	s31 =	sadd.s32 s6, s10;
	s6 =	sld [smem:$0x655]  }
0x56d: {  	s9 =	spop (v2sf);
	[smem:$0x6AF] =	sst s14  }
0x56e: {  	s12 =	smul.u32 $0x51EB851F, s0;
	[smem:$0x69A] =	sst s1  }
0x56f: {  	s13 =	smulhi.u32 $0x51EB851F, s9;
	s0 =	sshra.s32 s9, $0x1F;
	[smem:$0x69E] =	sst s31  }
0x570: {  	s1 =	sadd.s32 s7, s2;
	s2 =	spop (v2sf);
	s31 =	sld [smem:$0x657]  }
0x571: {  	s10 =	smul.u32 $0x51EB851F, s0;
	[smem:$0x69B] =	sst s1;
	s0 =	sshra.s32 s2, $0x1F  }
0x572: {  	s7 =	spop (v2sf);
	s1 =	sadd.s32 s30, s11;
	s11 =	smulhi.u32 $0x51EB851F, s2  }
0x573: {  	s8 =	smul.u32 $0x51EB851F, s0;
	s30 =	sld [smem:$0x656]  }
0x574: {  	s9 =	smulhi.u32 $0x51EB851F, s7;
	s2 =	sld [smem:$0x658]  }
0x575: {  	s0 =	sshra.s32 s7, $0x1F;
	s5 =	spop (v2sf);
	[smem:$0x69C] =	sst s1  }
0x576: {  	s1 =	sadd.s32 s4, s6;
	s4 =	sld [smem:$0x659];
	s7 =	smul.u32 $0x51EB851F, s0  }
0x577: {  	s6 =	smulhi.u32 $0x51EB851F, s5;
	s0 =	sshra.s32 s5, $0x1F;
	s5 =	sld [smem:$0x65D]  }
0x578: {  	[smem:$0x6A0] =	sst s1  }
0x579: {  	s1 =	sadd.s32 s31, s30;
	s30 =	sld [smem:$0x65A]  }
0x57a: {  	s31 =	sld [smem:$0x65B]  }
0x57b: {  	[smem:$0x6A4] =	sst s1  }
0x57c: {  	(v2sf) =	vpush v4, $0x5;
	s1 =	sadd.s32 s4, s2;
	s4 =	sld [smem:$0x65C]  }
0x57d: {  	s2 =	sld [smem:$0x660]  }
0x57e: {  	[smem:$0x69D] =	sst s1  }
0x57f: {  	s1 =	sadd.s32 s31, s30;
	s30 =	sld [smem:$0x65E]  }
0x580: {  	(v2sf) =	vpush v4, $0x6;
	s31 =	sld [smem:$0x65F]  }
0x581: {  	v3 =	vld [tilespmem:$0xC5D0];
	[smem:$0x6A1] =	sst s1;
	s1 =	sadd.s32 s5, s4  }
0x582: {  	(v2sf) =	vpush v4, $0x7;
	[smem:$0x6A2] =	sst s1  }
0x583: {  	s1 =	sadd.s32 s31, s30;
	s30 =	sld [smem:$0x661]  }
0x584: {  	s31 =	sld [smem:$0x662]  }
0x585: {  	[smem:$0x6A5] =	sst s1;
	s1 =	sadd.s32 s2, s3  }
0x586: {  	(v2sf) =	vpush v3, $0xD;
	[smem:$0x6A6] =	sst s1  }
0x587: {  	s1 =	sadd.s32 s31, s30;
	s30 =	sld [smem:$0x664]  }
0x588: {  	(v2sf) =	vpush v3, $0xC;
	[smem:$0x6A7] =	sst s1  }
0x589: {  	s8 =	sadd.s32 s8, s11;
	s1 =	sld [smem:$0x663]  }
0x58a: {  	(v2sf) =	vpush v3, $0xE;
	[smem:$0x6AE] =	sst s8;
	s7 =	sadd.s32 s7, s9;
	s5 =	smul.u32 $0x51EB851F, s0  }
0x58b: {  	[smem:$0x6B0] =	sst s7;
	s0 =	spop (v2sf)  }
0x58c: {  	(v2sf) =	vpush v3, $0xF;
	s5 =	sadd.s32 s5, s6;
	s1 =	sadd.s32 s30, s1;
	s30 =	sld [smem:$0x665]  }
0x58d: {  	s4 =	smulhi.u32 $0x51EB851F, s0;
	s0 =	sshra.s32 s0, $0x1F;
	[smem:$0x6B2] =	sst s5  }
0x58e: {  	(v2sf) =	vpush v3, $0x9;
	s3 =	smul.u32 $0x51EB851F, s0;
	[smem:$0x6A8] =	sst s1  }
0x58f: {  	s0 =	spop (v2sf);
	s31 =	sadd.s32 s29, s30;
	s29 =	sld [smem:$0x666]  }
0x590: {  	(v2sf) =	vpush v3, $0x8;
	s2 =	smulhi.u32 $0x51EB851F, s0;
	s0 =	sshra.s32 s0, $0x1F;
	s30 =	sld [smem:$0x667]  }
0x591: {  	s1 =	smul.u32 $0x51EB851F, s0;
	s0 =	spop (v2sf)  }
0x592: {  	s3 =	sadd.s32 s3, s4;
	[smem:$0x6A3] =	sst s31;
	s31 =	smulhi.u32 $0x51EB851F, s0  }
0x593: {  	s0 =	sshra.s32 s0, $0x1F;
	s29 =	sadd.s32 s30, s29;
	s30 =	sld [smem:$0x668]  }
0x594: {  	(v2sf) =	vpush v3, $0xA;
	[smem:$0x6B3] =	sst s3;
	s0 =	smul.u32 $0x51EB851F, s0  }
0x595: {  	s28 =	sadd.s32 s19, s21;
	[smem:$0x6A9] =	sst s29;
	s29 =	spop (v2sf)  }
0x596: {  	(v2sf) =	vpush v3, $0xB;
	s30 =	sadd.s32 s26, s30;
	s26 =	smulhi.u32 $0x51EB851F, s29;
	s29 =	sshra.s32 s29, $0x1F  }
0x597: {  	s1 =	sadd.s32 s1, s2;
	s24 =	smul.u32 $0x51EB851F, s29;
	s29 =	spop (v2sf)  }
0x598: {  	[smem:$0x6B4] =	sst s1;
	s22 =	smulhi.u32 $0x51EB851F, s29;
	s29 =	sshra.s32 s29, $0x1F  }
0x599: {  	s0 =	sadd.s32 s0, s31;
	s25 =	spop (v2sf);
	s20 =	smul.u32 $0x51EB851F, s29  }
0x59a: {  	[smem:$0x6B1] =	sst s0;
	s19 =	smulhi.u32 $0x51EB851F, s25;
	s29 =	sshra.s32 s25, $0x1F  }
0x59b: {  	(v2sf) =	vpush v3, $0x0;
	s23 =	spop (v2sf);
	s16 =	smul.u32 $0x51EB851F, s29  }
0x59c: {  	s24 =	sadd.s32 s24, s26;
	s14 =	smulhi.u32 $0x51EB851F, s23;
	s25 =	sshra.s32 s23, $0x1F  }
0x59d: {  	s29 =	sadd.s32 s12, s15;
	s18 =	spop (v2sf);
	s12 =	smul.u32 $0x51EB851F, s25  }
0x59e: {  	s21 =	sadd.s32 s10, s13;
	(v2sf) =	vpush v3, $0x1;
	[smem:$0x6B6] =	sst s24;
	s10 =	smulhi.u32 $0x51EB851F, s18  }
0x59f: {  	s23 =	sshra.s32 s18, $0x1F;
	s25 =	spop (v2sf);
	s26 =	sadd.s32 s20, s22  }
0x5a0: {  	s8 =	smul.u32 $0x51EB851F, s23;
	s11 =	sshra.s32 s25, $0x1F;
	[smem:$0x6B5] =	sst s26  }
0x5a1: {  	s5 =	smul.u32 $0x51EB851F, s11;
	s11 =	sadd.s32 s16, s19;
	s19 =	sld [smem:$0x669]  }
0x5a2: {  	s7 =	smulhi.u32 $0x51EB851F, s25;
	s14 =	sadd.s32 s12, s14;
	[dreg:$0x1c] =	wrdreg s11  }
0x5a3: {  	s13 =	spop (v2sf);
	[dreg:$0x18] =	wrdreg s14  }
0x5a4: {  	s3 =	smulhi.u32 $0x51EB851F, s13;
	s8 =	sadd.s32 s8, s10;
	s14 =	sld [smem:$0x66A]  }
0x5a5: {  	s15 =	sshra.s32 s13, $0x1F;
	s18 =	spop (v2sf);
	[dreg:$0x16] =	wrdreg s8  }
0x5a6: {  	s17 =	smul.u32 $0x51EB851F, s15;
	s5 =	sadd.s32 s5, s7;
	s8 =	sld [smem:$0x66D]  }
0x5a7: {  	s23 =	smulhi.u32 $0x51EB851F, s18;
	s2 =	sshra.s32 s18, $0x1F;
	[smem:$0x6B7] =	sst s5  }
0x5a8: {  	s2 =	smul.u32 $0x51EB851F, s2;
	s1 =	sadd.s32 s17, s3;
	s5 =	sld [smem:$0x66F]  }
0x5a9: {  	s20 =	sshrl.u32 s19, $0x1F;
	[dreg:$0x12] =	wrdreg s1  }
0x5aa: {  	s0 =	sadd.s32 s2, s23;
	s23 =	sld [smem:$0x66B];
	s25 =	spop (v2sf)  }
0x5ab: {  	[dreg:$0x11] =	wrdreg s0;
	s31 =	smulhi.u32 $0x51EB851F, s25;
	s4 =	sshra.s32 s25, $0x1F  }
0x5ac: {  	s22 =	sshra.s32 s14, $0x1F;
	s25 =	sld [smem:$0x66C];
	s4 =	smul.u32 $0x51EB851F, s4  }
0x5ad: {  	s7 =	sshrl.u32 s8, $0x1F;
	s24 =	sshrl.u32 s23, $0x1F;
	s13 =	spop (v2sf)  }
0x5ae: {  	v10 =	vmov s24;
	s15 =	smulhi.u32 $0x51EB851F, s13;
	s17 =	sadd.s32 s4, s31;
	s4 =	sld [smem:$0x68E]  }
0x5af: {  	v10 =	vsel vm0, s20, v10;
	s9 =	sshra.s32 s13, $0x1F;
	s31 =	sshra.s32 s25, $0x6;
	[dreg:$0x1a] =	wrdreg s17  }
0x5b0: {  	vm15 =	vcmask $0x300;
	v8 =	vmov s22;
	v10 =	vsel vm13, s7, v10;
	s13 =	sshrl.u32 s5, $0x1F;
	s16 =	smul.u32 $0x51EB851F, s9;
	s9 =	sld [smem:$0x66E]  }
0x5b1: {  	vm11 =	vcmask $0x704;
	s6 =	sshra.s32 s25, $0x1F;
	v8 =	vsel vm15, s31, v8;
	v10 =	vsel vm3, s13, v10;
	s13 =	sld [smem:$0x674]  }
0x5b2: {  	v8 =	vsel vm11, s6, v8;
	s6 =	sld [smem:$0x671]  }
0x5b3: {  	s18 =	sadd.s32 s16, s15;
	s15 =	sld [smem:$0x670]  }
0x5b4: {  	s26 =	sshrl.u32 s25, $0x1F;
	[dreg:$0x14] =	wrdreg s18  }
0x5b5: {  	v11 =	vmov s26;
	s10 =	sshrl.u32 s9, $0x1F;
	s18 =	sld [smem:$0x672]  }
0x5b6: {  	v11 =	vnsel vm15, $0x0, v11;
	s11 =	sshra.s32 s9, $0x6;
	s12 =	sshra.s32 s9, $0x1F;
	s9 =	sld [smem:$0x673]  }
0x5b7: {  	vm4 =	vcmask $0xF0C;
	s1 =	sshra.s32 s19, $0x6;
	v11 =	vsel vm0, s10, v11;
	v8 =	vsel vm0, s11, v8;
	s10 =	sld [smem:$0x675]  }
0x5b8: {  	s17 =	sshrl.u32 s6, $0x1F;
	s16 =	sshrl.u32 s15, $0x1F;
	v8 =	vsel vm4, s12, v8;
	s12 =	sld [smem:$0x676]  }
0x5b9: {  	s20 =	sshra.s32 s15, $0x6;
	s22 =	sshra.s32 s15, $0x1F;
	s15 =	sld [smem:$0x677]  }
0x5ba: {  	s2 =	sshra.s32 s23, $0x6;
	s24 =	sshrl.u32 s13, $0x1F;
	v12 =	vmov s17;
	s17 =	sld [smem:$0x678]  }
0x5bb: {  	s19 =	sshrl.u32 s18, $0x1F;
	s23 =	sshrl.u32 s9, $0x1F;
	s31 =	sshra.s32 s18, $0x6  }
0x5bc: {  	v11 =	vsel vm13, s16, v11;
	v8 =	vsel vm13, s20, v8;
	s11 =	sshra.s32 s18, $0x1F;
	s20 =	sshrl.u32 s14, $0x1F;
	s25 =	sshrl.u32 s10, $0x1F  }
0x5bd: {  	v11 =	vsel vm3, s19, v11;
	v12 =	vsel vm0, s23, v12;
	vm0 =	vcmask $0x1714;
	s19 =	sshra.s32 s8, $0x6;
	s23 =	sshra.s32 s5, $0x6;
	s26 =	sshrl.u32 s12, $0x1F  }
0x5be: {  	vm3 =	vcmask $0x2320;
	v8 =	vsel vm0, s22, v8;
	s16 =	sshrl.u32 s15, $0x1F;
	s18 =	sshrl.u32 s17, $0x1F;
	s22 =	sshra.s32 s13, $0x6  }
0x5bf: {  	vm5 =	vcmask $0x2B28;
	v11 =	vsel vm3, s24, v11;
	v12 =	vsel vm13, s25, v12;
	s25 =	sshra.s32 s13, $0x1F;
	s8 =	sshra.s32 s15, $0x6;
	s13 =	sld [smem:$0x679]  }
0x5c0: {  	vm13 =	vcmask $0x1F1C;
	s15 =	sld [smem:$0x67A];
	v11 =	vsel vm5, s26, v11;
	v8 =	vsel vm8, s31, v8;
	s26 =	sshra.s32 s6, $0x6;
	s31 =	sshra.s32 s10, $0x6  }
0x5c1: {  	vm6 =	vcmask $0x3330;
	vm7 =	vcmask $0x3B38;
	s10 =	sshra.s32 s17, $0x6;
	v8 =	vsel vm13, s11, v8;
	s11 =	sshra.s32 s17, $0x1F;
	s17 =	sld [smem:$0x67B]  }
0x5c2: {  	vm12 =	vcmask $0x2724;
	v21 =	vmov s2;
	s24 =	sshra.s32 s9, $0x6;
	s9 =	sshra.s32 s12, $0x1F;
	v22 =	vmov s26;
	s26 =	sld [smem:$0x67E]  }
0x5c3: {  	v16 =	vsel vm8, s16, v12;
	s6 =	sshra.s32 s12, $0x6;
	s12 =	sshra.s32 s14, $0x6;
	v11 =	vsel vm6, s18, v11;
	v8 =	vsel vm3, s22, v8;
	s22 =	sld [smem:$0x67C]  }
0x5c4: {  	v14 =	vsel vm7, s20, v11;
	v11 =	vsel vm1, s1, v21;
	v23 =	vsel vm1, s24, v22;
	s14 =	sshra.s32 s13, $0x1F;
	s16 =	sshrl.u32 s15, $0x1F;
	s24 =	sld [smem:$0x67D]  }
0x5c5: {  	vm9 =	vcmask $0x2F2C;
	(v2sf) =	vpush v3, $0x2;
	s0 =	sshra.s32 s15, $0x6;
	s15 =	sld [smem:$0x681];
	v11 =	vsel vm2, s19, v11;
	s18 =	sshra.s32 s17, $0x6  }
0x5c6: {  	v8 =	vsel vm12, s25, v8;
	v19 =	vsel vm8, s23, v11;
	v11 =	vsel vm2, s31, v23;
	s19 =	sshrl.u32 s17, $0x1F;
	s20 =	sshra.s32 s17, $0x1F;
	s17 =	sld [smem:$0x682]  }
0x5c7: {  	v24 =	vmov s14;
	v8 =	vsel vm5, s6, v8;
	s31 =	sshra.s32 s26, $0x6;
	v30 =	vsel vm8, s8, v11;
	s8 =	sld [smem:$0x67F]  }
0x5c8: {  	s6 =	sshrl.u32 s26, $0x1F;
	s7 =	sshra.s32 s26, $0x1F;
	v8 =	vsel vm9, s9, v8;
	v25 =	vsel vm15, s18, v24;
	v27 =	vmov s19;
	s19 =	sld [smem:$0x685]  }
0x5c9: {  	vm14 =	vcmask $0x3734;
	s23 =	sshrl.u32 s22, $0x1F;
	s2 =	sshra.s32 s22, $0x6;
	v8 =	vsel vm6, s10, v8;
	v11 =	vsel vm11, s20, v25;
	s10 =	sld [smem:$0x680]  }
0x5ca: {  	s25 =	sshrl.u32 s24, $0x1F;
	s1 =	sshra.s32 s24, $0x6;
	s22 =	sld [smem:$0x686];
	v26 =	vmov s23;
	v8 =	vsel vm14, s11, v8;
	v11 =	vsel vm1, s31, v11  }
0x5cb: {  	s24 =	sshrl.u32 s17, $0x1F;
	v22 =	vsel vm7, s12, v8;
	v8 =	vsel vm1, s16, v26;
	v11 =	vsel vm4, s7, v11;
	s9 =	sshrl.u32 s8, $0x1F;
	s7 =	sld [smem:$0x68A]  }
0x5cc: {  	s16 =	sshrl.u32 s15, $0x1F;
	v8 =	vsel vm2, s25, v8;
	s11 =	sshra.s32 s10, $0x6;
	s25 =	sld [smem:$0x683]  }
0x5cd: {  	v12 =	vnsel vm15, $0x0, v27;
	s20 =	sshrl.u32 s19, $0x1F;
	s23 =	sshrl.u32 s22, $0x1F;
	v29 =	vmov s16;
	v11 =	vsel vm2, s11, v11;
	s11 =	sld [smem:$0x684]  }
0x5ce: {  	v28 =	vsel vm1, s6, v12;
	s12 =	sshrl.u32 s10, $0x1F;
	s14 =	sshra.s32 s10, $0x1F;
	v12 =	vsel vm1, s24, v29;
	s24 =	sld [smem:$0x687]  }
0x5cf: {  	s10 =	sshra.s32 s19, $0x1F;
	s16 =	sshrl.u32 s13, $0x1F;
	v21 =	vsel vm8, s9, v8;
	v8 =	vsel vm2, s12, v28;
	s12 =	sld [smem:$0x688]  }
0x5d0: {  	s26 =	sshrl.u32 s25, $0x1F;
	s31 =	sshra.s32 s25, $0x6;
	s9 =	sshra.s32 s25, $0x1F  }
0x5d1: {  	v11 =	vsel vm0, s14, v11;
	v8 =	vsel vm8, s26, v8;
	s18 =	sshrl.u32 s11, $0x1F;
	s25 =	sshrl.u32 s24, $0x1F;
	s26 =	sshra.s32 s19, $0x6  }
0x5d2: {  	v11 =	vsel vm8, s31, v11;
	s31 =	sshra.s32 s17, $0x6;
	s14 =	sshrl.u32 s12, $0x1F;
	s17 =	sshra.s32 s24, $0x6  }
0x5d3: {  	v31 =	vmov s2;
	s19 =	sshra.s32 s22, $0x6;
	s22 =	sshra.s32 s12, $0x6;
	v12 =	vsel vm2, s18, v12;
	v8 =	vsel vm3, s20, v8;
	s20 =	sshra.s32 s24, $0x1F  }
0x5d4: {  	v11 =	vsel vm13, s9, v11;
	s24 =	spop (v2sf);
	s9 =	sld [smem:$0x689];
	v25 =	vsel vm8, s23, v12;
	v8 =	vsel vm5, s25, v8;
	s23 =	sshra.s32 s12, $0x1F  }
0x5d5: {  	v32 =	vsel vm1, s0, v31;
	v11 =	vsel vm3, s26, v11;
	s25 =	smulhi.u32 $0x51EB851F, s24;
	s26 =	sshra.s32 s24, $0x1F;
	s12 =	sld [smem:$0x68C];
	v8 =	vsel vm6, s14, v8  }
0x5d6: {  	s5 =	sshra.s32 s8, $0x6;
	s8 =	smul.u32 $0x51EB851F, s26;
	s14 =	sld [smem:$0x68D];
	v26 =	vsel vm7, s16, v8;
	v8 =	vsel vm2, s1, v32  }
0x5d7: {  	s15 =	sshra.s32 s15, $0x6;
	v11 =	vsel vm12, s10, v11;
	v27 =	vsel vm8, s5, v8;
	s5 =	sld [smem:$0x68F]  }
0x5d8: {  	v33 =	vmov s15;
	v11 =	vsel vm5, s17, v11;
	s16 =	sadd.s32 s8, s25;
	s25 =	sld [smem:$0x692]  }
0x5d9: {  	s6 =	sshra.s32 s13, $0x6;
	v34 =	vsel vm1, s31, v33;
	s31 =	sshrl.u32 s9, $0x1F;
	v11 =	vsel vm9, s20, v11;
	[smem:$0x6B8] =	sst s16  }
0x5da: {  	s18 =	sshra.s32 s11, $0x6;
	s10 =	sshrl.u32 s7, $0x1F;
	v35 =	vmov s31;
	v11 =	vsel vm6, s22, v11;
	s22 =	sld [smem:$0x690]  }
0x5db: {  	v8 =	vsel vm2, s18, v34;
	s13 =	sshrl.u32 s12, $0x1F;
	s18 =	sshra.s32 s12, $0x6;
	v36 =	vsel vm1, s10, v35;
	s10 =	sld [smem:$0x691]  }
0x5dc: {  	v29 =	vsel vm8, s19, v8;
	s15 =	sshra.s32 s14, $0x1F;
	s19 =	sshra.s32 s12, $0x1F;
	s12 =	sld [smem:$0x693]  }
0x5dd: {  	s17 =	sshrl.u32 s4, $0x1F;
	v11 =	vsel vm14, s23, v11;
	v38 =	vmov s15;
	s15 =	sld [smem:$0x694]  }
0x5de: {  	v28 =	vsel vm7, s6, v11;
	s6 =	sld [smem:$0x68B];
	s20 =	sshrl.u32 s5, $0x1F;
	s26 =	sshrl.u32 s25, $0x1F  }
0x5df: {  	v37 =	vmov s13;
	s23 =	sshrl.u32 s22, $0x1F;
	s24 =	sshrl.u32 s10, $0x1F;
	s31 =	sshra.s32 s22, $0x6  }
0x5e0: {  	v11 =	vnsel vm15, $0x0, v37;
	v40 =	vmov s20;
	s13 =	sshrl.u32 s12, $0x1F;
	s20 =	sshra.s32 s25, $0x1F;
	s16 =	sshrl.u32 s15, $0x1F  }
0x5e1: {  	v39 =	vsel vm15, s18, v38;
	v11 =	vsel vm1, s23, v11;
	v12 =	vsel vm1, s24, v40;
	s11 =	sshrl.u32 s6, $0x1F;
	s2 =	sshra.s32 s6, $0x6;
	s6 =	sshra.s32 s4, $0x6  }
0x5e2: {  	v11 =	vsel vm2, s26, v11;
	v12 =	vsel vm2, s13, v12;
	s13 =	sshra.s32 s15, $0x1F;
	v8 =	vsel vm2, s11, v36;
	s11 =	sshra.s32 s22, $0x1F;
	s22 =	sld [smem:$0x696]  }
0x5e3: {  	v11 =	vsel vm8, s16, v11;
	s16 =	sshrl.u32 s14, $0x1F;
	v15 =	vsel vm8, s17, v8;
	v8 =	vsel vm11, s19, v39;
	s17 =	sshra.s32 s7, $0x6;
	s7 =	sld [smem:$0x695]  }
0x5e4: {  	s19 =	sshra.s32 s25, $0x6;
	s25 =	sshra.s32 s9, $0x6;
	s9 =	sld [smem:$0x698];
	v8 =	vsel vm1, s31, v8  }
0x5e5: {  	s31 =	sshra.s32 s15, $0x6;
	s15 =	sshra.s32 s10, $0x6;
	v8 =	vsel vm4, s11, v8;
	s11 =	sld [smem:$0x697]  }
0x5e6: {  	v41 =	vmov s25;
	s23 =	sshrl.u32 s22, $0x1F;
	s22 =	sshra.s32 s22, $0x6;
	s18 =	sshrl.u32 s7, $0x1F  }
0x5e7: {  	v8 =	vsel vm2, s19, v8;
	v17 =	vsel vm8, s23, v12;
	s26 =	sshrl.u32 s9, $0x1F;
	v11 =	vsel vm3, s18, v11;
	s18 =	sshra.s32 s5, $0x6;
	s5 =	sld [smem:$0x699]  }
0x5e8: {  	v12 =	vsel vm1, s17, v41;
	s17 =	sshra.s32 s7, $0x6;
	v8 =	vsel vm0, s20, v8;
	s24 =	sshrl.u32 s11, $0x1F;
	v43 =	vmov s18;
	s18 =	sld [smem:$0x69F]  }
0x5e9: {  	v8 =	vsel vm8, s31, v8;
	s23 =	sshra.s32 s11, $0x6;
	v11 =	vsel vm5, s24, v11;
	s24 =	sshra.s32 s11, $0x1F;
	s11 =	sld [smem:$0x69B]  }
0x5ea: {  	(v2sf) =	vpush v3, $0x3;
	s25 =	sshra.s32 s9, $0x6;
	v8 =	vsel vm13, s13, v8;
	v11 =	vsel vm6, s26, v11;
	s26 =	sshra.s32 s9, $0x1F;
	s9 =	sld [smem:$0x69A]  }
0x5eb: {  	(v2sf) =	vpush v3, $0x4;
	s19 =	sshra.s32 s12, $0x6;
	s20 =	sshra.s32 s7, $0x1F;
	s13 =	sld [smem:$0x69C];
	v8 =	vsel vm3, s17, v8  }
0x5ec: {  	(v2sf) =	vpush v3, $0x5;
	s31 =	sshra.s32 s14, $0x6;
	s7 =	sshrl.u32 s5, $0x1F;
	v18 =	vsel vm7, s16, v11;
	v8 =	vsel vm12, s20, v8;
	s16 =	sld [smem:$0x69E]  }
0x5ed: {  	(v2sf) =	vpush v3, $0x6;
	s1 =	sshra.s32 s5, $0x6;
	s20 =	sld [smem:$0x6A0];
	v45 =	vsel vm5, s23, v8;
	s10 =	sshrl.u32 s9, $0x1F  }
0x5ee: {  	v42 =	vsel vm2, s2, v12;
	s12 =	sshrl.u32 s11, $0x1F;
	s2 =	sshra.s32 s11, $0x6;
	s11 =	sld [smem:$0x6A3];
	v12 =	vsel vm9, s24, v45;
	v47 =	vmov s10  }
0x5ef: {  	v44 =	vsel vm1, s15, v43;
	s14 =	sshrl.u32 s13, $0x1F;
	v46 =	vsel vm6, s25, v12;
	v12 =	vsel vm1, s7, v47;
	s7 =	sshra.s32 s13, $0x6;
	s13 =	sld [smem:$0x69D]  }
0x5f0: {  	(v2sf) =	vpush v3, $0x7;
	v11 =	vsel vm2, s19, v44;
	s19 =	sshrl.u32 s18, $0x1F;
	s8 =	sshra.s32 s18, $0x6;
	s18 =	sld [smem:$0x6A2]  }
0x5f1: {  	v24 =	vsel vm8, s22, v11;
	v13 =	vmov s19;
	s17 =	sshrl.u32 s16, $0x1F;
	s5 =	sshra.s32 s16, $0x6;
	v11 =	vsel vm14, s26, v46;
	s26 =	sld [smem:$0x6A4]  }
0x5f2: {  	v8 =	vld [tilespmem:$0xC5E0];
	v13 =	vsel vm1, s17, v13;
	s25 =	sshra.s32 s11, $0x1F;
	s17 =	sld [smem:$0x6A5];
	s15 =	sshrl.u32 s13, $0x1F  }
0x5f3: {  	s16 =	sshra.s32 s13, $0x6;
	s19 =	sshra.s32 s13, $0x1F;
	s13 =	sld [smem:$0x6A6]  }
0x5f4: {  	s4 =	sshra.s32 s9, $0x6;
	s22 =	sshrl.u32 s20, $0x1F;
	v31 =	vmov s25;
	v49 =	vmov s15;
	s15 =	sld [smem:$0x6A1]  }
0x5f5: {  	s9 =	sshra.s32 s20, $0x6;
	s24 =	sshrl.u32 s18, $0x1F;
	v48 =	vsel vm2, s12, v12;
	v31 =	vsel vm15, s16, v31;
	s16 =	sld [smem:$0x6A8]  }
0x5f6: {  	s10 =	sshrl.u32 s11, $0x1F;
	v23 =	vsel vm7, s31, v11;
	v11 =	vsel vm8, s14, v48;
	s31 =	sshrl.u32 s26, $0x1F;
	s14 =	sshrl.u32 s17, $0x1F  }
0x5f7: {  	(v2sf) =	vpush v8, $0xD;
	s12 =	sshra.s32 s26, $0x6;
	v12 =	vnsel vm15, $0x0, v49;
	s20 =	sshrl.u32 s13, $0x1F;
	s23 =	sshrl.u32 s15, $0x1F  }
0x5f8: {  	s3 =	sshra.s32 s13, $0x1F;
	s25 =	sshra.s32 s15, $0x1F;
	s26 =	sshrl.u32 s16, $0x1F;
	v12 =	vsel vm1, s23, v12  }
0x5f9: {  	(v2sf) =	vpush v8, $0xC;
	s23 =	sshra.s32 s15, $0x6;
	s15 =	smov.u32 s11;
	v12 =	vsel vm2, s24, v12;
	s24 =	spop (v2sf)  }
0x5fa: {  	v51 =	vmov s4;
	v31 =	vsel vm11, s19, v31;
	s11 =	sshra.s32 s18, $0x6;
	v32 =	vsel vm8, s14, v12;
	s0 =	smulhi.u32 $0x51EB851F, s24;
	s19 =	spop (v2sf)  }
0x5fb: {  	v13 =	vsel vm2, s22, v13;
	s14 =	sld [smem:$0x6A7];
	v50 =	vsel vm3, s20, v32;
	v32 =	vsel vm1, s1, v51;
	s20 =	smulhi.u32 $0x51EB851F, s19;
	s4 =	sshra.s32 s19, $0x1F  }
0x5fc: {  	v52 =	vld [tilespmem:$0xB180];
	v31 =	vsel vm1, s23, v31;
	v12 =	vsel vm8, s31, v13;
	s31 =	sshra.s32 s24, $0x1F;
	s24 =	spop (v2sf);
	v53 =	vsel vm2, s2, v32;
	s2 =	smul.u32 $0x51EB851F, s4  }
0x5fd: {  	s18 =	sshra.s32 s18, $0x1F;
	v33 =	vsel vm4, s25, v31;
	s4 =	smulhi.u32 $0x51EB851F, s24;
	s25 =	sshra.s32 s24, $0x1F  }
0x5fe: {  	v10 =	vcombine.low v16, v10;
	v20 =	vsel vm8, s6, v42;
	(v2sf) =	vpush v8, $0xE;
	s23 =	sshra.s32 s17, $0x1F;
	s6 =	spop (v2sf);
	s1 =	smul.u32 $0x51EB851F, s25  }
0x5ff: {  	(v2sf) =	vpush v8, $0xF;
	s15 =	sshra.s32 s15, $0x6;
	v33 =	vsel vm2, s11, v33;
	s22 =	sshrl.u32 s14, $0x1F;
	v16 =	vsel vm8, s7, v53;
	s7 =	smulhi.u32 $0x51EB851F, s6  }
0x600: {  	v33 =	vsel vm0, s18, v33;
	s18 =	sshra.s32 s14, $0x1F;
	s19 =	spop (v2sf);
	s25 =	sshra.s32 s16, $0x6  }
0x601: {  	v13 =	vsel vm5, s22, v50;
	s22 =	sshra.s32 s17, $0x6;
	s17 =	sshra.s32 s14, $0x6;
	s24 =	smulhi.u32 $0x51EB851F, s19  }
0x602: {  	v19 =	vcombine.low v30, v19;
	v13 =	vsel vm6, s26, v13;
	s26 =	smul.u32 $0x51EB851F, s31;
	s31 =	sshra.s32 s13, $0x6;
	s13 =	sshra.s32 s6, $0x1F  }
0x603: {  	v57 =	vld [tilespmem:$0x1FFF0];
	v10 =	vperm.xlane v10, v0;
	v54 =	vsel vm8, s22, v33;
	s22 =	simm.s32 $0x0;
	s6 =	sshrl.u32 s30, $0x1F;
	v13 =	vsel vm7, s10, v13;
	s10 =	smul.u32 $0x51EB851F, s13  }
0x604: {  	v14 =	vperm.xlane v14, v1;
	v19 =	vperm.xlane v19, v0;
	v55 =	vsel vm13, s23, v54;
	v61 =	vld.idx.msk [tilespmem:v52+s22+$0x0], $0xffff;
	s23 =	sshra.s32 s19, $0x1F;
	s13 =	smov.u32 s30;
	s30 =	simm.s32 $0x4F00  }
0x605: {  	v22 =	vperm.xlane v22, v1;
	v63 =	vld.idx.msk [tilespmem:v9+s22+$0x0], $0xffff;
	v42 =	vmov s6;
	s22 =	smov.u32 s28;
	s6 =	sshrl.u32 s29, $0x1F;
	v30 =	vsel vm3, s31, v55;
	s23 =	smul.u32 $0x51EB851F, s23  }
0x606: {  	v56 =	vmov s8;
	s31 =	sshra.s32 s16, $0x1F;
	v38 =	vmov s6;
	s6 =	sld [smem:$0x6AC];
	v30 =	vsel vm12, s3, v30;
	s3 =	spop (v2sf)  }
0x607: {  	v40 =	vsub.s32 $0x0, v9;
	v59 =	vsel vm1, s5, v56;
	(v2sf) =	vpush v8, $0x9;
	s0 =	sadd.s32 s26, s0;
	s26 =	sld [smem:$0x6AD];
	s19 =	smulhi.u32 $0x51EB851F, s3  }
0x608: {  	vm0 =	vmmov vm9;
	vm12 =	vnez.u8 v57;
	v44 =	vnsel vm15, $0x0, v38;
	s5 =	sshra.s32 s3, $0x1F;
	s8 =	spop (v2sf);
	s3 =	sld [smem:$0x6AA]  }
0x609: {  	v10 =	vsel vm12, v14, v10;
	v58 =	vsel vm12, v22, v19;
	v60 =	vsel vm5, s17, v30;
	s14 =	smulhi.u32 $0x51EB851F, s8;
	s11 =	sshra.s32 s8, $0x1F;
	s8 =	sld [smem:$0x6A9]  }
0x60a: {  	s22 =	sshra.s32 s22, $0x6;
	[smem:$0x6B9] =	sst s0;
	v19 =	vsel vm2, s9, v59;
	s9 =	sshrl.u32 s21, $0x1F;
	v10 =	vadd.s32 v10, v58;
	v22 =	vsel vm9, s18, v60  }
0x60b: {  	s18 =	smul.u32 $0x51EB851F, s5;
	v32 =	vsel vm1, s9, v44;
	s9 =	sld [smem:$0x6B0];
	v62 =	vmul.u32 $0xFFFFFF38, v10;
	v22 =	vsel vm6, s25, v22;
	s25 =	simm.s32 $0x2780  }
0x60c: {  	v19 =	vsel vm8, s12, v19;
	vm9 =	vlt.s32 v9, $0x1;
	v34 =	vld.idx.msk [tilespmem:v52+s25+$0x0], $0xffff;
	v22 =	vsel vm14, s31, v22;
	s16 =	sshrl.u32 s3, $0x1F;
	s31 =	sshrl.u32 s28, $0x1F;
	s12 =	sshrl.u32 s8, $0x1F  }
0x60d: {  	v41 =	vld.idx.msk [tilespmem:v9+s25+$0x0], $0xffff;
	vm10 =	vne.s32 v62, v40;
	v22 =	vsel vm7, s15, v22;
	s15 =	smul.u32 $0x51EB851F, s11;
	s11 =	spop (v2sf);
	v43 =	vmov s31;
	s31 =	sshrl.u32 s6, $0x1F  }
0x60e: {  	v35 =	vld.idx.msk [tilespmem:v52+s30+$0x0], $0xffff;
	vm9 =	vmand vm9, vm10;
	v33 =	vsel vm1, s12, v42;
	s12 =	sld [smem:$0x6AB];
	s28 =	sshra.s32 s11, $0x1F;
	s5 =	spop (v2sf)  }
0x60f: {  	v37 =	vld.idx.msk [tilespmem:v9+s30+$0x0], $0xffff;
	v36 =	vsel vm9, $0xFFFFFFFF, v2;
	v33 =	vsel vm2, s16, v33;
	s16 =	smulhi.u32 $0x51EB851F, s11;
	s11 =	smov.u32 s21;
	s21 =	sld [smem:$0x6AE]  }
0x610: {  	(v2sf) =	vpush v8, $0x8;
	s28 =	smul.u32 $0x51EB851F, s28;
	s0 =	sshra.s32 s5, $0x1F;
	s15 =	sadd.s32 s15, s14;
	v36 =	vadd.s32 v36, v10  }
0x611: {  	v14 =	vsub.f32 v61, v63;
	s14 =	sshra.s32 s8, $0x6;
	s8 =	sld [smem:$0x6B2];
	s17 =	sshrl.u32 s12, $0x1F  }
0x612: {  	[smem:$0x6C0] =	sst s15;
	s15 =	sshra.s32 s6, $0x6;
	v30 =	vsub.f32 v34, v41;
	v10 =	vsel vm8, s17, v33;
	v33 =	vsel vm1, s31, v43;
	s31 =	sshrl.u32 s21, $0x1F  }
0x613: {  	(v2sf) =	vpush v8, $0xA;
	s16 =	sadd.s32 s28, s16;
	v32 =	vsel vm2, s31, v32;
	s31 =	sadd.s32 s2, s20;
	s20 =	sld [smem:$0x6AF]  }
0x614: {  	v45 =	vsub.f32 v35, v37;
	v47 =	vmul.f32 v14, v14;
	s17 =	sshrl.u32 s26, $0x1F;
	s2 =	sadd.s32 s1, s4;
	s4 =	simm.s32 $0x9E00;
	v48 =	vmul.f32 v30, v30;
	v30 =	vld [tilespmem:$0xB190]  }
0x615: {  	[smem:$0x6C2] =	sst s16;
	v46 =	vld.idx.msk [tilespmem:v36+s4+$0x0], $0xffff;
	s4 =	sadd.s32 s10, s7;
	s10 =	simm.s32 $0x7680  }
0x616: {  	v34 =	vmul.f32 v45, v45;
	v33 =	vsel vm2, s17, v33;
	s1 =	smulhi.u32 $0x51EB851F, s5;
	v37 =	vadd.f32 v48, v47;
	s5 =	sshrl.u32 s20, $0x1F;
	[smem:$0x6BD] =	sst s4;
	v31 =	vld.idx.msk [tilespmem:v52+s10+$0x0], $0xffff  }
0x617: {  	(v2sf) =	vpush v8, $0xB;
	s6 =	smov.u32 s11;
	v49 =	vmul.u32 $0xFFFFFF38, v36;
	s4 =	smul.u32 $0x51EB851F, s0;
	v14 =	vsel vm8, s5, v33;
	s5 =	spop (v2sf)  }
0x618: {  	v51 =	vadd.f32 v34, v37;
	s7 =	smulhi.u32 $0x51EB851F, s5;
	s0 =	sshra.s32 s5, $0x1F;
	s5 =	sld [smem:$0x6B1]  }
0x619: {  	(v2sf) =	vpush v8, $0x0;
	s11 =	sshra.s32 s11, $0x6;
	s16 =	simm.s32 $0x0;
	v9 =	vadd.s32 v9, v49;
	[smem:$0x6BA] =	sst s31  }
0x61a: {  	s17 =	sshrl.u32 s9, $0x1F;
	[smem:$0x6BC] =	sst s2;
	s31 =	simm.s32 $0x9E00;
	[tilespmem:$0xD980] =	vst v51;
	vm9 =	veq.s32 v46, v9  }
0x61b: {  	v32 =	vsel vm8, s17, v32;
	s2 =	simm.s32 $0x7680;
	s10 =	sshra.s32 s3, $0x6;
	s17 =	sshra.s32 s5, $0x1F;
	v58 =	vnsel vm9, $0x3F, v36;
	[tilespmem:$0xED80] =	vst v31  }
0x61c: {  	v50 =	vmov s17;
	s17 =	sadd.s32 s23, s24;
	s23 =	sadd.s32 s18, s19;
	s24 =	smul.u32 $0x51EB851F, s0;
	[tilespmem:$0x10180] =	vst v58  }
0x61d: {  	(v2sf) =	vpush v8, $0x1;
	s0 =	sshra.s32 s13, $0x6;
	s19 =	sshrl.u32 s8, $0x1F;
	[smem:$0x6BB] =	sst s17;
	v31 =	vld.idx.msk [tilespmem:v30+s25+$0x0], $0xffff  }
0x61e: {  	v27 =	vcombine.low v29, v27;
	[smem:$0x6C1] =	sst s23;
	s17 =	sadd.s32 s4, s1;
	s23 =	sshra.s32 s29, $0x6;
	v39 =	vld.idx.msk [tilespmem:v7+s25+$0x0], $0xffff  }
0x61f: {  	v21 =	vcombine.low v25, v21;
	(v2sf) =	vpush v8, $0x2;
	s1 =	sshra.s32 s12, $0x6;
	s4 =	sld [smem:$0x6B3];
	s12 =	spop (v2sf);
	v40 =	vld.idx.msk [tilespmem:v30+s30+$0x0], $0xffff  }
0x620: {  	v53 =	vperm.xlane v26, v1;
	v54 =	vperm.xlane v27, v0;
	(v2sf) =	vpush v8, $0x3;
	s25 =	sshra.s32 s21, $0x6;
	v44 =	vld.idx.msk [tilespmem:v7+s30+$0x0], $0xffff;
	s30 =	sshra.s32 s9, $0x1F;
	[smem:$0x6C3] =	sst s17  }
0x621: {  	v55 =	vperm.xlane v28, v1;
	v52 =	vperm.xlane v21, v0;
	s18 =	sadd.s32 s24, s7;
	s24 =	sshra.s32 s29, $0x1F;
	s17 =	sshra.s32 s6, $0x1F  }
0x622: {  	(v2sf) =	vpush v8, $0x4;
	v56 =	vsel vm3, s19, v32;
	v57 =	vsel vm15, s23, v50;
	s3 =	smulhi.u32 $0x51EB851F, s12;
	s13 =	sshra.s32 s12, $0x1F;
	s19 =	spop (v2sf)  }
0x623: {  	v59 =	vsel vm12, v55, v54;
	v9 =	vsel vm12, v53, v52;
	s6 =	sld [smem:$0x6B4];
	s29 =	sshra.s32 s9, $0x6;
	v61 =	vsel vm11, s24, v57;
	s7 =	smulhi.u32 $0x51EB851F, s19  }
0x624: {  	v62 =	vadd.s32 v9, v59;
	[smem:$0x6C5] =	sst s18;
	s23 =	sshra.s32 s19, $0x1F;
	v36 =	vsel vm1, s11, v61;
	s11 =	smul.u32 $0x51EB851F, s13  }
0x625: {  	v21 =	vmul.u32 $0xFFFFFF38, v62;
	s24 =	sshrl.u32 s5, $0x1F;
	s28 =	sshrl.u32 s4, $0x1F;
	s19 =	smul.u32 $0x51EB851F, s23  }
0x626: {  	v63 =	vld.idx.msk [tilespmem:v30+s16+$0x0], $0xffff;
	(v2sf) =	vpush v8, $0x5;
	v60 =	vsel vm5, s28, v56;
	s18 =	sshrl.u32 s6, $0x1F;
	v9 =	vsel vm4, s17, v36;
	s28 =	spop (v2sf);
	s17 =	sshra.s32 s8, $0x1F  }
0x627: {  	v37 =	vld.idx.msk [tilespmem:v7+s16+$0x0], $0xffff;
	v41 =	vmov s0;
	(v2sf) =	vpush v8, $0x6;
	s16 =	sshra.s32 s6, $0x1F;
	v25 =	vsel vm6, s18, v60;
	s18 =	sshra.s32 s26, $0x6;
	s26 =	sshra.s32 s21, $0x1F  }
0x628: {  	v32 =	vsel vm1, s14, v41;
	vm4 =	vcmask $0x1714;
	v9 =	vsel vm2, s25, v9;
	s0 =	smulhi.u32 $0x51EB851F, s28;
	s13 =	sshra.s32 s28, $0x1F;
	s9 =	spop (v2sf)  }
0x629: {  	v38 =	vsub.s32 $0x0, v7;
	v32 =	vsel vm2, s10, v32;
	s28 =	sshra.s32 s4, $0x6;
	s10 =	sadd.s32 s11, s3;
	v42 =	vsel vm4, s26, v9;
	s25 =	smul.u32 $0x51EB851F, s13  }
0x62a: {  	vm9 =	vlt.s32 v7, $0x1;
	vm10 =	vne.s32 v21, v38;
	s23 =	smulhi.u32 $0x51EB851F, s9;
	s12 =	sshra.s32 s9, $0x1F;
	s13 =	sshra.s32 s8, $0x6;
	v33 =	vsel vm8, s29, v42  }
0x62b: {  	vm15 =	vmmov vm11;
	vm9 =	vmand vm9, vm10;
	[smem:$0x6C4] =	sst s10;
	s26 =	smul.u32 $0x51EB851F, s12;
	v33 =	vsel vm13, s30, v33;
	s0 =	sadd.s32 s25, s0  }
0x62c: {  	vm11 =	vcmask $0x2724;
	v43 =	vsel vm9, $0xFFFFFFFF, v2;
	v33 =	vsel vm3, s13, v33;
	s21 =	spop (v2sf);
	s13 =	sadd.s32 s19, s7;
	[smem:$0x6CA] =	sst s0  }
0x62d: {  	v34 =	vadd.s32 v43, v62;
	(v2sf) =	vpush v8, $0x7;
	v21 =	vsel vm7, s24, v25;
	s8 =	sshra.s32 s4, $0x1F;
	s24 =	smulhi.u32 $0x51EB851F, s21;
	[smem:$0x6C8] =	sst s13  }
0x62e: {  	v45 =	vmov s22;
	v33 =	vsel vm11, s17, v33;
	s22 =	sshra.s32 s21, $0x1F;
	s30 =	spop (v2sf);
	s13 =	rddreg [dreg:$0x1c]  }
0x62f: {  	v15 =	vcombine.low v17, v15;
	v53 =	vld [tilespmem:$0xB1A0];
	s12 =	sshra.s32 s6, $0x6;
	v48 =	vsel vm5, s28, v33;
	s22 =	smul.u32 $0x51EB851F, s22;
	s11 =	spop (v2sf)  }
0x630: {  	v30 =	vld.idx.msk [tilespmem:v30+s2+$0x0], $0xffff;
	v26 =	vsub.f32 v63, v37;
	v46 =	vsub.f32 v31, v39;
	v52 =	vsel vm0, s8, v48;
	s4 =	smulhi.u32 $0x51EB851F, s11;
	s3 =	sshra.s32 s11, $0x1F;
	s11 =	rddreg [dreg:$0x16]  }
0x631: {  	v35 =	vsel vm1, s15, v45;
	v50 =	vsub.f32 v40, v44;
	v9 =	vld [tilespmem:$0xC5F0];
	s29 =	sshra.s32 s20, $0x6;
	s14 =	spop (v2sf);
	v29 =	vsel vm6, s12, v52;
	s12 =	rddreg [dreg:$0x18]  }
0x632: {  	v47 =	vsel vm2, s18, v35;
	v51 =	vmul.f32 v26, v26;
	v28 =	vmul.f32 v46, v46;
	v49 =	vld.idx.msk [tilespmem:v34+s31+$0x0], $0xffff;
	s18 =	smulhi.u32 $0x51EB851F, s14;
	s17 =	sshra.s32 s14, $0x1F;
	s14 =	sld [smem:$0x6B7]  }
0x633: {  	v15 =	vperm.xlane v15, v0;
	s15 =	smulhi.u32 $0x51EB851F, s30;
	s9 =	sshra.s32 s30, $0x1F;
	v59 =	vsel vm14, s16, v29;
	s16 =	sld [smem:$0x6B6]  }
0x634: {  	v54 =	vmul.u32 $0xFFFFFF38, v34;
	v55 =	vmul.f32 v50, v50;
	s20 =	sshra.s32 s5, $0x6;
	v28 =	vadd.f32 v28, v51;
	s8 =	smul.u32 $0x51EB851F, s9;
	[smem:$0x6BE] =	sst s18  }
0x635: {  	v18 =	vperm.xlane v18, v1;
	v20 =	vcombine.low v24, v20;
	v26 =	vsel vm8, s29, v47;
	s5 =	sshrl.u32 s13, $0x1F;
	s18 =	smul.u32 $0x51EB851F, s17;
	s29 =	spop (v2sf)  }
0x636: {  	v7 =	vadd.s32 v7, v54;
	(v2sf) =	vpush v9, $0xD;
	v56 =	vadd.f32 v55, v28;
	s17 =	sld [smem:$0x6B5];
	s30 =	smulhi.u32 $0x51EB851F, s29;
	s21 =	sshra.s32 s29, $0x1F  }
0x637: {  	v58 =	vperm.xlane v23, v1;
	v57 =	vperm.xlane v20, v0;
	[tilespmem:$0xED90] =	vst v30;
	s28 =	simm.s32 $0x4F00;
	vm9 =	veq.s32 v49, v7;
	s2 =	spop (v2sf);
	s19 =	smul.u32 $0x51EB851F, s21  }
0x638: {  	v15 =	vsel vm12, v18, v15;
	[tilespmem:$0xD990] =	vst v56;
	s10 =	sshrl.u32 s11, $0x1F;
	v61 =	vnsel vm9, $0x3F, v34;
	s9 =	sshrl.u32 s14, $0x1F;
	s21 =	smulhi.u32 $0x51EB851F, s2  }
0x639: {  	v25 =	vsel vm8, s1, v32;
	(v2sf) =	vpush v9, $0xC;
	v7 =	vsel vm12, v58, v57;
	[tilespmem:$0x10190] =	vst v61;
	s29 =	sshra.s32 s2, $0x1F;
	s2 =	rddreg [dreg:$0x1a];
	s31 =	sshrl.u32 s17, $0x1F  }
0x63a: {  	s7 =	sshrl.u32 s12, $0x1F;
	v18 =	vsel vm7, s20, v59;
	s1 =	sshrl.u32 s16, $0x1F;
	v37 =	vmov s9;
	v42 =	vld.idx.msk [tilespmem:v53+s28+$0x0], $0xffff;
	[smem:$0x6BF] =	sst s30;
	v60 =	vmov s31  }
0x63b: {  	v63 =	vadd.s32 v15, v7;
	v44 =	vld.idx.msk [tilespmem:v6+s28+$0x0], $0xffff;
	s28 =	sadd.s32 s8, s15;
	s20 =	sshrl.u32 s2, $0x1F;
	v15 =	vsel vm1, s10, v37;
	s10 =	rddreg [dreg:$0x12];
	v23 =	vsel vm1, s1, v60  }
0x63c: {  	vm4 =	vmmov vm0;
	vm0 =	vcmask $0x300;
	[smem:$0x6C9] =	sst s28;
	s9 =	sshrl.u32 s10, $0x1F;
	s1 =	spop (v2sf);
	v62 =	vsel vm2, s5, v23  }
0x63d: {  	(v2sf) =	vpush v9, $0xE;
	v39 =	vmov s20;
	s30 =	smulhi.u32 $0x51EB851F, s1;
	v7 =	vsel vm8, s7, v62;
	s7 =	sshra.s32 s1, $0x1F;
	s1 =	rddreg [dreg:$0x14]  }
0x63e: {  	v28 =	vnsel vm0, $0x0, v39;
	v15 =	vsel vm2, s9, v15;
	s9 =	sld [smem:$0x6B9];
	s5 =	sadd.s32 s26, s23;
	s23 =	sshrl.u32 s1, $0x1F  }
0x63f: {  	s6 =	simm.s32 $0x0;
	v28 =	vsel vm1, s23, v28;
	s23 =	sld [smem:$0x6B8]  }
0x640: {  	s25 =	simm.s32 $0x2780;
	v36 =	vld.idx.msk [tilespmem:v53+s6+$0x0], $0xffff;
	s26 =	sadd.s32 s22, s24;
	s24 =	sld [smem:$0x6BB]  }
0x641: {  	s3 =	smul.u32 $0x51EB851F, s3;
	v24 =	vld.idx.msk [tilespmem:v6+s6+$0x0], $0xffff;
	s6 =	simm.s32 $0x2780;
	[smem:$0x6C6] =	sst s5  }
0x642: {  	v38 =	vmul.u32 $0xFFFFFF38, v63;
	s16 =	sshra.s32 s16, $0x6;
	v30 =	vld.idx.msk [tilespmem:v53+s6+$0x0], $0xffff;
	[smem:$0x6C7] =	sst s26;
	s31 =	sshrl.u32 s23, $0x1F  }
0x643: {  	v40 =	vsub.s32 $0x0, v6;
	(v2sf) =	vpush v9, $0xF;
	s29 =	smul.u32 $0x51EB851F, s29;
	v41 =	vld.idx.msk [tilespmem:v6+s6+$0x0], $0xffff;
	s5 =	rddreg [dreg:$0x11];
	s6 =	sshrl.u32 s9, $0x1F;
	v28 =	vsel vm2, s31, v28  }
0x644: {  	vm9 =	vlt.s32 v6, $0x1;
	vm10 =	vne.s32 v38, v40;
	s22 =	smul.u32 $0x51EB851F, s7;
	s0 =	sshrl.u32 s5, $0x1F;
	v28 =	vsel vm8, s6, v28;
	s6 =	sld [smem:$0x6BA]  }
0x645: {  	vm9 =	vmand vm9, vm10;
	s28 =	sshra.s32 s1, $0x6;
	v15 =	vsel vm8, s0, v15;
	s0 =	sshra.s32 s24, $0x1F;
	s7 =	spop (v2sf)  }
0x646: {  	v43 =	vsel vm9, $0xFFFFFFFF, v2;
	v46 =	vmov s0;
	s0 =	smov.u32 s2;
	s2 =	sshra.s32 s2, $0x6;
	s20 =	sshra.s32 s7, $0x1F  }
0x647: {  	v31 =	vadd.s32 v43, v63;
	s31 =	smulhi.u32 $0x51EB851F, s7;
	s7 =	sld [smem:$0x6BC];
	s26 =	sshrl.u32 s6, $0x1F  }
0x648: {  	s15 =	sshra.s32 s1, $0x1F;
	s8 =	sshra.s32 s0, $0x1F;
	s0 =	spop (v2sf);
	v45 =	vsel vm3, s26, v28;
	v28 =	vsel vm0, s2, v46  }
0x649: {  	s2 =	smul.u32 $0x51EB851F, s20;
	s20 =	simm.s32 $0x7680;
	v47 =	vsel vm15, s8, v28;
	s8 =	sld [smem:$0x6BD]  }
0x64a: {  	(v2sf) =	vpush v9, $0x9;
	v23 =	vsub.f32 v36, v24;
	s1 =	smulhi.u32 $0x51EB851F, s0;
	s26 =	sshrl.u32 s7, $0x1F;
	v27 =	vld.idx.msk [tilespmem:v53+s20+$0x0], $0xffff;
	s20 =	sld [smem:$0x6BF]  }
0x64b: {  	v17 =	vsub.f32 v30, v41;
	vm0 =	vcmask $0xF0C;
	v24 =	vsel vm1, s28, v47;
	s28 =	simm.s32 $0x9E00;
	s2 =	sadd.s32 s2, s31;
	s31 =	sshra.s32 s12, $0x6  }
0x64c: {  	(v2sf) =	vpush v9, $0x8;
	v48 =	vsub.f32 v42, v44;
	s12 =	sshra.s32 s9, $0x6;
	v49 =	vld.idx.msk [tilespmem:v31+s28+$0x0], $0xffff;
	s28 =	spop (v2sf);
	v24 =	vsel vm0, s15, v24;
	s15 =	sshra.s32 s23, $0x6  }
0x64d: {  	v23 =	vmul.f32 v23, v23;
	v30 =	vmul.f32 v17, v17;
	v20 =	vsel vm5, s26, v45;
	[smem:$0x6CB] =	sst s2;
	s26 =	sshrl.u32 s8, $0x1F;
	s20 =	sadd.s32 s19, s20  }
0x64e: {  	v51 =	vld [tilespmem:$0xB1B0];
	v24 =	vsel vm2, s15, v24;
	s15 =	sadd.s32 s29, s21;
	s19 =	sshra.s32 s13, $0x6;
	v20 =	vsel vm6, s26, v20;
	s26 =	sshra.s32 s0, $0x1F  }
0x64f: {  	(v2sf) =	vpush v9, $0xA;
	v23 =	vadd.f32 v30, v23;
	v28 =	vmul.f32 v48, v48;
	s21 =	sshra.s32 s11, $0x6;
	s0 =	smul.u32 $0x51EB851F, s26;
	s26 =	sshrl.u32 s24, $0x1F  }
0x650: {  	v50 =	vmul.u32 $0xFFFFFF38, v31;
	s11 =	sshra.s32 s23, $0x1F;
	s29 =	sshra.s32 s10, $0x6;
	v17 =	vsel vm7, s26, v20;
	s26 =	sadd.s32 s3, s4  }
0x651: {  	(v2sf) =	vpush v9, $0xB;
	vm15 =	vcmask $0x1714;
	v52 =	vadd.f32 v28, v23;
	s4 =	smulhi.u32 $0x51EB851F, s28;
	s3 =	sshra.s32 s28, $0x1F;
	s28 =	sld [smem:$0x6BE]  }
0x652: {  	v6 =	vadd.s32 v6, v50;
	s13 =	sshra.s32 s9, $0x1F;
	s23 =	sshra.s32 s7, $0x6;
	s10 =	spop (v2sf);
	v58 =	vsel vm15, s11, v24  }
0x653: {  	(v2sf) =	vpush v9, $0x0;
	[tilespmem:$0xD9A0] =	vst v52;
	s11 =	sshra.s32 s7, $0x1F;
	s2 =	sshra.s32 s10, $0x1F;
	v62 =	vsel vm8, s12, v58;
	s12 =	sshra.s32 s8, $0x6;
	vm9 =	veq.s32 v49, v6  }
0x654: {  	[tilespmem:$0xEDA0] =	vst v27;
	s0 =	sadd.s32 s0, s1;
	v59 =	vnsel vm9, $0x3F, v31;
	s28 =	sadd.s32 s18, s28;
	s18 =	smul.u32 $0x51EB851F, s3  }
0x655: {  	v16 =	vcombine.low v19, v16;
	(v2sf) =	vpush v9, $0x1;
	[smem:$0x6CC] =	sst s0;
	s3 =	sadd.s32 s22, s30;
	s22 =	sshra.s32 s14, $0x6;
	[tilespmem:$0x101A0] =	vst v59  }
0x656: {  	v11 =	vcombine.low v12, v11;
	v54 =	vperm.xlane v13, v1;
	v31 =	vsel vm13, s13, v62;
	s14 =	sshra.s32 s6, $0x6;
	v35 =	vld.idx.msk [tilespmem:v51+s25+$0x0], $0xffff;
	s4 =	sadd.s32 s18, s4;
	s18 =	sshra.s32 s17, $0x6  }
0x657: {  	v55 =	vperm.xlane v16, v0;
	s1 =	sshra.s32 s8, $0x1F;
	v12 =	vsel vm3, s14, v31;
	v36 =	vld.idx.msk [tilespmem:v5+s25+$0x0], $0xffff;
	s14 =	simm.s32 $0x4F00;
	s25 =	sld [smem:$0x6C0];
	v57 =	vmov s18  }
0x658: {  	v56 =	vperm.xlane v22, v1;
	(v2sf) =	vpush v9, $0x2;
	s17 =	sshra.s32 s6, $0x1F;
	s6 =	smul.u32 $0x51EB851F, s2;
	[smem:$0x6CD] =	sst s4;
	v61 =	vsel vm1, s16, v57  }
0x659: {  	v53 =	vperm.xlane v11, v0;
	s18 =	sshra.s32 s5, $0x6;
	s5 =	smulhi.u32 $0x51EB851F, s10;
	v12 =	vsel vm11, s17, v12;
	s10 =	sshra.s32 s24, $0x6;
	v30 =	vsel vm2, s19, v61  }
0x65a: {  	s24 =	sld [smem:$0x6C1];
	s16 =	simm.s32 $0x0;
	v12 =	vsel vm5, s23, v12;
	v11 =	vsel vm8, s31, v30;
	s31 =	spop (v2sf)  }
0x65b: {  	v60 =	vsel vm12, v56, v55;
	v6 =	vsel vm12, v54, v53;
	v12 =	vsel vm4, s11, v12;
	s11 =	sld [smem:$0x6C2];
	s2 =	smulhi.u32 $0x51EB851F, s31;
	s8 =	sshra.s32 s31, $0x1F  }
0x65c: {  	v6 =	vadd.s32 v6, v60;
	s17 =	sshrl.u32 s25, $0x1F;
	v63 =	vld.idx.msk [tilespmem:v51+s16+$0x0], $0xffff;
	s13 =	spop (v2sf);
	s9 =	smul.u32 $0x51EB851F, s8  }
0x65d: {  	v32 =	vmul.u32 $0xFFFFFF38, v6;
	v37 =	vmov s22;
	v33 =	vld.idx.msk [tilespmem:v5+s16+$0x0], $0xffff;
	v12 =	vsel vm6, s12, v12;
	s12 =	sld [smem:$0x6C3];
	s4 =	smulhi.u32 $0x51EB851F, s13;
	s16 =	sshra.s32 s13, $0x1F  }
0x65e: {  	v34 =	vsub.s32 $0x0, v5;
	vm9 =	vlt.s32 v5, $0x1;
	v22 =	vsel vm1, s21, v37;
	s22 =	sshrl.u32 s24, $0x1F;
	s23 =	spop (v2sf);
	s19 =	smul.u32 $0x51EB851F, s16  }
0x65f: {  	vm10 =	vne.s32 v32, v34;
	v41 =	vsel vm2, s29, v22;
	v39 =	vmov s17;
	s13 =	sld [smem:$0x6C4];
	s0 =	smulhi.u32 $0x51EB851F, s23;
	s29 =	sshra.s32 s23, $0x1F  }
0x660: {  	vm9 =	vmand vm9, vm10;
	v12 =	vsel vm14, s1, v12;
	v42 =	vsel vm1, s22, v39;
	s30 =	sshrl.u32 s11, $0x1F;
	s1 =	spop (v2sf);
	s23 =	smul.u32 $0x51EB851F, s29  }
0x661: {  	v38 =	vsel vm9, $0xFFFFFFFF, v2;
	v22 =	vsel vm2, s30, v42;
	s31 =	sshrl.u32 s12, $0x1F;
	s8 =	smulhi.u32 $0x51EB851F, s1;
	s7 =	sshra.s32 s1, $0x1F  }
0x662: {  	v27 =	vld.idx.msk [tilespmem:v51+s14+$0x0], $0xffff;
	v24 =	vadd.s32 v38, v6;
	v6 =	vsel vm8, s31, v22;
	s16 =	spop (v2sf);
	s31 =	sadd.s32 s6, s5;
	s29 =	smul.u32 $0x51EB851F, s7  }
0x663: {  	v10 =	vcombine.low v14, v10;
	v40 =	vld.idx.msk [tilespmem:v5+s14+$0x0], $0xffff;
	s30 =	smulhi.u32 $0x51EB851F, s16;
	s17 =	sshra.s32 s16, $0x1F;
	s16 =	sld [smem:$0x6C6]  }
0x664: {  	v44 =	vsel vm7, s10, v12;
	s10 =	sshrl.u32 s13, $0x1F;
	[smem:$0x6CE] =	sst s31;
	s6 =	spop (v2sf)  }
0x665: {  	v10 =	vperm.xlane v10, v0;
	v21 =	vperm.xlane v21, v1;
	s21 =	sadd.s32 s9, s2;
	v45 =	vmov s10;
	s10 =	sld [smem:$0x6C5];
	s1 =	smul.u32 $0x51EB851F, s17  }
0x666: {  	v43 =	vsel vm8, s18, v41;
	v23 =	vsub.f32 v35, v36;
	v19 =	vsub.f32 v63, v33;
	s31 =	smulhi.u32 $0x51EB851F, s6;
	s18 =	sshra.s32 s6, $0x1F;
	s6 =	sld [smem:$0x6C7]  }
0x667: {  	v18 =	vperm.xlane v18, v1;
	vm0 =	vcmask $0x300;
	(v2sf) =	vpush v9, $0x3;
	s7 =	simm.s32 $0x9E00;
	s2 =	smul.u32 $0x51EB851F, s18;
	s18 =	spop (v2sf)  }
0x668: {  	v27 =	vsub.f32 v27, v40;
	v46 =	vmul.f32 v23, v23;
	v19 =	vmul.f32 v19, v19;
	v47 =	vld.idx.msk [tilespmem:v24+s7+$0x0], $0xffff;
	s22 =	sshrl.u32 s16, $0x1F;
	s9 =	sshra.s32 s18, $0x1F;
	s14 =	sshrl.u32 s10, $0x1F  }
0x669: {  	v50 =	vld [tilespmem:$0xB1C0];
	(v2sf) =	vpush v9, $0x4;
	v49 =	vmul.u32 $0xFFFFFF38, v24;
	v48 =	vmov s22;
	s22 =	sadd.s32 s19, s4;
	s19 =	sadd.s32 s29, s8;
	s29 =	smul.u32 $0x51EB851F, s9  }
0x66a: {  	v27 =	vmul.f32 v27, v27;
	v22 =	vadd.f32 v46, v19;
	s9 =	sadd.s32 s1, s30;
	s1 =	sld [smem:$0x6C9];
	v12 =	vsel vm1, s14, v45;
	s14 =	simm.s32 $0x7680  }
0x66b: {  	v52 =	vcombine.low v26, v25;
	v5 =	vadd.s32 v5, v49;
	(v2sf) =	vpush v9, $0x5;
	s17 =	sshrl.u32 s6, $0x1F;
	s4 =	smulhi.u32 $0x51EB851F, s18;
	v20 =	vld.idx.msk [tilespmem:v51+s14+$0x0], $0xffff  }
0x66c: {  	(v2sf) =	vpush v9, $0x6;
	s18 =	sadd.s32 s23, s0;
	s8 =	sadd.s32 s2, s31;
	s30 =	sshrl.u32 s26, $0x1F;
	v28 =	vnsel vm0, $0x0, v48;
	v51 =	vadd.f32 v27, v22  }
0x66d: {  	v53 =	vperm.xlane v52, v0;
	s31 =	simm.s32 $0x0;
	v28 =	vsel vm1, s17, v28;
	vm9 =	veq.s32 v47, v5;
	s14 =	sld [smem:$0x6C8];
	s23 =	sshrl.u32 s1, $0x1F  }
0x66e: {  	s5 =	sadd.s32 s29, s4;
	s4 =	sshrl.u32 s28, $0x1F;
	v23 =	vnsel vm9, $0x3F, v24;
	[tilespmem:$0xD9B0] =	vst v51;
	v54 =	vsel vm2, s23, v28;
	s23 =	sshra.s32 s24, $0x6  }
0x66f: {  	v55 =	vsel vm12, v21, v10;
	v7 =	vcombine.low v15, v7;
	v14 =	vsel vm12, v18, v53;
	v5 =	vld [tilespmem:$0xC5F8];
	[tilespmem:$0x101B0] =	vst v23;
	s24 =	sshra.s32 s25, $0x6;
	s25 =	sshra.s32 s11, $0x6;
	s11 =	sshra.s32 s3, $0x1F  }
0x670: {  	v14 =	vadd.s32 v55, v14;
	(v2sf) =	vpush v9, $0x7;
	s17 =	sshrl.u32 s14, $0x1F;
	v56 =	vsel vm8, s30, v54;
	s30 =	simm.s32 $0x0;
	s2 =	sshra.s32 s14, $0x6;
	[tilespmem:$0xEDB0] =	vst v20  }
0x671: {  	vm11 =	vmmov vm4;
	v59 =	vmov s11;
	s14 =	sshra.s32 s16, $0x6;
	s16 =	sshra.s32 s16, $0x1F;
	v12 =	vsel vm2, s17, v12;
	s17 =	sld [smem:$0x6CA];
	v57 =	vld.idx.msk [tilespmem:v50+s31+$0x0], $0xffff  }
0x672: {  	vm4 =	vcmask $0x704;
	s11 =	simm.s32 $0x4F00;
	v30 =	vmov s24;
	s24 =	sshra.s32 s26, $0x6;
	s26 =	sshra.s32 s26, $0x1F;
	v22 =	vsel vm0, s14, v59;
	v58 =	vld.idx.msk [tilespmem:v4+s31+$0x0], $0xffff  }
0x673: {  	s14 =	sshra.s32 s1, $0x6;
	v25 =	vsel vm1, s23, v30;
	s23 =	sshra.s32 s20, $0x6;
	v20 =	vmul.u32 $0xFFFFFF38, v14;
	v22 =	vsel vm4, s16, v22;
	s16 =	sshra.s32 s1, $0x1F;
	v63 =	vld.idx.msk [tilespmem:v50+s11+$0x0], $0xffff  }
0x674: {  	v60 =	vsub.s32 $0x0, v4;
	vm9 =	vlt.s32 v4, $0x1;
	(v2sf) =	vpush v5, $0xD;
	s31 =	sshrl.u32 s15, $0x1F;
	v32 =	vld.idx.msk [tilespmem:v4+s11+$0x0], $0xffff;
	s11 =	sshra.s32 s28, $0x6;
	s29 =	sshrl.u32 s17, $0x1F  }
0x675: {  	vm10 =	vne.s32 v20, v60;
	v10 =	vsel vm8, s29, v12;
	s29 =	sshra.s32 s12, $0x6;
	v12 =	vsel vm3, s4, v56;
	s4 =	sshra.s32 s10, $0x6;
	s10 =	sshrl.u32 s20, $0x1F  }
0x676: {  	(v2sf) =	vpush v5, $0xC;
	s12 =	simm.s32 $0x2780;
	vm9 =	vmand vm9, vm10;
	v12 =	vsel vm5, s10, v12;
	s10 =	sshra.s32 s13, $0x6;
	s13 =	sshra.s32 s6, $0x6  }
0x677: {  	vm0 =	vcmask $0xF0C;
	s0 =	sshra.s32 s17, $0x6;
	s17 =	sshra.s32 s6, $0x1F;
	v61 =	vld.idx.msk [tilespmem:v50+s12+$0x0], $0xffff;
	v31 =	vsel vm9, $0xFFFFFFFF, v2;
	s6 =	spop (v2sf);
	v22 =	vsel vm1, s13, v22  }
0x678: {  	v11 =	vcombine.low v43, v11;
	v62 =	vld.idx.msk [tilespmem:v4+s12+$0x0], $0xffff;
	v26 =	vadd.s32 v31, v14;
	s13 =	smulhi.u32 $0x51EB851F, s6;
	s1 =	spop (v2sf);
	v22 =	vsel vm0, s17, v22;
	s17 =	sshra.s32 s6, $0x1F  }
0x679: {  	v7 =	vperm.xlane v7, v0;
	(v2sf) =	vpush v5, $0xE;
	s12 =	sshra.s32 s28, $0x1F;
	v12 =	vsel vm6, s31, v12;
	s6 =	sshra.s32 s1, $0x1F;
	s31 =	smul.u32 $0x51EB851F, s17  }
0x67a: {  	v11 =	vperm.xlane v11, v0;
	v13 =	vperm.xlane v44, v1;
	v33 =	vsel vm2, s25, v25;
	s28 =	sshrl.u32 s3, $0x1F;
	s17 =	smul.u32 $0x51EB851F, s6;
	s6 =	spop (v2sf)  }
0x67b: {  	v14 =	vsel vm8, s29, v33;
	v12 =	vsel vm7, s28, v12;
	s28 =	sshra.s32 s20, $0x1F;
	s29 =	smulhi.u32 $0x51EB851F, s1;
	v22 =	vsel vm2, s14, v22;
	s25 =	spop (v2sf)  }
0x67c: {  	v42 =	vperm.xlane v17, v1;
	v47 =	vsel vm12, v13, v11;
	s20 =	sshra.s32 s15, $0x6;
	v22 =	vsel vm15, s16, v22;
	s14 =	sadd.s32 s31, s13;
	s31 =	smulhi.u32 $0x51EB851F, s25  }
0x67d: {  	v18 =	vsub.f32 v57, v58;
	s16 =	sshra.s32 s15, $0x1F;
	v20 =	vsub.f32 v61, v62;
	v22 =	vsel vm8, s24, v22;
	s24 =	sshra.s32 s6, $0x1F;
	v35 =	vld.idx.msk [tilespmem:v26+s7+$0x0], $0xffff;
	s7 =	smulhi.u32 $0x51EB851F, s6  }
0x67e: {  	v38 =	vld [tilespmem:$0xB1D0];
	v34 =	vmov s10;
	v23 =	vsub.f32 v63, v32;
	s1 =	sshra.s32 s25, $0x1F;
	v22 =	vsel vm13, s26, v22;
	s24 =	smul.u32 $0x51EB851F, s24;
	s26 =	simm.s32 $0x7680  }
0x67f: {  	v21 =	vsel vm1, s4, v34;
	v36 =	vmul.f32 v18, v18;
	s15 =	sshra.s32 s3, $0x6;
	s3 =	smul.u32 $0x51EB851F, s1;
	s6 =	spop (v2sf);
	v20 =	vmul.f32 v20, v20;
	v39 =	vld.idx.msk [tilespmem:v50+s26+$0x0], $0xffff  }
0x680: {  	v37 =	vmul.u32 $0xFFFFFF38, v26;
	(v2sf) =	vpush v5, $0xF;
	s1 =	sld [smem:$0x6CC];
	v22 =	vsel vm3, s11, v22;
	s26 =	sshra.s32 s6, $0x1F;
	s11 =	sadd.s32 s24, s7  }
0x681: {  	vm0 =	vcmask $0x2724;
	v40 =	vmul.f32 v23, v23;
	s7 =	smulhi.u32 $0x51EB851F, s6;
	s10 =	sadd.s32 s3, s31;
	s3 =	sld [smem:$0x6CB];
	v20 =	vadd.f32 v20, v36  }
0x682: {  	s4 =	sshrl.u32 s18, $0x1F;
	v44 =	vsel vm2, s2, v21;
	(v2sf) =	vpush v5, $0x9;
	s13 =	sadd.s32 s17, s29;
	s17 =	smul.u32 $0x51EB851F, s26;
	v43 =	vsel vm0, s12, v22  }
0x683: {  	v4 =	vadd.s32 v4, v37;
	s24 =	sshrl.u32 s19, $0x1F;
	v46 =	vsel vm5, s23, v43;
	s2 =	sshrl.u32 s1, $0x1F;
	v41 =	vadd.f32 v40, v20;
	s29 =	spop (v2sf)  }
0x684: {  	(v2sf) =	vpush v5, $0x8;
	v15 =	vsel vm11, s28, v46;
	s12 =	sadd.s32 s17, s7;
	vm9 =	veq.s32 v35, v4;
	s26 =	sshrl.u32 s3, $0x1F;
	s25 =	smulhi.u32 $0x51EB851F, s29;
	[tilespmem:$0xEDC0] =	vst v39  }
0x685: {  	v55 =	vmov s2;
	v4 =	vsel vm12, v42, v7;
	s31 =	sshra.s32 s29, $0x1F;
	v45 =	vnsel vm9, $0x3F, v26;
	s6 =	spop (v2sf);
	s29 =	sshrl.u32 s21, $0x1F;
	[tilespmem:$0xD9C0] =	vst v41  }
0x686: {  	v48 =	vsel vm6, s20, v15;
	v7 =	vadd.s32 v4, v47;
	v4 =	vsel vm1, s26, v55;
	s26 =	sshrl.u32 s8, $0x1F;
	s23 =	smul.u32 $0x51EB851F, s31;
	[tilespmem:$0x101C0] =	vst v45;
	s31 =	sld [smem:$0x6CD]  }
0x687: {  	v56 =	vsub.s32 $0x0, v3;
	v51 =	vsel vm14, s16, v48;
	s28 =	smulhi.u32 $0x51EB851F, s6;
	s7 =	sshra.s32 s6, $0x1F;
	s6 =	sld [smem:$0x6CE];
	v49 =	vld.idx.msk [tilespmem:v38+s30+$0x0], $0xffff  }
0x688: {  	v6 =	vcombine.low v10, v6;
	vm15 =	vcmask $0x300;
	v54 =	vsel vm7, s15, v51;
	s15 =	simm.s32 $0x2780;
	v53 =	vld.idx.msk [tilespmem:v3+s30+$0x0], $0xffff;
	s16 =	smul.u32 $0x51EB851F, s7;
	s7 =	spop (v2sf)  }
0x689: {  	(v2sf) =	vpush v5, $0xA;
	v50 =	vsel vm8, s0, v44;
	v52 =	vmul.u32 $0xFFFFFF38, v7;
	s30 =	sshrl.u32 s22, $0x1F;
	v57 =	vld.idx.msk [tilespmem:v38+s15+$0x0], $0xffff;
	s0 =	sadd.s32 s23, s25;
	s23 =	smulhi.u32 $0x51EB851F, s7  }
0x68a: {  	v37 =	vcombine.low v50, v14;
	vm0 =	vcmask $0xF0C;
	vm9 =	vlt.s32 v3, $0x1;
	v58 =	vld.idx.msk [tilespmem:v3+s15+$0x0], $0xffff;
	s15 =	sshra.s32 s7, $0x1F;
	s25 =	sshrl.u32 s9, $0x1F;
	s17 =	sshrl.u32 s31, $0x1F  }
0x68b: {  	(v2sf) =	vpush v5, $0xB;
	vm10 =	vne.s32 v52, v56;
	v62 =	vmov s30;
	s20 =	sshrl.u32 s6, $0x1F;
	s2 =	sadd.s32 s16, s28;
	s16 =	simm.s32 $0x4F00  }
0x68c: {  	vm9 =	vmand vm9, vm10;
	s15 =	smul.u32 $0x51EB851F, s15;
	s28 =	sshrl.u32 s14, $0x1F;
	v63 =	vmov s25;
	s25 =	sshra.s32 s1, $0x6;
	v27 =	vsel vm1, s29, v62;
	v59 =	vld.idx.msk [tilespmem:v38+s16+$0x0], $0xffff  }
0x68d: {  	s29 =	sshrl.u32 s13, $0x1F;
	v4 =	vsel vm2, s17, v4;
	v60 =	vsel vm9, $0xFFFFFFFF, v2;
	v61 =	vld.idx.msk [tilespmem:v3+s16+$0x0], $0xffff;
	s16 =	sshra.s32 s3, $0x6;
	v28 =	vnsel vm15, $0x0, v63;
	s17 =	sshra.s32 s6, $0x6  }
0x68e: {  	s6 =	sshra.s32 s19, $0x6;
	v31 =	vsel vm2, s4, v27;
	v4 =	vsel vm8, s20, v4;
	s20 =	sshrl.u32 s5, $0x1F;
	v21 =	vadd.s32 v60, v7;
	s3 =	sadd.s32 s15, s23  }
0x68f: {  	s30 =	spop (v2sf);
	(v2sf) =	vpush v5, $0x0;
	v23 =	vsel vm1, s26, v28;
	s23 =	sshra.s32 s31, $0x6;
	s15 =	simm.s32 $0x9E00;
	v13 =	vsub.f32 v49, v53  }
0x690: {  	v42 =	vsel vm8, s24, v31;
	s24 =	sshra.s32 s13, $0x1F;
	s1 =	smulhi.u32 $0x51EB851F, s30;
	s7 =	sshra.s32 s30, $0x1F;
	v29 =	vsel vm2, s20, v23;
	v11 =	vsub.f32 v57, v58  }
0x691: {  	(v2sf) =	vpush v5, $0x1;
	s30 =	sshrl.u32 s11, $0x1F;
	s20 =	sshra.s32 s22, $0x6;
	s31 =	spop (v2sf);
	v16 =	vsel vm8, s28, v29;
	v13 =	vmul.f32 v13, v13  }
0x692: {  	v32 =	vld [tilespmem:$0xB1E0];
	s26 =	smul.u32 $0x51EB851F, s7;
	s7 =	sshra.s32 s21, $0x6;
	s21 =	sshrl.u32 s10, $0x1F;
	v11 =	vmul.f32 v11, v11;
	v16 =	vsel vm3, s29, v16;
	v19 =	vsub.f32 v59, v61  }
0x693: {  	vm11 =	vcmask $0x2724;
	v34 =	vmul.u32 $0xFFFFFF38, v21;
	s19 =	sshra.s32 s31, $0x1F;
	s28 =	sshra.s32 s9, $0x6;
	v16 =	vsel vm5, s30, v16;
	s30 =	simm.s32 $0x7680;
	v30 =	vld.idx.msk [tilespmem:v21+s15+$0x0], $0xffff  }
0x694: {  	(v2sf) =	vpush v5, $0x2;
	s9 =	sshra.s32 s9, $0x1F;
	s22 =	spop (v2sf);
	s4 =	smul.u32 $0x51EB851F, s19;
	v18 =	vld.idx.msk [tilespmem:v38+s30+$0x0], $0xffff;
	v11 =	vadd.f32 v11, v13;
	v33 =	vmul.f32 v19, v19  }
0x695: {  	v40 =	vperm.xlane v37, v0;
	v41 =	vperm.xlane v54, v1;
	(v2sf) =	vpush v5, $0x3;
	s29 =	sshra.s32 s12, $0x1F;
	s1 =	sadd.s32 s26, s1;
	s19 =	sshra.s32 s22, $0x1F  }
0x696: {  	v3 =	vadd.s32 v3, v34;
	v35 =	vmov s29;
	s26 =	sshra.s32 s8, $0x6;
	s15 =	sshra.s32 s18, $0x6;
	s18 =	smulhi.u32 $0x51EB851F, s31;
	v11 =	vadd.f32 v33, v11  }
0x697: {  	(v2sf) =	vpush v5, $0x4;
	s8 =	sshra.s32 s8, $0x1F;
	s29 =	sshra.s32 s5, $0x1F;
	v16 =	vsel vm6, s21, v16;
	s21 =	smulhi.u32 $0x51EB851F, s22;
	v23 =	vsel vm15, s28, v35  }
0x698: {  	(v2sf) =	vpush v5, $0x5;
	s19 =	smul.u32 $0x51EB851F, s19;
	s31 =	spop (v2sf);
	s28 =	sshra.s32 s5, $0x6;
	v36 =	vsel vm4, s9, v23;
	vm9 =	veq.s32 v30, v3;
	[tilespmem:$0xD9D0] =	vst v11  }
0x699: {  	v44 =	vsel vm12, v41, v40;
	s22 =	sshrl.u32 s12, $0x1F;
	s9 =	smulhi.u32 $0x51EB851F, s31;
	s31 =	sshra.s32 s31, $0x1F;
	v10 =	vsel vm1, s26, v36;
	[tilespmem:$0xEDD0] =	vst v18;
	v39 =	vnsel vm9, $0x3F, v21  }
0x69a: {  	v46 =	vmov s25;
	(v2sf) =	vpush v5, $0x6;
	s4 =	sadd.s32 s4, s18;
	s18 =	smul.u32 $0x51EB851F, s31;
	s31 =	simm.s32 $0x0;
	v10 =	vsel vm0, s8, v10;
	[tilespmem:$0x101D0] =	vst v39  }
0x69b: {  	v53 =	vmov s20;
	s12 =	sshra.s32 s12, $0x6;
	s5 =	sadd.s32 s19, s21;
	s19 =	sshra.s32 s14, $0x6;
	vm0 =	vcmask $0x1714;
	v10 =	vsel vm2, s28, v10;
	v11 =	vld.idx.msk [tilespmem:v32+s31+$0x0], $0xffff  }
0x69c: {  	v55 =	vsel vm1, s7, v53;
	s14 =	sshra.s32 s14, $0x1F;
	s21 =	sshra.s32 s13, $0x6;
	(v2sf) =	vpush v5, $0x7;
	v10 =	vsel vm0, s29, v10;
	s29 =	simm.s32 $0x2780;
	v45 =	vld.idx.msk [tilespmem:v8+s31+$0x0], $0xffff  }
0x69d: {  	v38 =	vperm.xlane v12, v1;
	s7 =	sadd.s32 s18, s9;
	s9 =	sshrl.u32 s1, $0x1F;
	v3 =	vperm.xlane v6, v0;
	s26 =	spop (v2sf);
	v10 =	vsel vm8, s19, v10;
	v48 =	vld.idx.msk [tilespmem:v32+s29+$0x0], $0xffff  }
0x69e: {  	v4 =	vcombine.low v42, v4;
	v43 =	vsel vm7, s22, v16;
	s8 =	smulhi.u32 $0x51EB851F, s26;
	s22 =	sshra.s32 s26, $0x1F;
	v10 =	vsel vm13, s14, v10;
	s14 =	simm.s32 $0x4F00;
	v18 =	vld.idx.msk [tilespmem:v8+s29+$0x0], $0xffff  }
0x69f: {  	v49 =	vsub.s32 $0x0, v8;
	v12 =	vsel vm1, s16, v46;
	v3 =	vsel vm12, v38, v3;
	s26 =	sshra.s32 s11, $0x6;
	s13 =	smul.u32 $0x51EB851F, s22;
	v50 =	vld.idx.msk [tilespmem:v32+s14+$0x0], $0xffff;
	s22 =	spop (v2sf)  }
0x6a0: {  	v4 =	vperm.xlane v4, v0;
	v12 =	vsel vm2, s23, v12;
	s11 =	sshra.s32 s11, $0x1F;
	v3 =	vadd.s32 v3, v44;
	v51 =	vld.idx.msk [tilespmem:v8+s14+$0x0], $0xffff;
	s28 =	smulhi.u32 $0x51EB851F, s22;
	s29 =	sshra.s32 s22, $0x1F  }
0x6a1: {  	vm4 =	vcmask $0x2F2C;
	v21 =	vperm.xlane v43, v1;
	s31 =	simm.s32 $0x0;
	v47 =	vmul.u32 $0xFFFFFF38, v3;
	s25 =	spop (v2sf);
	s16 =	smul.u32 $0x51EB851F, s29  }
0x6a2: {  	v12 =	vsel vm8, s17, v12;
	vm9 =	vlt.s32 v8, $0x1;
	v10 =	vsel vm3, s21, v10;
	s8 =	sadd.s32 s13, s8;
	s21 =	smulhi.u32 $0x51EB851F, s25;
	s25 =	sshra.s32 s25, $0x1F  }
0x6a3: {  	v7 =	vld.idx.msk [tilespmem:v32+s30+$0x0], $0xffff;
	v4 =	vsel vm12, v21, v4;
	v32 =	vsub.s32 $0x0, v9;
	s22 =	sshra.s32 s10, $0x6;
	vm10 =	vne.s32 v47, v49;
	s19 =	spop (v2sf);
	s17 =	smul.u32 $0x51EB851F, s25  }
0x6a4: {  	v10 =	vsel vm11, s24, v10;
	s10 =	sshra.s32 s10, $0x1F;
	vm9 =	vmand vm9, vm10;
	s29 =	spop (v2sf);
	s20 =	smulhi.u32 $0x51EB851F, s19;
	v6 =	vsub.f32 v11, v45  }
0x6a5: {  	v52 =	vsel vm9, $0xFFFFFFFF, v2;
	s19 =	sshra.s32 s19, $0x1F;
	v54 =	vsub.f32 v48, v18;
	s25 =	sshrl.u32 s2, $0x1F;
	v13 =	vsub.f32 v50, v51;
	s2 =	sshra.s32 s2, $0x6  }
0x6a6: {  	v11 =	vsel vm2, s15, v55;
	s23 =	spop (v2sf);
	v19 =	vadd.s32 v52, v3;
	v3 =	vsel vm5, s26, v10;
	s26 =	sshrl.u32 s3, $0x1F;
	s18 =	smul.u32 $0x51EB851F, s19  }
0x6a7: {  	v56 =	vmov s25;
	s19 =	sshrl.u32 s4, $0x1F;
	s15 =	smulhi.u32 $0x51EB851F, s29;
	v11 =	vsel vm8, s6, v11;
	v36 =	vmov s2;
	s24 =	spop (v2sf)  }
0x6a8: {  	v3 =	vsel vm4, s11, v3;
	s11 =	sshrl.u32 s0, $0x1F;
	v6 =	vmul.f32 v6, v6;
	v10 =	vmul.f32 v54, v54;
	s6 =	smulhi.u32 $0x51EB851F, s23;
	s23 =	sshra.s32 s23, $0x1F  }
0x6a9: {  	v58 =	vmul.f32 v13, v13;
	s14 =	spop (v2sf);
	v3 =	vsel vm6, s22, v3;
	s22 =	sshrl.u32 s5, $0x1F;
	v16 =	vsel vm1, s11, v56;
	s11 =	sshra.s32 s29, $0x1F  }
0x6aa: {  	v11 =	vcombine.low v11, v12;
	v3 =	vsel vm14, s10, v3;
	s10 =	sadd.s32 s16, s28;
	v16 =	vsel vm2, s26, v16;
	s28 =	simm.s32 $0x9E00;
	s16 =	smul.u32 $0x51EB851F, s11  }
0x6ab: {  	v60 =	vld [tilespmem:$0xB1F0];
	v6 =	vadd.f32 v10, v6;
	s11 =	sadd.s32 s17, s21;
	s21 =	spop (v2sf);
	v59 =	vsel vm7, s12, v3;
	v3 =	vsel vm8, s9, v16;
	s9 =	smul.u32 $0x51EB851F, s23  }
0x6ac: {  	v63 =	vmul.u32 $0xFFFFFF38, v19;
	v61 =	vmov s22;
	v22 =	vperm.xlane v11, v0;
	s29 =	sshrl.u32 s10, $0x1F;
	s22 =	smulhi.u32 $0x51EB851F, s21;
	s23 =	sshra.s32 s21, $0x1F;
	v57 =	vld.idx.msk [tilespmem:v19+s28+$0x0], $0xffff  }
0x6ad: {  	s25 =	sshrl.u32 s7, $0x1F;
	s0 =	sshra.s32 s0, $0x6;
	v6 =	vadd.f32 v58, v6;
	v62 =	vmov s29;
	v23 =	vperm.xlane v59, v1;
	s21 =	smul.u32 $0x51EB851F, s23  }
0x6ae: {  	v15 =	vsel vm1, s0, v36;
	v8 =	vadd.s32 v8, v63;
	s26 =	sshrl.u32 s11, $0x1F;
	s12 =	sadd.s32 s18, s20;
	s29 =	sshra.s32 s24, $0x1F;
	v18 =	vnsel vm15, $0x0, v62  }
0x6af: {  	v10 =	vsel vm1, s19, v61;
	s30 =	sshrl.u32 s12, $0x1F;
	s13 =	sadd.s32 s9, s6;
	v20 =	vsel vm1, s26, v18;
	[tilespmem:$0xD9E0] =	vst v6;
	v6 =	vsel vm12, v23, v22;
	s6 =	sadd.s32 s21, s22  }
0x6b0: {  	s17 =	sshrl.u32 s8, $0x1F;
	v10 =	vsel vm2, s25, v10;
	s20 =	smul.u32 $0x51EB851F, s29;
	v24 =	vsel vm2, s30, v20;
	v4 =	vadd.s32 v4, v6;
	s29 =	sshra.s32 s6, $0x1F  }
0x6b1: {  	s28 =	smulhi.u32 $0x51EB851F, s24;
	s15 =	sadd.s32 s16, s15;
	s30 =	sshra.s32 s10, $0x6;
	v29 =	vmul.u32 $0xFFFFFF38, v4;
	v31 =	vmov s29;
	vm9 =	veq.s32 v57, v8  }
0x6b2: {  	[tilespmem:$0xEDE0] =	vst v7;
	s25 =	smulhi.u32 $0x51EB851F, s14;
	s14 =	sshra.s32 s14, $0x1F;
	s24 =	sshrl.u32 s15, $0x1F;
	v28 =	vsel vm8, s17, v10;
	v12 =	vsel vm15, s30, v31;
	v25 =	vnsel vm9, $0x3F, v19  }
0x6b3: {  	s14 =	smul.u32 $0x51EB851F, s14;
	s26 =	sshrl.u32 s13, $0x1F;
	s10 =	sshra.s32 s10, $0x1F;
	vm15 =	vcmask $0x704;
	vm9 =	vlt.s32 v9, $0x1;
	vm10 =	vne.s32 v29, v32;
	[tilespmem:$0x101E0] =	vst v25  }
0x6b4: {  	s21 =	simm.s32 $0x4F00;
	s9 =	sadd.s32 s20, s28;
	s20 =	sshra.s32 s11, $0x6;
	v26 =	vsel vm8, s24, v24;
	v12 =	vsel vm15, s10, v12;
	vm9 =	vmand vm9, vm10;
	v27 =	vld.idx.msk [tilespmem:v60+s31+$0x0], $0xffff  }
0x6b5: {  	s22 =	sshra.s32 s11, $0x1F;
	s14 =	sadd.s32 s14, s25;
	s25 =	sshra.s32 s3, $0x6;
	v12 =	vsel vm1, s20, v12;
	v30 =	vld.idx.msk [tilespmem:v9+s31+$0x0], $0xffff;
	v37 =	vsel vm9, $0xFFFFFFFF, v2;
	vm9 =	vcmask $0xF0C  }
0x6b6: {  	v3 =	vcombine.low v28, v3;
	s28 =	sshrl.u32 s9, $0x1F;
	s24 =	sshra.s32 s12, $0x6;
	v7 =	vsel vm3, s26, v26;
	s31 =	simm.s32 $0x2780;
	v35 =	vld.idx.msk [tilespmem:v60+s21+$0x0], $0xffff;
	v12 =	vsel vm9, s22, v12  }
0x6b7: {  	v15 =	vsel vm2, s25, v15;
	v7 =	vsel vm5, s28, v7;
	s28 =	sshra.s32 s12, $0x1F;
	v33 =	vld.idx.msk [tilespmem:v60+s31+$0x0], $0xffff;
	v12 =	vsel vm2, s24, v12  }
0x6b8: {  	s29 =	sshra.s32 s1, $0x6;
	v3 =	vperm.xlane v3, v0;
	s26 =	sshra.s32 s5, $0x6;
	v34 =	vld.idx.msk [tilespmem:v9+s31+$0x0], $0xffff;
	v4 =	vadd.s32 v37, v4;
	s31 =	sshra.s32 s15, $0x6;
	v12 =	vsel vm0, s28, v12  }
0x6b9: {  	s3 =	sshra.s32 s15, $0x1F;
	s18 =	sshrl.u32 s14, $0x1F;
	s30 =	sshra.s32 s4, $0x6;
	v15 =	vsel vm8, s29, v15;
	v39 =	vmov s26;
	v38 =	vld.idx.msk [tilespmem:v9+s21+$0x0], $0xffff;
	v12 =	vsel vm8, s31, v12  }
0x6ba: {  	s19 =	sshrl.u32 s6, $0x1F;
	s4 =	sshra.s32 s7, $0x6;
	s5 =	sshra.s32 s13, $0x6;
	v7 =	vsel vm6, s18, v7;
	v17 =	vsel vm1, s30, v39;
	v40 =	vsel vm13, s3, v12  }
0x6bb: {  	s7 =	sshra.s32 s13, $0x1F;
	v7 =	vsel vm7, s19, v7;
	v41 =	vsel vm2, s4, v17;
	v11 =	vsel vm3, s5, v40  }
0x6bc: {  	v44 =	vld [tilespmem:$0xB1F8];
	s13 =	sshra.s32 s9, $0x6;
	s10 =	simm.s32 $0x9E00;
	v7 =	vperm.xlane v7, v1;
	v43 =	vmul.u32 $0xFFFFFF38, v4;
	v11 =	vsel vm11, s7, v11  }
0x6bd: {  	s16 =	simm.s32 $0x7680;
	s12 =	sshra.s32 s8, $0x6;
	s15 =	sshra.s32 s9, $0x1F;
	v6 =	vsub.f32 v27, v30;
	v10 =	vsub.f32 v33, v34;
	v42 =	vld.idx.msk [tilespmem:v4+s10+$0x0], $0xffff;
	v11 =	vsel vm5, s13, v11  }
0x6be: {  	s18 =	sshra.s32 s14, $0x6;
	v45 =	vld.idx.msk [tilespmem:v60+s16+$0x0], $0xffff;
	v13 =	vsub.f32 v35, v38;
	v12 =	vsel vm8, s12, v41;
	v11 =	vsel vm4, s15, v11  }
0x6bf: {  	s19 =	sshra.s32 s14, $0x1F;
	v6 =	vmul.f32 v6, v6;
	v10 =	vmul.f32 v10, v10;
	v11 =	vsel vm6, s18, v11  }
0x6c0: {  	s20 =	sshra.s32 s6, $0x6;
	v9 =	vadd.s32 v9, v43;
	v46 =	vcombine.low v12, v15;
	v11 =	vsel vm14, s19, v11  }
0x6c1: {  	v13 =	vmul.f32 v13, v13;
	v6 =	vadd.f32 v10, v6;
	v11 =	vsel vm7, s20, v11  }
0x6c2: {  	v47 =	vperm.xlane v46, v0;
	vm6 =	veq.s32 v42, v9;
	v48 =	vperm.xlane v11, v1  }
0x6c3: {  	[tilespmem:$0xEDF0] =	vst v45;
	v6 =	vadd.f32 v13, v6;
	v4 =	vnsel vm6, $0x3F, v4  }
0x6c4: {  	v3 =	vsel vm12, v7, v3;
	[tilespmem:$0x101F0] =	vst v4;
	v49 =	vsel vm12, v48, v47  }
0x6c5: {  	s21 =	simm.s32 $0x0;
	[tilespmem:$0xD9F0] =	vst v6;
	v3 =	vadd.s32 v3, v49  }
0x6c6: {  	v50 =	vld.idx.msk [tilespmem:v44+s21+$0x0], $0xffff;
	v51 =	vmul.u32 $0xFFFFFF38, v3  }
0x6c7: {  	v53 =	vsub.s32 $0x0, v5;
	s17 =	simm.s32 $0x2780;
	v52 =	vld.idx.msk [tilespmem:v5+s21+$0x0], $0xffff  }
0x6c8: {  	vm7 =	vlt.s32 v5, $0x1;
	v54 =	vld.idx.msk [tilespmem:v44+s17+$0x0], $0xffff;
	vm6 =	vne.s32 v51, v53  }
0x6c9: {  	s23 =	simm.s32 $0x4F00;
	v55 =	vld.idx.msk [tilespmem:v5+s17+$0x0], $0xffff;
	vm9 =	vmand vm7, vm6  }
0x6ca: {  	v56 =	vld.idx.msk [tilespmem:v44+s23+$0x0], $0xffff;
	v57 =	vsel vm9, $0xFFFFFFFF, v2  }
0x6cb: {  	v58 =	vld.idx.msk [tilespmem:v5+s23+$0x0], $0xffff;
	v3 =	vadd.s32 v57, v3;
	_ =	sdelay $0x2  }
0x6cc: {  	v4 =	vsub.f32 v50, v52;
	v6 =	vsub.f32 v54, v55  }
0x6cd: {  	v61 =	vld.idx.msk [tilespmem:v44+s16+$0x0], $0xffff  }
0x6ce: {  	v59 =	vsub.f32 v56, v58;
	v4 =	vmul.f32 v4, v4;
	v6 =	vmul.f32 v6, v6;
	v60 =	vld.idx.msk [tilespmem:v3+s10+$0x0], $0xffff;
	_ =	sdelay $0x1  }
0x6cf: {  	v62 =	vmul.f32 v59, v59;
	v63 =	vmul.u32 $0xFFFFFF38, v3;
	v4 =	vadd.f32 v6, v4;
	_ =	sdelay $0x1  }
0x6d0: {  	v5 =	vadd.s32 v5, v63;
	v4 =	vadd.f32 v62, v4  }
0x6d1: {  	[tilespmem:$0xEDF8] =	vst v61;
	vm7 =	veq.s32 v60, v5  }
0x6d2: {  	s22 =	simm.s32 $0x0;
	[tilespmem:$0xD9F8] =	vst v4;
	v3 =	vnsel vm7, $0x3F, v3  }
0x6d3: {  	s24 =	simm.s32 $0xC680;
	s3 =	simm.s32 $0x1;
	s23 =	rddreg [dreg:$0xa];
	[tilespmem:$0x101F8] =	vst v3  }
0x6d4: {  	[hbm4b:s23+s22] =	stream.linear.scatter [tilespmem:s24], [sflag:$0x1], $0x1388, $0x38;
	[tilespmem:$0x10300] =	vst v63  }
0x6d5: {  	_ =	swait.ge [sflag:s3], $0x1388  }
0x6d6: {  	[sflag:s3] =	ssyncset.done $0x0  }
0x6d7: {  	s26 =	simm.s32 $0xDA80;
	s25 =	rddreg [dreg:$0xb];
	[sflag:s3] =	ssyncadd.s32 $0xFFFFEC78  }
0x6d8: {  	[hbm4b:s25+s22] =	stream.linear.scatter [tilespmem:s26], [sflag:$0x1], $0x1388, $0x38;
	[tilespmem:$0x10300] =	vst v63  }
0x6d9: {  	_ =	swait.ge [sflag:s3], $0x1388  }
0x6da: {  	[sflag:s3] =	ssyncset.done $0x0  }
0x6db: {  	s29 =	simm.s32 $0xEE80;
	v3 =	vlaneseq.u32 @!p0;
	s28 =	rddreg [dreg:$0xc];
	[sflag:s3] =	ssyncadd.s32 $0xFFFFEC78  }
0x6dc: {  	[hbm4b:s28+s22] =	stream.linear.scatter [tilespmem:s29], [sflag:$0x1], $0x1388, $0x38;
	[tilespmem:$0x10300] =	vst v63  }
0x6dd: {  	_ =	swait.ge [sflag:s3], $0x1388  }
0x6de: {  	[sflag:s3] =	ssyncset.done $0x0  }
0x6df: {  	s0 =	simm.s32 @!p0 $0x9E00;
	[sflag:s3] =	ssyncadd.s32 $0xFFFFEC78  }
0x6e0: {  	v4 =	vld.idx.msk @!p0 [tilespmem:v3+s0+$0x0], $0xffff;
	_ =	sdelay $0x2  }
0x6e1: {  	v5 =	vmul.u32 @!p0 $0xC8, v3;
	_ =	sdelay $0x1  }
0x6e2: {  	v4 =	vadd.s32 @!p0 v5, v4;
	_ =	sdelay $0x3  }
0x6e3: {  	s1 =	simm.s32 @!p0 $0x7680  }
0x6e4: {  	v4 =	vld.idx.msk @!p0 [tilespmem:v4+s1+$0x0], $0xffff  }
0x6e5: {  	v6 =	vor.u32 @!p0 $0x10, v3;
	_ =	sdelay $0x3  }
0x6e6: {  	[tilespmem:$0x10280] =	vst @!p0 v4  }
0x6e7: {  	v4 =	vld.idx.msk @!p0 [tilespmem:v6+s0+$0x0], $0xffff;
	_ =	sdelay $0x3  }
0x6e8: {  	v6 =	vadd.s32 @!p0 $0xC80, v5  }
0x6e9: {  	v4 =	vadd.s32 @!p0 v6, v4;
	_ =	sdelay $0x4  }
0x6ea: {  	v4 =	vld.idx.msk @!p0 [tilespmem:v4+s1+$0x0], $0xffff  }
0x6eb: {  	v3 =	vor.u32 @!p0 $0x20, v3;
	_ =	sdelay $0x3  }
0x6ec: {  	[tilespmem:$0x10290] =	vst @!p0 v4  }
0x6ed: {  	v3 =	vld.idx.msk @!p0 [tilespmem:v3+s0+$0x0], $0xffff;
	_ =	sdelay $0x3  }
0x6ee: {  	v4 =	vadd.s32 @!p0 $0x1900, v5  }
0x6ef: {  	v3 =	vadd.s32 @!p0 v4, v3;
	_ =	sdelay $0x4  }
0x6f0: {  	vm9 =	vcmask @!p0 $0x300;
	v4 =	vimm.s32 @!p0 $0x31;
	v3 =	vld.idx.msk @!p0 [tilespmem:v3+s1+$0x0], $0xffff  }
0x6f1: {  	v4 =	vsel @!p0 vm9, $0x30, v4;
	_ =	sdelay $0x3  }
0x6f2: {  	[tilespmem:$0x102A0] =	vst @!p0 v3  }
0x6f3: {  	v3 =	vld.idx.msk @!p0 [tilespmem:v4+s0+$0x0], $0xffff;
	_ =	sdelay $0x3  }
0x6f4: {  	v4 =	vadd.s32 @!p0 $0x2580, v5  }
0x6f5: {  	vm9 =	vmmov @!p0 $0x3;
	v3 =	vadd.s32 @!p0 v4, v3  }
0x6f6: {  	v3 =	vnsel @!p0 vm9, $0x0, v3;
	_ =	sdelay $0x4  }
0x6f7: {  	v3 =	vld.idx.msk @!p0 [tilespmem:v3+s1+$0x0], $0xffff;
	_ =	sdelay $0x4  }
0x6f8: {  	s2 =	rddreg [dreg:$0x7];
	s0 =	simm.s32 @!p0 $0x0;
	s1 =	simm.s32 @!p0 $0x10280;
	[tilespmem:$0x102B0] =	vst @!p0 v3  }
0x6f9: {  	[hbm4b:s2+s0] =	stream.linear.scatter @!p0 [tilespmem:s1], [sflag:$0x1], $0x80, $0x38;
	[tilespmem:$0x10300] =	vst v63  }
0x6fa: {  	s0 =	simm.s32 @!p0 $0x1  }
0x6fb: {  	_ =	swait.ge @!p0 [sflag:s0], $0x80  }
0x6fc: {  	s30 =	rddreg [dreg:$0xe]  }
0x6fd: {  	s31 =	rddreg [dreg:$0xd];
	s2 =	sadd.s32 $0x1, s30  }
0x6fe: {  	p1 =	sne.s32 s2, s31  }
.Ltmp1:
0x6ff: {  	_ = 	snop;
	(pc) =	sbr.rel @p1 .LBB2_1-.Ltmp1, $3  }
0x700: {  	_ =	sdelay $0x1  }
0x701: {  	s6 =	simm.s32 $0x7680;
	s4 =	simm.s32 $0x2780;
	[sflag:s0] =	ssyncset.done @!p0 $0x0  }
0x702: {  	vm0 =	vmmov vm1;
	vm13 =	vmmov vm2;
	vm3 =	vmmov vm8;
	s5 =	simm.s32 $0x4F00;
	s7 =	simm.s32 $0x9E00;
	[sflag:s0] =	ssyncadd.s32 @!p0 $0xFFFFFF80  }
0x703: {  	_ =	sfence.sel $0x180000  }
0x704: {  	[bflag:$0x0] =	sbarrier.arrive $0xFFFF  }
0x705: {  	_ =	strace $0x90000047  }
0x706: {  	s0 =	stileid.u32;
	[bflag:$0x2] =	sbarrier.arrive $0xFFFF  }
0x707: {  	p0 =	sne.s32 s0, $0x0;
	s0 =	rddreg [dreg:$0x3]  }
0x708: {  	s0 =	sadd.s32 @!p0 $0x100000, s0  }
0x709: {  	[sflag:s0] =	ssyncadd.tile.s32 @!p0 $0x1;
	_ =	shalt  }
.Lfunc_end2:
_tile_overlayer_lowered:
.L_overlay_start_2:
0x70a: {  	(tag) =	ssettag $0x2  }
0x70b: {  	s0 =	rddreg [dreg:$0x0];
	s2 =	stileid.u32  }
0x70c: {  	s1 =	rddreg [dreg:$0x1];
	p0 =	sne.s32 s2, $0x0  }
0x70d: {  	s3 =	rddreg [dreg:$0x2];
	[bflag:$0x3] =	sbarrier.arrive $0xFFFF;
	s2 =	simm.s32 @!p0 $0x1C01  }
0x70e: {  	[timem:s3], [sflag:s2] =	dma.local @!p0 [hbm:s0], s1  }
0x70f: {  	s0 =	simm.s32 @!p0 $0x1  }
0x710: {  	_ =	swait.ge @!p0 [sflag:s0], s1  }
0x711: {  	s1 =	ssub.s32 @!p0 $0x0, s1;
	[sflag:s0] =	ssyncset.done @!p0 $0x0  }
0x712: {  	[sflag:s0] =	ssyncadd.s32 @!p0 s1  }
0x713: {  	[bflag:$0x3] =	sbarrier.arrive $0xFFFF  }
0x714: {  	_ =	shalt  }

</sc_bundles>
